<compile_context>
chip_gen: v7x
topology: tpu7x:2x2x1
jax: 0.10.2.dev20260603
libtpu: 0.0.44.dev20260713+nightly
codegen_flags: <defaults>
</compile_context>

<pallas_src>
import jax
import jax.numpy as jnp
from jax import lax
from jax.experimental import pallas as pl
from jax.experimental.pallas import tpu as pltpu
from jax.experimental.pallas import tpu_sc as plsc

_N = 10000
_E = 320000
_D = 128
_NC = 2
_NS = 16
_NW = _NC * _NS
_K = 80
_EPW = _E // _NW
_CHUNKS = _EPW // _K
_RPS = 624
_RTAIL = _N - _NS * _RPS

_mesh = plsc.VectorSubcoreMesh(core_axis_name="c", subcore_axis_name="s")


_NBUF = 4
_NIDX = 8
_PFG = 3
_PFI = 5


def _make_sc_agg(compute_w: bool):
  out_type = [jax.ShapeDtypeStruct((_NC, _N, _D), jnp.float32)]
  if compute_w:
    out_type.append(jax.ShapeDtypeStruct((_NC, _N), jnp.float32))
  scratch = (
      [pltpu.VMEM((2, _K), jnp.int32) for _ in range(_NIDX)]
      + [pltpu.VMEM((_K, _D), jnp.float32) for _ in range(_NBUF)]
      + [pltpu.VMEM((_K,), jnp.float32),
         pltpu.VMEM_SHARED((_N, _D), jnp.float32),
         pltpu.VMEM_SHARED((_N,), jnp.float32)]
      + [pltpu.SemaphoreType.DMA] * (2 * _NBUF + _NIDX + 1)
  )

  def body(h_hbm, edges_hbm, zn_hbm, *rest):
    if compute_w:
      agg_out, w_out, *r = rest
    else:
      agg_out, *r = rest
    idx = r[:_NIDX]
    rows = r[_NIDX:_NIDX + _NBUF]
    ones_v, agg_sp, w_sp = r[_NIDX + _NBUF:_NIDX + _NBUF + 3]
    sems = r[_NIDX + _NBUF + 3:]
    sg = sems[:_NBUF]
    ss = sems[_NBUF:2 * _NBUF]
    si = sems[2 * _NBUF:2 * _NBUF + _NIDX]
    sz = sems[2 * _NBUF + _NIDX]
    cid = lax.axis_index("c")
    sid = lax.axis_index("s")
    wid = sid * _NC + cid
    cbase = wid * _CHUNKS

    def idx_start(b8, cc):
      pltpu.async_copy(edges_hbm.at[cbase + cc], idx[b8], si[b8])

    def idx_wait(b8, cc):
      pltpu.make_async_copy(edges_hbm.at[cbase + cc], idx[b8],
                            si[b8]).wait()

    def gather_start(b, b8):
      pltpu.async_copy(h_hbm.at[idx[b8].at[0]], rows[b], sg[b])

    def gather_wait(b, b8):
      pltpu.make_async_copy(h_hbm.at[idx[b8].at[0]], rows[b], sg[b]).wait()

    def scatter_start(b, b8):
      pltpu.async_copy(rows[b], agg_sp.at[idx[b8].at[1]], ss[b], add=True)
      if compute_w:
        pltpu.async_copy(ones_v, w_sp.at[idx[b8].at[1]], ss[b], add=True)

    def scatter_wait(b, b8):
      pltpu.make_async_copy(rows[b], agg_sp.at[idx[b8].at[1]], ss[b]).wait()
      if compute_w:
        pltpu.make_async_copy(ones_v, w_sp.at[idx[b8].at[1]], ss[b]).wait()

    zbuf = rows[_NBUF - 1]

    @pl.loop(0, _K)
    def _(ri):
      @pl.loop(0, _D, step=16)
      def _(j):
        zbuf[ri, pl.ds(j, 16)] = jnp.full((16,), 0.0, jnp.float32)

    nfull = _RPS // _K
    ztail = _RPS - nfull * _K
    for j in range(nfull):
      pltpu.async_copy(zbuf, agg_sp.at[pl.ds(sid * _RPS + j * _K, _K)], sz)
    pltpu.async_copy(zbuf.at[pl.ds(0, ztail)],
                     agg_sp.at[pl.ds(sid * _RPS + nfull * _K, ztail)], sz)

    @pl.when(sid == 0)
    def _():
      pltpu.async_copy(zbuf.at[pl.ds(0, _RTAIL)],
                       agg_sp.at[pl.ds(_NS * _RPS, _RTAIL)], sz)
    if compute_w:
      @pl.when(sid == 0)
      def _():
        pltpu.sync_copy(zn_hbm, w_sp)

      @pl.loop(0, _K, step=16)
      def _(j):
        ones_v[pl.ds(j, 16)] = jnp.full((16,), 1.0, jnp.float32)

    for j in range(nfull):
      pltpu.make_async_copy(
          zbuf, agg_sp.at[pl.ds(sid * _RPS + j * _K, _K)], sz).wait()
    pltpu.make_async_copy(
        zbuf.at[pl.ds(0, ztail)],
        agg_sp.at[pl.ds(sid * _RPS + nfull * _K, ztail)], sz).wait()

    @pl.when(sid == 0)
    def _():
      pltpu.make_async_copy(zbuf.at[pl.ds(0, _RTAIL)],
                            agg_sp.at[pl.ds(_NS * _RPS, _RTAIL)], sz).wait()

    for cc in range(_PFI):
      idx_start(cc % _NIDX, cc)
    for cc in range(_PFG):
      idx_wait(cc % _NIDX, cc)
      gather_start(cc % _NBUF, cc % _NIDX)

    plsc.subcore_barrier()

    for b in range(_NBUF - _PFG):
      bb = _NBUF - 1 - b
      pltpu.async_copy(zbuf, agg_sp.at[idx[0].at[1]], ss[bb], add=True)
      if compute_w:
        pltpu.async_copy(zbuf.at[0, pl.ds(0, _K)], w_sp.at[idx[0].at[1]],
                         ss[bb], add=True)

    @pl.loop(0, _CHUNKS - _PFI, step=_NIDX)
    def _(c):
      for db in range(_NIDX):
        cc = c + db
        b = db % _NBUF
        b8 = db
        bg = (db + _PFG) % _NBUF
        b8g = (db + _PFG) % _NIDX
        b8i = (db + _PFI) % _NIDX
        gather_wait(b, b8)
        scatter_start(b, b8)
        idx_wait(b8g, cc + _PFG)
        scatter_wait(bg, b8g)
        gather_start(bg, b8g)
        idx_start(b8i, cc + _PFI)

    for cc in range(_CHUNKS - _PFI, _CHUNKS):
      gather_wait(cc % _NBUF, cc % _NIDX)
      scatter_start(cc % _NBUF, cc % _NIDX)
      if cc + _PFG < _CHUNKS:
        idx_wait((cc + _PFG) % _NIDX, cc + _PFG)
        if cc + _PFG - _NBUF >= 0:
          scatter_wait((cc + _PFG) % _NBUF, (cc + _PFG) % _NIDX)
        gather_start((cc + _PFG) % _NBUF, (cc + _PFG) % _NIDX)
    for cc in range(_CHUNKS - _NBUF, _CHUNKS):
      scatter_wait(cc % _NBUF, cc % _NIDX)

    plsc.subcore_barrier()

    pltpu.sync_copy(agg_sp.at[pl.ds(sid * _RPS, _RPS)],
                    agg_out.at[cid, pl.ds(sid * _RPS, _RPS)])

    @pl.when(sid == 0)
    def _():
      pltpu.sync_copy(agg_sp.at[pl.ds(_NS * _RPS, _RTAIL)],
                      agg_out.at[cid, pl.ds(_NS * _RPS, _RTAIL)])
    if compute_w:
      @pl.when(sid == 0)
      def _():
        pltpu.sync_copy(w_sp, w_out.at[cid])

  out = tuple(out_type) if compute_w else out_type[0]
  return pl.kernel(body, out_type=out, mesh=_mesh, scratch_types=scratch)


_sc_agg_w = _make_sc_agg(True)
_sc_agg = _make_sc_agg(False)



_BN = 1000
_NB = _N // _BN

_NT = (((1,), (1,)), ((), ()))


def _init_body(ne_ref, ct_ref, pw_ref, pb_ref, out_ref):
  i = pl.program_id(0)
  x = lax.dot_general(ct_ref[...], pw_ref[...], _NT,
                      preferred_element_type=jnp.float32)
  x = x + pb_ref[...]
  x = jnp.where(x >= 0, x, 0.1 * x)
  out_ref[...] = ne_ref[pl.ds(i * _BN + 1, _BN)] + x


_init_call = pl.pallas_call(
    _init_body,
    grid=(_NB,),
    in_specs=[
        pl.BlockSpec((_N + 1, _D), lambda i: (0, 0)),
        pl.BlockSpec((_BN, _D), lambda i: (i, 0)),
        pl.BlockSpec((_D, _D), lambda i: (0, 0)),
        pl.BlockSpec((1, _D), lambda i: (0, 0)),
    ],
    out_specs=pl.BlockSpec((_BN, _D), lambda i: (i, 0)),
    out_shape=jax.ShapeDtypeStruct((_N, _D), jnp.float32),
)


def _make_update(act: bool):
  def body(h0_ref, agg_ref, wp_ref, W_ref, b_ref, out_ref):
    i = pl.program_id(0)
    h0 = h0_ref[...]
    agg = agg_ref[0] + agg_ref[1]
    w2 = wp_ref[0]
    wsum = jnp.transpose(w2[0:1] + w2[1:2])
    denom = jnp.maximum(wsum - 1.0, 1.0)
    aggn = (agg - h0) / denom
    w = W_ref[...]
    out = (lax.dot_general(h0, w[:, :_D], _NT,
                           preferred_element_type=jnp.float32)
           + lax.dot_general(aggn, w[:, _D:], _NT,
                             preferred_element_type=jnp.float32)
           + b_ref[...])
    if act:
      out = jnp.where(out >= 0, out, 0.1 * out)
    nrm = jnp.sqrt(jnp.sum(out * out, axis=1, keepdims=True))
    out_ref[...] = out / jnp.maximum(nrm, 1e-6)

  return pl.pallas_call(
      body,
      grid=(_NB,),
      in_specs=[
          pl.BlockSpec((_BN, _D), lambda i: (i, 0)),
          pl.BlockSpec((_NC, _BN, _D), lambda i: (0, i, 0)),
          pl.BlockSpec((1, _NC, _BN), lambda i: (i, 0, 0)),
          pl.BlockSpec((_D, 2 * _D), lambda i: (0, 0)),
          pl.BlockSpec((1, _D), lambda i: (0, 0)),
      ],
      out_specs=pl.BlockSpec((_BN, _D), lambda i: (i, 0)),
      out_shape=jax.ShapeDtypeStruct((_N, _D), jnp.float32),
  )


_upd_act = _make_update(True)
_upd_noact = _make_update(False)


def kernel(content, edge_index, node_emb, proj_W, proj_b, W0, b0, W1, b1):
  edges = (edge_index.reshape(2, _NW, _CHUNKS, _K)
           .transpose(1, 2, 0, 3).reshape(_NW * _CHUNKS, 2, _K))
  zn = jnp.zeros((_N,), jnp.float32)

  h0 = _init_call(node_emb, content, proj_W, proj_b.reshape(1, _D))
  agg0, wp = _sc_agg_w(h0, edges, zn)
  wt = wp.reshape(_NC, _NB, _BN).transpose(1, 0, 2)
  h1 = _upd_act(h0, agg0, wt, W0, b0.reshape(1, _D))
  agg1 = _sc_agg(h1, edges, zn)
  h2 = _upd_noact(h0, agg1, wt, W1, b1.reshape(1, _D))
  return h2

# --- scband reference (transcript-rebuilt; emitter-appended) ---
"""Pipeline reference for scband-graph-sage-with-sampling-35648228556867 (READ-ONLY COPY).

The authoritative reference and input builder live on the scoring server;
editing this copy changes nothing except your own understanding.
"""

import jax, jax.numpy as jnp
import numpy as np

N = 10000
E = 320000
D = 128  # feature_size
C = 128  # n_content_dims
N_LAYERS = 2


def _xavier(key, shape):
    fan_out, fan_in = shape
    lim = float(np.sqrt(6.0 / (fan_in + fan_out)))
    return jax.random.uniform(key, shape, minval=-lim, maxval=lim, dtype=jnp.float32)


def setup_inputs(seed: int = 0) -> dict:
    key = jax.random.key(seed)
    ks = jax.random.split(key, 8)
    content = jax.random.normal(ks[0], (N, C), dtype=jnp.float32)
    edge_index = jax.random.randint(ks[1], (2, E), 0, N, dtype=jnp.int32)
    # nn.Embedding(N+1, D) with normal std=1/D
    node_emb = jax.random.normal(ks[2], (N + 1, D), dtype=jnp.float32) * (1.0 / D)
    # proj: Linear(C -> D), xavier uniform, zero bias
    proj_W = _xavier(ks[3], (D, C))
    proj_b = jnp.zeros((D,), dtype=jnp.float32)
    # conv layers: Linear(2D -> D) each
    W0 = _xavier(ks[4], (D, 2 * D))
    b0 = jnp.zeros((D,), dtype=jnp.float32)
    W1 = _xavier(ks[5], (D, 2 * D))
    b1 = jnp.zeros((D,), dtype=jnp.float32)
    return {"content": content, "edge_index": edge_index, "node_emb": node_emb,
            "proj_W": proj_W, "proj_b": proj_b, "W0": W0, "b0": b0, "W1": W1, "b1": b1}


def reference(content, edge_index, node_emb, proj_W, proj_b, W0, b0, W1, b1):
    # h init per layer: node_emb(nid + 1) + LeakyReLU(proj(content), 0.1)
    nid = jnp.arange(N, dtype=jnp.int32)
    h0 = jnp.take(node_emb, nid + 1, axis=0) + jax.nn.leaky_relu(content @ proj_W.T + proj_b, negative_slope=0.1)
    src = edge_index[0]
    dst = edge_index[1]
    ones = jnp.ones((E,), dtype=jnp.float32)
    h_prev = h0
    layer_params = [(W0, b0, True), (W1, b1, False)]  # last layer: no activation
    for (W, b, act) in layer_params:
        # msg: copy_src('h'), copy_src('one'); red: sum -> h_agg, sum -> w
        msgs = jnp.take(h_prev, src, axis=0)
        h_agg = jax.ops.segment_sum(msgs, dst, num_segments=N)
        w = jax.ops.segment_sum(ones, dst, num_segments=N)
        # dst node's current h is the embedding-init h (layers initialized before blocks run)
        h_self = h0
        h_agg_n = (h_agg - h_self) / jnp.maximum(w - 1.0, 1.0)[:, None]
        h_concat = jnp.concatenate([h_self, h_agg_n], axis=1)
        # dropout is identity in eval mode
        h_new = h_concat @ W.T + b
        if act:
            h_new = jax.nn.leaky_relu(h_new, negative_slope=0.1)
        norm = jnp.linalg.norm(h_new, axis=1, keepdims=True)
        h_new = h_new / jnp.maximum(norm, 1e-6)
        h_prev = h_new
    return h_prev

if __name__ == "__main__":
    import jax
    _d = setup_inputs()
    print(jax.jit(kernel)(*tuple(_d.values())))

</pallas_src>

<mosaic_0001>
#map = affine_map<(d0, d1) -> (0, 0)>
#map1 = affine_map<(d0, d1) -> (0, 0, 0)>
#map2 = affine_map<(d0, d1) -> (0)>
module attributes {stable_mosaic.version = 14 : i64} {
  func.func @body(%arg0: i32, %arg1: i32, %arg2: memref<10000x128xf32, #tpu.memory_space<hbm>>, %arg3: memref<4000x2x80xi32, #tpu.memory_space<hbm>>, %arg4: memref<10000xf32, #tpu.memory_space<hbm>>, %arg5: memref<2x10000x128xf32, #tpu.memory_space<hbm>>, %arg6: memref<2x80xi32, #tpu.memory_space<vmem>>, %arg7: memref<2x80xi32, #tpu.memory_space<vmem>>, %arg8: memref<2x80xi32, #tpu.memory_space<vmem>>, %arg9: memref<2x80xi32, #tpu.memory_space<vmem>>, %arg10: memref<2x80xi32, #tpu.memory_space<vmem>>, %arg11: memref<2x80xi32, #tpu.memory_space<vmem>>, %arg12: memref<2x80xi32, #tpu.memory_space<vmem>>, %arg13: memref<2x80xi32, #tpu.memory_space<vmem>>, %arg14: memref<80x128xf32, #tpu.memory_space<vmem>>, %arg15: memref<80x128xf32, #tpu.memory_space<vmem>>, %arg16: memref<80x128xf32, #tpu.memory_space<vmem>>, %arg17: memref<80x128xf32, #tpu.memory_space<vmem>>, %arg18: memref<80xf32, #tpu.memory_space<vmem>>, %arg19: memref<10000x128xf32, #tpu.memory_space<vmem_shared>>, %arg20: memref<10000xf32, #tpu.memory_space<vmem_shared>>, %arg21: memref<!tpu.dma_semaphore, #tpu.memory_space<semaphore_mem>>, %arg22: memref<!tpu.dma_semaphore, #tpu.memory_space<semaphore_mem>>, %arg23: memref<!tpu.dma_semaphore, #tpu.memory_space<semaphore_mem>>, %arg24: memref<!tpu.dma_semaphore, #tpu.memory_space<semaphore_mem>>, %arg25: memref<!tpu.dma_semaphore, #tpu.memory_space<semaphore_mem>>, %arg26: memref<!tpu.dma_semaphore, #tpu.memory_space<semaphore_mem>>, %arg27: memref<!tpu.dma_semaphore, #tpu.memory_space<semaphore_mem>>, %arg28: memref<!tpu.dma_semaphore, #tpu.memory_space<semaphore_mem>>, %arg29: memref<!tpu.dma_semaphore, #tpu.memory_space<semaphore_mem>>, %arg30: memref<!tpu.dma_semaphore, #tpu.memory_space<semaphore_mem>>, %arg31: memref<!tpu.dma_semaphore, #tpu.memory_space<semaphore_mem>>, %arg32: memref<!tpu.dma_semaphore, #tpu.memory_space<semaphore_mem>>, %arg33: memref<!tpu.dma_semaphore, #tpu.memory_space<semaphore_mem>>, %arg34: memref<!tpu.dma_semaphore, #tpu.memory_space<semaphore_mem>>, %arg35: memref<!tpu.dma_semaphore, #tpu.memory_space<semaphore_mem>>, %arg36: memref<!tpu.dma_semaphore, #tpu.memory_space<semaphore_mem>>, %arg37: memref<!tpu.dma_semaphore, #tpu.memory_space<semaphore_mem>>) attributes {dimension_semantics = [#tpu.dimension_semantics<core_parallel>, #tpu.dimension_semantics<subcore_parallel>], iteration_bounds = array<i64: 2, 16>, scalar_prefetch = 0 : i64, scratch_operands = 32 : i64, tpu.core_type = #tpu.core_type<sc_vector_subcore>, window_params = [{transform_indices = #map}, {transform_indices = #map1}, {transform_indices = #map2}, {transform_indices = #map1}]} {
    %mul3A = arith.constant 2 : i32
    %mul3A_0 = arith.muli %arg1, %mul3A : i32
    %add3A = arith.addi %mul3A_0, %arg0 : i32
    %mul3A_1 = arith.constant 125 : i32
    %mul3A_2 = arith.muli %add3A, %mul3A_1 : i32
    %scan3A = arith.constant 0 : i32
    %scan3A_3 = arith.constant 80 : i32
    %scan3A_4 = arith.addi %scan3A, %scan3A_3 : i32
    %scan3A_5 = arith.constant 1 : i32
    scf.for %scan3A_421 = %scan3A to %scan3A_4 step %scan3A_5  : i32 {
      %mul3A_422 = arith.constant 1 : i32
      %mul3A_423 = arith.muli %scan3A_421, %mul3A_422 : i32
      %add3A_424 = arith.constant 0 : i32
      %add3A_425 = arith.addi %add3A_424, %mul3A_423 : i32
      %scan3A_426 = arith.constant 0 : i32
      %scan3A_427 = arith.constant 8 : i32
      %scan3A_428 = arith.addi %scan3A_426, %scan3A_427 : i32
      %scan3A_429 = arith.constant 1 : i32
      scf.for %scan3A_431 = %scan3A_426 to %scan3A_428 step %scan3A_429  : i32 {
        %mul3A_432 = arith.constant 16 : i32
        %mul3A_433 = arith.muli %scan3A_431, %mul3A_432 : i32
        %add3A_434 = arith.constant 0 : i32
        %add3A_435 = arith.addi %add3A_434, %mul3A_433 : i32
        %broadcast_in_dim3A = arith.constant 0.000000e+00 : f32
        %broadcast_in_dim3A_436 = vector.broadcast %broadcast_in_dim3A : f32 to vector<16xf32>
        %swap3A = arith.index_cast %add3A_425 : i32 to index
        %swap3A_437 = arith.index_cast %add3A_435 : i32 to index
        %swap3A_438 = tpu.vector_load %arg17[%swap3A, %swap3A_437] {strides = array<i32>} : memref<80x128xf32, #tpu.memory_space<vmem>>, vector<1x16xf32>,
        %swap3A_439 = vector.shape_cast %swap3A_438 : vector<1x16xf32> to vector<16xf32>
        %swap3A_440 = vector.shape_cast %broadcast_in_dim3A_436 : vector<16xf32> to vector<1x16xf32>
        tpu.vector_store %arg17[%swap3A, %swap3A_437], %swap3A_440 {strides = array<i32>} : memref<80x128xf32, #tpu.memory_space<vmem>>, vector<1x16xf32>,
      }
      %scan3A_430 = arith.constant 8 : i32
    }
    %scan3A_6 = arith.constant 80 : i32
    %mul3A_7 = arith.constant 624 : i32
    %mul3A_8 = arith.muli %arg1, %mul3A_7 : i32
    %add3A_9 = arith.constant 0 : i32
    %add3A_10 = arith.addi %mul3A_8, %add3A_9 : i32
    %dma_start3A = arith.constant 0 : i32
    %dma_start3A_11 = tpu.memref_slice %arg19[%add3A_10, %dma_start3A] : memref<10000x128xf32, #tpu.memory_space<vmem_shared>> -> memref<80x128xf32, #tpu.memory_space<vmem_shared>>
    %dma_start3A_12 = arith.constant 0 : i32
    %dma_start3A_13 = tpu.memref_slice %arg19[%add3A_10, %dma_start3A_12] : memref<10000x128xf32, #tpu.memory_space<vmem_shared>> -> memref<80x128xf32, #tpu.memory_space<vmem_shared>>
    tpu.enqueue_dma source(%arg17 : memref<80x128xf32, #tpu.memory_space<vmem>>) target(%dma_start3A_13 : memref<80x128xf32, #tpu.memory_space<vmem_shared>>) target_semaphore(%arg37 : memref<!tpu.dma_semaphore, #tpu.memory_space<semaphore_mem>>)
    %mul3A_14 = arith.constant 624 : i32
    %mul3A_15 = arith.muli %arg1, %mul3A_14 : i32
    %add3A_16 = arith.constant 80 : i32
    %add3A_17 = arith.addi %mul3A_15, %add3A_16 : i32
    %dma_start3A_18 = arith.constant 0 : i32
    %dma_start3A_19 = tpu.memref_slice %arg19[%add3A_17, %dma_start3A_18] : memref<10000x128xf32, #tpu.memory_space<vmem_shared>> -> memref<80x128xf32, #tpu.memory_space<vmem_shared>>
    %dma_start3A_20 = arith.constant 0 : i32
    %dma_start3A_21 = tpu.memref_slice %arg19[%add3A_17, %dma_start3A_20] : memref<10000x128xf32, #tpu.memory_space<vmem_shared>> -> memref<80x128xf32, #tpu.memory_space<vmem_shared>>
    tpu.enqueue_dma source(%arg17 : memref<80x128xf32, #tpu.memory_space<vmem>>) target(%dma_start3A_21 : memref<80x128xf32, #tpu.memory_space<vmem_shared>>) target_semaphore(%arg37 : memref<!tpu.dma_semaphore, #tpu.memory_space<semaphore_mem>>)
    %mul3A_22 = arith.constant 624 : i32
    %mul3A_23 = arith.muli %arg1, %mul3A_22 : i32
    %add3A_24 = arith.constant 160 : i32
    %add3A_25 = arith.addi %mul3A_23, %add3A_24 : i32
    %dma_start3A_26 = arith.constant 0 : i32
    %dma_start3A_27 = tpu.memref_slice %arg19[%add3A_25, %dma_start3A_26] : memref<10000x128xf32, #tpu.memory_space<vmem_shared>> -> memref<80x128xf32, #tpu.memory_space<vmem_shared>>
    %dma_start3A_28 = arith.constant 0 : i32
    %dma_start3A_29 = tpu.memref_slice %arg19[%add3A_25, %dma_start3A_28] : memref<10000x128xf32, #tpu.memory_space<vmem_shared>> -> memref<80x128xf32, #tpu.memory_space<vmem_shared>>
    tpu.enqueue_dma source(%arg17 : memref<80x128xf32, #tpu.memory_space<vmem>>) target(%dma_start3A_29 : memref<80x128xf32, #tpu.memory_space<vmem_shared>>) target_semaphore(%arg37 : memref<!tpu.dma_semaphore, #tpu.memory_space<semaphore_mem>>)
    %mul3A_30 = arith.constant 624 : i32
    %mul3A_31 = arith.muli %arg1, %mul3A_30 : i32
    %add3A_32 = arith.constant 240 : i32
    %add3A_33 = arith.addi %mul3A_31, %add3A_32 : i32
    %dma_start3A_34 = arith.constant 0 : i32
    %dma_start3A_35 = tpu.memref_slice %arg19[%add3A_33, %dma_start3A_34] : memref<10000x128xf32, #tpu.memory_space<vmem_shared>> -> memref<80x128xf32, #tpu.memory_space<vmem_shared>>
    %dma_start3A_36 = arith.constant 0 : i32
    %dma_start3A_37 = tpu.memref_slice %arg19[%add3A_33, %dma_start3A_36] : memref<10000x128xf32, #tpu.memory_space<vmem_shared>> -> memref<80x128xf32, #tpu.memory_space<vmem_shared>>
    tpu.enqueue_dma source(%arg17 : memref<80x128xf32, #tpu.memory_space<vmem>>) target(%dma_start3A_37 : memref<80x128xf32, #tpu.memory_space<vmem_shared>>) target_semaphore(%arg37 : memref<!tpu.dma_semaphore, #tpu.memory_space<semaphore_mem>>)
    %mul3A_38 = arith.constant 624 : i32
    %mul3A_39 = arith.muli %arg1, %mul3A_38 : i32
    %add3A_40 = arith.constant 320 : i32
    %add3A_41 = arith.addi %mul3A_39, %add3A_40 : i32
    %dma_start3A_42 = arith.constant 0 : i32
    %dma_start3A_43 = tpu.memref_slice %arg19[%add3A_41, %dma_start3A_42] : memref<10000x128xf32, #tpu.memory_space<vmem_shared>> -> memref<80x128xf32, #tpu.memory_space<vmem_shared>>
    %dma_start3A_44 = arith.constant 0 : i32
    %dma_start3A_45 = tpu.memref_slice %arg19[%add3A_41, %dma_start3A_44] : memref<10000x128xf32, #tpu.memory_space<vmem_shared>> -> memref<80x128xf32, #tpu.memory_space<vmem_shared>>
    tpu.enqueue_dma source(%arg17 : memref<80x128xf32, #tpu.memory_space<vmem>>) target(%dma_start3A_45 : memref<80x128xf32, #tpu.memory_space<vmem_shared>>) target_semaphore(%arg37 : memref<!tpu.dma_semaphore, #tpu.memory_space<semaphore_mem>>)
    %mul3A_46 = arith.constant 624 : i32
    %mul3A_47 = arith.muli %arg1, %mul3A_46 : i32
    %add3A_48 = arith.constant 400 : i32
    %add3A_49 = arith.addi %mul3A_47, %add3A_48 : i32
    %dma_start3A_50 = arith.constant 0 : i32
    %dma_start3A_51 = tpu.memref_slice %arg19[%add3A_49, %dma_start3A_50] : memref<10000x128xf32, #tpu.memory_space<vmem_shared>> -> memref<80x128xf32, #tpu.memory_space<vmem_shared>>
    %dma_start3A_52 = arith.constant 0 : i32
    %dma_start3A_53 = tpu.memref_slice %arg19[%add3A_49, %dma_start3A_52] : memref<10000x128xf32, #tpu.memory_space<vmem_shared>> -> memref<80x128xf32, #tpu.memory_space<vmem_shared>>
    tpu.enqueue_dma source(%arg17 : memref<80x128xf32, #tpu.memory_space<vmem>>) target(%dma_start3A_53 : memref<80x128xf32, #tpu.memory_space<vmem_shared>>) target_semaphore(%arg37 : memref<!tpu.dma_semaphore, #tpu.memory_space<semaphore_mem>>)
    %mul3A_54 = arith.constant 624 : i32
    %mul3A_55 = arith.muli %arg1, %mul3A_54 : i32
    %add3A_56 = arith.constant 480 : i32
    %add3A_57 = arith.addi %mul3A_55, %add3A_56 : i32
    %dma_start3A_58 = arith.constant 0 : i32
    %dma_start3A_59 = tpu.memref_slice %arg19[%add3A_57, %dma_start3A_58] : memref<10000x128xf32, #tpu.memory_space<vmem_shared>> -> memref<80x128xf32, #tpu.memory_space<vmem_shared>>
    %dma_start3A_60 = arith.constant 0 : i32
    %dma_start3A_61 = tpu.memref_slice %arg19[%add3A_57, %dma_start3A_60] : memref<10000x128xf32, #tpu.memory_space<vmem_shared>> -> memref<80x128xf32, #tpu.memory_space<vmem_shared>>
    tpu.enqueue_dma source(%arg17 : memref<80x128xf32, #tpu.memory_space<vmem>>) target(%dma_start3A_61 : memref<80x128xf32, #tpu.memory_space<vmem_shared>>) target_semaphore(%arg37 : memref<!tpu.dma_semaphore, #tpu.memory_space<semaphore_mem>>)
    %mul3A_62 = arith.constant 624 : i32
    %mul3A_63 = arith.muli %arg1, %mul3A_62 : i32
    %add3A_64 = arith.constant 560 : i32
    %add3A_65 = arith.addi %mul3A_63, %add3A_64 : i32
    %dma_start3A_66 = arith.constant 0 : i32
    %dma_start3A_67 = arith.constant 0 : i32
    %dma_start3A_68 = tpu.memref_slice %arg17[%dma_start3A_66, %dma_start3A_67] : memref<80x128xf32, #tpu.memory_space<vmem>> -> memref<64x128xf32, #tpu.memory_space<vmem>>
    %dma_start3A_69 = arith.constant 0 : i32
    %dma_start3A_70 = tpu.memref_slice %arg19[%add3A_65, %dma_start3A_69] : memref<10000x128xf32, #tpu.memory_space<vmem_shared>> -> memref<64x128xf32, #tpu.memory_space<vmem_shared>>
    %dma_start3A_71 = arith.constant 0 : i32
    %dma_start3A_72 = tpu.memref_slice %arg19[%add3A_65, %dma_start3A_71] : memref<10000x128xf32, #tpu.memory_space<vmem_shared>> -> memref<64x128xf32, #tpu.memory_space<vmem_shared>>
    %dma_start3A_73 = arith.constant 0 : i32
    %dma_start3A_74 = arith.constant 0 : i32
    %dma_start3A_75 = tpu.memref_slice %arg17[%dma_start3A_73, %dma_start3A_74] : memref<80x128xf32, #tpu.memory_space<vmem>> -> memref<64x128xf32, #tpu.memory_space<vmem>>
    tpu.enqueue_dma source(%dma_start3A_75 : memref<64x128xf32, #tpu.memory_space<vmem>>) target(%dma_start3A_72 : memref<64x128xf32, #tpu.memory_space<vmem_shared>>) target_semaphore(%arg37 : memref<!tpu.dma_semaphore, #tpu.memory_space<semaphore_mem>>)
    %eq3A = arith.constant 0 : i32
    %eq3A_76 = arith.cmpi eq, %arg1, %eq3A : i32
    %convert_element_type3A = arith.extui %eq3A_76 : i1 to i32
    %cond3A = arith.constant 0 : i32
    %cond3A_77 = arith.cmpi ne, %convert_element_type3A, %cond3A : i32
    scf.if %cond3A_77 {
      %dma_start3A_421 = arith.constant 0 : i32
      %dma_start3A_422 = arith.constant 0 : i32
      %dma_start3A_423 = tpu.memref_slice %arg17[%dma_start3A_421, %dma_start3A_422] : memref<80x128xf32, #tpu.memory_space<vmem>> -> memref<16x128xf32, #tpu.memory_space<vmem>>
      %dma_start3A_424 = arith.constant 9984 : i32
      %dma_start3A_425 = arith.constant 0 : i32
      %dma_start3A_426 = tpu.memref_slice %arg19[%dma_start3A_424, %dma_start3A_425] : memref<10000x128xf32, #tpu.memory_space<vmem_shared>> -> memref<16x128xf32, #tpu.memory_space<vmem_shared>>
      %dma_start3A_427 = arith.constant 9984 : i32
      %dma_start3A_428 = arith.constant 0 : i32
      %dma_start3A_429 = tpu.memref_slice %arg19[%dma_start3A_427, %dma_start3A_428] : memref<10000x128xf32, #tpu.memory_space<vmem_shared>> -> memref<16x128xf32, #tpu.memory_space<vmem_shared>>
      %dma_start3A_430 = arith.constant 0 : i32
      %dma_start3A_431 = arith.constant 0 : i32
      %dma_start3A_432 = tpu.memref_slice %arg17[%dma_start3A_430, %dma_start3A_431] : memref<80x128xf32, #tpu.memory_space<vmem>> -> memref<16x128xf32, #tpu.memory_space<vmem>>
      tpu.enqueue_dma source(%dma_start3A_432 : memref<16x128xf32, #tpu.memory_space<vmem>>) target(%dma_start3A_429 : memref<16x128xf32, #tpu.memory_space<vmem_shared>>) target_semaphore(%arg37 : memref<!tpu.dma_semaphore, #tpu.memory_space<semaphore_mem>>)
    } else {
    }
    %mul3A_78 = arith.constant 624 : i32
    %mul3A_79 = arith.muli %arg1, %mul3A_78 : i32
    %add3A_80 = arith.constant 0 : i32
    %add3A_81 = arith.addi %mul3A_79, %add3A_80 : i32
    %dma_wait3A = arith.constant 0 : i32
    %dma_wait3A_82 = tpu.memref_slice %arg19[%add3A_81, %dma_wait3A] : memref<10000x128xf32, #tpu.memory_space<vmem_shared>> -> memref<80x128xf32, #tpu.memory_space<vmem_shared>>
    %dma_wait3A_83 = arith.constant 0 : i32
    %dma_wait3A_84 = tpu.memref_slice %arg19[%add3A_81, %dma_wait3A_83] : memref<10000x128xf32, #tpu.memory_space<vmem_shared>> -> memref<80x128xf32, #tpu.memory_space<vmem_shared>>
    tpu.wait_dma2 semaphore(%arg37 : memref<!tpu.dma_semaphore, #tpu.memory_space<semaphore_mem>>) src(%arg17 : memref<80x128xf32, #tpu.memory_space<vmem>>) dst(%dma_wait3A_84 : memref<80x128xf32, #tpu.memory_space<vmem_shared>>)
    %mul3A_85 = arith.constant 624 : i32
    %mul3A_86 = arith.muli %arg1, %mul3A_85 : i32
    %add3A_87 = arith.constant 80 : i32
    %add3A_88 = arith.addi %mul3A_86, %add3A_87 : i32
    %dma_wait3A_89 = arith.constant 0 : i32
    %dma_wait3A_90 = tpu.memref_slice %arg19[%add3A_88, %dma_wait3A_89] : memref<10000x128xf32, #tpu.memory_space<vmem_shared>> -> memref<80x128xf32, #tpu.memory_space<vmem_shared>>
    %dma_wait3A_91 = arith.constant 0 : i32
    %dma_wait3A_92 = tpu.memref_slice %arg19[%add3A_88, %dma_wait3A_91] : memref<10000x128xf32, #tpu.memory_space<vmem_shared>> -> memref<80x128xf32, #tpu.memory_space<vmem_shared>>
    tpu.wait_dma2 semaphore(%arg37 : memref<!tpu.dma_semaphore, #tpu.memory_space<semaphore_mem>>) src(%arg17 : memref<80x128xf32, #tpu.memory_space<vmem>>) dst(%dma_wait3A_92 : memref<80x128xf32, #tpu.memory_space<vmem_shared>>)
    %mul3A_93 = arith.constant 624 : i32
    %mul3A_94 = arith.muli %arg1, %mul3A_93 : i32
    %add3A_95 = arith.constant 160 : i32
    %add3A_96 = arith.addi %mul3A_94, %add3A_95 : i32
    %dma_wait3A_97 = arith.constant 0 : i32
    %dma_wait3A_98 = tpu.memref_slice %arg19[%add3A_96, %dma_wait3A_97] : memref<10000x128xf32, #tpu.memory_space<vmem_shared>> -> memref<80x128xf32, #tpu.memory_space<vmem_shared>>
    %dma_wait3A_99 = arith.constant 0 : i32
    %dma_wait3A_100 = tpu.memref_slice %arg19[%add3A_96, %dma_wait3A_99] : memref<10000x128xf32, #tpu.memory_space<vmem_shared>> -> memref<80x128xf32, #tpu.memory_space<vmem_shared>>
    tpu.wait_dma2 semaphore(%arg37 : memref<!tpu.dma_semaphore, #tpu.memory_space<semaphore_mem>>) src(%arg17 : memref<80x128xf32, #tpu.memory_space<vmem>>) dst(%dma_wait3A_100 : memref<80x128xf32, #tpu.memory_space<vmem_shared>>)
    %mul3A_101 = arith.constant 624 : i32
    %mul3A_102 = arith.muli %arg1, %mul3A_101 : i32
    %add3A_103 = arith.constant 240 : i32
    %add3A_104 = arith.addi %mul3A_102, %add3A_103 : i32
    %dma_wait3A_105 = arith.constant 0 : i32
    %dma_wait3A_106 = tpu.memref_slice %arg19[%add3A_104, %dma_wait3A_105] : memref<10000x128xf32, #tpu.memory_space<vmem_shared>> -> memref<80x128xf32, #tpu.memory_space<vmem_shared>>
    %dma_wait3A_107 = arith.constant 0 : i32
    %dma_wait3A_108 = tpu.memref_slice %arg19[%add3A_104, %dma_wait3A_107] : memref<10000x128xf32, #tpu.memory_space<vmem_shared>> -> memref<80x128xf32, #tpu.memory_space<vmem_shared>>
    tpu.wait_dma2 semaphore(%arg37 : memref<!tpu.dma_semaphore, #tpu.memory_space<semaphore_mem>>) src(%arg17 : memref<80x128xf32, #tpu.memory_space<vmem>>) dst(%dma_wait3A_108 : memref<80x128xf32, #tpu.memory_space<vmem_shared>>)
    %mul3A_109 = arith.constant 624 : i32
    %mul3A_110 = arith.muli %arg1, %mul3A_109 : i32
    %add3A_111 = arith.constant 320 : i32
    %add3A_112 = arith.addi %mul3A_110, %add3A_111 : i32
    %dma_wait3A_113 = arith.constant 0 : i32
    %dma_wait3A_114 = tpu.memref_slice %arg19[%add3A_112, %dma_wait3A_113] : memref<10000x128xf32, #tpu.memory_space<vmem_shared>> -> memref<80x128xf32, #tpu.memory_space<vmem_shared>>
    %dma_wait3A_115 = arith.constant 0 : i32
    %dma_wait3A_116 = tpu.memref_slice %arg19[%add3A_112, %dma_wait3A_115] : memref<10000x128xf32, #tpu.memory_space<vmem_shared>> -> memref<80x128xf32, #tpu.memory_space<vmem_shared>>
    tpu.wait_dma2 semaphore(%arg37 : memref<!tpu.dma_semaphore, #tpu.memory_space<semaphore_mem>>) src(%arg17 : memref<80x128xf32, #tpu.memory_space<vmem>>) dst(%dma_wait3A_116 : memref<80x128xf32, #tpu.memory_space<vmem_shared>>)
    %mul3A_117 = arith.constant 624 : i32
    %mul3A_118 = arith.muli %arg1, %mul3A_117 : i32
    %add3A_119 = arith.constant 400 : i32
    %add3A_120 = arith.addi %mul3A_118, %add3A_119 : i32
    %dma_wait3A_121 = arith.constant 0 : i32
    %dma_wait3A_122 = tpu.memref_slice %arg19[%add3A_120, %dma_wait3A_121] : memref<10000x128xf32, #tpu.memory_space<vmem_shared>> -> memref<80x128xf32, #tpu.memory_space<vmem_shared>>
    %dma_wait3A_123 = arith.constant 0 : i32
    %dma_wait3A_124 = tpu.memref_slice %arg19[%add3A_120, %dma_wait3A_123] : memref<10000x128xf32, #tpu.memory_space<vmem_shared>> -> memref<80x128xf32, #tpu.memory_space<vmem_shared>>
    tpu.wait_dma2 semaphore(%arg37 : memref<!tpu.dma_semaphore, #tpu.memory_space<semaphore_mem>>) src(%arg17 : memref<80x128xf32, #tpu.memory_space<vmem>>) dst(%dma_wait3A_124 : memref<80x128xf32, #tpu.memory_space<vmem_shared>>)
    %mul3A_125 = arith.constant 624 : i32
    %mul3A_126 = arith.muli %arg1, %mul3A_125 : i32
    %add3A_127 = arith.constant 480 : i32
    %add3A_128 = arith.addi %mul3A_126, %add3A_127 : i32
    %dma_wait3A_129 = arith.constant 0 : i32
    %dma_wait3A_130 = tpu.memref_slice %arg19[%add3A_128, %dma_wait3A_129] : memref<10000x128xf32, #tpu.memory_space<vmem_shared>> -> memref<80x128xf32, #tpu.memory_space<vmem_shared>>
    %dma_wait3A_131 = arith.constant 0 : i32
    %dma_wait3A_132 = tpu.memref_slice %arg19[%add3A_128, %dma_wait3A_131] : memref<10000x128xf32, #tpu.memory_space<vmem_shared>> -> memref<80x128xf32, #tpu.memory_space<vmem_shared>>
    tpu.wait_dma2 semaphore(%arg37 : memref<!tpu.dma_semaphore, #tpu.memory_space<semaphore_mem>>) src(%arg17 : memref<80x128xf32, #tpu.memory_space<vmem>>) dst(%dma_wait3A_132 : memref<80x128xf32, #tpu.memory_space<vmem_shared>>)
    %mul3A_133 = arith.constant 624 : i32
    %mul3A_134 = arith.muli %arg1, %mul3A_133 : i32
    %add3A_135 = arith.constant 560 : i32
    %add3A_136 = arith.addi %mul3A_134, %add3A_135 : i32
    %dma_wait3A_137 = arith.constant 0 : i32
    %dma_wait3A_138 = arith.constant 0 : i32
    %dma_wait3A_139 = tpu.memref_slice %arg17[%dma_wait3A_137, %dma_wait3A_138] : memref<80x128xf32, #tpu.memory_space<vmem>> -> memref<64x128xf32, #tpu.memory_space<vmem>>
    %dma_wait3A_140 = arith.constant 0 : i32
    %dma_wait3A_141 = tpu.memref_slice %arg19[%add3A_136, %dma_wait3A_140] : memref<10000x128xf32, #tpu.memory_space<vmem_shared>> -> memref<64x128xf32, #tpu.memory_space<vmem_shared>>
    %dma_wait3A_142 = arith.constant 0 : i32
    %dma_wait3A_143 = tpu.memref_slice %arg19[%add3A_136, %dma_wait3A_142] : memref<10000x128xf32, #tpu.memory_space<vmem_shared>> -> memref<64x128xf32, #tpu.memory_space<vmem_shared>>
    %dma_wait3A_144 = arith.constant 0 : i32
    %dma_wait3A_145 = arith.constant 0 : i32
    %dma_wait3A_146 = tpu.memref_slice %arg17[%dma_wait3A_144, %dma_wait3A_145] : memref<80x128xf32, #tpu.memory_space<vmem>> -> memref<64x128xf32, #tpu.memory_space<vmem>>
    tpu.wait_dma2 semaphore(%arg37 : memref<!tpu.dma_semaphore, #tpu.memory_space<semaphore_mem>>) src(%dma_wait3A_146 : memref<64x128xf32, #tpu.memory_space<vmem>>) dst(%dma_wait3A_143 : memref<64x128xf32, #tpu.memory_space<vmem_shared>>)
    %eq3A_147 = arith.constant 0 : i32
    %eq3A_148 = arith.cmpi eq, %arg1, %eq3A_147 : i32
    %convert_element_type3A_149 = arith.extui %eq3A_148 : i1 to i32
    %cond3A_150 = arith.constant 0 : i32
    %cond3A_151 = arith.cmpi ne, %convert_element_type3A_149, %cond3A_150 : i32
    scf.if %cond3A_151 {
      %dma_wait3A_421 = arith.constant 0 : i32
      %dma_wait3A_422 = arith.constant 0 : i32
      %dma_wait3A_423 = tpu.memref_slice %arg17[%dma_wait3A_421, %dma_wait3A_422] : memref<80x128xf32, #tpu.memory_space<vmem>> -> memref<16x128xf32, #tpu.memory_space<vmem>>
      %dma_wait3A_424 = arith.constant 9984 : i32
      %dma_wait3A_425 = arith.constant 0 : i32
      %dma_wait3A_426 = tpu.memref_slice %arg19[%dma_wait3A_424, %dma_wait3A_425] : memref<10000x128xf32, #tpu.memory_space<vmem_shared>> -> memref<16x128xf32, #tpu.memory_space<vmem_shared>>
      %dma_wait3A_427 = arith.constant 9984 : i32
      %dma_wait3A_428 = arith.constant 0 : i32
      %dma_wait3A_429 = tpu.memref_slice %arg19[%dma_wait3A_427, %dma_wait3A_428] : memref<10000x128xf32, #tpu.memory_space<vmem_shared>> -> memref<16x128xf32, #tpu.memory_space<vmem_shared>>
      %dma_wait3A_430 = arith.constant 0 : i32
      %dma_wait3A_431 = arith.constant 0 : i32
      %dma_wait3A_432 = tpu.memref_slice %arg17[%dma_wait3A_430, %dma_wait3A_431] : memref<80x128xf32, #tpu.memory_space<vmem>> -> memref<16x128xf32, #tpu.memory_space<vmem>>
      tpu.wait_dma2 semaphore(%arg37 : memref<!tpu.dma_semaphore, #tpu.memory_space<semaphore_mem>>) src(%dma_wait3A_432 : memref<16x128xf32, #tpu.memory_space<vmem>>) dst(%dma_wait3A_429 : memref<16x128xf32, #tpu.memory_space<vmem_shared>>)
    } else {
    }
    %add3A_152 = arith.constant 0 : i32
    %add3A_153 = arith.addi %mul3A_2, %add3A_152 : i32
    %dma_start3A_154 = arith.constant 0 : i32
    %dma_start3A_155 = arith.constant 0 : i32
    %dma_start3A_156 = tpu.memref_slice %arg3[%add3A_153, %dma_start3A_154, %dma_start3A_155] : memref<4000x2x80xi32, #tpu.memory_space<hbm>> -> memref<1x2x80xi32, #tpu.memory_space<hbm>>
    %dma_start3A_157 = tpu.memref_squeeze %dma_start3A_156 : memref<1x2x80xi32, #tpu.memory_space<hbm>> -> memref<2x80xi32, #tpu.memory_space<hbm>>
    %dma_start3A_158 = arith.constant 0 : i32
    %dma_start3A_159 = arith.constant 0 : i32
    %dma_start3A_160 = tpu.memref_slice %arg3[%add3A_153, %dma_start3A_158, %dma_start3A_159] : memref<4000x2x80xi32, #tpu.memory_space<hbm>> -> memref<1x2x80xi32, #tpu.memory_space<hbm>>
    %dma_start3A_161 = tpu.memref_squeeze %dma_start3A_160 : memref<1x2x80xi32, #tpu.memory_space<hbm>> -> memref<2x80xi32, #tpu.memory_space<hbm>>
    tpu.enqueue_dma source(%dma_start3A_161 : memref<2x80xi32, #tpu.memory_space<hbm>>) target(%arg6 : memref<2x80xi32, #tpu.memory_space<vmem>>) target_semaphore(%arg29 : memref<!tpu.dma_semaphore, #tpu.memory_space<semaphore_mem>>)
    %add3A_162 = arith.constant 1 : i32
    %add3A_163 = arith.addi %mul3A_2, %add3A_162 : i32
    %dma_start3A_164 = arith.constant 0 : i32
    %dma_start3A_165 = arith.constant 0 : i32
    %dma_start3A_166 = tpu.memref_slice %arg3[%add3A_163, %dma_start3A_164, %dma_start3A_165] : memref<4000x2x80xi32, #tpu.memory_space<hbm>> -> memref<1x2x80xi32, #tpu.memory_space<hbm>>
    %dma_start3A_167 = tpu.memref_squeeze %dma_start3A_166 : memref<1x2x80xi32, #tpu.memory_space<hbm>> -> memref<2x80xi32, #tpu.memory_space<hbm>>
    %dma_start3A_168 = arith.constant 0 : i32
    %dma_start3A_169 = arith.constant 0 : i32
    %dma_start3A_170 = tpu.memref_slice %arg3[%add3A_163, %dma_start3A_168, %dma_start3A_169] : memref<4000x2x80xi32, #tpu.memory_space<hbm>> -> memref<1x2x80xi32, #tpu.memory_space<hbm>>
    %dma_start3A_171 = tpu.memref_squeeze %dma_start3A_170 : memref<1x2x80xi32, #tpu.memory_space<hbm>> -> memref<2x80xi32, #tpu.memory_space<hbm>>
    tpu.enqueue_dma source(%dma_start3A_171 : memref<2x80xi32, #tpu.memory_space<hbm>>) target(%arg7 : memref<2x80xi32, #tpu.memory_space<vmem>>) target_semaphore(%arg30 : memref<!tpu.dma_semaphore, #tpu.memory_space<semaphore_mem>>)
    %add3A_172 = arith.constant 2 : i32
    %add3A_173 = arith.addi %mul3A_2, %add3A_172 : i32
    %dma_start3A_174 = arith.constant 0 : i32
    %dma_start3A_175 = arith.constant 0 : i32
    %dma_start3A_176 = tpu.memref_slice %arg3[%add3A_173, %dma_start3A_174, %dma_start3A_175] : memref<4000x2x80xi32, #tpu.memory_space<hbm>> -> memref<1x2x80xi32, #tpu.memory_space<hbm>>
    %dma_start3A_177 = tpu.memref_squeeze %dma_start3A_176 : memref<1x2x80xi32, #tpu.memory_space<hbm>> -> memref<2x80xi32, #tpu.memory_space<hbm>>
    %dma_start3A_178 = arith.constant 0 : i32
    %dma_start3A_179 = arith.constant 0 : i32
    %dma_start3A_180 = tpu.memref_slice %arg3[%add3A_173, %dma_start3A_178, %dma_start3A_179] : memref<4000x2x80xi32, #tpu.memory_space<hbm>> -> memref<1x2x80xi32, #tpu.memory_space<hbm>>
    %dma_start3A_181 = tpu.memref_squeeze %dma_start3A_180 : memref<1x2x80xi32, #tpu.memory_space<hbm>> -> memref<2x80xi32, #tpu.memory_space<hbm>>
    tpu.enqueue_dma source(%dma_start3A_181 : memref<2x80xi32, #tpu.memory_space<hbm>>) target(%arg8 : memref<2x80xi32, #tpu.memory_space<vmem>>) target_semaphore(%arg31 : memref<!tpu.dma_semaphore, #tpu.memory_space<semaphore_mem>>)
    %add3A_182 = arith.constant 3 : i32
    %add3A_183 = arith.addi %mul3A_2, %add3A_182 : i32
    %dma_start3A_184 = arith.constant 0 : i32
    %dma_start3A_185 = arith.constant 0 : i32
    %dma_start3A_186 = tpu.memref_slice %arg3[%add3A_183, %dma_start3A_184, %dma_start3A_185] : memref<4000x2x80xi32, #tpu.memory_space<hbm>> -> memref<1x2x80xi32, #tpu.memory_space<hbm>>
    %dma_start3A_187 = tpu.memref_squeeze %dma_start3A_186 : memref<1x2x80xi32, #tpu.memory_space<hbm>> -> memref<2x80xi32, #tpu.memory_space<hbm>>
    %dma_start3A_188 = arith.constant 0 : i32
    %dma_start3A_189 = arith.constant 0 : i32
    %dma_start3A_190 = tpu.memref_slice %arg3[%add3A_183, %dma_start3A_188, %dma_start3A_189] : memref<4000x2x80xi32, #tpu.memory_space<hbm>> -> memref<1x2x80xi32, #tpu.memory_space<hbm>>
    %dma_start3A_191 = tpu.memref_squeeze %dma_start3A_190 : memref<1x2x80xi32, #tpu.memory_space<hbm>> -> memref<2x80xi32, #tpu.memory_space<hbm>>
    tpu.enqueue_dma source(%dma_start3A_191 : memref<2x80xi32, #tpu.memory_space<hbm>>) target(%arg9 : memref<2x80xi32, #tpu.memory_space<vmem>>) target_semaphore(%arg32 : memref<!tpu.dma_semaphore, #tpu.memory_space<semaphore_mem>>)
    %add3A_192 = arith.constant 4 : i32
    %add3A_193 = arith.addi %mul3A_2, %add3A_192 : i32
    %dma_start3A_194 = arith.constant 0 : i32
    %dma_start3A_195 = arith.constant 0 : i32
    %dma_start3A_196 = tpu.memref_slice %arg3[%add3A_193, %dma_start3A_194, %dma_start3A_195] : memref<4000x2x80xi32, #tpu.memory_space<hbm>> -> memref<1x2x80xi32, #tpu.memory_space<hbm>>
    %dma_start3A_197 = tpu.memref_squeeze %dma_start3A_196 : memref<1x2x80xi32, #tpu.memory_space<hbm>> -> memref<2x80xi32, #tpu.memory_space<hbm>>
    %dma_start3A_198 = arith.constant 0 : i32
    %dma_start3A_199 = arith.constant 0 : i32
    %dma_start3A_200 = tpu.memref_slice %arg3[%add3A_193, %dma_start3A_198, %dma_start3A_199] : memref<4000x2x80xi32, #tpu.memory_space<hbm>> -> memref<1x2x80xi32, #tpu.memory_space<hbm>>
    %dma_start3A_201 = tpu.memref_squeeze %dma_start3A_200 : memref<1x2x80xi32, #tpu.memory_space<hbm>> -> memref<2x80xi32, #tpu.memory_space<hbm>>
    tpu.enqueue_dma source(%dma_start3A_201 : memref<2x80xi32, #tpu.memory_space<hbm>>) target(%arg10 : memref<2x80xi32, #tpu.memory_space<vmem>>) target_semaphore(%arg33 : memref<!tpu.dma_semaphore, #tpu.memory_space<semaphore_mem>>)
    %add3A_202 = arith.constant 0 : i32
    %add3A_203 = arith.addi %mul3A_2, %add3A_202 : i32
    %dma_wait3A_204 = arith.constant 0 : i32
    %dma_wait3A_205 = arith.constant 0 : i32
    %dma_wait3A_206 = tpu.memref_slice %arg3[%add3A_203, %dma_wait3A_204, %dma_wait3A_205] : memref<4000x2x80xi32, #tpu.memory_space<hbm>> -> memref<1x2x80xi32, #tpu.memory_space<hbm>>
    %dma_wait3A_207 = tpu.memref_squeeze %dma_wait3A_206 : memref<1x2x80xi32, #tpu.memory_space<hbm>> -> memref<2x80xi32, #tpu.memory_space<hbm>>
    %dma_wait3A_208 = arith.constant 0 : i32
    %dma_wait3A_209 = arith.constant 0 : i32
    %dma_wait3A_210 = tpu.memref_slice %arg3[%add3A_203, %dma_wait3A_208, %dma_wait3A_209] : memref<4000x2x80xi32, #tpu.memory_space<hbm>> -> memref<1x2x80xi32, #tpu.memory_space<hbm>>
    %dma_wait3A_211 = tpu.memref_squeeze %dma_wait3A_210 : memref<1x2x80xi32, #tpu.memory_space<hbm>> -> memref<2x80xi32, #tpu.memory_space<hbm>>
    tpu.wait_dma2 semaphore(%arg29 : memref<!tpu.dma_semaphore, #tpu.memory_space<semaphore_mem>>) src(%dma_wait3A_211 : memref<2x80xi32, #tpu.memory_space<hbm>>) dst(%arg6 : memref<2x80xi32, #tpu.memory_space<vmem>>)
    %dma_start3A_212 = arith.constant 0 : i32
    %dma_start3A_213 = arith.constant 0 : i32
    %dma_start3A_214 = tpu.memref_slice %arg6[%dma_start3A_212, %dma_start3A_213] : memref<2x80xi32, #tpu.memory_space<vmem>> -> memref<1x80xi32, #tpu.memory_space<vmem>>
    %dma_start3A_215 = tpu.memref_squeeze %dma_start3A_214 : memref<1x80xi32, #tpu.memory_space<vmem>> -> memref<80xi32, #tpu.memory_space<vmem>>
    %dma_start3A_216 = arith.constant 0 : i32
    %dma_start3A_217 = arith.constant 0 : i32
    %dma_start3A_218 = tpu.memref_slice %arg2[%dma_start3A_216, %dma_start3A_217] : memref<10000x128xf32, #tpu.memory_space<hbm>> -> memref<10000x128xf32, #tpu.memory_space<hbm>>
    tpu.enqueue_indirect_dma source(%dma_start3A_218 : memref<10000x128xf32, #tpu.memory_space<hbm>>) target(%arg14 : memref<80x128xf32, #tpu.memory_space<vmem>>) offsets(%dma_start3A_215 : memref<80xi32, #tpu.memory_space<vmem>>) semaphore(%arg21 : memref<!tpu.dma_semaphore, #tpu.memory_space<semaphore_mem>>)
    %add3A_219 = arith.constant 1 : i32
    %add3A_220 = arith.addi %mul3A_2, %add3A_219 : i32
    %dma_wait3A_221 = arith.constant 0 : i32
    %dma_wait3A_222 = arith.constant 0 : i32
    %dma_wait3A_223 = tpu.memref_slice %arg3[%add3A_220, %dma_wait3A_221, %dma_wait3A_222] : memref<4000x2x80xi32, #tpu.memory_space<hbm>> -> memref<1x2x80xi32, #tpu.memory_space<hbm>>
    %dma_wait3A_224 = tpu.memref_squeeze %dma_wait3A_223 : memref<1x2x80xi32, #tpu.memory_space<hbm>> -> memref<2x80xi32, #tpu.memory_space<hbm>>
    %dma_wait3A_225 = arith.constant 0 : i32
    %dma_wait3A_226 = arith.constant 0 : i32
    %dma_wait3A_227 = tpu.memref_slice %arg3[%add3A_220, %dma_wait3A_225, %dma_wait3A_226] : memref<4000x2x80xi32, #tpu.memory_space<hbm>> -> memref<1x2x80xi32, #tpu.memory_space<hbm>>
    %dma_wait3A_228 = tpu.memref_squeeze %dma_wait3A_227 : memref<1x2x80xi32, #tpu.memory_space<hbm>> -> memref<2x80xi32, #tpu.memory_space<hbm>>
    tpu.wait_dma2 semaphore(%arg30 : memref<!tpu.dma_semaphore, #tpu.memory_space<semaphore_mem>>) src(%dma_wait3A_228 : memref<2x80xi32, #tpu.memory_space<hbm>>) dst(%arg7 : memref<2x80xi32, #tpu.memory_space<vmem>>)
    %dma_start3A_229 = arith.constant 0 : i32
    %dma_start3A_230 = arith.constant 0 : i32
    %dma_start3A_231 = tpu.memref_slice %arg7[%dma_start3A_229, %dma_start3A_230] : memref<2x80xi32, #tpu.memory_space<vmem>> -> memref<1x80xi32, #tpu.memory_space<vmem>>
    %dma_start3A_232 = tpu.memref_squeeze %dma_start3A_231 : memref<1x80xi32, #tpu.memory_space<vmem>> -> memref<80xi32, #tpu.memory_space<vmem>>
    %dma_start3A_233 = arith.constant 0 : i32
    %dma_start3A_234 = arith.constant 0 : i32
    %dma_start3A_235 = tpu.memref_slice %arg2[%dma_start3A_233, %dma_start3A_234] : memref<10000x128xf32, #tpu.memory_space<hbm>> -> memref<10000x128xf32, #tpu.memory_space<hbm>>
    tpu.enqueue_indirect_dma source(%dma_start3A_235 : memref<10000x128xf32, #tpu.memory_space<hbm>>) target(%arg15 : memref<80x128xf32, #tpu.memory_space<vmem>>) offsets(%dma_start3A_232 : memref<80xi32, #tpu.memory_space<vmem>>) semaphore(%arg22 : memref<!tpu.dma_semaphore, #tpu.memory_space<semaphore_mem>>)
    %add3A_236 = arith.constant 2 : i32
    %add3A_237 = arith.addi %mul3A_2, %add3A_236 : i32
    %dma_wait3A_238 = arith.constant 0 : i32
    %dma_wait3A_239 = arith.constant 0 : i32
    %dma_wait3A_240 = tpu.memref_slice %arg3[%add3A_237, %dma_wait3A_238, %dma_wait3A_239] : memref<4000x2x80xi32, #tpu.memory_space<hbm>> -> memref<1x2x80xi32, #tpu.memory_space<hbm>>
    %dma_wait3A_241 = tpu.memref_squeeze %dma_wait3A_240 : memref<1x2x80xi32, #tpu.memory_space<hbm>> -> memref<2x80xi32, #tpu.memory_space<hbm>>
    %dma_wait3A_242 = arith.constant 0 : i32
    %dma_wait3A_243 = arith.constant 0 : i32
    %dma_wait3A_244 = tpu.memref_slice %arg3[%add3A_237, %dma_wait3A_242, %dma_wait3A_243] : memref<4000x2x80xi32, #tpu.memory_space<hbm>> -> memref<1x2x80xi32, #tpu.memory_space<hbm>>
    %dma_wait3A_245 = tpu.memref_squeeze %dma_wait3A_244 : memref<1x2x80xi32, #tpu.memory_space<hbm>> -> memref<2x80xi32, #tpu.memory_space<hbm>>
    tpu.wait_dma2 semaphore(%arg31 : memref<!tpu.dma_semaphore, #tpu.memory_space<semaphore_mem>>) src(%dma_wait3A_245 : memref<2x80xi32, #tpu.memory_space<hbm>>) dst(%arg8 : memref<2x80xi32, #tpu.memory_space<vmem>>)
    %dma_start3A_246 = arith.constant 0 : i32
    %dma_start3A_247 = arith.constant 0 : i32
    %dma_start3A_248 = tpu.memref_slice %arg8[%dma_start3A_246, %dma_start3A_247] : memref<2x80xi32, #tpu.memory_space<vmem>> -> memref<1x80xi32, #tpu.memory_space<vmem>>
    %dma_start3A_249 = tpu.memref_squeeze %dma_start3A_248 : memref<1x80xi32, #tpu.memory_space<vmem>> -> memref<80xi32, #tpu.memory_space<vmem>>
    %dma_start3A_250 = arith.constant 0 : i32
    %dma_start3A_251 = arith.constant 0 : i32
    %dma_start3A_252 = tpu.memref_slice %arg2[%dma_start3A_250, %dma_start3A_251] : memref<10000x128xf32, #tpu.memory_space<hbm>> -> memref<10000x128xf32, #tpu.memory_space<hbm>>
    tpu.enqueue_indirect_dma source(%dma_start3A_252 : memref<10000x128xf32, #tpu.memory_space<hbm>>) target(%arg16 : memref<80x128xf32, #tpu.memory_space<vmem>>) offsets(%dma_start3A_249 : memref<80xi32, #tpu.memory_space<vmem>>) semaphore(%arg23 : memref<!tpu.dma_semaphore, #tpu.memory_space<semaphore_mem>>)
    %barrier3A = arith.constant 0 : index
    tpu.barrier barrier_id(%barrier3A)
    %dma_start3A_253 = arith.constant 1 : i32
    %dma_start3A_254 = arith.constant 0 : i32
    %dma_start3A_255 = tpu.memref_slice %arg6[%dma_start3A_253, %dma_start3A_254] : memref<2x80xi32, #tpu.memory_space<vmem>> -> memref<1x80xi32, #tpu.memory_space<vmem>>
    %dma_start3A_256 = tpu.memref_squeeze %dma_start3A_255 : memref<1x80xi32, #tpu.memory_space<vmem>> -> memref<80xi32, #tpu.memory_space<vmem>>
    %dma_start3A_257 = arith.constant 0 : i32
    %dma_start3A_258 = arith.constant 0 : i32
    %dma_start3A_259 = tpu.memref_slice %arg19[%dma_start3A_257, %dma_start3A_258] : memref<10000x128xf32, #tpu.memory_space<vmem_shared>> -> memref<10000x128xf32, #tpu.memory_space<vmem_shared>>
    tpu.enqueue_indirect_dma source(%arg17 : memref<80x128xf32, #tpu.memory_space<vmem>>) target(%dma_start3A_259 : memref<10000x128xf32, #tpu.memory_space<vmem_shared>>) offsets(%dma_start3A_256 : memref<80xi32, #tpu.memory_space<vmem>>) semaphore(%arg28 : memref<!tpu.dma_semaphore, #tpu.memory_space<semaphore_mem>>) {add = true}
    %scan3A_260 = arith.constant 0 : i32
    %scan3A_261 = arith.constant 15 : i32
    %scan3A_262 = arith.addi %scan3A_260, %scan3A_261 : i32
    %scan3A_263 = arith.constant 1 : i32
    scf.for %scan3A_421 = %scan3A_260 to %scan3A_262 step %scan3A_263  : i32 {
      %mul3A_422 = arith.constant 8 : i32
      %mul3A_423 = arith.muli %scan3A_421, %mul3A_422 : i32
      %add3A_424 = arith.constant 0 : i32
      %add3A_425 = arith.addi %add3A_424, %mul3A_423 : i32
      %add3A_426 = arith.constant 0 : i32
      %add3A_427 = arith.addi %add3A_425, %add3A_426 : i32
      %dma_wait3A_428 = arith.constant 0 : i32
      %dma_wait3A_429 = arith.constant 0 : i32
      %dma_wait3A_430 = tpu.memref_slice %arg6[%dma_wait3A_428, %dma_wait3A_429] : memref<2x80xi32, #tpu.memory_space<vmem>> -> memref<1x80xi32, #tpu.memory_space<vmem>>
      %dma_wait3A_431 = tpu.memref_squeeze %dma_wait3A_430 : memref<1x80xi32, #tpu.memory_space<vmem>> -> memref<80xi32, #tpu.memory_space<vmem>>
      %dma_wait3A_432 = arith.constant 0 : i32
      %dma_wait3A_433 = arith.constant 0 : i32
      %dma_wait3A_434 = tpu.memref_slice %arg2[%dma_wait3A_432, %dma_wait3A_433] : memref<10000x128xf32, #tpu.memory_space<hbm>> -> memref<10000x128xf32, #tpu.memory_space<hbm>>
      tpu.wait_indirect_dma semaphore(%arg21 : memref<!tpu.dma_semaphore, #tpu.memory_space<semaphore_mem>>) src(%dma_wait3A_434 : memref<10000x128xf32, #tpu.memory_space<hbm>>) dst(%arg14 : memref<80x128xf32, #tpu.memory_space<vmem>>)
      %dma_start3A_435 = arith.constant 1 : i32
      %dma_start3A_436 = arith.constant 0 : i32
      %dma_start3A_437 = tpu.memref_slice %arg6[%dma_start3A_435, %dma_start3A_436] : memref<2x80xi32, #tpu.memory_space<vmem>> -> memref<1x80xi32, #tpu.memory_space<vmem>>
      %dma_start3A_438 = tpu.memref_squeeze %dma_start3A_437 : memref<1x80xi32, #tpu.memory_space<vmem>> -> memref<80xi32, #tpu.memory_space<vmem>>
      %dma_start3A_439 = arith.constant 0 : i32
      %dma_start3A_440 = arith.constant 0 : i32
      %dma_start3A_441 = tpu.memref_slice %arg19[%dma_start3A_439, %dma_start3A_440] : memref<10000x128xf32, #tpu.memory_space<vmem_shared>> -> memref<10000x128xf32, #tpu.memory_space<vmem_shared>>
      tpu.enqueue_indirect_dma source(%arg14 : memref<80x128xf32, #tpu.memory_space<vmem>>) target(%dma_start3A_441 : memref<10000x128xf32, #tpu.memory_space<vmem_shared>>) offsets(%dma_start3A_438 : memref<80xi32, #tpu.memory_space<vmem>>) semaphore(%arg25 : memref<!tpu.dma_semaphore, #tpu.memory_space<semaphore_mem>>) {add = true}
      %add3A_442 = arith.constant 3 : i32
      %add3A_443 = arith.addi %add3A_427, %add3A_442 : i32
      %add3A_444 = arith.addi %mul3A_2, %add3A_443 : i32
      %dma_wait3A_445 = arith.constant 0 : i32
      %dma_wait3A_446 = arith.constant 0 : i32
      %dma_wait3A_447 = tpu.memref_slice %arg3[%add3A_444, %dma_wait3A_445, %dma_wait3A_446] : memref<4000x2x80xi32, #tpu.memory_space<hbm>> -> memref<1x2x80xi32, #tpu.memory_space<hbm>>
      %dma_wait3A_448 = tpu.memref_squeeze %dma_wait3A_447 : memref<1x2x80xi32, #tpu.memory_space<hbm>> -> memref<2x80xi32, #tpu.memory_space<hbm>>
      %dma_wait3A_449 = arith.constant 0 : i32
      %dma_wait3A_450 = arith.constant 0 : i32
      %dma_wait3A_451 = tpu.memref_slice %arg3[%add3A_444, %dma_wait3A_449, %dma_wait3A_450] : memref<4000x2x80xi32, #tpu.memory_space<hbm>> -> memref<1x2x80xi32, #tpu.memory_space<hbm>>
      %dma_wait3A_452 = tpu.memref_squeeze %dma_wait3A_451 : memref<1x2x80xi32, #tpu.memory_space<hbm>> -> memref<2x80xi32, #tpu.memory_space<hbm>>
      tpu.wait_dma2 semaphore(%arg32 : memref<!tpu.dma_semaphore, #tpu.memory_space<semaphore_mem>>) src(%dma_wait3A_452 : memref<2x80xi32, #tpu.memory_space<hbm>>) dst(%arg9 : memref<2x80xi32, #tpu.memory_space<vmem>>)
      %dma_wait3A_453 = arith.constant 1 : i32
      %dma_wait3A_454 = arith.constant 0 : i32
      %dma_wait3A_455 = tpu.memref_slice %arg9[%dma_wait3A_453, %dma_wait3A_454] : memref<2x80xi32, #tpu.memory_space<vmem>> -> memref<1x80xi32, #tpu.memory_space<vmem>>
      %dma_wait3A_456 = tpu.memref_squeeze %dma_wait3A_455 : memref<1x80xi32, #tpu.memory_space<vmem>> -> memref<80xi32, #tpu.memory_space<vmem>>
      %dma_wait3A_457 = arith.constant 0 : i32
      %dma_wait3A_458 = arith.constant 0 : i32
      %dma_wait3A_459 = tpu.memref_slice %arg19[%dma_wait3A_457, %dma_wait3A_458] : memref<10000x128xf32, #tpu.memory_space<vmem_shared>> -> memref<10000x128xf32, #tpu.memory_space<vmem_shared>>
      tpu.wait_indirect_dma semaphore(%arg28 : memref<!tpu.dma_semaphore, #tpu.memory_space<semaphore_mem>>) src(%arg17 : memref<80x128xf32, #tpu.memory_space<vmem>>) dst(%dma_wait3A_459 : memref<10000x128xf32, #tpu.memory_space<vmem_shared>>)
      %dma_start3A_460 = arith.constant 0 : i32
      %dma_start3A_461 = arith.constant 0 : i32
      %dma_start3A_462 = tpu.memref_slice %arg9[%dma_start3A_460, %dma_start3A_461] : memref<2x80xi32, #tpu.memory_space<vmem>> -> memref<1x80xi32, #tpu.memory_space<vmem>>
      %dma_start3A_463 = tpu.memref_squeeze %dma_start3A_462 : memref<1x80xi32, #tpu.memory_space<vmem>> -> memref<80xi32, #tpu.memory_space<vmem>>
      %dma_start3A_464 = arith.constant 0 : i32
      %dma_start3A_465 = arith.constant 0 : i32
      %dma_start3A_466 = tpu.memref_slice %arg2[%dma_start3A_464, %dma_start3A_465] : memref<10000x128xf32, #tpu.memory_space<hbm>> -> memref<10000x128xf32, #tpu.memory_space<hbm>>
      tpu.enqueue_indirect_dma source(%dma_start3A_466 : memref<10000x128xf32, #tpu.memory_space<hbm>>) target(%arg17 : memref<80x128xf32, #tpu.memory_space<vmem>>) offsets(%dma_start3A_463 : memref<80xi32, #tpu.memory_space<vmem>>) semaphore(%arg24 : memref<!tpu.dma_semaphore, #tpu.memory_space<semaphore_mem>>)
      %add3A_467 = arith.constant 5 : i32
      %add3A_468 = arith.addi %add3A_427, %add3A_467 : i32
      %add3A_469 = arith.addi %mul3A_2, %add3A_468 : i32
      %dma_start3A_470 = arith.constant 0 : i32
      %dma_start3A_471 = arith.constant 0 : i32
      %dma_start3A_472 = tpu.memref_slice %arg3[%add3A_469, %dma_start3A_470, %dma_start3A_471] : memref<4000x2x80xi32, #tpu.memory_space<hbm>> -> memref<1x2x80xi32, #tpu.memory_space<hbm>>
      %dma_start3A_473 = tpu.memref_squeeze %dma_start3A_472 : memref<1x2x80xi32, #tpu.memory_space<hbm>> -> memref<2x80xi32, #tpu.memory_space<hbm>>
      %dma_start3A_474 = arith.constant 0 : i32
      %dma_start3A_475 = arith.constant 0 : i32
      %dma_start3A_476 = tpu.memref_slice %arg3[%add3A_469, %dma_start3A_474, %dma_start3A_475] : memref<4000x2x80xi32, #tpu.memory_space<hbm>> -> memref<1x2x80xi32, #tpu.memory_space<hbm>>
      %dma_start3A_477 = tpu.memref_squeeze %dma_start3A_476 : memref<1x2x80xi32, #tpu.memory_space<hbm>> -> memref<2x80xi32, #tpu.memory_space<hbm>>
      tpu.enqueue_dma source(%dma_start3A_477 : memref<2x80xi32, #tpu.memory_space<hbm>>) target(%arg11 : memref<2x80xi32, #tpu.memory_space<vmem>>) target_semaphore(%arg34 : memref<!tpu.dma_semaphore, #tpu.memory_space<semaphore_mem>>)
      %add3A_478 = arith.constant 1 : i32
      %add3A_479 = arith.addi %add3A_425, %add3A_478 : i32
      %dma_wait3A_480 = arith.constant 0 : i32
      %dma_wait3A_481 = arith.constant 0 : i32
      %dma_wait3A_482 = tpu.memref_slice %arg7[%dma_wait3A_480, %dma_wait3A_481] : memref<2x80xi32, #tpu.memory_space<vmem>> -> memref<1x80xi32, #tpu.memory_space<vmem>>
      %dma_wait3A_483 = tpu.memref_squeeze %dma_wait3A_482 : memref<1x80xi32, #tpu.memory_space<vmem>> -> memref<80xi32, #tpu.memory_space<vmem>>
      %dma_wait3A_484 = arith.constant 0 : i32
      %dma_wait3A_485 = arith.constant 0 : i32
      %dma_wait3A_486 = tpu.memref_slice %arg2[%dma_wait3A_484, %dma_wait3A_485] : memref<10000x128xf32, #tpu.memory_space<hbm>> -> memref<10000x128xf32, #tpu.memory_space<hbm>>
      tpu.wait_indirect_dma semaphore(%arg22 : memref<!tpu.dma_semaphore, #tpu.memory_space<semaphore_mem>>) src(%dma_wait3A_486 : memref<10000x128xf32, #tpu.memory_space<hbm>>) dst(%arg15 : memref<80x128xf32, #tpu.memory_space<vmem>>)
      %dma_start3A_487 = arith.constant 1 : i32
      %dma_start3A_488 = arith.constant 0 : i32
      %dma_start3A_489 = tpu.memref_slice %arg7[%dma_start3A_487, %dma_start3A_488] : memref<2x80xi32, #tpu.memory_space<vmem>> -> memref<1x80xi32, #tpu.memory_space<vmem>>
      %dma_start3A_490 = tpu.memref_squeeze %dma_start3A_489 : memref<1x80xi32, #tpu.memory_space<vmem>> -> memref<80xi32, #tpu.memory_space<vmem>>
      %dma_start3A_491 = arith.constant 0 : i32
      %dma_start3A_492 = arith.constant 0 : i32
      %dma_start3A_493 = tpu.memref_slice %arg19[%dma_start3A_491, %dma_start3A_492] : memref<10000x128xf32, #tpu.memory_space<vmem_shared>> -> memref<10000x128xf32, #tpu.memory_space<vmem_shared>>
      tpu.enqueue_indirect_dma source(%arg15 : memref<80x128xf32, #tpu.memory_space<vmem>>) target(%dma_start3A_493 : memref<10000x128xf32, #tpu.memory_space<vmem_shared>>) offsets(%dma_start3A_490 : memref<80xi32, #tpu.memory_space<vmem>>) semaphore(%arg26 : memref<!tpu.dma_semaphore, #tpu.memory_space<semaphore_mem>>) {add = true}
      %add3A_494 = arith.constant 3 : i32
      %add3A_495 = arith.addi %add3A_479, %add3A_494 : i32
      %add3A_496 = arith.addi %mul3A_2, %add3A_495 : i32
      %dma_wait3A_497 = arith.constant 0 : i32
      %dma_wait3A_498 = arith.constant 0 : i32
      %dma_wait3A_499 = tpu.memref_slice %arg3[%add3A_496, %dma_wait3A_497, %dma_wait3A_498] : memref<4000x2x80xi32, #tpu.memory_space<hbm>> -> memref<1x2x80xi32, #tpu.memory_space<hbm>>
      %dma_wait3A_500 = tpu.memref_squeeze %dma_wait3A_499 : memref<1x2x80xi32, #tpu.memory_space<hbm>> -> memref<2x80xi32, #tpu.memory_space<hbm>>
      %dma_wait3A_501 = arith.constant 0 : i32
      %dma_wait3A_502 = arith.constant 0 : i32
      %dma_wait3A_503 = tpu.memref_slice %arg3[%add3A_496, %dma_wait3A_501, %dma_wait3A_502] : memref<4000x2x80xi32, #tpu.memory_space<hbm>> -> memref<1x2x80xi32, #tpu.memory_space<hbm>>
      %dma_wait3A_504 = tpu.memref_squeeze %dma_wait3A_503 : memref<1x2x80xi32, #tpu.memory_space<hbm>> -> memref<2x80xi32, #tpu.memory_space<hbm>>
      tpu.wait_dma2 semaphore(%arg33 : memref<!tpu.dma_semaphore, #tpu.memory_space<semaphore_mem>>) src(%dma_wait3A_504 : memref<2x80xi32, #tpu.memory_space<hbm>>) dst(%arg10 : memref<2x80xi32, #tpu.memory_space<vmem>>)
      %dma_wait3A_505 = arith.constant 1 : i32
      %dma_wait3A_506 = arith.constant 0 : i32
      %dma_wait3A_507 = tpu.memref_slice %arg10[%dma_wait3A_505, %dma_wait3A_506] : memref<2x80xi32, #tpu.memory_space<vmem>> -> memref<1x80xi32, #tpu.memory_space<vmem>>
      %dma_wait3A_508 = tpu.memref_squeeze %dma_wait3A_507 : memref<1x80xi32, #tpu.memory_space<vmem>> -> memref<80xi32, #tpu.memory_space<vmem>>
      %dma_wait3A_509 = arith.constant 0 : i32
      %dma_wait3A_510 = arith.constant 0 : i32
      %dma_wait3A_511 = tpu.memref_slice %arg19[%dma_wait3A_509, %dma_wait3A_510] : memref<10000x128xf32, #tpu.memory_space<vmem_shared>> -> memref<10000x128xf32, #tpu.memory_space<vmem_shared>>
      tpu.wait_indirect_dma semaphore(%arg25 : memref<!tpu.dma_semaphore, #tpu.memory_space<semaphore_mem>>) src(%arg14 : memref<80x128xf32, #tpu.memory_space<vmem>>) dst(%dma_wait3A_511 : memref<10000x128xf32, #tpu.memory_space<vmem_shared>>)
      %dma_start3A_512 = arith.constant 0 : i32
      %dma_start3A_513 = arith.constant 0 : i32
      %dma_start3A_514 = tpu.memref_slice %arg10[%dma_start3A_512, %dma_start3A_513] : memref<2x80xi32, #tpu.memory_space<vmem>> -> memref<1x80xi32, #tpu.memory_space<vmem>>
      %dma_start3A_515 = tpu.memref_squeeze %dma_start3A_514 : memref<1x80xi32, #tpu.memory_space<vmem>> -> memref<80xi32, #tpu.memory_space<vmem>>
      %dma_start3A_516 = arith.constant 0 : i32
      %dma_start3A_517 = arith.constant 0 : i32
      %dma_start3A_518 = tpu.memref_slice %arg2[%dma_start3A_516, %dma_start3A_517] : memref<10000x128xf32, #tpu.memory_space<hbm>> -> memref<10000x128xf32, #tpu.memory_space<hbm>>
      tpu.enqueue_indirect_dma source(%dma_start3A_518 : memref<10000x128xf32, #tpu.memory_space<hbm>>) target(%arg14 : memref<80x128xf32, #tpu.memory_space<vmem>>) offsets(%dma_start3A_515 : memref<80xi32, #tpu.memory_space<vmem>>) semaphore(%arg21 : memref<!tpu.dma_semaphore, #tpu.memory_space<semaphore_mem>>)
      %add3A_519 = arith.constant 5 : i32
      %add3A_520 = arith.addi %add3A_479, %add3A_519 : i32
      %add3A_521 = arith.addi %mul3A_2, %add3A_520 : i32
      %dma_start3A_522 = arith.constant 0 : i32
      %dma_start3A_523 = arith.constant 0 : i32
      %dma_start3A_524 = tpu.memref_slice %arg3[%add3A_521, %dma_start3A_522, %dma_start3A_523] : memref<4000x2x80xi32, #tpu.memory_space<hbm>> -> memref<1x2x80xi32, #tpu.memory_space<hbm>>
      %dma_start3A_525 = tpu.memref_squeeze %dma_start3A_524 : memref<1x2x80xi32, #tpu.memory_space<hbm>> -> memref<2x80xi32, #tpu.memory_space<hbm>>
      %dma_start3A_526 = arith.constant 0 : i32
      %dma_start3A_527 = arith.constant 0 : i32
      %dma_start3A_528 = tpu.memref_slice %arg3[%add3A_521, %dma_start3A_526, %dma_start3A_527] : memref<4000x2x80xi32, #tpu.memory_space<hbm>> -> memref<1x2x80xi32, #tpu.memory_space<hbm>>
      %dma_start3A_529 = tpu.memref_squeeze %dma_start3A_528 : memref<1x2x80xi32, #tpu.memory_space<hbm>> -> memref<2x80xi32, #tpu.memory_space<hbm>>
      tpu.enqueue_dma source(%dma_start3A_529 : memref<2x80xi32, #tpu.memory_space<hbm>>) target(%arg12 : memref<2x80xi32, #tpu.memory_space<vmem>>) target_semaphore(%arg35 : memref<!tpu.dma_semaphore, #tpu.memory_space<semaphore_mem>>)
      %add3A_530 = arith.constant 2 : i32
      %add3A_531 = arith.addi %add3A_425, %add3A_530 : i32
      %dma_wait3A_532 = arith.constant 0 : i32
      %dma_wait3A_533 = arith.constant 0 : i32
      %dma_wait3A_534 = tpu.memref_slice %arg8[%dma_wait3A_532, %dma_wait3A_533] : memref<2x80xi32, #tpu.memory_space<vmem>> -> memref<1x80xi32, #tpu.memory_space<vmem>>
      %dma_wait3A_535 = tpu.memref_squeeze %dma_wait3A_534 : memref<1x80xi32, #tpu.memory_space<vmem>> -> memref<80xi32, #tpu.memory_space<vmem>>
      %dma_wait3A_536 = arith.constant 0 : i32
      %dma_wait3A_537 = arith.constant 0 : i32
      %dma_wait3A_538 = tpu.memref_slice %arg2[%dma_wait3A_536, %dma_wait3A_537] : memref<10000x128xf32, #tpu.memory_space<hbm>> -> memref<10000x128xf32, #tpu.memory_space<hbm>>
      tpu.wait_indirect_dma semaphore(%arg23 : memref<!tpu.dma_semaphore, #tpu.memory_space<semaphore_mem>>) src(%dma_wait3A_538 : memref<10000x128xf32, #tpu.memory_space<hbm>>) dst(%arg16 : memref<80x128xf32, #tpu.memory_space<vmem>>)
      %dma_start3A_539 = arith.constant 1 : i32
      %dma_start3A_540 = arith.constant 0 : i32
      %dma_start3A_541 = tpu.memref_slice %arg8[%dma_start3A_539, %dma_start3A_540] : memref<2x80xi32, #tpu.memory_space<vmem>> -> memref<1x80xi32, #tpu.memory_space<vmem>>
      %dma_start3A_542 = tpu.memref_squeeze %dma_start3A_541 : memref<1x80xi32, #tpu.memory_space<vmem>> -> memref<80xi32, #tpu.memory_space<vmem>>
      %dma_start3A_543 = arith.constant 0 : i32
      %dma_start3A_544 = arith.constant 0 : i32
      %dma_start3A_545 = tpu.memref_slice %arg19[%dma_start3A_543, %dma_start3A_544] : memref<10000x128xf32, #tpu.memory_space<vmem_shared>> -> memref<10000x128xf32, #tpu.memory_space<vmem_shared>>
      tpu.enqueue_indirect_dma source(%arg16 : memref<80x128xf32, #tpu.memory_space<vmem>>) target(%dma_start3A_545 : memref<10000x128xf32, #tpu.memory_space<vmem_shared>>) offsets(%dma_start3A_542 : memref<80xi32, #tpu.memory_space<vmem>>) semaphore(%arg27 : memref<!tpu.dma_semaphore, #tpu.memory_space<semaphore_mem>>) {add = true}
      %add3A_546 = arith.constant 3 : i32
      %add3A_547 = arith.addi %add3A_531, %add3A_546 : i32
      %add3A_548 = arith.addi %mul3A_2, %add3A_547 : i32
      %dma_wait3A_549 = arith.constant 0 : i32
      %dma_wait3A_550 = arith.constant 0 : i32
      %dma_wait3A_551 = tpu.memref_slice %arg3[%add3A_548, %dma_wait3A_549, %dma_wait3A_550] : memref<4000x2x80xi32, #tpu.memory_space<hbm>> -> memref<1x2x80xi32, #tpu.memory_space<hbm>>
      %dma_wait3A_552 = tpu.memref_squeeze %dma_wait3A_551 : memref<1x2x80xi32, #tpu.memory_space<hbm>> -> memref<2x80xi32, #tpu.memory_space<hbm>>
      %dma_wait3A_553 = arith.constant 0 : i32
      %dma_wait3A_554 = arith.constant 0 : i32
      %dma_wait3A_555 = tpu.memref_slice %arg3[%add3A_548, %dma_wait3A_553, %dma_wait3A_554] : memref<4000x2x80xi32, #tpu.memory_space<hbm>> -> memref<1x2x80xi32, #tpu.memory_space<hbm>>
      %dma_wait3A_556 = tpu.memref_squeeze %dma_wait3A_555 : memref<1x2x80xi32, #tpu.memory_space<hbm>> -> memref<2x80xi32, #tpu.memory_space<hbm>>
      tpu.wait_dma2 semaphore(%arg34 : memref<!tpu.dma_semaphore, #tpu.memory_space<semaphore_mem>>) src(%dma_wait3A_556 : memref<2x80xi32, #tpu.memory_space<hbm>>) dst(%arg11 : memref<2x80xi32, #tpu.memory_space<vmem>>)
      %dma_wait3A_557 = arith.constant 1 : i32
      %dma_wait3A_558 = arith.constant 0 : i32
      %dma_wait3A_559 = tpu.memref_slice %arg11[%dma_wait3A_557, %dma_wait3A_558] : memref<2x80xi32, #tpu.memory_space<vmem>> -> memref<1x80xi32, #tpu.memory_space<vmem>>
      %dma_wait3A_560 = tpu.memref_squeeze %dma_wait3A_559 : memref<1x80xi32, #tpu.memory_space<vmem>> -> memref<80xi32, #tpu.memory_space<vmem>>
      %dma_wait3A_561 = arith.constant 0 : i32
      %dma_wait3A_562 = arith.constant 0 : i32
      %dma_wait3A_563 = tpu.memref_slice %arg19[%dma_wait3A_561, %dma_wait3A_562] : memref<10000x128xf32, #tpu.memory_space<vmem_shared>> -> memref<10000x128xf32, #tpu.memory_space<vmem_shared>>
      tpu.wait_indirect_dma semaphore(%arg26 : memref<!tpu.dma_semaphore, #tpu.memory_space<semaphore_mem>>) src(%arg15 : memref<80x128xf32, #tpu.memory_space<vmem>>) dst(%dma_wait3A_563 : memref<10000x128xf32, #tpu.memory_space<vmem_shared>>)
      %dma_start3A_564 = arith.constant 0 : i32
      %dma_start3A_565 = arith.constant 0 : i32
      %dma_start3A_566 = tpu.memref_slice %arg11[%dma_start3A_564, %dma_start3A_565] : memref<2x80xi32, #tpu.memory_space<vmem>> -> memref<1x80xi32, #tpu.memory_space<vmem>>
      %dma_start3A_567 = tpu.memref_squeeze %dma_start3A_566 : memref<1x80xi32, #tpu.memory_space<vmem>> -> memref<80xi32, #tpu.memory_space<vmem>>
      %dma_start3A_568 = arith.constant 0 : i32
      %dma_start3A_569 = arith.constant 0 : i32
      %dma_start3A_570 = tpu.memref_slice %arg2[%dma_start3A_568, %dma_start3A_569] : memref<10000x128xf32, #tpu.memory_space<hbm>> -> memref<10000x128xf32, #tpu.memory_space<hbm>>
      tpu.enqueue_indirect_dma source(%dma_start3A_570 : memref<10000x128xf32, #tpu.memory_space<hbm>>) target(%arg15 : memref<80x128xf32, #tpu.memory_space<vmem>>) offsets(%dma_start3A_567 : memref<80xi32, #tpu.memory_space<vmem>>) semaphore(%arg22 : memref<!tpu.dma_semaphore, #tpu.memory_space<semaphore_mem>>)
      %add3A_571 = arith.constant 5 : i32
      %add3A_572 = arith.addi %add3A_531, %add3A_571 : i32
      %add3A_573 = arith.addi %mul3A_2, %add3A_572 : i32
      %dma_start3A_574 = arith.constant 0 : i32
      %dma_start3A_575 = arith.constant 0 : i32
      %dma_start3A_576 = tpu.memref_slice %arg3[%add3A_573, %dma_start3A_574, %dma_start3A_575] : memref<4000x2x80xi32, #tpu.memory_space<hbm>> -> memref<1x2x80xi32, #tpu.memory_space<hbm>>
      %dma_start3A_577 = tpu.memref_squeeze %dma_start3A_576 : memref<1x2x80xi32, #tpu.memory_space<hbm>> -> memref<2x80xi32, #tpu.memory_space<hbm>>
      %dma_start3A_578 = arith.constant 0 : i32
      %dma_start3A_579 = arith.constant 0 : i32
      %dma_start3A_580 = tpu.memref_slice %arg3[%add3A_573, %dma_start3A_578, %dma_start3A_579] : memref<4000x2x80xi32, #tpu.memory_space<hbm>> -> memref<1x2x80xi32, #tpu.memory_space<hbm>>
      %dma_start3A_581 = tpu.memref_squeeze %dma_start3A_580 : memref<1x2x80xi32, #tpu.memory_space<hbm>> -> memref<2x80xi32, #tpu.memory_space<hbm>>
      tpu.enqueue_dma source(%dma_start3A_581 : memref<2x80xi32, #tpu.memory_space<hbm>>) target(%arg13 : memref<2x80xi32, #tpu.memory_space<vmem>>) target_semaphore(%arg36 : memref<!tpu.dma_semaphore, #tpu.memory_space<semaphore_mem>>)
      %add3A_582 = arith.constant 3 : i32
      %add3A_583 = arith.addi %add3A_425, %add3A_582 : i32
      %dma_wait3A_584 = arith.constant 0 : i32
      %dma_wait3A_585 = arith.constant 0 : i32
      %dma_wait3A_586 = tpu.memref_slice %arg9[%dma_wait3A_584, %dma_wait3A_585] : memref<2x80xi32, #tpu.memory_space<vmem>> -> memref<1x80xi32, #tpu.memory_space<vmem>>
      %dma_wait3A_587 = tpu.memref_squeeze %dma_wait3A_586 : memref<1x80xi32, #tpu.memory_space<vmem>> -> memref<80xi32, #tpu.memory_space<vmem>>
      %dma_wait3A_588 = arith.constant 0 : i32
      %dma_wait3A_589 = arith.constant 0 : i32
      %dma_wait3A_590 = tpu.memref_slice %arg2[%dma_wait3A_588, %dma_wait3A_589] : memref<10000x128xf32, #tpu.memory_space<hbm>> -> memref<10000x128xf32, #tpu.memory_space<hbm>>
      tpu.wait_indirect_dma semaphore(%arg24 : memref<!tpu.dma_semaphore, #tpu.memory_space<semaphore_mem>>) src(%dma_wait3A_590 : memref<10000x128xf32, #tpu.memory_space<hbm>>) dst(%arg17 : memref<80x128xf32, #tpu.memory_space<vmem>>)
      %dma_start3A_591 = arith.constant 1 : i32
      %dma_start3A_592 = arith.constant 0 : i32
      %dma_start3A_593 = tpu.memref_slice %arg9[%dma_start3A_591, %dma_start3A_592] : memref<2x80xi32, #tpu.memory_space<vmem>> -> memref<1x80xi32, #tpu.memory_space<vmem>>
      %dma_start3A_594 = tpu.memref_squeeze %dma_start3A_593 : memref<1x80xi32, #tpu.memory_space<vmem>> -> memref<80xi32, #tpu.memory_space<vmem>>
      %dma_start3A_595 = arith.constant 0 : i32
      %dma_start3A_596 = arith.constant 0 : i32
      %dma_start3A_597 = tpu.memref_slice %arg19[%dma_start3A_595, %dma_start3A_596] : memref<10000x128xf32, #tpu.memory_space<vmem_shared>> -> memref<10000x128xf32, #tpu.memory_space<vmem_shared>>
      tpu.enqueue_indirect_dma source(%arg17 : memref<80x128xf32, #tpu.memory_space<vmem>>) target(%dma_start3A_597 : memref<10000x128xf32, #tpu.memory_space<vmem_shared>>) offsets(%dma_start3A_594 : memref<80xi32, #tpu.memory_space<vmem>>) semaphore(%arg28 : memref<!tpu.dma_semaphore, #tpu.memory_space<semaphore_mem>>) {add = true}
      %add3A_598 = arith.constant 3 : i32
      %add3A_599 = arith.addi %add3A_583, %add3A_598 : i32
      %add3A_600 = arith.addi %mul3A_2, %add3A_599 : i32
      %dma_wait3A_601 = arith.constant 0 : i32
      %dma_wait3A_602 = arith.constant 0 : i32
      %dma_wait3A_603 = tpu.memref_slice %arg3[%add3A_600, %dma_wait3A_601, %dma_wait3A_602] : memref<4000x2x80xi32, #tpu.memory_space<hbm>> -> memref<1x2x80xi32, #tpu.memory_space<hbm>>
      %dma_wait3A_604 = tpu.memref_squeeze %dma_wait3A_603 : memref<1x2x80xi32, #tpu.memory_space<hbm>> -> memref<2x80xi32, #tpu.memory_space<hbm>>
      %dma_wait3A_605 = arith.constant 0 : i32
      %dma_wait3A_606 = arith.constant 0 : i32
      %dma_wait3A_607 = tpu.memref_slice %arg3[%add3A_600, %dma_wait3A_605, %dma_wait3A_606] : memref<4000x2x80xi32, #tpu.memory_space<hbm>> -> memref<1x2x80xi32, #tpu.memory_space<hbm>>
      %dma_wait3A_608 = tpu.memref_squeeze %dma_wait3A_607 : memref<1x2x80xi32, #tpu.memory_space<hbm>> -> memref<2x80xi32, #tpu.memory_space<hbm>>
      tpu.wait_dma2 semaphore(%arg35 : memref<!tpu.dma_semaphore, #tpu.memory_space<semaphore_mem>>) src(%dma_wait3A_608 : memref<2x80xi32, #tpu.memory_space<hbm>>) dst(%arg12 : memref<2x80xi32, #tpu.memory_space<vmem>>)
      %dma_wait3A_609 = arith.constant 1 : i32
      %dma_wait3A_610 = arith.constant 0 : i32
      %dma_wait3A_611 = tpu.memref_slice %arg12[%dma_wait3A_609, %dma_wait3A_610] : memref<2x80xi32, #tpu.memory_space<vmem>> -> memref<1x80xi32, #tpu.memory_space<vmem>>
      %dma_wait3A_612 = tpu.memref_squeeze %dma_wait3A_611 : memref<1x80xi32, #tpu.memory_space<vmem>> -> memref<80xi32, #tpu.memory_space<vmem>>
      %dma_wait3A_613 = arith.constant 0 : i32
      %dma_wait3A_614 = arith.constant 0 : i32
      %dma_wait3A_615 = tpu.memref_slice %arg19[%dma_wait3A_613, %dma_wait3A_614] : memref<10000x128xf32, #tpu.memory_space<vmem_shared>> -> memref<10000x128xf32, #tpu.memory_space<vmem_shared>>
      tpu.wait_indirect_dma semaphore(%arg27 : memref<!tpu.dma_semaphore, #tpu.memory_space<semaphore_mem>>) src(%arg16 : memref<80x128xf32, #tpu.memory_space<vmem>>) dst(%dma_wait3A_615 : memref<10000x128xf32, #tpu.memory_space<vmem_shared>>)
      %dma_start3A_616 = arith.constant 0 : i32
      %dma_start3A_617 = arith.constant 0 : i32
      %dma_start3A_618 = tpu.memref_slice %arg12[%dma_start3A_616, %dma_start3A_617] : memref<2x80xi32, #tpu.memory_space<vmem>> -> memref<1x80xi32, #tpu.memory_space<vmem>>
      %dma_start3A_619 = tpu.memref_squeeze %dma_start3A_618 : memref<1x80xi32, #tpu.memory_space<vmem>> -> memref<80xi32, #tpu.memory_space<vmem>>
      %dma_start3A_620 = arith.constant 0 : i32
      %dma_start3A_621 = arith.constant 0 : i32
      %dma_start3A_622 = tpu.memref_slice %arg2[%dma_start3A_620, %dma_start3A_621] : memref<10000x128xf32, #tpu.memory_space<hbm>> -> memref<10000x128xf32, #tpu.memory_space<hbm>>
      tpu.enqueue_indirect_dma source(%dma_start3A_622 : memref<10000x128xf32, #tpu.memory_space<hbm>>) target(%arg16 : memref<80x128xf32, #tpu.memory_space<vmem>>) offsets(%dma_start3A_619 : memref<80xi32, #tpu.memory_space<vmem>>) semaphore(%arg23 : memref<!tpu.dma_semaphore, #tpu.memory_space<semaphore_mem>>)
      %add3A_623 = arith.constant 5 : i32
      %add3A_624 = arith.addi %add3A_583, %add3A_623 : i32
      %add3A_625 = arith.addi %mul3A_2, %add3A_624 : i32
      %dma_start3A_626 = arith.constant 0 : i32
      %dma_start3A_627 = arith.constant 0 : i32
      %dma_start3A_628 = tpu.memref_slice %arg3[%add3A_625, %dma_start3A_626, %dma_start3A_627] : memref<4000x2x80xi32, #tpu.memory_space<hbm>> -> memref<1x2x80xi32, #tpu.memory_space<hbm>>
      %dma_start3A_629 = tpu.memref_squeeze %dma_start3A_628 : memref<1x2x80xi32, #tpu.memory_space<hbm>> -> memref<2x80xi32, #tpu.memory_space<hbm>>
      %dma_start3A_630 = arith.constant 0 : i32
      %dma_start3A_631 = arith.constant 0 : i32
      %dma_start3A_632 = tpu.memref_slice %arg3[%add3A_625, %dma_start3A_630, %dma_start3A_631] : memref<4000x2x80xi32, #tpu.memory_space<hbm>> -> memref<1x2x80xi32, #tpu.memory_space<hbm>>
      %dma_start3A_633 = tpu.memref_squeeze %dma_start3A_632 : memref<1x2x80xi32, #tpu.memory_space<hbm>> -> memref<2x80xi32, #tpu.memory_space<hbm>>
      tpu.enqueue_dma source(%dma_start3A_633 : memref<2x80xi32, #tpu.memory_space<hbm>>) target(%arg6 : memref<2x80xi32, #tpu.memory_space<vmem>>) target_semaphore(%arg29 : memref<!tpu.dma_semaphore, #tpu.memory_space<semaphore_mem>>)
      %add3A_634 = arith.constant 4 : i32
      %add3A_635 = arith.addi %add3A_425, %add3A_634 : i32
      %dma_wait3A_636 = arith.constant 0 : i32
      %dma_wait3A_637 = arith.constant 0 : i32
      %dma_wait3A_638 = tpu.memref_slice %arg10[%dma_wait3A_636, %dma_wait3A_637] : memref<2x80xi32, #tpu.memory_space<vmem>> -> memref<1x80xi32, #tpu.memory_space<vmem>>
      %dma_wait3A_639 = tpu.memref_squeeze %dma_wait3A_638 : memref<1x80xi32, #tpu.memory_space<vmem>> -> memref<80xi32, #tpu.memory_space<vmem>>
      %dma_wait3A_640 = arith.constant 0 : i32
      %dma_wait3A_641 = arith.constant 0 : i32
      %dma_wait3A_642 = tpu.memref_slice %arg2[%dma_wait3A_640, %dma_wait3A_641] : memref<10000x128xf32, #tpu.memory_space<hbm>> -> memref<10000x128xf32, #tpu.memory_space<hbm>>
      tpu.wait_indirect_dma semaphore(%arg21 : memref<!tpu.dma_semaphore, #tpu.memory_space<semaphore_mem>>) src(%dma_wait3A_642 : memref<10000x128xf32, #tpu.memory_space<hbm>>) dst(%arg14 : memref<80x128xf32, #tpu.memory_space<vmem>>)
      %dma_start3A_643 = arith.constant 1 : i32
      %dma_start3A_644 = arith.constant 0 : i32
      %dma_start3A_645 = tpu.memref_slice %arg10[%dma_start3A_643, %dma_start3A_644] : memref<2x80xi32, #tpu.memory_space<vmem>> -> memref<1x80xi32, #tpu.memory_space<vmem>>
      %dma_start3A_646 = tpu.memref_squeeze %dma_start3A_645 : memref<1x80xi32, #tpu.memory_space<vmem>> -> memref<80xi32, #tpu.memory_space<vmem>>
      %dma_start3A_647 = arith.constant 0 : i32
      %dma_start3A_648 = arith.constant 0 : i32
      %dma_start3A_649 = tpu.memref_slice %arg19[%dma_start3A_647, %dma_start3A_648] : memref<10000x128xf32, #tpu.memory_space<vmem_shared>> -> memref<10000x128xf32, #tpu.memory_space<vmem_shared>>
      tpu.enqueue_indirect_dma source(%arg14 : memref<80x128xf32, #tpu.memory_space<vmem>>) target(%dma_start3A_649 : memref<10000x128xf32, #tpu.memory_space<vmem_shared>>) offsets(%dma_start3A_646 : memref<80xi32, #tpu.memory_space<vmem>>) semaphore(%arg25 : memref<!tpu.dma_semaphore, #tpu.memory_space<semaphore_mem>>) {add = true}
      %add3A_650 = arith.constant 3 : i32
      %add3A_651 = arith.addi %add3A_635, %add3A_650 : i32
      %add3A_652 = arith.addi %mul3A_2, %add3A_651 : i32
      %dma_wait3A_653 = arith.constant 0 : i32
      %dma_wait3A_654 = arith.constant 0 : i32
      %dma_wait3A_655 = tpu.memref_slice %arg3[%add3A_652, %dma_wait3A_653, %dma_wait3A_654] : memref<4000x2x80xi32, #tpu.memory_space<hbm>> -> memref<1x2x80xi32, #tpu.memory_space<hbm>>
      %dma_wait3A_656 = tpu.memref_squeeze %dma_wait3A_655 : memref<1x2x80xi32, #tpu.memory_space<hbm>> -> memref<2x80xi32, #tpu.memory_space<hbm>>
      %dma_wait3A_657 = arith.constant 0 : i32
      %dma_wait3A_658 = arith.constant 0 : i32
      %dma_wait3A_659 = tpu.memref_slice %arg3[%add3A_652, %dma_wait3A_657, %dma_wait3A_658] : memref<4000x2x80xi32, #tpu.memory_space<hbm>> -> memref<1x2x80xi32, #tpu.memory_space<hbm>>
      %dma_wait3A_660 = tpu.memref_squeeze %dma_wait3A_659 : memref<1x2x80xi32, #tpu.memory_space<hbm>> -> memref<2x80xi32, #tpu.memory_space<hbm>>
      tpu.wait_dma2 semaphore(%arg36 : memref<!tpu.dma_semaphore, #tpu.memory_space<semaphore_mem>>) src(%dma_wait3A_660 : memref<2x80xi32, #tpu.memory_space<hbm>>) dst(%arg13 : memref<2x80xi32, #tpu.memory_space<vmem>>)
      %dma_wait3A_661 = arith.constant 1 : i32
      %dma_wait3A_662 = arith.constant 0 : i32
      %dma_wait3A_663 = tpu.memref_slice %arg13[%dma_wait3A_661, %dma_wait3A_662] : memref<2x80xi32, #tpu.memory_space<vmem>> -> memref<1x80xi32, #tpu.memory_space<vmem>>
      %dma_wait3A_664 = tpu.memref_squeeze %dma_wait3A_663 : memref<1x80xi32, #tpu.memory_space<vmem>> -> memref<80xi32, #tpu.memory_space<vmem>>
      %dma_wait3A_665 = arith.constant 0 : i32
      %dma_wait3A_666 = arith.constant 0 : i32
      %dma_wait3A_667 = tpu.memref_slice %arg19[%dma_wait3A_665, %dma_wait3A_666] : memref<10000x128xf32, #tpu.memory_space<vmem_shared>> -> memref<10000x128xf32, #tpu.memory_space<vmem_shared>>
      tpu.wait_indirect_dma semaphore(%arg28 : memref<!tpu.dma_semaphore, #tpu.memory_space<semaphore_mem>>) src(%arg17 : memref<80x128xf32, #tpu.memory_space<vmem>>) dst(%dma_wait3A_667 : memref<10000x128xf32, #tpu.memory_space<vmem_shared>>)
      %dma_start3A_668 = arith.constant 0 : i32
      %dma_start3A_669 = arith.constant 0 : i32
      %dma_start3A_670 = tpu.memref_slice %arg13[%dma_start3A_668, %dma_start3A_669] : memref<2x80xi32, #tpu.memory_space<vmem>> -> memref<1x80xi32, #tpu.memory_space<vmem>>
      %dma_start3A_671 = tpu.memref_squeeze %dma_start3A_670 : memref<1x80xi32, #tpu.memory_space<vmem>> -> memref<80xi32, #tpu.memory_space<vmem>>
      %dma_start3A_672 = arith.constant 0 : i32
      %dma_start3A_673 = arith.constant 0 : i32
      %dma_start3A_674 = tpu.memref_slice %arg2[%dma_start3A_672, %dma_start3A_673] : memref<10000x128xf32, #tpu.memory_space<hbm>> -> memref<10000x128xf32, #tpu.memory_space<hbm>>
      tpu.enqueue_indirect_dma source(%dma_start3A_674 : memref<10000x128xf32, #tpu.memory_space<hbm>>) target(%arg17 : memref<80x128xf32, #tpu.memory_space<vmem>>) offsets(%dma_start3A_671 : memref<80xi32, #tpu.memory_space<vmem>>) semaphore(%arg24 : memref<!tpu.dma_semaphore, #tpu.memory_space<semaphore_mem>>)
      %add3A_675 = arith.constant 5 : i32
      %add3A_676 = arith.addi %add3A_635, %add3A_675 : i32
      %add3A_677 = arith.addi %mul3A_2, %add3A_676 : i32
      %dma_start3A_678 = arith.constant 0 : i32
      %dma_start3A_679 = arith.constant 0 : i32
      %dma_start3A_680 = tpu.memref_slice %arg3[%add3A_677, %dma_start3A_678, %dma_start3A_679] : memref<4000x2x80xi32, #tpu.memory_space<hbm>> -> memref<1x2x80xi32, #tpu.memory_space<hbm>>
      %dma_start3A_681 = tpu.memref_squeeze %dma_start3A_680 : memref<1x2x80xi32, #tpu.memory_space<hbm>> -> memref<2x80xi32, #tpu.memory_space<hbm>>
      %dma_start3A_682 = arith.constant 0 : i32
      %dma_start3A_683 = arith.constant 0 : i32
      %dma_start3A_684 = tpu.memref_slice %arg3[%add3A_677, %dma_start3A_682, %dma_start3A_683] : memref<4000x2x80xi32, #tpu.memory_space<hbm>> -> memref<1x2x80xi32, #tpu.memory_space<hbm>>
      %dma_start3A_685 = tpu.memref_squeeze %dma_start3A_684 : memref<1x2x80xi32, #tpu.memory_space<hbm>> -> memref<2x80xi32, #tpu.memory_space<hbm>>
      tpu.enqueue_dma source(%dma_start3A_685 : memref<2x80xi32, #tpu.memory_space<hbm>>) target(%arg7 : memref<2x80xi32, #tpu.memory_space<vmem>>) target_semaphore(%arg30 : memref<!tpu.dma_semaphore, #tpu.memory_space<semaphore_mem>>)
      %add3A_686 = arith.constant 5 : i32
      %add3A_687 = arith.addi %add3A_425, %add3A_686 : i32
      %dma_wait3A_688 = arith.constant 0 : i32
      %dma_wait3A_689 = arith.constant 0 : i32
      %dma_wait3A_690 = tpu.memref_slice %arg11[%dma_wait3A_688, %dma_wait3A_689] : memref<2x80xi32, #tpu.memory_space<vmem>> -> memref<1x80xi32, #tpu.memory_space<vmem>>
      %dma_wait3A_691 = tpu.memref_squeeze %dma_wait3A_690 : memref<1x80xi32, #tpu.memory_space<vmem>> -> memref<80xi32, #tpu.memory_space<vmem>>
      %dma_wait3A_692 = arith.constant 0 : i32
      %dma_wait3A_693 = arith.constant 0 : i32
      %dma_wait3A_694 = tpu.memref_slice %arg2[%dma_wait3A_692, %dma_wait3A_693] : memref<10000x128xf32, #tpu.memory_space<hbm>> -> memref<10000x128xf32, #tpu.memory_space<hbm>>
      tpu.wait_indirect_dma semaphore(%arg22 : memref<!tpu.dma_semaphore, #tpu.memory_space<semaphore_mem>>) src(%dma_wait3A_694 : memref<10000x128xf32, #tpu.memory_space<hbm>>) dst(%arg15 : memref<80x128xf32, #tpu.memory_space<vmem>>)
      %dma_start3A_695 = arith.constant 1 : i32
      %dma_start3A_696 = arith.constant 0 : i32
      %dma_start3A_697 = tpu.memref_slice %arg11[%dma_start3A_695, %dma_start3A_696] : memref<2x80xi32, #tpu.memory_space<vmem>> -> memref<1x80xi32, #tpu.memory_space<vmem>>
      %dma_start3A_698 = tpu.memref_squeeze %dma_start3A_697 : memref<1x80xi32, #tpu.memory_space<vmem>> -> memref<80xi32, #tpu.memory_space<vmem>>
      %dma_start3A_699 = arith.constant 0 : i32
      %dma_start3A_700 = arith.constant 0 : i32
      %dma_start3A_701 = tpu.memref_slice %arg19[%dma_start3A_699, %dma_start3A_700] : memref<10000x128xf32, #tpu.memory_space<vmem_shared>> -> memref<10000x128xf32, #tpu.memory_space<vmem_shared>>
      tpu.enqueue_indirect_dma source(%arg15 : memref<80x128xf32, #tpu.memory_space<vmem>>) target(%dma_start3A_701 : memref<10000x128xf32, #tpu.memory_space<vmem_shared>>) offsets(%dma_start3A_698 : memref<80xi32, #tpu.memory_space<vmem>>) semaphore(%arg26 : memref<!tpu.dma_semaphore, #tpu.memory_space<semaphore_mem>>) {add = true}
      %add3A_702 = arith.constant 3 : i32
      %add3A_703 = arith.addi %add3A_687, %add3A_702 : i32
      %add3A_704 = arith.addi %mul3A_2, %add3A_703 : i32
      %dma_wait3A_705 = arith.constant 0 : i32
      %dma_wait3A_706 = arith.constant 0 : i32
      %dma_wait3A_707 = tpu.memref_slice %arg3[%add3A_704, %dma_wait3A_705, %dma_wait3A_706] : memref<4000x2x80xi32, #tpu.memory_space<hbm>> -> memref<1x2x80xi32, #tpu.memory_space<hbm>>
      %dma_wait3A_708 = tpu.memref_squeeze %dma_wait3A_707 : memref<1x2x80xi32, #tpu.memory_space<hbm>> -> memref<2x80xi32, #tpu.memory_space<hbm>>
      %dma_wait3A_709 = arith.constant 0 : i32
      %dma_wait3A_710 = arith.constant 0 : i32
      %dma_wait3A_711 = tpu.memref_slice %arg3[%add3A_704, %dma_wait3A_709, %dma_wait3A_710] : memref<4000x2x80xi32, #tpu.memory_space<hbm>> -> memref<1x2x80xi32, #tpu.memory_space<hbm>>
      %dma_wait3A_712 = tpu.memref_squeeze %dma_wait3A_711 : memref<1x2x80xi32, #tpu.memory_space<hbm>> -> memref<2x80xi32, #tpu.memory_space<hbm>>
      tpu.wait_dma2 semaphore(%arg29 : memref<!tpu.dma_semaphore, #tpu.memory_space<semaphore_mem>>) src(%dma_wait3A_712 : memref<2x80xi32, #tpu.memory_space<hbm>>) dst(%arg6 : memref<2x80xi32, #tpu.memory_space<vmem>>)
      %dma_wait3A_713 = arith.constant 1 : i32
      %dma_wait3A_714 = arith.constant 0 : i32
      %dma_wait3A_715 = tpu.memref_slice %arg6[%dma_wait3A_713, %dma_wait3A_714] : memref<2x80xi32, #tpu.memory_space<vmem>> -> memref<1x80xi32, #tpu.memory_space<vmem>>
      %dma_wait3A_716 = tpu.memref_squeeze %dma_wait3A_715 : memref<1x80xi32, #tpu.memory_space<vmem>> -> memref<80xi32, #tpu.memory_space<vmem>>
      %dma_wait3A_717 = arith.constant 0 : i32
      %dma_wait3A_718 = arith.constant 0 : i32
      %dma_wait3A_719 = tpu.memref_slice %arg19[%dma_wait3A_717, %dma_wait3A_718] : memref<10000x128xf32, #tpu.memory_space<vmem_shared>> -> memref<10000x128xf32, #tpu.memory_space<vmem_shared>>
      tpu.wait_indirect_dma semaphore(%arg25 : memref<!tpu.dma_semaphore, #tpu.memory_space<semaphore_mem>>) src(%arg14 : memref<80x128xf32, #tpu.memory_space<vmem>>) dst(%dma_wait3A_719 : memref<10000x128xf32, #tpu.memory_space<vmem_shared>>)
      %dma_start3A_720 = arith.constant 0 : i32
      %dma_start3A_721 = arith.constant 0 : i32
      %dma_start3A_722 = tpu.memref_slice %arg6[%dma_start3A_720, %dma_start3A_721] : memref<2x80xi32, #tpu.memory_space<vmem>> -> memref<1x80xi32, #tpu.memory_space<vmem>>
      %dma_start3A_723 = tpu.memref_squeeze %dma_start3A_722 : memref<1x80xi32, #tpu.memory_space<vmem>> -> memref<80xi32, #tpu.memory_space<vmem>>
      %dma_start3A_724 = arith.constant 0 : i32
      %dma_start3A_725 = arith.constant 0 : i32
      %dma_start3A_726 = tpu.memref_slice %arg2[%dma_start3A_724, %dma_start3A_725] : memref<10000x128xf32, #tpu.memory_space<hbm>> -> memref<10000x128xf32, #tpu.memory_space<hbm>>
      tpu.enqueue_indirect_dma source(%dma_start3A_726 : memref<10000x128xf32, #tpu.memory_space<hbm>>) target(%arg14 : memref<80x128xf32, #tpu.memory_space<vmem>>) offsets(%dma_start3A_723 : memref<80xi32, #tpu.memory_space<vmem>>) semaphore(%arg21 : memref<!tpu.dma_semaphore, #tpu.memory_space<semaphore_mem>>)
      %add3A_727 = arith.constant 5 : i32
      %add3A_728 = arith.addi %add3A_687, %add3A_727 : i32
      %add3A_729 = arith.addi %mul3A_2, %add3A_728 : i32
      %dma_start3A_730 = arith.constant 0 : i32
      %dma_start3A_731 = arith.constant 0 : i32
      %dma_start3A_732 = tpu.memref_slice %arg3[%add3A_729, %dma_start3A_730, %dma_start3A_731] : memref<4000x2x80xi32, #tpu.memory_space<hbm>> -> memref<1x2x80xi32, #tpu.memory_space<hbm>>
      %dma_start3A_733 = tpu.memref_squeeze %dma_start3A_732 : memref<1x2x80xi32, #tpu.memory_space<hbm>> -> memref<2x80xi32, #tpu.memory_space<hbm>>
      %dma_start3A_734 = arith.constant 0 : i32
      %dma_start3A_735 = arith.constant 0 : i32
      %dma_start3A_736 = tpu.memref_slice %arg3[%add3A_729, %dma_start3A_734, %dma_start3A_735] : memref<4000x2x80xi32, #tpu.memory_space<hbm>> -> memref<1x2x80xi32, #tpu.memory_space<hbm>>
      %dma_start3A_737 = tpu.memref_squeeze %dma_start3A_736 : memref<1x2x80xi32, #tpu.memory_space<hbm>> -> memref<2x80xi32, #tpu.memory_space<hbm>>
      tpu.enqueue_dma source(%dma_start3A_737 : memref<2x80xi32, #tpu.memory_space<hbm>>) target(%arg8 : memref<2x80xi32, #tpu.memory_space<vmem>>) target_semaphore(%arg31 : memref<!tpu.dma_semaphore, #tpu.memory_space<semaphore_mem>>)
      %add3A_738 = arith.constant 6 : i32
      %add3A_739 = arith.addi %add3A_425, %add3A_738 : i32
      %dma_wait3A_740 = arith.constant 0 : i32
      %dma_wait3A_741 = arith.constant 0 : i32
      %dma_wait3A_742 = tpu.memref_slice %arg12[%dma_wait3A_740, %dma_wait3A_741] : memref<2x80xi32, #tpu.memory_space<vmem>> -> memref<1x80xi32, #tpu.memory_space<vmem>>
      %dma_wait3A_743 = tpu.memref_squeeze %dma_wait3A_742 : memref<1x80xi32, #tpu.memory_space<vmem>> -> memref<80xi32, #tpu.memory_space<vmem>>
      %dma_wait3A_744 = arith.constant 0 : i32
      %dma_wait3A_745 = arith.constant 0 : i32
      %dma_wait3A_746 = tpu.memref_slice %arg2[%dma_wait3A_744, %dma_wait3A_745] : memref<10000x128xf32, #tpu.memory_space<hbm>> -> memref<10000x128xf32, #tpu.memory_space<hbm>>
      tpu.wait_indirect_dma semaphore(%arg23 : memref<!tpu.dma_semaphore, #tpu.memory_space<semaphore_mem>>) src(%dma_wait3A_746 : memref<10000x128xf32, #tpu.memory_space<hbm>>) dst(%arg16 : memref<80x128xf32, #tpu.memory_space<vmem>>)
      %dma_start3A_747 = arith.constant 1 : i32
      %dma_start3A_748 = arith.constant 0 : i32
      %dma_start3A_749 = tpu.memref_slice %arg12[%dma_start3A_747, %dma_start3A_748] : memref<2x80xi32, #tpu.memory_space<vmem>> -> memref<1x80xi32, #tpu.memory_space<vmem>>
      %dma_start3A_750 = tpu.memref_squeeze %dma_start3A_749 : memref<1x80xi32, #tpu.memory_space<vmem>> -> memref<80xi32, #tpu.memory_space<vmem>>
      %dma_start3A_751 = arith.constant 0 : i32
      %dma_start3A_752 = arith.constant 0 : i32
      %dma_start3A_753 = tpu.memref_slice %arg19[%dma_start3A_751, %dma_start3A_752] : memref<10000x128xf32, #tpu.memory_space<vmem_shared>> -> memref<10000x128xf32, #tpu.memory_space<vmem_shared>>
      tpu.enqueue_indirect_dma source(%arg16 : memref<80x128xf32, #tpu.memory_space<vmem>>) target(%dma_start3A_753 : memref<10000x128xf32, #tpu.memory_space<vmem_shared>>) offsets(%dma_start3A_750 : memref<80xi32, #tpu.memory_space<vmem>>) semaphore(%arg27 : memref<!tpu.dma_semaphore, #tpu.memory_space<semaphore_mem>>) {add = true}
      %add3A_754 = arith.constant 3 : i32
      %add3A_755 = arith.addi %add3A_739, %add3A_754 : i32
      %add3A_756 = arith.addi %mul3A_2, %add3A_755 : i32
      %dma_wait3A_757 = arith.constant 0 : i32
      %dma_wait3A_758 = arith.constant 0 : i32
      %dma_wait3A_759 = tpu.memref_slice %arg3[%add3A_756, %dma_wait3A_757, %dma_wait3A_758] : memref<4000x2x80xi32, #tpu.memory_space<hbm>> -> memref<1x2x80xi32, #tpu.memory_space<hbm>>
      %dma_wait3A_760 = tpu.memref_squeeze %dma_wait3A_759 : memref<1x2x80xi32, #tpu.memory_space<hbm>> -> memref<2x80xi32, #tpu.memory_space<hbm>>
      %dma_wait3A_761 = arith.constant 0 : i32
      %dma_wait3A_762 = arith.constant 0 : i32
      %dma_wait3A_763 = tpu.memref_slice %arg3[%add3A_756, %dma_wait3A_761, %dma_wait3A_762] : memref<4000x2x80xi32, #tpu.memory_space<hbm>> -> memref<1x2x80xi32, #tpu.memory_space<hbm>>
      %dma_wait3A_764 = tpu.memref_squeeze %dma_wait3A_763 : memref<1x2x80xi32, #tpu.memory_space<hbm>> -> memref<2x80xi32, #tpu.memory_space<hbm>>
      tpu.wait_dma2 semaphore(%arg30 : memref<!tpu.dma_semaphore, #tpu.memory_space<semaphore_mem>>) src(%dma_wait3A_764 : memref<2x80xi32, #tpu.memory_space<hbm>>) dst(%arg7 : memref<2x80xi32, #tpu.memory_space<vmem>>)
      %dma_wait3A_765 = arith.constant 1 : i32
      %dma_wait3A_766 = arith.constant 0 : i32
      %dma_wait3A_767 = tpu.memref_slice %arg7[%dma_wait3A_765, %dma_wait3A_766] : memref<2x80xi32, #tpu.memory_space<vmem>> -> memref<1x80xi32, #tpu.memory_space<vmem>>
      %dma_wait3A_768 = tpu.memref_squeeze %dma_wait3A_767 : memref<1x80xi32, #tpu.memory_space<vmem>> -> memref<80xi32, #tpu.memory_space<vmem>>
      %dma_wait3A_769 = arith.constant 0 : i32
      %dma_wait3A_770 = arith.constant 0 : i32
      %dma_wait3A_771 = tpu.memref_slice %arg19[%dma_wait3A_769, %dma_wait3A_770] : memref<10000x128xf32, #tpu.memory_space<vmem_shared>> -> memref<10000x128xf32, #tpu.memory_space<vmem_shared>>
      tpu.wait_indirect_dma semaphore(%arg26 : memref<!tpu.dma_semaphore, #tpu.memory_space<semaphore_mem>>) src(%arg15 : memref<80x128xf32, #tpu.memory_space<vmem>>) dst(%dma_wait3A_771 : memref<10000x128xf32, #tpu.memory_space<vmem_shared>>)
      %dma_start3A_772 = arith.constant 0 : i32
      %dma_start3A_773 = arith.constant 0 : i32
      %dma_start3A_774 = tpu.memref_slice %arg7[%dma_start3A_772, %dma_start3A_773] : memref<2x80xi32, #tpu.memory_space<vmem>> -> memref<1x80xi32, #tpu.memory_space<vmem>>
      %dma_start3A_775 = tpu.memref_squeeze %dma_start3A_774 : memref<1x80xi32, #tpu.memory_space<vmem>> -> memref<80xi32, #tpu.memory_space<vmem>>
      %dma_start3A_776 = arith.constant 0 : i32
      %dma_start3A_777 = arith.constant 0 : i32
      %dma_start3A_778 = tpu.memref_slice %arg2[%dma_start3A_776, %dma_start3A_777] : memref<10000x128xf32, #tpu.memory_space<hbm>> -> memref<10000x128xf32, #tpu.memory_space<hbm>>
      tpu.enqueue_indirect_dma source(%dma_start3A_778 : memref<10000x128xf32, #tpu.memory_space<hbm>>) target(%arg15 : memref<80x128xf32, #tpu.memory_space<vmem>>) offsets(%dma_start3A_775 : memref<80xi32, #tpu.memory_space<vmem>>) semaphore(%arg22 : memref<!tpu.dma_semaphore, #tpu.memory_space<semaphore_mem>>)
      %add3A_779 = arith.constant 5 : i32
      %add3A_780 = arith.addi %add3A_739, %add3A_779 : i32
      %add3A_781 = arith.addi %mul3A_2, %add3A_780 : i32
      %dma_start3A_782 = arith.constant 0 : i32
      %dma_start3A_783 = arith.constant 0 : i32
      %dma_start3A_784 = tpu.memref_slice %arg3[%add3A_781, %dma_start3A_782, %dma_start3A_783] : memref<4000x2x80xi32, #tpu.memory_space<hbm>> -> memref<1x2x80xi32, #tpu.memory_space<hbm>>
      %dma_start3A_785 = tpu.memref_squeeze %dma_start3A_784 : memref<1x2x80xi32, #tpu.memory_space<hbm>> -> memref<2x80xi32, #tpu.memory_space<hbm>>
      %dma_start3A_786 = arith.constant 0 : i32
      %dma_start3A_787 = arith.constant 0 : i32
      %dma_start3A_788 = tpu.memref_slice %arg3[%add3A_781, %dma_start3A_786, %dma_start3A_787] : memref<4000x2x80xi32, #tpu.memory_space<hbm>> -> memref<1x2x80xi32, #tpu.memory_space<hbm>>
      %dma_start3A_789 = tpu.memref_squeeze %dma_start3A_788 : memref<1x2x80xi32, #tpu.memory_space<hbm>> -> memref<2x80xi32, #tpu.memory_space<hbm>>
      tpu.enqueue_dma source(%dma_start3A_789 : memref<2x80xi32, #tpu.memory_space<hbm>>) target(%arg9 : memref<2x80xi32, #tpu.memory_space<vmem>>) target_semaphore(%arg32 : memref<!tpu.dma_semaphore, #tpu.memory_space<semaphore_mem>>)
      %add3A_790 = arith.constant 7 : i32
      %add3A_791 = arith.addi %add3A_425, %add3A_790 : i32
      %dma_wait3A_792 = arith.constant 0 : i32
      %dma_wait3A_793 = arith.constant 0 : i32
      %dma_wait3A_794 = tpu.memref_slice %arg13[%dma_wait3A_792, %dma_wait3A_793] : memref<2x80xi32, #tpu.memory_space<vmem>> -> memref<1x80xi32, #tpu.memory_space<vmem>>
      %dma_wait3A_795 = tpu.memref_squeeze %dma_wait3A_794 : memref<1x80xi32, #tpu.memory_space<vmem>> -> memref<80xi32, #tpu.memory_space<vmem>>
      %dma_wait3A_796 = arith.constant 0 : i32
      %dma_wait3A_797 = arith.constant 0 : i32
      %dma_wait3A_798 = tpu.memref_slice %arg2[%dma_wait3A_796, %dma_wait3A_797] : memref<10000x128xf32, #tpu.memory_space<hbm>> -> memref<10000x128xf32, #tpu.memory_space<hbm>>
      tpu.wait_indirect_dma semaphore(%arg24 : memref<!tpu.dma_semaphore, #tpu.memory_space<semaphore_mem>>) src(%dma_wait3A_798 : memref<10000x128xf32, #tpu.memory_space<hbm>>) dst(%arg17 : memref<80x128xf32, #tpu.memory_space<vmem>>)
      %dma_start3A_799 = arith.constant 1 : i32
      %dma_start3A_800 = arith.constant 0 : i32
      %dma_start3A_801 = tpu.memref_slice %arg13[%dma_start3A_799, %dma_start3A_800] : memref<2x80xi32, #tpu.memory_space<vmem>> -> memref<1x80xi32, #tpu.memory_space<vmem>>
      %dma_start3A_802 = tpu.memref_squeeze %dma_start3A_801 : memref<1x80xi32, #tpu.memory_space<vmem>> -> memref<80xi32, #tpu.memory_space<vmem>>
      %dma_start3A_803 = arith.constant 0 : i32
      %dma_start3A_804 = arith.constant 0 : i32
      %dma_start3A_805 = tpu.memref_slice %arg19[%dma_start3A_803, %dma_start3A_804] : memref<10000x128xf32, #tpu.memory_space<vmem_shared>> -> memref<10000x128xf32, #tpu.memory_space<vmem_shared>>
      tpu.enqueue_indirect_dma source(%arg17 : memref<80x128xf32, #tpu.memory_space<vmem>>) target(%dma_start3A_805 : memref<10000x128xf32, #tpu.memory_space<vmem_shared>>) offsets(%dma_start3A_802 : memref<80xi32, #tpu.memory_space<vmem>>) semaphore(%arg28 : memref<!tpu.dma_semaphore, #tpu.memory_space<semaphore_mem>>) {add = true}
      %add3A_806 = arith.constant 3 : i32
      %add3A_807 = arith.addi %add3A_791, %add3A_806 : i32
      %add3A_808 = arith.addi %mul3A_2, %add3A_807 : i32
      %dma_wait3A_809 = arith.constant 0 : i32
      %dma_wait3A_810 = arith.constant 0 : i32
      %dma_wait3A_811 = tpu.memref_slice %arg3[%add3A_808, %dma_wait3A_809, %dma_wait3A_810] : memref<4000x2x80xi32, #tpu.memory_space<hbm>> -> memref<1x2x80xi32, #tpu.memory_space<hbm>>
      %dma_wait3A_812 = tpu.memref_squeeze %dma_wait3A_811 : memref<1x2x80xi32, #tpu.memory_space<hbm>> -> memref<2x80xi32, #tpu.memory_space<hbm>>
      %dma_wait3A_813 = arith.constant 0 : i32
      %dma_wait3A_814 = arith.constant 0 : i32
      %dma_wait3A_815 = tpu.memref_slice %arg3[%add3A_808, %dma_wait3A_813, %dma_wait3A_814] : memref<4000x2x80xi32, #tpu.memory_space<hbm>> -> memref<1x2x80xi32, #tpu.memory_space<hbm>>
      %dma_wait3A_816 = tpu.memref_squeeze %dma_wait3A_815 : memref<1x2x80xi32, #tpu.memory_space<hbm>> -> memref<2x80xi32, #tpu.memory_space<hbm>>
      tpu.wait_dma2 semaphore(%arg31 : memref<!tpu.dma_semaphore, #tpu.memory_space<semaphore_mem>>) src(%dma_wait3A_816 : memref<2x80xi32, #tpu.memory_space<hbm>>) dst(%arg8 : memref<2x80xi32, #tpu.memory_space<vmem>>)
      %dma_wait3A_817 = arith.constant 1 : i32
      %dma_wait3A_818 = arith.constant 0 : i32
      %dma_wait3A_819 = tpu.memref_slice %arg8[%dma_wait3A_817, %dma_wait3A_818] : memref<2x80xi32, #tpu.memory_space<vmem>> -> memref<1x80xi32, #tpu.memory_space<vmem>>
      %dma_wait3A_820 = tpu.memref_squeeze %dma_wait3A_819 : memref<1x80xi32, #tpu.memory_space<vmem>> -> memref<80xi32, #tpu.memory_space<vmem>>
      %dma_wait3A_821 = arith.constant 0 : i32
      %dma_wait3A_822 = arith.constant 0 : i32
      %dma_wait3A_823 = tpu.memref_slice %arg19[%dma_wait3A_821, %dma_wait3A_822] : memref<10000x128xf32, #tpu.memory_space<vmem_shared>> -> memref<10000x128xf32, #tpu.memory_space<vmem_shared>>
      tpu.wait_indirect_dma semaphore(%arg27 : memref<!tpu.dma_semaphore, #tpu.memory_space<semaphore_mem>>) src(%arg16 : memref<80x128xf32, #tpu.memory_space<vmem>>) dst(%dma_wait3A_823 : memref<10000x128xf32, #tpu.memory_space<vmem_shared>>)
      %dma_start3A_824 = arith.constant 0 : i32
      %dma_start3A_825 = arith.constant 0 : i32
      %dma_start3A_826 = tpu.memref_slice %arg8[%dma_start3A_824, %dma_start3A_825] : memref<2x80xi32, #tpu.memory_space<vmem>> -> memref<1x80xi32, #tpu.memory_space<vmem>>
      %dma_start3A_827 = tpu.memref_squeeze %dma_start3A_826 : memref<1x80xi32, #tpu.memory_space<vmem>> -> memref<80xi32, #tpu.memory_space<vmem>>
      %dma_start3A_828 = arith.constant 0 : i32
      %dma_start3A_829 = arith.constant 0 : i32
      %dma_start3A_830 = tpu.memref_slice %arg2[%dma_start3A_828, %dma_start3A_829] : memref<10000x128xf32, #tpu.memory_space<hbm>> -> memref<10000x128xf32, #tpu.memory_space<hbm>>
      tpu.enqueue_indirect_dma source(%dma_start3A_830 : memref<10000x128xf32, #tpu.memory_space<hbm>>) target(%arg16 : memref<80x128xf32, #tpu.memory_space<vmem>>) offsets(%dma_start3A_827 : memref<80xi32, #tpu.memory_space<vmem>>) semaphore(%arg23 : memref<!tpu.dma_semaphore, #tpu.memory_space<semaphore_mem>>)
      %add3A_831 = arith.constant 5 : i32
      %add3A_832 = arith.addi %add3A_791, %add3A_831 : i32
      %add3A_833 = arith.addi %mul3A_2, %add3A_832 : i32
      %dma_start3A_834 = arith.constant 0 : i32
      %dma_start3A_835 = arith.constant 0 : i32
      %dma_start3A_836 = tpu.memref_slice %arg3[%add3A_833, %dma_start3A_834, %dma_start3A_835] : memref<4000x2x80xi32, #tpu.memory_space<hbm>> -> memref<1x2x80xi32, #tpu.memory_space<hbm>>
      %dma_start3A_837 = tpu.memref_squeeze %dma_start3A_836 : memref<1x2x80xi32, #tpu.memory_space<hbm>> -> memref<2x80xi32, #tpu.memory_space<hbm>>
      %dma_start3A_838 = arith.constant 0 : i32
      %dma_start3A_839 = arith.constant 0 : i32
      %dma_start3A_840 = tpu.memref_slice %arg3[%add3A_833, %dma_start3A_838, %dma_start3A_839] : memref<4000x2x80xi32, #tpu.memory_space<hbm>> -> memref<1x2x80xi32, #tpu.memory_space<hbm>>
      %dma_start3A_841 = tpu.memref_squeeze %dma_start3A_840 : memref<1x2x80xi32, #tpu.memory_space<hbm>> -> memref<2x80xi32, #tpu.memory_space<hbm>>
      tpu.enqueue_dma source(%dma_start3A_841 : memref<2x80xi32, #tpu.memory_space<hbm>>) target(%arg10 : memref<2x80xi32, #tpu.memory_space<vmem>>) target_semaphore(%arg33 : memref<!tpu.dma_semaphore, #tpu.memory_space<semaphore_mem>>)
    }
    %scan3A_264 = arith.constant 15 : i32
    %dma_wait3A_265 = arith.constant 0 : i32
    %dma_wait3A_266 = arith.constant 0 : i32
    %dma_wait3A_267 = tpu.memref_slice %arg6[%dma_wait3A_265, %dma_wait3A_266] : memref<2x80xi32, #tpu.memory_space<vmem>> -> memref<1x80xi32, #tpu.memory_space<vmem>>
    %dma_wait3A_268 = tpu.memref_squeeze %dma_wait3A_267 : memref<1x80xi32, #tpu.memory_space<vmem>> -> memref<80xi32, #tpu.memory_space<vmem>>
    %dma_wait3A_269 = arith.constant 0 : i32
    %dma_wait3A_270 = arith.constant 0 : i32
    %dma_wait3A_271 = tpu.memref_slice %arg2[%dma_wait3A_269, %dma_wait3A_270] : memref<10000x128xf32, #tpu.memory_space<hbm>> -> memref<10000x128xf32, #tpu.memory_space<hbm>>
    tpu.wait_indirect_dma semaphore(%arg21 : memref<!tpu.dma_semaphore, #tpu.memory_space<semaphore_mem>>) src(%dma_wait3A_271 : memref<10000x128xf32, #tpu.memory_space<hbm>>) dst(%arg14 : memref<80x128xf32, #tpu.memory_space<vmem>>)
    %dma_start3A_272 = arith.constant 1 : i32
    %dma_start3A_273 = arith.constant 0 : i32
    %dma_start3A_274 = tpu.memref_slice %arg6[%dma_start3A_272, %dma_start3A_273] : memref<2x80xi32, #tpu.memory_space<vmem>> -> memref<1x80xi32, #tpu.memory_space<vmem>>
    %dma_start3A_275 = tpu.memref_squeeze %dma_start3A_274 : memref<1x80xi32, #tpu.memory_space<vmem>> -> memref<80xi32, #tpu.memory_space<vmem>>
    %dma_start3A_276 = arith.constant 0 : i32
    %dma_start3A_277 = arith.constant 0 : i32
    %dma_start3A_278 = tpu.memref_slice %arg19[%dma_start3A_276, %dma_start3A_277] : memref<10000x128xf32, #tpu.memory_space<vmem_shared>> -> memref<10000x128xf32, #tpu.memory_space<vmem_shared>>
    tpu.enqueue_indirect_dma source(%arg14 : memref<80x128xf32, #tpu.memory_space<vmem>>) target(%dma_start3A_278 : memref<10000x128xf32, #tpu.memory_space<vmem_shared>>) offsets(%dma_start3A_275 : memref<80xi32, #tpu.memory_space<vmem>>) semaphore(%arg25 : memref<!tpu.dma_semaphore, #tpu.memory_space<semaphore_mem>>) {add = true}
    %add3A_279 = arith.constant 123 : i32
    %add3A_280 = arith.addi %mul3A_2, %add3A_279 : i32
    %dma_wait3A_281 = arith.constant 0 : i32
    %dma_wait3A_282 = arith.constant 0 : i32
    %dma_wait3A_283 = tpu.memref_slice %arg3[%add3A_280, %dma_wait3A_281, %dma_wait3A_282] : memref<4000x2x80xi32, #tpu.memory_space<hbm>> -> memref<1x2x80xi32, #tpu.memory_space<hbm>>
    %dma_wait3A_284 = tpu.memref_squeeze %dma_wait3A_283 : memref<1x2x80xi32, #tpu.memory_space<hbm>> -> memref<2x80xi32, #tpu.memory_space<hbm>>
    %dma_wait3A_285 = arith.constant 0 : i32
    %dma_wait3A_286 = arith.constant 0 : i32
    %dma_wait3A_287 = tpu.memref_slice %arg3[%add3A_280, %dma_wait3A_285, %dma_wait3A_286] : memref<4000x2x80xi32, #tpu.memory_space<hbm>> -> memref<1x2x80xi32, #tpu.memory_space<hbm>>
    %dma_wait3A_288 = tpu.memref_squeeze %dma_wait3A_287 : memref<1x2x80xi32, #tpu.memory_space<hbm>> -> memref<2x80xi32, #tpu.memory_space<hbm>>
    tpu.wait_dma2 semaphore(%arg32 : memref<!tpu.dma_semaphore, #tpu.memory_space<semaphore_mem>>) src(%dma_wait3A_288 : memref<2x80xi32, #tpu.memory_space<hbm>>) dst(%arg9 : memref<2x80xi32, #tpu.memory_space<vmem>>)
    %dma_wait3A_289 = arith.constant 1 : i32
    %dma_wait3A_290 = arith.constant 0 : i32
    %dma_wait3A_291 = tpu.memref_slice %arg9[%dma_wait3A_289, %dma_wait3A_290] : memref<2x80xi32, #tpu.memory_space<vmem>> -> memref<1x80xi32, #tpu.memory_space<vmem>>
    %dma_wait3A_292 = tpu.memref_squeeze %dma_wait3A_291 : memref<1x80xi32, #tpu.memory_space<vmem>> -> memref<80xi32, #tpu.memory_space<vmem>>
    %dma_wait3A_293 = arith.constant 0 : i32
    %dma_wait3A_294 = arith.constant 0 : i32
    %dma_wait3A_295 = tpu.memref_slice %arg19[%dma_wait3A_293, %dma_wait3A_294] : memref<10000x128xf32, #tpu.memory_space<vmem_shared>> -> memref<10000x128xf32, #tpu.memory_space<vmem_shared>>
    tpu.wait_indirect_dma semaphore(%arg28 : memref<!tpu.dma_semaphore, #tpu.memory_space<semaphore_mem>>) src(%arg17 : memref<80x128xf32, #tpu.memory_space<vmem>>) dst(%dma_wait3A_295 : memref<10000x128xf32, #tpu.memory_space<vmem_shared>>)
    %dma_start3A_296 = arith.constant 0 : i32
    %dma_start3A_297 = arith.constant 0 : i32
    %dma_start3A_298 = tpu.memref_slice %arg9[%dma_start3A_296, %dma_start3A_297] : memref<2x80xi32, #tpu.memory_space<vmem>> -> memref<1x80xi32, #tpu.memory_space<vmem>>
    %dma_start3A_299 = tpu.memref_squeeze %dma_start3A_298 : memref<1x80xi32, #tpu.memory_space<vmem>> -> memref<80xi32, #tpu.memory_space<vmem>>
    %dma_start3A_300 = arith.constant 0 : i32
    %dma_start3A_301 = arith.constant 0 : i32
    %dma_start3A_302 = tpu.memref_slice %arg2[%dma_start3A_300, %dma_start3A_301] : memref<10000x128xf32, #tpu.memory_space<hbm>> -> memref<10000x128xf32, #tpu.memory_space<hbm>>
    tpu.enqueue_indirect_dma source(%dma_start3A_302 : memref<10000x128xf32, #tpu.memory_space<hbm>>) target(%arg17 : memref<80x128xf32, #tpu.memory_space<vmem>>) offsets(%dma_start3A_299 : memref<80xi32, #tpu.memory_space<vmem>>) semaphore(%arg24 : memref<!tpu.dma_semaphore, #tpu.memory_space<semaphore_mem>>)
    %dma_wait3A_303 = arith.constant 0 : i32
    %dma_wait3A_304 = arith.constant 0 : i32
    %dma_wait3A_305 = tpu.memref_slice %arg7[%dma_wait3A_303, %dma_wait3A_304] : memref<2x80xi32, #tpu.memory_space<vmem>> -> memref<1x80xi32, #tpu.memory_space<vmem>>
    %dma_wait3A_306 = tpu.memref_squeeze %dma_wait3A_305 : memref<1x80xi32, #tpu.memory_space<vmem>> -> memref<80xi32, #tpu.memory_space<vmem>>
    %dma_wait3A_307 = arith.constant 0 : i32
    %dma_wait3A_308 = arith.constant 0 : i32
    %dma_wait3A_309 = tpu.memref_slice %arg2[%dma_wait3A_307, %dma_wait3A_308] : memref<10000x128xf32, #tpu.memory_space<hbm>> -> memref<10000x128xf32, #tpu.memory_space<hbm>>
    tpu.wait_indirect_dma semaphore(%arg22 : memref<!tpu.dma_semaphore, #tpu.memory_space<semaphore_mem>>) src(%dma_wait3A_309 : memref<10000x128xf32, #tpu.memory_space<hbm>>) dst(%arg15 : memref<80x128xf32, #tpu.memory_space<vmem>>)
    %dma_start3A_310 = arith.constant 1 : i32
    %dma_start3A_311 = arith.constant 0 : i32
    %dma_start3A_312 = tpu.memref_slice %arg7[%dma_start3A_310, %dma_start3A_311] : memref<2x80xi32, #tpu.memory_space<vmem>> -> memref<1x80xi32, #tpu.memory_space<vmem>>
    %dma_start3A_313 = tpu.memref_squeeze %dma_start3A_312 : memref<1x80xi32, #tpu.memory_space<vmem>> -> memref<80xi32, #tpu.memory_space<vmem>>
    %dma_start3A_314 = arith.constant 0 : i32
    %dma_start3A_315 = arith.constant 0 : i32
    %dma_start3A_316 = tpu.memref_slice %arg19[%dma_start3A_314, %dma_start3A_315] : memref<10000x128xf32, #tpu.memory_space<vmem_shared>> -> memref<10000x128xf32, #tpu.memory_space<vmem_shared>>
    tpu.enqueue_indirect_dma source(%arg15 : memref<80x128xf32, #tpu.memory_space<vmem>>) target(%dma_start3A_316 : memref<10000x128xf32, #tpu.memory_space<vmem_shared>>) offsets(%dma_start3A_313 : memref<80xi32, #tpu.memory_space<vmem>>) semaphore(%arg26 : memref<!tpu.dma_semaphore, #tpu.memory_space<semaphore_mem>>) {add = true}
    %add3A_317 = arith.constant 124 : i32
    %add3A_318 = arith.addi %mul3A_2, %add3A_317 : i32
    %dma_wait3A_319 = arith.constant 0 : i32
    %dma_wait3A_320 = arith.constant 0 : i32
    %dma_wait3A_321 = tpu.memref_slice %arg3[%add3A_318, %dma_wait3A_319, %dma_wait3A_320] : memref<4000x2x80xi32, #tpu.memory_space<hbm>> -> memref<1x2x80xi32, #tpu.memory_space<hbm>>
    %dma_wait3A_322 = tpu.memref_squeeze %dma_wait3A_321 : memref<1x2x80xi32, #tpu.memory_space<hbm>> -> memref<2x80xi32, #tpu.memory_space<hbm>>
    %dma_wait3A_323 = arith.constant 0 : i32
    %dma_wait3A_324 = arith.constant 0 : i32
    %dma_wait3A_325 = tpu.memref_slice %arg3[%add3A_318, %dma_wait3A_323, %dma_wait3A_324] : memref<4000x2x80xi32, #tpu.memory_space<hbm>> -> memref<1x2x80xi32, #tpu.memory_space<hbm>>
    %dma_wait3A_326 = tpu.memref_squeeze %dma_wait3A_325 : memref<1x2x80xi32, #tpu.memory_space<hbm>> -> memref<2x80xi32, #tpu.memory_space<hbm>>
    tpu.wait_dma2 semaphore(%arg33 : memref<!tpu.dma_semaphore, #tpu.memory_space<semaphore_mem>>) src(%dma_wait3A_326 : memref<2x80xi32, #tpu.memory_space<hbm>>) dst(%arg10 : memref<2x80xi32, #tpu.memory_space<vmem>>)
    %dma_wait3A_327 = arith.constant 1 : i32
    %dma_wait3A_328 = arith.constant 0 : i32
    %dma_wait3A_329 = tpu.memref_slice %arg10[%dma_wait3A_327, %dma_wait3A_328] : memref<2x80xi32, #tpu.memory_space<vmem>> -> memref<1x80xi32, #tpu.memory_space<vmem>>
    %dma_wait3A_330 = tpu.memref_squeeze %dma_wait3A_329 : memref<1x80xi32, #tpu.memory_space<vmem>> -> memref<80xi32, #tpu.memory_space<vmem>>
    %dma_wait3A_331 = arith.constant 0 : i32
    %dma_wait3A_332 = arith.constant 0 : i32
    %dma_wait3A_333 = tpu.memref_slice %arg19[%dma_wait3A_331, %dma_wait3A_332] : memref<10000x128xf32, #tpu.memory_space<vmem_shared>> -> memref<10000x128xf32, #tpu.memory_space<vmem_shared>>
    tpu.wait_indirect_dma semaphore(%arg25 : memref<!tpu.dma_semaphore, #tpu.memory_space<semaphore_mem>>) src(%arg14 : memref<80x128xf32, #tpu.memory_space<vmem>>) dst(%dma_wait3A_333 : memref<10000x128xf32, #tpu.memory_space<vmem_shared>>)
    %dma_start3A_334 = arith.constant 0 : i32
    %dma_start3A_335 = arith.constant 0 : i32
    %dma_start3A_336 = tpu.memref_slice %arg10[%dma_start3A_334, %dma_start3A_335] : memref<2x80xi32, #tpu.memory_space<vmem>> -> memref<1x80xi32, #tpu.memory_space<vmem>>
    %dma_start3A_337 = tpu.memref_squeeze %dma_start3A_336 : memref<1x80xi32, #tpu.memory_space<vmem>> -> memref<80xi32, #tpu.memory_space<vmem>>
    %dma_start3A_338 = arith.constant 0 : i32
    %dma_start3A_339 = arith.constant 0 : i32
    %dma_start3A_340 = tpu.memref_slice %arg2[%dma_start3A_338, %dma_start3A_339] : memref<10000x128xf32, #tpu.memory_space<hbm>> -> memref<10000x128xf32, #tpu.memory_space<hbm>>
    tpu.enqueue_indirect_dma source(%dma_start3A_340 : memref<10000x128xf32, #tpu.memory_space<hbm>>) target(%arg14 : memref<80x128xf32, #tpu.memory_space<vmem>>) offsets(%dma_start3A_337 : memref<80xi32, #tpu.memory_space<vmem>>) semaphore(%arg21 : memref<!tpu.dma_semaphore, #tpu.memory_space<semaphore_mem>>)
    %dma_wait3A_341 = arith.constant 0 : i32
    %dma_wait3A_342 = arith.constant 0 : i32
    %dma_wait3A_343 = tpu.memref_slice %arg8[%dma_wait3A_341, %dma_wait3A_342] : memref<2x80xi32, #tpu.memory_space<vmem>> -> memref<1x80xi32, #tpu.memory_space<vmem>>
    %dma_wait3A_344 = tpu.memref_squeeze %dma_wait3A_343 : memref<1x80xi32, #tpu.memory_space<vmem>> -> memref<80xi32, #tpu.memory_space<vmem>>
    %dma_wait3A_345 = arith.constant 0 : i32
    %dma_wait3A_346 = arith.constant 0 : i32
    %dma_wait3A_347 = tpu.memref_slice %arg2[%dma_wait3A_345, %dma_wait3A_346] : memref<10000x128xf32, #tpu.memory_space<hbm>> -> memref<10000x128xf32, #tpu.memory_space<hbm>>
    tpu.wait_indirect_dma semaphore(%arg23 : memref<!tpu.dma_semaphore, #tpu.memory_space<semaphore_mem>>) src(%dma_wait3A_347 : memref<10000x128xf32, #tpu.memory_space<hbm>>) dst(%arg16 : memref<80x128xf32, #tpu.memory_space<vmem>>)
    %dma_start3A_348 = arith.constant 1 : i32
    %dma_start3A_349 = arith.constant 0 : i32
    %dma_start3A_350 = tpu.memref_slice %arg8[%dma_start3A_348, %dma_start3A_349] : memref<2x80xi32, #tpu.memory_space<vmem>> -> memref<1x80xi32, #tpu.memory_space<vmem>>
    %dma_start3A_351 = tpu.memref_squeeze %dma_start3A_350 : memref<1x80xi32, #tpu.memory_space<vmem>> -> memref<80xi32, #tpu.memory_space<vmem>>
    %dma_start3A_352 = arith.constant 0 : i32
    %dma_start3A_353 = arith.constant 0 : i32
    %dma_start3A_354 = tpu.memref_slice %arg19[%dma_start3A_352, %dma_start3A_353] : memref<10000x128xf32, #tpu.memory_space<vmem_shared>> -> memref<10000x128xf32, #tpu.memory_space<vmem_shared>>
    tpu.enqueue_indirect_dma source(%arg16 : memref<80x128xf32, #tpu.memory_space<vmem>>) target(%dma_start3A_354 : memref<10000x128xf32, #tpu.memory_space<vmem_shared>>) offsets(%dma_start3A_351 : memref<80xi32, #tpu.memory_space<vmem>>) semaphore(%arg27 : memref<!tpu.dma_semaphore, #tpu.memory_space<semaphore_mem>>) {add = true}
    %dma_wait3A_355 = arith.constant 0 : i32
    %dma_wait3A_356 = arith.constant 0 : i32
    %dma_wait3A_357 = tpu.memref_slice %arg9[%dma_wait3A_355, %dma_wait3A_356] : memref<2x80xi32, #tpu.memory_space<vmem>> -> memref<1x80xi32, #tpu.memory_space<vmem>>
    %dma_wait3A_358 = tpu.memref_squeeze %dma_wait3A_357 : memref<1x80xi32, #tpu.memory_space<vmem>> -> memref<80xi32, #tpu.memory_space<vmem>>
    %dma_wait3A_359 = arith.constant 0 : i32
    %dma_wait3A_360 = arith.constant 0 : i32
    %dma_wait3A_361 = tpu.memref_slice %arg2[%dma_wait3A_359, %dma_wait3A_360] : memref<10000x128xf32, #tpu.memory_space<hbm>> -> memref<10000x128xf32, #tpu.memory_space<hbm>>
    tpu.wait_indirect_dma semaphore(%arg24 : memref<!tpu.dma_semaphore, #tpu.memory_space<semaphore_mem>>) src(%dma_wait3A_361 : memref<10000x128xf32, #tpu.memory_space<hbm>>) dst(%arg17 : memref<80x128xf32, #tpu.memory_space<vmem>>)
    %dma_start3A_362 = arith.constant 1 : i32
    %dma_start3A_363 = arith.constant 0 : i32
    %dma_start3A_364 = tpu.memref_slice %arg9[%dma_start3A_362, %dma_start3A_363] : memref<2x80xi32, #tpu.memory_space<vmem>> -> memref<1x80xi32, #tpu.memory_space<vmem>>
    %dma_start3A_365 = tpu.memref_squeeze %dma_start3A_364 : memref<1x80xi32, #tpu.memory_space<vmem>> -> memref<80xi32, #tpu.memory_space<vmem>>
    %dma_start3A_366 = arith.constant 0 : i32
    %dma_start3A_367 = arith.constant 0 : i32
    %dma_start3A_368 = tpu.memref_slice %arg19[%dma_start3A_366, %dma_start3A_367] : memref<10000x128xf32, #tpu.memory_space<vmem_shared>> -> memref<10000x128xf32, #tpu.memory_space<vmem_shared>>
    tpu.enqueue_indirect_dma source(%arg17 : memref<80x128xf32, #tpu.memory_space<vmem>>) target(%dma_start3A_368 : memref<10000x128xf32, #tpu.memory_space<vmem_shared>>) offsets(%dma_start3A_365 : memref<80xi32, #tpu.memory_space<vmem>>) semaphore(%arg28 : memref<!tpu.dma_semaphore, #tpu.memory_space<semaphore_mem>>) {add = true}
    %dma_wait3A_369 = arith.constant 0 : i32
    %dma_wait3A_370 = arith.constant 0 : i32
    %dma_wait3A_371 = tpu.memref_slice %arg10[%dma_wait3A_369, %dma_wait3A_370] : memref<2x80xi32, #tpu.memory_space<vmem>> -> memref<1x80xi32, #tpu.memory_space<vmem>>
    %dma_wait3A_372 = tpu.memref_squeeze %dma_wait3A_371 : memref<1x80xi32, #tpu.memory_space<vmem>> -> memref<80xi32, #tpu.memory_space<vmem>>
    %dma_wait3A_373 = arith.constant 0 : i32
    %dma_wait3A_374 = arith.constant 0 : i32
    %dma_wait3A_375 = tpu.memref_slice %arg2[%dma_wait3A_373, %dma_wait3A_374] : memref<10000x128xf32, #tpu.memory_space<hbm>> -> memref<10000x128xf32, #tpu.memory_space<hbm>>
    tpu.wait_indirect_dma semaphore(%arg21 : memref<!tpu.dma_semaphore, #tpu.memory_space<semaphore_mem>>) src(%dma_wait3A_375 : memref<10000x128xf32, #tpu.memory_space<hbm>>) dst(%arg14 : memref<80x128xf32, #tpu.memory_space<vmem>>)
    %dma_start3A_376 = arith.constant 1 : i32
    %dma_start3A_377 = arith.constant 0 : i32
    %dma_start3A_378 = tpu.memref_slice %arg10[%dma_start3A_376, %dma_start3A_377] : memref<2x80xi32, #tpu.memory_space<vmem>> -> memref<1x80xi32, #tpu.memory_space<vmem>>
    %dma_start3A_379 = tpu.memref_squeeze %dma_start3A_378 : memref<1x80xi32, #tpu.memory_space<vmem>> -> memref<80xi32, #tpu.memory_space<vmem>>
    %dma_start3A_380 = arith.constant 0 : i32
    %dma_start3A_381 = arith.constant 0 : i32
    %dma_start3A_382 = tpu.memref_slice %arg19[%dma_start3A_380, %dma_start3A_381] : memref<10000x128xf32, #tpu.memory_space<vmem_shared>> -> memref<10000x128xf32, #tpu.memory_space<vmem_shared>>
    tpu.enqueue_indirect_dma source(%arg14 : memref<80x128xf32, #tpu.memory_space<vmem>>) target(%dma_start3A_382 : memref<10000x128xf32, #tpu.memory_space<vmem_shared>>) offsets(%dma_start3A_379 : memref<80xi32, #tpu.memory_space<vmem>>) semaphore(%arg25 : memref<!tpu.dma_semaphore, #tpu.memory_space<semaphore_mem>>) {add = true}
    %dma_wait3A_383 = arith.constant 1 : i32
    %dma_wait3A_384 = arith.constant 0 : i32
    %dma_wait3A_385 = tpu.memref_slice %arg7[%dma_wait3A_383, %dma_wait3A_384] : memref<2x80xi32, #tpu.memory_space<vmem>> -> memref<1x80xi32, #tpu.memory_space<vmem>>
    %dma_wait3A_386 = tpu.memref_squeeze %dma_wait3A_385 : memref<1x80xi32, #tpu.memory_space<vmem>> -> memref<80xi32, #tpu.memory_space<vmem>>
    %dma_wait3A_387 = arith.constant 0 : i32
    %dma_wait3A_388 = arith.constant 0 : i32
    %dma_wait3A_389 = tpu.memref_slice %arg19[%dma_wait3A_387, %dma_wait3A_388] : memref<10000x128xf32, #tpu.memory_space<vmem_shared>> -> memref<10000x128xf32, #tpu.memory_space<vmem_shared>>
    tpu.wait_indirect_dma semaphore(%arg26 : memref<!tpu.dma_semaphore, #tpu.memory_space<semaphore_mem>>) src(%arg15 : memref<80x128xf32, #tpu.memory_space<vmem>>) dst(%dma_wait3A_389 : memref<10000x128xf32, #tpu.memory_space<vmem_shared>>)
    %dma_wait3A_390 = arith.constant 1 : i32
    %dma_wait3A_391 = arith.constant 0 : i32
    %dma_wait3A_392 = tpu.memref_slice %arg8[%dma_wait3A_390, %dma_wait3A_391] : memref<2x80xi32, #tpu.memory_space<vmem>> -> memref<1x80xi32, #tpu.memory_space<vmem>>
    %dma_wait3A_393 = tpu.memref_squeeze %dma_wait3A_392 : memref<1x80xi32, #tpu.memory_space<vmem>> -> memref<80xi32, #tpu.memory_space<vmem>>
    %dma_wait3A_394 = arith.constant 0 : i32
    %dma_wait3A_395 = arith.constant 0 : i32
    %dma_wait3A_396 = tpu.memref_slice %arg19[%dma_wait3A_394, %dma_wait3A_395] : memref<10000x128xf32, #tpu.memory_space<vmem_shared>> -> memref<10000x128xf32, #tpu.memory_space<vmem_shared>>
    tpu.wait_indirect_dma semaphore(%arg27 : memref<!tpu.dma_semaphore, #tpu.memory_space<semaphore_mem>>) src(%arg16 : memref<80x128xf32, #tpu.memory_space<vmem>>) dst(%dma_wait3A_396 : memref<10000x128xf32, #tpu.memory_space<vmem_shared>>)
    %dma_wait3A_397 = arith.constant 1 : i32
    %dma_wait3A_398 = arith.constant 0 : i32
    %dma_wait3A_399 = tpu.memref_slice %arg9[%dma_wait3A_397, %dma_wait3A_398] : memref<2x80xi32, #tpu.memory_space<vmem>> -> memref<1x80xi32, #tpu.memory_space<vmem>>
    %dma_wait3A_400 = tpu.memref_squeeze %dma_wait3A_399 : memref<1x80xi32, #tpu.memory_space<vmem>> -> memref<80xi32, #tpu.memory_space<vmem>>
    %dma_wait3A_401 = arith.constant 0 : i32
    %dma_wait3A_402 = arith.constant 0 : i32
    %dma_wait3A_403 = tpu.memref_slice %arg19[%dma_wait3A_401, %dma_wait3A_402] : memref<10000x128xf32, #tpu.memory_space<vmem_shared>> -> memref<10000x128xf32, #tpu.memory_space<vmem_shared>>
    tpu.wait_indirect_dma semaphore(%arg28 : memref<!tpu.dma_semaphore, #tpu.memory_space<semaphore_mem>>) src(%arg17 : memref<80x128xf32, #tpu.memory_space<vmem>>) dst(%dma_wait3A_403 : memref<10000x128xf32, #tpu.memory_space<vmem_shared>>)
    %dma_wait3A_404 = arith.constant 1 : i32
    %dma_wait3A_405 = arith.constant 0 : i32
    %dma_wait3A_406 = tpu.memref_slice %arg10[%dma_wait3A_404, %dma_wait3A_405] : memref<2x80xi32, #tpu.memory_space<vmem>> -> memref<1x80xi32, #tpu.memory_space<vmem>>
    %dma_wait3A_407 = tpu.memref_squeeze %dma_wait3A_406 : memref<1x80xi32, #tpu.memory_space<vmem>> -> memref<80xi32, #tpu.memory_space<vmem>>
    %dma_wait3A_408 = arith.constant 0 : i32
    %dma_wait3A_409 = arith.constant 0 : i32
    %dma_wait3A_410 = tpu.memref_slice %arg19[%dma_wait3A_408, %dma_wait3A_409] : memref<10000x128xf32, #tpu.memory_space<vmem_shared>> -> memref<10000x128xf32, #tpu.memory_space<vmem_shared>>
    tpu.wait_indirect_dma semaphore(%arg25 : memref<!tpu.dma_semaphore, #tpu.memory_space<semaphore_mem>>) src(%arg14 : memref<80x128xf32, #tpu.memory_space<vmem>>) dst(%dma_wait3A_410 : memref<10000x128xf32, #tpu.memory_space<vmem_shared>>)
    %barrier3A_411 = arith.constant 0 : index
    tpu.barrier barrier_id(%barrier3A_411)
    %mul3A_412 = arith.constant 624 : i32
    %mul3A_413 = arith.muli %arg1, %mul3A_412 : i32
    %mul3A_414 = arith.constant 624 : i32
    %mul3A_415 = arith.muli %arg1, %mul3A_414 : i32
    "tpu.region"() ({
      %run_scoped3A = tpu.sem_alloc : memref<!tpu.dma_semaphore, #tpu.memory_space<semaphore_mem>>
      %dma_start3A_421 = arith.constant 0 : i32
      %dma_start3A_422 = tpu.memref_slice %arg5[%arg0, %mul3A_415, %dma_start3A_421] : memref<2x10000x128xf32, #tpu.memory_space<hbm>> -> memref<1x624x128xf32, #tpu.memory_space<hbm>>
      %dma_start3A_423 = tpu.memref_squeeze %dma_start3A_422 : memref<1x624x128xf32, #tpu.memory_space<hbm>> -> memref<624x128xf32, #tpu.memory_space<hbm>>
      %dma_start3A_424 = arith.constant 0 : i32
      %dma_start3A_425 = tpu.memref_slice %arg19[%mul3A_413, %dma_start3A_424] : memref<10000x128xf32, #tpu.memory_space<vmem_shared>> -> memref<624x128xf32, #tpu.memory_space<vmem_shared>>
      tpu.enqueue_dma source(%dma_start3A_425 : memref<624x128xf32, #tpu.memory_space<vmem_shared>>) target(%dma_start3A_423 : memref<624x128xf32, #tpu.memory_space<hbm>>) target_semaphore(%run_scoped3A : memref<!tpu.dma_semaphore, #tpu.memory_space<semaphore_mem>>)
      %dma_wait3A_426 = arith.constant 0 : i32
      %dma_wait3A_427 = tpu.memref_slice %arg5[%arg0, %mul3A_415, %dma_wait3A_426] : memref<2x10000x128xf32, #tpu.memory_space<hbm>> -> memref<1x624x128xf32, #tpu.memory_space<hbm>>
      %dma_wait3A_428 = tpu.memref_squeeze %dma_wait3A_427 : memref<1x624x128xf32, #tpu.memory_space<hbm>> -> memref<624x128xf32, #tpu.memory_space<hbm>>
      %dma_wait3A_429 = arith.constant 0 : i32
      %dma_wait3A_430 = tpu.memref_slice %arg19[%mul3A_413, %dma_wait3A_429] : memref<10000x128xf32, #tpu.memory_space<vmem_shared>> -> memref<624x128xf32, #tpu.memory_space<vmem_shared>>
      tpu.wait_dma2 semaphore(%run_scoped3A : memref<!tpu.dma_semaphore, #tpu.memory_space<semaphore_mem>>) src(%dma_wait3A_430 : memref<624x128xf32, #tpu.memory_space<vmem_shared>>) dst(%dma_wait3A_428 : memref<624x128xf32, #tpu.memory_space<hbm>>)
      tpu.yield
    }) : () -> ()
    %eq3A_416 = arith.constant 0 : i32
    %eq3A_417 = arith.cmpi eq, %arg1, %eq3A_416 : i32
    %convert_element_type3A_418 = arith.extui %eq3A_417 : i1 to i32
    %cond3A_419 = arith.constant 0 : i32
    %cond3A_420 = arith.cmpi ne, %convert_element_type3A_418, %cond3A_419 : i32
    scf.if %cond3A_420 {
      "tpu.region"() ({
        %run_scoped3A = tpu.sem_alloc : memref<!tpu.dma_semaphore, #tpu.memory_space<semaphore_mem>>
        %dma_start3A_421 = arith.constant 9984 : i32
        %dma_start3A_422 = arith.constant 0 : i32
        %dma_start3A_423 = tpu.memref_slice %arg5[%arg0, %dma_start3A_421, %dma_start3A_422] : memref<2x10000x128xf32, #tpu.memory_space<hbm>> -> memref<1x16x128xf32, #tpu.memory_space<hbm>>
        %dma_start3A_424 = tpu.memref_squeeze %dma_start3A_423 : memref<1x16x128xf32, #tpu.memory_space<hbm>> -> memref<16x128xf32, #tpu.memory_space<hbm>>
        %dma_start3A_425 = arith.constant 9984 : i32
        %dma_start3A_426 = arith.constant 0 : i32
        %dma_start3A_427 = tpu.memref_slice %arg19[%dma_start3A_425, %dma_start3A_426] : memref<10000x128xf32, #tpu.memory_space<vmem_shared>> -> memref<16x128xf32, #tpu.memory_space<vmem_shared>>
        tpu.enqueue_dma source(%dma_start3A_427 : memref<16x128xf32, #tpu.memory_space<vmem_shared>>) target(%dma_start3A_424 : memref<16x128xf32, #tpu.memory_space<hbm>>) target_semaphore(%run_scoped3A : memref<!tpu.dma_semaphore, #tpu.memory_space<semaphore_mem>>)
        %dma_wait3A_428 = arith.constant 9984 : i32
        %dma_wait3A_429 = arith.constant 0 : i32
        %dma_wait3A_430 = tpu.memref_slice %arg5[%arg0, %dma_wait3A_428, %dma_wait3A_429] : memref<2x10000x128xf32, #tpu.memory_space<hbm>> -> memref<1x16x128xf32, #tpu.memory_space<hbm>>
        %dma_wait3A_431 = tpu.memref_squeeze %dma_wait3A_430 : memref<1x16x128xf32, #tpu.memory_space<hbm>> -> memref<16x128xf32, #tpu.memory_space<hbm>>
        %dma_wait3A_432 = arith.constant 9984 : i32
        %dma_wait3A_433 = arith.constant 0 : i32
        %dma_wait3A_434 = tpu.memref_slice %arg19[%dma_wait3A_432, %dma_wait3A_433] : memref<10000x128xf32, #tpu.memory_space<vmem_shared>> -> memref<16x128xf32, #tpu.memory_space<vmem_shared>>
        tpu.wait_dma2 semaphore(%run_scoped3A : memref<!tpu.dma_semaphore, #tpu.memory_space<semaphore_mem>>) src(%dma_wait3A_434 : memref<16x128xf32, #tpu.memory_space<vmem_shared>>) dst(%dma_wait3A_431 : memref<16x128xf32, #tpu.memory_space<hbm>>)
        tpu.yield
      }) : () -> ()
    } else {
    }
    return
  }
}

#map = affine_map<(d0, d1) -> (0, 0)>
#map1 = affine_map<(d0, d1) -> (0, 0, 0)>
#map2 = affine_map<(d0, d1) -> (0)>
module attributes {stable_mosaic.version = 14 : i64} {
  func.func @body(%arg0: i32, %arg1: i32, %arg2: memref<10000x128xf32, #tpu.memory_space<hbm>>, %arg3: memref<4000x2x80xi32, #tpu.memory_space<hbm>>, %arg4: memref<10000xf32, #tpu.memory_space<hbm>>, %arg5: memref<2x10000x128xf32, #tpu.memory_space<hbm>>, %arg6: memref<2x10000xf32, #tpu.memory_space<hbm>>, %arg7: memref<2x80xi32, #tpu.memory_space<vmem>>, %arg8: memref<2x80xi32, #tpu.memory_space<vmem>>, %arg9: memref<2x80xi32, #tpu.memory_space<vmem>>, %arg10: memref<2x80xi32, #tpu.memory_space<vmem>>, %arg11: memref<2x80xi32, #tpu.memory_space<vmem>>, %arg12: memref<2x80xi32, #tpu.memory_space<vmem>>, %arg13: memref<2x80xi32, #tpu.memory_space<vmem>>, %arg14: memref<2x80xi32, #tpu.memory_space<vmem>>, %arg15: memref<80x128xf32, #tpu.memory_space<vmem>>, %arg16: memref<80x128xf32, #tpu.memory_space<vmem>>, %arg17: memref<80x128xf32, #tpu.memory_space<vmem>>, %arg18: memref<80x128xf32, #tpu.memory_space<vmem>>, %arg19: memref<80xf32, #tpu.memory_space<vmem>>, %arg20: memref<10000x128xf32, #tpu.memory_space<vmem_shared>>, %arg21: memref<10000xf32, #tpu.memory_space<vmem_shared>>, %arg22: memref<!tpu.dma_semaphore, #tpu.memory_space<semaphore_mem>>, %arg23: memref<!tpu.dma_semaphore, #tpu.memory_space<semaphore_mem>>, %arg24: memref<!tpu.dma_semaphore, #tpu.memory_space<semaphore_mem>>, %arg25: memref<!tpu.dma_semaphore, #tpu.memory_space<semaphore_mem>>, %arg26: memref<!tpu.dma_semaphore, #tpu.memory_space<semaphore_mem>>, %arg27: memref<!tpu.dma_semaphore, #tpu.memory_space<semaphore_mem>>, %arg28: memref<!tpu.dma_semaphore, #tpu.memory_space<semaphore_mem>>, %arg29: memref<!tpu.dma_semaphore, #tpu.memory_space<semaphore_mem>>, %arg30: memref<!tpu.dma_semaphore, #tpu.memory_space<semaphore_mem>>, %arg31: memref<!tpu.dma_semaphore, #tpu.memory_space<semaphore_mem>>, %arg32: memref<!tpu.dma_semaphore, #tpu.memory_space<semaphore_mem>>, %arg33: memref<!tpu.dma_semaphore, #tpu.memory_space<semaphore_mem>>, %arg34: memref<!tpu.dma_semaphore, #tpu.memory_space<semaphore_mem>>, %arg35: memref<!tpu.dma_semaphore, #tpu.memory_space<semaphore_mem>>, %arg36: memref<!tpu.dma_semaphore, #tpu.memory_space<semaphore_mem>>, %arg37: memref<!tpu.dma_semaphore, #tpu.memory_space<semaphore_mem>>, %arg38: memref<!tpu.dma_semaphore, #tpu.memory_space<semaphore_mem>>) attributes {dimension_semantics = [#tpu.dimension_semantics<core_parallel>, #tpu.dimension_semantics<subcore_parallel>], iteration_bounds = array<i64: 2, 16>, scalar_prefetch = 0 : i64, scratch_operands = 32 : i64, tpu.core_type = #tpu.core_type<sc_vector_subcore>, window_params = [{transform_indices = #map}, {transform_indices = #map1}, {transform_indices = #map2}, {transform_indices = #map1}, {transform_indices = #map}]} {
    %mul3A = arith.constant 2 : i32
    %mul3A_0 = arith.muli %arg1, %mul3A : i32
    %add3A = arith.addi %mul3A_0, %arg0 : i32
    %mul3A_1 = arith.constant 125 : i32
    %mul3A_2 = arith.muli %add3A, %mul3A_1 : i32
    %scan3A = arith.constant 0 : i32
    %scan3A_3 = arith.constant 80 : i32
    %scan3A_4 = arith.addi %scan3A, %scan3A_3 : i32
    %scan3A_5 = arith.constant 1 : i32
    scf.for %scan3A_512 = %scan3A to %scan3A_4 step %scan3A_5  : i32 {
      %mul3A_513 = arith.constant 1 : i32
      %mul3A_514 = arith.muli %scan3A_512, %mul3A_513 : i32
      %add3A_515 = arith.constant 0 : i32
      %add3A_516 = arith.addi %add3A_515, %mul3A_514 : i32
      %scan3A_517 = arith.constant 0 : i32
      %scan3A_518 = arith.constant 8 : i32
      %scan3A_519 = arith.addi %scan3A_517, %scan3A_518 : i32
      %scan3A_520 = arith.constant 1 : i32
      scf.for %scan3A_522 = %scan3A_517 to %scan3A_519 step %scan3A_520  : i32 {
        %mul3A_523 = arith.constant 16 : i32
        %mul3A_524 = arith.muli %scan3A_522, %mul3A_523 : i32
        %add3A_525 = arith.constant 0 : i32
        %add3A_526 = arith.addi %add3A_525, %mul3A_524 : i32
        %broadcast_in_dim3A = arith.constant 0.000000e+00 : f32
        %broadcast_in_dim3A_527 = vector.broadcast %broadcast_in_dim3A : f32 to vector<16xf32>
        %swap3A = arith.index_cast %add3A_516 : i32 to index
        %swap3A_528 = arith.index_cast %add3A_526 : i32 to index
        %swap3A_529 = tpu.vector_load %arg18[%swap3A, %swap3A_528] {strides = array<i32>} : memref<80x128xf32, #tpu.memory_space<vmem>>, vector<1x16xf32>,
        %swap3A_530 = vector.shape_cast %swap3A_529 : vector<1x16xf32> to vector<16xf32>
        %swap3A_531 = vector.shape_cast %broadcast_in_dim3A_527 : vector<16xf32> to vector<1x16xf32>
        tpu.vector_store %arg18[%swap3A, %swap3A_528], %swap3A_531 {strides = array<i32>} : memref<80x128xf32, #tpu.memory_space<vmem>>, vector<1x16xf32>,
      }
      %scan3A_521 = arith.constant 8 : i32
    }
    %scan3A_6 = arith.constant 80 : i32
    %mul3A_7 = arith.constant 624 : i32
    %mul3A_8 = arith.muli %arg1, %mul3A_7 : i32
    %add3A_9 = arith.constant 0 : i32
    %add3A_10 = arith.addi %mul3A_8, %add3A_9 : i32
    %dma_start3A = arith.constant 0 : i32
    %dma_start3A_11 = tpu.memref_slice %arg20[%add3A_10, %dma_start3A] : memref<10000x128xf32, #tpu.memory_space<vmem_shared>> -> memref<80x128xf32, #tpu.memory_space<vmem_shared>>
    %dma_start3A_12 = arith.constant 0 : i32
    %dma_start3A_13 = tpu.memref_slice %arg20[%add3A_10, %dma_start3A_12] : memref<10000x128xf32, #tpu.memory_space<vmem_shared>> -> memref<80x128xf32, #tpu.memory_space<vmem_shared>>
    tpu.enqueue_dma source(%arg18 : memref<80x128xf32, #tpu.memory_space<vmem>>) target(%dma_start3A_13 : memref<80x128xf32, #tpu.memory_space<vmem_shared>>) target_semaphore(%arg38 : memref<!tpu.dma_semaphore, #tpu.memory_space<semaphore_mem>>)
    %mul3A_14 = arith.constant 624 : i32
    %mul3A_15 = arith.muli %arg1, %mul3A_14 : i32
    %add3A_16 = arith.constant 80 : i32
    %add3A_17 = arith.addi %mul3A_15, %add3A_16 : i32
    %dma_start3A_18 = arith.constant 0 : i32
    %dma_start3A_19 = tpu.memref_slice %arg20[%add3A_17, %dma_start3A_18] : memref<10000x128xf32, #tpu.memory_space<vmem_shared>> -> memref<80x128xf32, #tpu.memory_space<vmem_shared>>
    %dma_start3A_20 = arith.constant 0 : i32
    %dma_start3A_21 = tpu.memref_slice %arg20[%add3A_17, %dma_start3A_20] : memref<10000x128xf32, #tpu.memory_space<vmem_shared>> -> memref<80x128xf32, #tpu.memory_space<vmem_shared>>
    tpu.enqueue_dma source(%arg18 : memref<80x128xf32, #tpu.memory_space<vmem>>) target(%dma_start3A_21 : memref<80x128xf32, #tpu.memory_space<vmem_shared>>) target_semaphore(%arg38 : memref<!tpu.dma_semaphore, #tpu.memory_space<semaphore_mem>>)
    %mul3A_22 = arith.constant 624 : i32
    %mul3A_23 = arith.muli %arg1, %mul3A_22 : i32
    %add3A_24 = arith.constant 160 : i32
    %add3A_25 = arith.addi %mul3A_23, %add3A_24 : i32
    %dma_start3A_26 = arith.constant 0 : i32
    %dma_start3A_27 = tpu.memref_slice %arg20[%add3A_25, %dma_start3A_26] : memref<10000x128xf32, #tpu.memory_space<vmem_shared>> -> memref<80x128xf32, #tpu.memory_space<vmem_shared>>
    %dma_start3A_28 = arith.constant 0 : i32
    %dma_start3A_29 = tpu.memref_slice %arg20[%add3A_25, %dma_start3A_28] : memref<10000x128xf32, #tpu.memory_space<vmem_shared>> -> memref<80x128xf32, #tpu.memory_space<vmem_shared>>
    tpu.enqueue_dma source(%arg18 : memref<80x128xf32, #tpu.memory_space<vmem>>) target(%dma_start3A_29 : memref<80x128xf32, #tpu.memory_space<vmem_shared>>) target_semaphore(%arg38 : memref<!tpu.dma_semaphore, #tpu.memory_space<semaphore_mem>>)
    %mul3A_30 = arith.constant 624 : i32
    %mul3A_31 = arith.muli %arg1, %mul3A_30 : i32
    %add3A_32 = arith.constant 240 : i32
    %add3A_33 = arith.addi %mul3A_31, %add3A_32 : i32
    %dma_start3A_34 = arith.constant 0 : i32
    %dma_start3A_35 = tpu.memref_slice %arg20[%add3A_33, %dma_start3A_34] : memref<10000x128xf32, #tpu.memory_space<vmem_shared>> -> memref<80x128xf32, #tpu.memory_space<vmem_shared>>
    %dma_start3A_36 = arith.constant 0 : i32
    %dma_start3A_37 = tpu.memref_slice %arg20[%add3A_33, %dma_start3A_36] : memref<10000x128xf32, #tpu.memory_space<vmem_shared>> -> memref<80x128xf32, #tpu.memory_space<vmem_shared>>
    tpu.enqueue_dma source(%arg18 : memref<80x128xf32, #tpu.memory_space<vmem>>) target(%dma_start3A_37 : memref<80x128xf32, #tpu.memory_space<vmem_shared>>) target_semaphore(%arg38 : memref<!tpu.dma_semaphore, #tpu.memory_space<semaphore_mem>>)
    %mul3A_38 = arith.constant 624 : i32
    %mul3A_39 = arith.muli %arg1, %mul3A_38 : i32
    %add3A_40 = arith.constant 320 : i32
    %add3A_41 = arith.addi %mul3A_39, %add3A_40 : i32
    %dma_start3A_42 = arith.constant 0 : i32
    %dma_start3A_43 = tpu.memref_slice %arg20[%add3A_41, %dma_start3A_42] : memref<10000x128xf32, #tpu.memory_space<vmem_shared>> -> memref<80x128xf32, #tpu.memory_space<vmem_shared>>
    %dma_start3A_44 = arith.constant 0 : i32
    %dma_start3A_45 = tpu.memref_slice %arg20[%add3A_41, %dma_start3A_44] : memref<10000x128xf32, #tpu.memory_space<vmem_shared>> -> memref<80x128xf32, #tpu.memory_space<vmem_shared>>
    tpu.enqueue_dma source(%arg18 : memref<80x128xf32, #tpu.memory_space<vmem>>) target(%dma_start3A_45 : memref<80x128xf32, #tpu.memory_space<vmem_shared>>) target_semaphore(%arg38 : memref<!tpu.dma_semaphore, #tpu.memory_space<semaphore_mem>>)
    %mul3A_46 = arith.constant 624 : i32
    %mul3A_47 = arith.muli %arg1, %mul3A_46 : i32
    %add3A_48 = arith.constant 400 : i32
    %add3A_49 = arith.addi %mul3A_47, %add3A_48 : i32
    %dma_start3A_50 = arith.constant 0 : i32
    %dma_start3A_51 = tpu.memref_slice %arg20[%add3A_49, %dma_start3A_50] : memref<10000x128xf32, #tpu.memory_space<vmem_shared>> -> memref<80x128xf32, #tpu.memory_space<vmem_shared>>
    %dma_start3A_52 = arith.constant 0 : i32
    %dma_start3A_53 = tpu.memref_slice %arg20[%add3A_49, %dma_start3A_52] : memref<10000x128xf32, #tpu.memory_space<vmem_shared>> -> memref<80x128xf32, #tpu.memory_space<vmem_shared>>
    tpu.enqueue_dma source(%arg18 : memref<80x128xf32, #tpu.memory_space<vmem>>) target(%dma_start3A_53 : memref<80x128xf32, #tpu.memory_space<vmem_shared>>) target_semaphore(%arg38 : memref<!tpu.dma_semaphore, #tpu.memory_space<semaphore_mem>>)
    %mul3A_54 = arith.constant 624 : i32
    %mul3A_55 = arith.muli %arg1, %mul3A_54 : i32
    %add3A_56 = arith.constant 480 : i32
    %add3A_57 = arith.addi %mul3A_55, %add3A_56 : i32
    %dma_start3A_58 = arith.constant 0 : i32
    %dma_start3A_59 = tpu.memref_slice %arg20[%add3A_57, %dma_start3A_58] : memref<10000x128xf32, #tpu.memory_space<vmem_shared>> -> memref<80x128xf32, #tpu.memory_space<vmem_shared>>
    %dma_start3A_60 = arith.constant 0 : i32
    %dma_start3A_61 = tpu.memref_slice %arg20[%add3A_57, %dma_start3A_60] : memref<10000x128xf32, #tpu.memory_space<vmem_shared>> -> memref<80x128xf32, #tpu.memory_space<vmem_shared>>
    tpu.enqueue_dma source(%arg18 : memref<80x128xf32, #tpu.memory_space<vmem>>) target(%dma_start3A_61 : memref<80x128xf32, #tpu.memory_space<vmem_shared>>) target_semaphore(%arg38 : memref<!tpu.dma_semaphore, #tpu.memory_space<semaphore_mem>>)
    %mul3A_62 = arith.constant 624 : i32
    %mul3A_63 = arith.muli %arg1, %mul3A_62 : i32
    %add3A_64 = arith.constant 560 : i32
    %add3A_65 = arith.addi %mul3A_63, %add3A_64 : i32
    %dma_start3A_66 = arith.constant 0 : i32
    %dma_start3A_67 = arith.constant 0 : i32
    %dma_start3A_68 = tpu.memref_slice %arg18[%dma_start3A_66, %dma_start3A_67] : memref<80x128xf32, #tpu.memory_space<vmem>> -> memref<64x128xf32, #tpu.memory_space<vmem>>
    %dma_start3A_69 = arith.constant 0 : i32
    %dma_start3A_70 = tpu.memref_slice %arg20[%add3A_65, %dma_start3A_69] : memref<10000x128xf32, #tpu.memory_space<vmem_shared>> -> memref<64x128xf32, #tpu.memory_space<vmem_shared>>
    %dma_start3A_71 = arith.constant 0 : i32
    %dma_start3A_72 = tpu.memref_slice %arg20[%add3A_65, %dma_start3A_71] : memref<10000x128xf32, #tpu.memory_space<vmem_shared>> -> memref<64x128xf32, #tpu.memory_space<vmem_shared>>
    %dma_start3A_73 = arith.constant 0 : i32
    %dma_start3A_74 = arith.constant 0 : i32
    %dma_start3A_75 = tpu.memref_slice %arg18[%dma_start3A_73, %dma_start3A_74] : memref<80x128xf32, #tpu.memory_space<vmem>> -> memref<64x128xf32, #tpu.memory_space<vmem>>
    tpu.enqueue_dma source(%dma_start3A_75 : memref<64x128xf32, #tpu.memory_space<vmem>>) target(%dma_start3A_72 : memref<64x128xf32, #tpu.memory_space<vmem_shared>>) target_semaphore(%arg38 : memref<!tpu.dma_semaphore, #tpu.memory_space<semaphore_mem>>)
    %eq3A = arith.constant 0 : i32
    %eq3A_76 = arith.cmpi eq, %arg1, %eq3A : i32
    %convert_element_type3A = arith.extui %eq3A_76 : i1 to i32
    %cond3A = arith.constant 0 : i32
    %cond3A_77 = arith.cmpi ne, %convert_element_type3A, %cond3A : i32
    scf.if %cond3A_77 {
      %dma_start3A_512 = arith.constant 0 : i32
      %dma_start3A_513 = arith.constant 0 : i32
      %dma_start3A_514 = tpu.memref_slice %arg18[%dma_start3A_512, %dma_start3A_513] : memref<80x128xf32, #tpu.memory_space<vmem>> -> memref<16x128xf32, #tpu.memory_space<vmem>>
      %dma_start3A_515 = arith.constant 9984 : i32
      %dma_start3A_516 = arith.constant 0 : i32
      %dma_start3A_517 = tpu.memref_slice %arg20[%dma_start3A_515, %dma_start3A_516] : memref<10000x128xf32, #tpu.memory_space<vmem_shared>> -> memref<16x128xf32, #tpu.memory_space<vmem_shared>>
      %dma_start3A_518 = arith.constant 9984 : i32
      %dma_start3A_519 = arith.constant 0 : i32
      %dma_start3A_520 = tpu.memref_slice %arg20[%dma_start3A_518, %dma_start3A_519] : memref<10000x128xf32, #tpu.memory_space<vmem_shared>> -> memref<16x128xf32, #tpu.memory_space<vmem_shared>>
      %dma_start3A_521 = arith.constant 0 : i32
      %dma_start3A_522 = arith.constant 0 : i32
      %dma_start3A_523 = tpu.memref_slice %arg18[%dma_start3A_521, %dma_start3A_522] : memref<80x128xf32, #tpu.memory_space<vmem>> -> memref<16x128xf32, #tpu.memory_space<vmem>>
      tpu.enqueue_dma source(%dma_start3A_523 : memref<16x128xf32, #tpu.memory_space<vmem>>) target(%dma_start3A_520 : memref<16x128xf32, #tpu.memory_space<vmem_shared>>) target_semaphore(%arg38 : memref<!tpu.dma_semaphore, #tpu.memory_space<semaphore_mem>>)
    } else {
    }
    %eq3A_78 = arith.constant 0 : i32
    %eq3A_79 = arith.cmpi eq, %arg1, %eq3A_78 : i32
    %convert_element_type3A_80 = arith.extui %eq3A_79 : i1 to i32
    %cond3A_81 = arith.constant 0 : i32
    %cond3A_82 = arith.cmpi ne, %convert_element_type3A_80, %cond3A_81 : i32
    scf.if %cond3A_82 {
      "tpu.region"() ({
        %run_scoped3A = tpu.sem_alloc : memref<!tpu.dma_semaphore, #tpu.memory_space<semaphore_mem>>
        tpu.enqueue_dma source(%arg4 : memref<10000xf32, #tpu.memory_space<hbm>>) target(%arg21 : memref<10000xf32, #tpu.memory_space<vmem_shared>>) target_semaphore(%run_scoped3A : memref<!tpu.dma_semaphore, #tpu.memory_space<semaphore_mem>>)
        tpu.wait_dma2 semaphore(%run_scoped3A : memref<!tpu.dma_semaphore, #tpu.memory_space<semaphore_mem>>) src(%arg4 : memref<10000xf32, #tpu.memory_space<hbm>>) dst(%arg21 : memref<10000xf32, #tpu.memory_space<vmem_shared>>)
        tpu.yield
      }) : () -> ()
    } else {
    }
    %scan3A_83 = arith.constant 0 : i32
    %scan3A_84 = arith.constant 5 : i32
    %scan3A_85 = arith.addi %scan3A_83, %scan3A_84 : i32
    %scan3A_86 = arith.constant 1 : i32
    scf.for %scan3A_512 = %scan3A_83 to %scan3A_85 step %scan3A_86  : i32 {
      %mul3A_513 = arith.constant 16 : i32
      %mul3A_514 = arith.muli %scan3A_512, %mul3A_513 : i32
      %add3A_515 = arith.constant 0 : i32
      %add3A_516 = arith.addi %add3A_515, %mul3A_514 : i32
      %broadcast_in_dim3A = arith.constant 1.000000e+00 : f32
      %broadcast_in_dim3A_517 = vector.broadcast %broadcast_in_dim3A : f32 to vector<16xf32>
      %swap3A = arith.index_cast %add3A_516 : i32 to index
      %swap3A_518 = tpu.vector_load %arg19[%swap3A] {strides = array<i32>} : memref<80xf32, #tpu.memory_space<vmem>>, vector<16xf32>,
      %swap3A_519 = vector.shape_cast %swap3A_518 : vector<16xf32> to vector<16xf32>
      %swap3A_520 = vector.shape_cast %broadcast_in_dim3A_517 : vector<16xf32> to vector<16xf32>
      tpu.vector_store %arg19[%swap3A], %swap3A_520 {strides = array<i32>} : memref<80xf32, #tpu.memory_space<vmem>>, vector<16xf32>,
    }
    %scan3A_87 = arith.constant 5 : i32
    %mul3A_88 = arith.constant 624 : i32
    %mul3A_89 = arith.muli %arg1, %mul3A_88 : i32
    %add3A_90 = arith.constant 0 : i32
    %add3A_91 = arith.addi %mul3A_89, %add3A_90 : i32
    %dma_wait3A = arith.constant 0 : i32
    %dma_wait3A_92 = tpu.memref_slice %arg20[%add3A_91, %dma_wait3A] : memref<10000x128xf32, #tpu.memory_space<vmem_shared>> -> memref<80x128xf32, #tpu.memory_space<vmem_shared>>
    %dma_wait3A_93 = arith.constant 0 : i32
    %dma_wait3A_94 = tpu.memref_slice %arg20[%add3A_91, %dma_wait3A_93] : memref<10000x128xf32, #tpu.memory_space<vmem_shared>> -> memref<80x128xf32, #tpu.memory_space<vmem_shared>>
    tpu.wait_dma2 semaphore(%arg38 : memref<!tpu.dma_semaphore, #tpu.memory_space<semaphore_mem>>) src(%arg18 : memref<80x128xf32, #tpu.memory_space<vmem>>) dst(%dma_wait3A_94 : memref<80x128xf32, #tpu.memory_space<vmem_shared>>)
    %mul3A_95 = arith.constant 624 : i32
    %mul3A_96 = arith.muli %arg1, %mul3A_95 : i32
    %add3A_97 = arith.constant 80 : i32
    %add3A_98 = arith.addi %mul3A_96, %add3A_97 : i32
    %dma_wait3A_99 = arith.constant 0 : i32
    %dma_wait3A_100 = tpu.memref_slice %arg20[%add3A_98, %dma_wait3A_99] : memref<10000x128xf32, #tpu.memory_space<vmem_shared>> -> memref<80x128xf32, #tpu.memory_space<vmem_shared>>
    %dma_wait3A_101 = arith.constant 0 : i32
    %dma_wait3A_102 = tpu.memref_slice %arg20[%add3A_98, %dma_wait3A_101] : memref<10000x128xf32, #tpu.memory_space<vmem_shared>> -> memref<80x128xf32, #tpu.memory_space<vmem_shared>>
    tpu.wait_dma2 semaphore(%arg38 : memref<!tpu.dma_semaphore, #tpu.memory_space<semaphore_mem>>) src(%arg18 : memref<80x128xf32, #tpu.memory_space<vmem>>) dst(%dma_wait3A_102 : memref<80x128xf32, #tpu.memory_space<vmem_shared>>)
    %mul3A_103 = arith.constant 624 : i32
    %mul3A_104 = arith.muli %arg1, %mul3A_103 : i32
    %add3A_105 = arith.constant 160 : i32
    %add3A_106 = arith.addi %mul3A_104, %add3A_105 : i32
    %dma_wait3A_107 = arith.constant 0 : i32
    %dma_wait3A_108 = tpu.memref_slice %arg20[%add3A_106, %dma_wait3A_107] : memref<10000x128xf32, #tpu.memory_space<vmem_shared>> -> memref<80x128xf32, #tpu.memory_space<vmem_shared>>
    %dma_wait3A_109 = arith.constant 0 : i32
    %dma_wait3A_110 = tpu.memref_slice %arg20[%add3A_106, %dma_wait3A_109] : memref<10000x128xf32, #tpu.memory_space<vmem_shared>> -> memref<80x128xf32, #tpu.memory_space<vmem_shared>>
    tpu.wait_dma2 semaphore(%arg38 : memref<!tpu.dma_semaphore, #tpu.memory_space<semaphore_mem>>) src(%arg18 : memref<80x128xf32, #tpu.memory_space<vmem>>) dst(%dma_wait3A_110 : memref<80x128xf32, #tpu.memory_space<vmem_shared>>)
    %mul3A_111 = arith.constant 624 : i32
    %mul3A_112 = arith.muli %arg1, %mul3A_111 : i32
    %add3A_113 = arith.constant 240 : i32
    %add3A_114 = arith.addi %mul3A_112, %add3A_113 : i32
    %dma_wait3A_115 = arith.constant 0 : i32
    %dma_wait3A_116 = tpu.memref_slice %arg20[%add3A_114, %dma_wait3A_115] : memref<10000x128xf32, #tpu.memory_space<vmem_shared>> -> memref<80x128xf32, #tpu.memory_space<vmem_shared>>
    %dma_wait3A_117 = arith.constant 0 : i32
    %dma_wait3A_118 = tpu.memref_slice %arg20[%add3A_114, %dma_wait3A_117] : memref<10000x128xf32, #tpu.memory_space<vmem_shared>> -> memref<80x128xf32, #tpu.memory_space<vmem_shared>>
    tpu.wait_dma2 semaphore(%arg38 : memref<!tpu.dma_semaphore, #tpu.memory_space<semaphore_mem>>) src(%arg18 : memref<80x128xf32, #tpu.memory_space<vmem>>) dst(%dma_wait3A_118 : memref<80x128xf32, #tpu.memory_space<vmem_shared>>)
    %mul3A_119 = arith.constant 624 : i32
    %mul3A_120 = arith.muli %arg1, %mul3A_119 : i32
    %add3A_121 = arith.constant 320 : i32
    %add3A_122 = arith.addi %mul3A_120, %add3A_121 : i32
    %dma_wait3A_123 = arith.constant 0 : i32
    %dma_wait3A_124 = tpu.memref_slice %arg20[%add3A_122, %dma_wait3A_123] : memref<10000x128xf32, #tpu.memory_space<vmem_shared>> -> memref<80x128xf32, #tpu.memory_space<vmem_shared>>
    %dma_wait3A_125 = arith.constant 0 : i32
    %dma_wait3A_126 = tpu.memref_slice %arg20[%add3A_122, %dma_wait3A_125] : memref<10000x128xf32, #tpu.memory_space<vmem_shared>> -> memref<80x128xf32, #tpu.memory_space<vmem_shared>>
    tpu.wait_dma2 semaphore(%arg38 : memref<!tpu.dma_semaphore, #tpu.memory_space<semaphore_mem>>) src(%arg18 : memref<80x128xf32, #tpu.memory_space<vmem>>) dst(%dma_wait3A_126 : memref<80x128xf32, #tpu.memory_space<vmem_shared>>)
    %mul3A_127 = arith.constant 624 : i32
    %mul3A_128 = arith.muli %arg1, %mul3A_127 : i32
    %add3A_129 = arith.constant 400 : i32
    %add3A_130 = arith.addi %mul3A_128, %add3A_129 : i32
    %dma_wait3A_131 = arith.constant 0 : i32
    %dma_wait3A_132 = tpu.memref_slice %arg20[%add3A_130, %dma_wait3A_131] : memref<10000x128xf32, #tpu.memory_space<vmem_shared>> -> memref<80x128xf32, #tpu.memory_space<vmem_shared>>
    %dma_wait3A_133 = arith.constant 0 : i32
    %dma_wait3A_134 = tpu.memref_slice %arg20[%add3A_130, %dma_wait3A_133] : memref<10000x128xf32, #tpu.memory_space<vmem_shared>> -> memref<80x128xf32, #tpu.memory_space<vmem_shared>>
    tpu.wait_dma2 semaphore(%arg38 : memref<!tpu.dma_semaphore, #tpu.memory_space<semaphore_mem>>) src(%arg18 : memref<80x128xf32, #tpu.memory_space<vmem>>) dst(%dma_wait3A_134 : memref<80x128xf32, #tpu.memory_space<vmem_shared>>)
    %mul3A_135 = arith.constant 624 : i32
    %mul3A_136 = arith.muli %arg1, %mul3A_135 : i32
    %add3A_137 = arith.constant 480 : i32
    %add3A_138 = arith.addi %mul3A_136, %add3A_137 : i32
    %dma_wait3A_139 = arith.constant 0 : i32
    %dma_wait3A_140 = tpu.memref_slice %arg20[%add3A_138, %dma_wait3A_139] : memref<10000x128xf32, #tpu.memory_space<vmem_shared>> -> memref<80x128xf32, #tpu.memory_space<vmem_shared>>
    %dma_wait3A_141 = arith.constant 0 : i32
    %dma_wait3A_142 = tpu.memref_slice %arg20[%add3A_138, %dma_wait3A_141] : memref<10000x128xf32, #tpu.memory_space<vmem_shared>> -> memref<80x128xf32, #tpu.memory_space<vmem_shared>>
    tpu.wait_dma2 semaphore(%arg38 : memref<!tpu.dma_semaphore, #tpu.memory_space<semaphore_mem>>) src(%arg18 : memref<80x128xf32, #tpu.memory_space<vmem>>) dst(%dma_wait3A_142 : memref<80x128xf32, #tpu.memory_space<vmem_shared>>)
    %mul3A_143 = arith.constant 624 : i32
    %mul3A_144 = arith.muli %arg1, %mul3A_143 : i32
    %add3A_145 = arith.constant 560 : i32
    %add3A_146 = arith.addi %mul3A_144, %add3A_145 : i32
    %dma_wait3A_147 = arith.constant 0 : i32
    %dma_wait3A_148 = arith.constant 0 : i32
    %dma_wait3A_149 = tpu.memref_slice %arg18[%dma_wait3A_147, %dma_wait3A_148] : memref<80x128xf32, #tpu.memory_space<vmem>> -> memref<64x128xf32, #tpu.memory_space<vmem>>
    %dma_wait3A_150 = arith.constant 0 : i32
    %dma_wait3A_151 = tpu.memref_slice %arg20[%add3A_146, %dma_wait3A_150] : memref<10000x128xf32, #tpu.memory_space<vmem_shared>> -> memref<64x128xf32, #tpu.memory_space<vmem_shared>>
    %dma_wait3A_152 = arith.constant 0 : i32
    %dma_wait3A_153 = tpu.memref_slice %arg20[%add3A_146, %dma_wait3A_152] : memref<10000x128xf32, #tpu.memory_space<vmem_shared>> -> memref<64x128xf32, #tpu.memory_space<vmem_shared>>
    %dma_wait3A_154 = arith.constant 0 : i32
    %dma_wait3A_155 = arith.constant 0 : i32
    %dma_wait3A_156 = tpu.memref_slice %arg18[%dma_wait3A_154, %dma_wait3A_155] : memref<80x128xf32, #tpu.memory_space<vmem>> -> memref<64x128xf32, #tpu.memory_space<vmem>>
    tpu.wait_dma2 semaphore(%arg38 : memref<!tpu.dma_semaphore, #tpu.memory_space<semaphore_mem>>) src(%dma_wait3A_156 : memref<64x128xf32, #tpu.memory_space<vmem>>) dst(%dma_wait3A_153 : memref<64x128xf32, #tpu.memory_space<vmem_shared>>)
    %eq3A_157 = arith.constant 0 : i32
    %eq3A_158 = arith.cmpi eq, %arg1, %eq3A_157 : i32
    %convert_element_type3A_159 = arith.extui %eq3A_158 : i1 to i32
    %cond3A_160 = arith.constant 0 : i32
    %cond3A_161 = arith.cmpi ne, %convert_element_type3A_159, %cond3A_160 : i32
    scf.if %cond3A_161 {
      %dma_wait3A_512 = arith.constant 0 : i32
      %dma_wait3A_513 = arith.constant 0 : i32
      %dma_wait3A_514 = tpu.memref_slice %arg18[%dma_wait3A_512, %dma_wait3A_513] : memref<80x128xf32, #tpu.memory_space<vmem>> -> memref<16x128xf32, #tpu.memory_space<vmem>>
      %dma_wait3A_515 = arith.constant 9984 : i32
      %dma_wait3A_516 = arith.constant 0 : i32
      %dma_wait3A_517 = tpu.memref_slice %arg20[%dma_wait3A_515, %dma_wait3A_516] : memref<10000x128xf32, #tpu.memory_space<vmem_shared>> -> memref<16x128xf32, #tpu.memory_space<vmem_shared>>
      %dma_wait3A_518 = arith.constant 9984 : i32
      %dma_wait3A_519 = arith.constant 0 : i32
      %dma_wait3A_520 = tpu.memref_slice %arg20[%dma_wait3A_518, %dma_wait3A_519] : memref<10000x128xf32, #tpu.memory_space<vmem_shared>> -> memref<16x128xf32, #tpu.memory_space<vmem_shared>>
      %dma_wait3A_521 = arith.constant 0 : i32
      %dma_wait3A_522 = arith.constant 0 : i32
      %dma_wait3A_523 = tpu.memref_slice %arg18[%dma_wait3A_521, %dma_wait3A_522] : memref<80x128xf32, #tpu.memory_space<vmem>> -> memref<16x128xf32, #tpu.memory_space<vmem>>
      tpu.wait_dma2 semaphore(%arg38 : memref<!tpu.dma_semaphore, #tpu.memory_space<semaphore_mem>>) src(%dma_wait3A_523 : memref<16x128xf32, #tpu.memory_space<vmem>>) dst(%dma_wait3A_520 : memref<16x128xf32, #tpu.memory_space<vmem_shared>>)
    } else {
    }
    %add3A_162 = arith.constant 0 : i32
    %add3A_163 = arith.addi %mul3A_2, %add3A_162 : i32
    %dma_start3A_164 = arith.constant 0 : i32
    %dma_start3A_165 = arith.constant 0 : i32
    %dma_start3A_166 = tpu.memref_slice %arg3[%add3A_163, %dma_start3A_164, %dma_start3A_165] : memref<4000x2x80xi32, #tpu.memory_space<hbm>> -> memref<1x2x80xi32, #tpu.memory_space<hbm>>
    %dma_start3A_167 = tpu.memref_squeeze %dma_start3A_166 : memref<1x2x80xi32, #tpu.memory_space<hbm>> -> memref<2x80xi32, #tpu.memory_space<hbm>>
    %dma_start3A_168 = arith.constant 0 : i32
    %dma_start3A_169 = arith.constant 0 : i32
    %dma_start3A_170 = tpu.memref_slice %arg3[%add3A_163, %dma_start3A_168, %dma_start3A_169] : memref<4000x2x80xi32, #tpu.memory_space<hbm>> -> memref<1x2x80xi32, #tpu.memory_space<hbm>>
    %dma_start3A_171 = tpu.memref_squeeze %dma_start3A_170 : memref<1x2x80xi32, #tpu.memory_space<hbm>> -> memref<2x80xi32, #tpu.memory_space<hbm>>
    tpu.enqueue_dma source(%dma_start3A_171 : memref<2x80xi32, #tpu.memory_space<hbm>>) target(%arg7 : memref<2x80xi32, #tpu.memory_space<vmem>>) target_semaphore(%arg30 : memref<!tpu.dma_semaphore, #tpu.memory_space<semaphore_mem>>)
    %add3A_172 = arith.constant 1 : i32
    %add3A_173 = arith.addi %mul3A_2, %add3A_172 : i32
    %dma_start3A_174 = arith.constant 0 : i32
    %dma_start3A_175 = arith.constant 0 : i32
    %dma_start3A_176 = tpu.memref_slice %arg3[%add3A_173, %dma_start3A_174, %dma_start3A_175] : memref<4000x2x80xi32, #tpu.memory_space<hbm>> -> memref<1x2x80xi32, #tpu.memory_space<hbm>>
    %dma_start3A_177 = tpu.memref_squeeze %dma_start3A_176 : memref<1x2x80xi32, #tpu.memory_space<hbm>> -> memref<2x80xi32, #tpu.memory_space<hbm>>
    %dma_start3A_178 = arith.constant 0 : i32
    %dma_start3A_179 = arith.constant 0 : i32
    %dma_start3A_180 = tpu.memref_slice %arg3[%add3A_173, %dma_start3A_178, %dma_start3A_179] : memref<4000x2x80xi32, #tpu.memory_space<hbm>> -> memref<1x2x80xi32, #tpu.memory_space<hbm>>
    %dma_start3A_181 = tpu.memref_squeeze %dma_start3A_180 : memref<1x2x80xi32, #tpu.memory_space<hbm>> -> memref<2x80xi32, #tpu.memory_space<hbm>>
    tpu.enqueue_dma source(%dma_start3A_181 : memref<2x80xi32, #tpu.memory_space<hbm>>) target(%arg8 : memref<2x80xi32, #tpu.memory_space<vmem>>) target_semaphore(%arg31 : memref<!tpu.dma_semaphore, #tpu.memory_space<semaphore_mem>>)
    %add3A_182 = arith.constant 2 : i32
    %add3A_183 = arith.addi %mul3A_2, %add3A_182 : i32
    %dma_start3A_184 = arith.constant 0 : i32
    %dma_start3A_185 = arith.constant 0 : i32
    %dma_start3A_186 = tpu.memref_slice %arg3[%add3A_183, %dma_start3A_184, %dma_start3A_185] : memref<4000x2x80xi32, #tpu.memory_space<hbm>> -> memref<1x2x80xi32, #tpu.memory_space<hbm>>
    %dma_start3A_187 = tpu.memref_squeeze %dma_start3A_186 : memref<1x2x80xi32, #tpu.memory_space<hbm>> -> memref<2x80xi32, #tpu.memory_space<hbm>>
    %dma_start3A_188 = arith.constant 0 : i32
    %dma_start3A_189 = arith.constant 0 : i32
    %dma_start3A_190 = tpu.memref_slice %arg3[%add3A_183, %dma_start3A_188, %dma_start3A_189] : memref<4000x2x80xi32, #tpu.memory_space<hbm>> -> memref<1x2x80xi32, #tpu.memory_space<hbm>>
    %dma_start3A_191 = tpu.memref_squeeze %dma_start3A_190 : memref<1x2x80xi32, #tpu.memory_space<hbm>> -> memref<2x80xi32, #tpu.memory_space<hbm>>
    tpu.enqueue_dma source(%dma_start3A_191 : memref<2x80xi32, #tpu.memory_space<hbm>>) target(%arg9 : memref<2x80xi32, #tpu.memory_space<vmem>>) target_semaphore(%arg32 : memref<!tpu.dma_semaphore, #tpu.memory_space<semaphore_mem>>)
    %add3A_192 = arith.constant 3 : i32
    %add3A_193 = arith.addi %mul3A_2, %add3A_192 : i32
    %dma_start3A_194 = arith.constant 0 : i32
    %dma_start3A_195 = arith.constant 0 : i32
    %dma_start3A_196 = tpu.memref_slice %arg3[%add3A_193, %dma_start3A_194, %dma_start3A_195] : memref<4000x2x80xi32, #tpu.memory_space<hbm>> -> memref<1x2x80xi32, #tpu.memory_space<hbm>>
    %dma_start3A_197 = tpu.memref_squeeze %dma_start3A_196 : memref<1x2x80xi32, #tpu.memory_space<hbm>> -> memref<2x80xi32, #tpu.memory_space<hbm>>
    %dma_start3A_198 = arith.constant 0 : i32
    %dma_start3A_199 = arith.constant 0 : i32
    %dma_start3A_200 = tpu.memref_slice %arg3[%add3A_193, %dma_start3A_198, %dma_start3A_199] : memref<4000x2x80xi32, #tpu.memory_space<hbm>> -> memref<1x2x80xi32, #tpu.memory_space<hbm>>
    %dma_start3A_201 = tpu.memref_squeeze %dma_start3A_200 : memref<1x2x80xi32, #tpu.memory_space<hbm>> -> memref<2x80xi32, #tpu.memory_space<hbm>>
    tpu.enqueue_dma source(%dma_start3A_201 : memref<2x80xi32, #tpu.memory_space<hbm>>) target(%arg10 : memref<2x80xi32, #tpu.memory_space<vmem>>) target_semaphore(%arg33 : memref<!tpu.dma_semaphore, #tpu.memory_space<semaphore_mem>>)
    %add3A_202 = arith.constant 4 : i32
    %add3A_203 = arith.addi %mul3A_2, %add3A_202 : i32
    %dma_start3A_204 = arith.constant 0 : i32
    %dma_start3A_205 = arith.constant 0 : i32
    %dma_start3A_206 = tpu.memref_slice %arg3[%add3A_203, %dma_start3A_204, %dma_start3A_205] : memref<4000x2x80xi32, #tpu.memory_space<hbm>> -> memref<1x2x80xi32, #tpu.memory_space<hbm>>
    %dma_start3A_207 = tpu.memref_squeeze %dma_start3A_206 : memref<1x2x80xi32, #tpu.memory_space<hbm>> -> memref<2x80xi32, #tpu.memory_space<hbm>>
    %dma_start3A_208 = arith.constant 0 : i32
    %dma_start3A_209 = arith.constant 0 : i32
    %dma_start3A_210 = tpu.memref_slice %arg3[%add3A_203, %dma_start3A_208, %dma_start3A_209] : memref<4000x2x80xi32, #tpu.memory_space<hbm>> -> memref<1x2x80xi32, #tpu.memory_space<hbm>>
    %dma_start3A_211 = tpu.memref_squeeze %dma_start3A_210 : memref<1x2x80xi32, #tpu.memory_space<hbm>> -> memref<2x80xi32, #tpu.memory_space<hbm>>
    tpu.enqueue_dma source(%dma_start3A_211 : memref<2x80xi32, #tpu.memory_space<hbm>>) target(%arg11 : memref<2x80xi32, #tpu.memory_space<vmem>>) target_semaphore(%arg34 : memref<!tpu.dma_semaphore, #tpu.memory_space<semaphore_mem>>)
    %add3A_212 = arith.constant 0 : i32
    %add3A_213 = arith.addi %mul3A_2, %add3A_212 : i32
    %dma_wait3A_214 = arith.constant 0 : i32
    %dma_wait3A_215 = arith.constant 0 : i32
    %dma_wait3A_216 = tpu.memref_slice %arg3[%add3A_213, %dma_wait3A_214, %dma_wait3A_215] : memref<4000x2x80xi32, #tpu.memory_space<hbm>> -> memref<1x2x80xi32, #tpu.memory_space<hbm>>
    %dma_wait3A_217 = tpu.memref_squeeze %dma_wait3A_216 : memref<1x2x80xi32, #tpu.memory_space<hbm>> -> memref<2x80xi32, #tpu.memory_space<hbm>>
    %dma_wait3A_218 = arith.constant 0 : i32
    %dma_wait3A_219 = arith.constant 0 : i32
    %dma_wait3A_220 = tpu.memref_slice %arg3[%add3A_213, %dma_wait3A_218, %dma_wait3A_219] : memref<4000x2x80xi32, #tpu.memory_space<hbm>> -> memref<1x2x80xi32, #tpu.memory_space<hbm>>
    %dma_wait3A_221 = tpu.memref_squeeze %dma_wait3A_220 : memref<1x2x80xi32, #tpu.memory_space<hbm>> -> memref<2x80xi32, #tpu.memory_space<hbm>>
    tpu.wait_dma2 semaphore(%arg30 : memref<!tpu.dma_semaphore, #tpu.memory_space<semaphore_mem>>) src(%dma_wait3A_221 : memref<2x80xi32, #tpu.memory_space<hbm>>) dst(%arg7 : memref<2x80xi32, #tpu.memory_space<vmem>>)
    %dma_start3A_222 = arith.constant 0 : i32
    %dma_start3A_223 = arith.constant 0 : i32
    %dma_start3A_224 = tpu.memref_slice %arg7[%dma_start3A_222, %dma_start3A_223] : memref<2x80xi32, #tpu.memory_space<vmem>> -> memref<1x80xi32, #tpu.memory_space<vmem>>
    %dma_start3A_225 = tpu.memref_squeeze %dma_start3A_224 : memref<1x80xi32, #tpu.memory_space<vmem>> -> memref<80xi32, #tpu.memory_space<vmem>>
    %dma_start3A_226 = arith.constant 0 : i32
    %dma_start3A_227 = arith.constant 0 : i32
    %dma_start3A_228 = tpu.memref_slice %arg2[%dma_start3A_226, %dma_start3A_227] : memref<10000x128xf32, #tpu.memory_space<hbm>> -> memref<10000x128xf32, #tpu.memory_space<hbm>>
    tpu.enqueue_indirect_dma source(%dma_start3A_228 : memref<10000x128xf32, #tpu.memory_space<hbm>>) target(%arg15 : memref<80x128xf32, #tpu.memory_space<vmem>>) offsets(%dma_start3A_225 : memref<80xi32, #tpu.memory_space<vmem>>) semaphore(%arg22 : memref<!tpu.dma_semaphore, #tpu.memory_space<semaphore_mem>>)
    %add3A_229 = arith.constant 1 : i32
    %add3A_230 = arith.addi %mul3A_2, %add3A_229 : i32
    %dma_wait3A_231 = arith.constant 0 : i32
    %dma_wait3A_232 = arith.constant 0 : i32
    %dma_wait3A_233 = tpu.memref_slice %arg3[%add3A_230, %dma_wait3A_231, %dma_wait3A_232] : memref<4000x2x80xi32, #tpu.memory_space<hbm>> -> memref<1x2x80xi32, #tpu.memory_space<hbm>>
    %dma_wait3A_234 = tpu.memref_squeeze %dma_wait3A_233 : memref<1x2x80xi32, #tpu.memory_space<hbm>> -> memref<2x80xi32, #tpu.memory_space<hbm>>
    %dma_wait3A_235 = arith.constant 0 : i32
    %dma_wait3A_236 = arith.constant 0 : i32
    %dma_wait3A_237 = tpu.memref_slice %arg3[%add3A_230, %dma_wait3A_235, %dma_wait3A_236] : memref<4000x2x80xi32, #tpu.memory_space<hbm>> -> memref<1x2x80xi32, #tpu.memory_space<hbm>>
    %dma_wait3A_238 = tpu.memref_squeeze %dma_wait3A_237 : memref<1x2x80xi32, #tpu.memory_space<hbm>> -> memref<2x80xi32, #tpu.memory_space<hbm>>
    tpu.wait_dma2 semaphore(%arg31 : memref<!tpu.dma_semaphore, #tpu.memory_space<semaphore_mem>>) src(%dma_wait3A_238 : memref<2x80xi32, #tpu.memory_space<hbm>>) dst(%arg8 : memref<2x80xi32, #tpu.memory_space<vmem>>)
    %dma_start3A_239 = arith.constant 0 : i32
    %dma_start3A_240 = arith.constant 0 : i32
    %dma_start3A_241 = tpu.memref_slice %arg8[%dma_start3A_239, %dma_start3A_240] : memref<2x80xi32, #tpu.memory_space<vmem>> -> memref<1x80xi32, #tpu.memory_space<vmem>>
    %dma_start3A_242 = tpu.memref_squeeze %dma_start3A_241 : memref<1x80xi32, #tpu.memory_space<vmem>> -> memref<80xi32, #tpu.memory_space<vmem>>
    %dma_start3A_243 = arith.constant 0 : i32
    %dma_start3A_244 = arith.constant 0 : i32
    %dma_start3A_245 = tpu.memref_slice %arg2[%dma_start3A_243, %dma_start3A_244] : memref<10000x128xf32, #tpu.memory_space<hbm>> -> memref<10000x128xf32, #tpu.memory_space<hbm>>
    tpu.enqueue_indirect_dma source(%dma_start3A_245 : memref<10000x128xf32, #tpu.memory_space<hbm>>) target(%arg16 : memref<80x128xf32, #tpu.memory_space<vmem>>) offsets(%dma_start3A_242 : memref<80xi32, #tpu.memory_space<vmem>>) semaphore(%arg23 : memref<!tpu.dma_semaphore, #tpu.memory_space<semaphore_mem>>)
    %add3A_246 = arith.constant 2 : i32
    %add3A_247 = arith.addi %mul3A_2, %add3A_246 : i32
    %dma_wait3A_248 = arith.constant 0 : i32
    %dma_wait3A_249 = arith.constant 0 : i32
    %dma_wait3A_250 = tpu.memref_slice %arg3[%add3A_247, %dma_wait3A_248, %dma_wait3A_249] : memref<4000x2x80xi32, #tpu.memory_space<hbm>> -> memref<1x2x80xi32, #tpu.memory_space<hbm>>
    %dma_wait3A_251 = tpu.memref_squeeze %dma_wait3A_250 : memref<1x2x80xi32, #tpu.memory_space<hbm>> -> memref<2x80xi32, #tpu.memory_space<hbm>>
    %dma_wait3A_252 = arith.constant 0 : i32
    %dma_wait3A_253 = arith.constant 0 : i32
    %dma_wait3A_254 = tpu.memref_slice %arg3[%add3A_247, %dma_wait3A_252, %dma_wait3A_253] : memref<4000x2x80xi32, #tpu.memory_space<hbm>> -> memref<1x2x80xi32, #tpu.memory_space<hbm>>
    %dma_wait3A_255 = tpu.memref_squeeze %dma_wait3A_254 : memref<1x2x80xi32, #tpu.memory_space<hbm>> -> memref<2x80xi32, #tpu.memory_space<hbm>>
    tpu.wait_dma2 semaphore(%arg32 : memref<!tpu.dma_semaphore, #tpu.memory_space<semaphore_mem>>) src(%dma_wait3A_255 : memref<2x80xi32, #tpu.memory_space<hbm>>) dst(%arg9 : memref<2x80xi32, #tpu.memory_space<vmem>>)
    %dma_start3A_256 = arith.constant 0 : i32
    %dma_start3A_257 = arith.constant 0 : i32
    %dma_start3A_258 = tpu.memref_slice %arg9[%dma_start3A_256, %dma_start3A_257] : memref<2x80xi32, #tpu.memory_space<vmem>> -> memref<1x80xi32, #tpu.memory_space<vmem>>
    %dma_start3A_259 = tpu.memref_squeeze %dma_start3A_258 : memref<1x80xi32, #tpu.memory_space<vmem>> -> memref<80xi32, #tpu.memory_space<vmem>>
    %dma_start3A_260 = arith.constant 0 : i32
    %dma_start3A_261 = arith.constant 0 : i32
    %dma_start3A_262 = tpu.memref_slice %arg2[%dma_start3A_260, %dma_start3A_261] : memref<10000x128xf32, #tpu.memory_space<hbm>> -> memref<10000x128xf32, #tpu.memory_space<hbm>>
    tpu.enqueue_indirect_dma source(%dma_start3A_262 : memref<10000x128xf32, #tpu.memory_space<hbm>>) target(%arg17 : memref<80x128xf32, #tpu.memory_space<vmem>>) offsets(%dma_start3A_259 : memref<80xi32, #tpu.memory_space<vmem>>) semaphore(%arg24 : memref<!tpu.dma_semaphore, #tpu.memory_space<semaphore_mem>>)
    %barrier3A = arith.constant 0 : index
    tpu.barrier barrier_id(%barrier3A)
    %dma_start3A_263 = arith.constant 1 : i32
    %dma_start3A_264 = arith.constant 0 : i32
    %dma_start3A_265 = tpu.memref_slice %arg7[%dma_start3A_263, %dma_start3A_264] : memref<2x80xi32, #tpu.memory_space<vmem>> -> memref<1x80xi32, #tpu.memory_space<vmem>>
    %dma_start3A_266 = tpu.memref_squeeze %dma_start3A_265 : memref<1x80xi32, #tpu.memory_space<vmem>> -> memref<80xi32, #tpu.memory_space<vmem>>
    %dma_start3A_267 = arith.constant 0 : i32
    %dma_start3A_268 = arith.constant 0 : i32
    %dma_start3A_269 = tpu.memref_slice %arg20[%dma_start3A_267, %dma_start3A_268] : memref<10000x128xf32, #tpu.memory_space<vmem_shared>> -> memref<10000x128xf32, #tpu.memory_space<vmem_shared>>
    tpu.enqueue_indirect_dma source(%arg18 : memref<80x128xf32, #tpu.memory_space<vmem>>) target(%dma_start3A_269 : memref<10000x128xf32, #tpu.memory_space<vmem_shared>>) offsets(%dma_start3A_266 : memref<80xi32, #tpu.memory_space<vmem>>) semaphore(%arg29 : memref<!tpu.dma_semaphore, #tpu.memory_space<semaphore_mem>>) {add = true}
    %dma_start3A_270 = arith.constant 0 : i32
    %dma_start3A_271 = arith.constant 1 : i32
    %dma_start3A_272 = arith.constant 0 : i32
    %dma_start3A_273 = tpu.memref_slice %arg18[%dma_start3A_270, %dma_start3A_272] : memref<80x128xf32, #tpu.memory_space<vmem>> -> memref<1x80xf32, #tpu.memory_space<vmem>>
    %dma_start3A_274 = tpu.memref_squeeze %dma_start3A_273 : memref<1x80xf32, #tpu.memory_space<vmem>> -> memref<80xf32, #tpu.memory_space<vmem>>
    %dma_start3A_275 = arith.constant 0 : i32
    %dma_start3A_276 = tpu.memref_slice %arg7[%dma_start3A_271, %dma_start3A_275] : memref<2x80xi32, #tpu.memory_space<vmem>> -> memref<1x80xi32, #tpu.memory_space<vmem>>
    %dma_start3A_277 = tpu.memref_squeeze %dma_start3A_276 : memref<1x80xi32, #tpu.memory_space<vmem>> -> memref<80xi32, #tpu.memory_space<vmem>>
    %dma_start3A_278 = arith.constant 0 : i32
    %dma_start3A_279 = tpu.memref_slice %arg21[%dma_start3A_278] : memref<10000xf32, #tpu.memory_space<vmem_shared>> -> memref<10000xf32, #tpu.memory_space<vmem_shared>>
    tpu.enqueue_indirect_dma source(%dma_start3A_274 : memref<80xf32, #tpu.memory_space<vmem>>) target(%dma_start3A_279 : memref<10000xf32, #tpu.memory_space<vmem_shared>>) offsets(%dma_start3A_277 : memref<80xi32, #tpu.memory_space<vmem>>) semaphore(%arg29 : memref<!tpu.dma_semaphore, #tpu.memory_space<semaphore_mem>>) {add = true}
    %scan3A_280 = arith.constant 0 : i32
    %scan3A_281 = arith.constant 15 : i32
    %scan3A_282 = arith.addi %scan3A_280, %scan3A_281 : i32
    %scan3A_283 = arith.constant 1 : i32
    scf.for %scan3A_512 = %scan3A_280 to %scan3A_282 step %scan3A_283  : i32 {
      %mul3A_513 = arith.constant 8 : i32
      %mul3A_514 = arith.muli %scan3A_512, %mul3A_513 : i32
      %add3A_515 = arith.constant 0 : i32
      %add3A_516 = arith.addi %add3A_515, %mul3A_514 : i32
      %add3A_517 = arith.constant 0 : i32
      %add3A_518 = arith.addi %add3A_516, %add3A_517 : i32
      %dma_wait3A_519 = arith.constant 0 : i32
      %dma_wait3A_520 = arith.constant 0 : i32
      %dma_wait3A_521 = tpu.memref_slice %arg7[%dma_wait3A_519, %dma_wait3A_520] : memref<2x80xi32, #tpu.memory_space<vmem>> -> memref<1x80xi32, #tpu.memory_space<vmem>>
      %dma_wait3A_522 = tpu.memref_squeeze %dma_wait3A_521 : memref<1x80xi32, #tpu.memory_space<vmem>> -> memref<80xi32, #tpu.memory_space<vmem>>
      %dma_wait3A_523 = arith.constant 0 : i32
      %dma_wait3A_524 = arith.constant 0 : i32
      %dma_wait3A_525 = tpu.memref_slice %arg2[%dma_wait3A_523, %dma_wait3A_524] : memref<10000x128xf32, #tpu.memory_space<hbm>> -> memref<10000x128xf32, #tpu.memory_space<hbm>>
      tpu.wait_indirect_dma semaphore(%arg22 : memref<!tpu.dma_semaphore, #tpu.memory_space<semaphore_mem>>) src(%dma_wait3A_525 : memref<10000x128xf32, #tpu.memory_space<hbm>>) dst(%arg15 : memref<80x128xf32, #tpu.memory_space<vmem>>)
      %dma_start3A_526 = arith.constant 1 : i32
      %dma_start3A_527 = arith.constant 0 : i32
      %dma_start3A_528 = tpu.memref_slice %arg7[%dma_start3A_526, %dma_start3A_527] : memref<2x80xi32, #tpu.memory_space<vmem>> -> memref<1x80xi32, #tpu.memory_space<vmem>>
      %dma_start3A_529 = tpu.memref_squeeze %dma_start3A_528 : memref<1x80xi32, #tpu.memory_space<vmem>> -> memref<80xi32, #tpu.memory_space<vmem>>
      %dma_start3A_530 = arith.constant 0 : i32
      %dma_start3A_531 = arith.constant 0 : i32
      %dma_start3A_532 = tpu.memref_slice %arg20[%dma_start3A_530, %dma_start3A_531] : memref<10000x128xf32, #tpu.memory_space<vmem_shared>> -> memref<10000x128xf32, #tpu.memory_space<vmem_shared>>
      tpu.enqueue_indirect_dma source(%arg15 : memref<80x128xf32, #tpu.memory_space<vmem>>) target(%dma_start3A_532 : memref<10000x128xf32, #tpu.memory_space<vmem_shared>>) offsets(%dma_start3A_529 : memref<80xi32, #tpu.memory_space<vmem>>) semaphore(%arg26 : memref<!tpu.dma_semaphore, #tpu.memory_space<semaphore_mem>>) {add = true}
      %dma_start3A_533 = arith.constant 1 : i32
      %dma_start3A_534 = arith.constant 0 : i32
      %dma_start3A_535 = tpu.memref_slice %arg7[%dma_start3A_533, %dma_start3A_534] : memref<2x80xi32, #tpu.memory_space<vmem>> -> memref<1x80xi32, #tpu.memory_space<vmem>>
      %dma_start3A_536 = tpu.memref_squeeze %dma_start3A_535 : memref<1x80xi32, #tpu.memory_space<vmem>> -> memref<80xi32, #tpu.memory_space<vmem>>
      %dma_start3A_537 = arith.constant 0 : i32
      %dma_start3A_538 = tpu.memref_slice %arg21[%dma_start3A_537] : memref<10000xf32, #tpu.memory_space<vmem_shared>> -> memref<10000xf32, #tpu.memory_space<vmem_shared>>
      tpu.enqueue_indirect_dma source(%arg19 : memref<80xf32, #tpu.memory_space<vmem>>) target(%dma_start3A_538 : memref<10000xf32, #tpu.memory_space<vmem_shared>>) offsets(%dma_start3A_536 : memref<80xi32, #tpu.memory_space<vmem>>) semaphore(%arg26 : memref<!tpu.dma_semaphore, #tpu.memory_space<semaphore_mem>>) {add = true}
      %add3A_539 = arith.constant 3 : i32
      %add3A_540 = arith.addi %add3A_518, %add3A_539 : i32
      %add3A_541 = arith.addi %mul3A_2, %add3A_540 : i32
      %dma_wait3A_542 = arith.constant 0 : i32
      %dma_wait3A_543 = arith.constant 0 : i32
      %dma_wait3A_544 = tpu.memref_slice %arg3[%add3A_541, %dma_wait3A_542, %dma_wait3A_543] : memref<4000x2x80xi32, #tpu.memory_space<hbm>> -> memref<1x2x80xi32, #tpu.memory_space<hbm>>
      %dma_wait3A_545 = tpu.memref_squeeze %dma_wait3A_544 : memref<1x2x80xi32, #tpu.memory_space<hbm>> -> memref<2x80xi32, #tpu.memory_space<hbm>>
      %dma_wait3A_546 = arith.constant 0 : i32
      %dma_wait3A_547 = arith.constant 0 : i32
      %dma_wait3A_548 = tpu.memref_slice %arg3[%add3A_541, %dma_wait3A_546, %dma_wait3A_547] : memref<4000x2x80xi32, #tpu.memory_space<hbm>> -> memref<1x2x80xi32, #tpu.memory_space<hbm>>
      %dma_wait3A_549 = tpu.memref_squeeze %dma_wait3A_548 : memref<1x2x80xi32, #tpu.memory_space<hbm>> -> memref<2x80xi32, #tpu.memory_space<hbm>>
      tpu.wait_dma2 semaphore(%arg33 : memref<!tpu.dma_semaphore, #tpu.memory_space<semaphore_mem>>) src(%dma_wait3A_549 : memref<2x80xi32, #tpu.memory_space<hbm>>) dst(%arg10 : memref<2x80xi32, #tpu.memory_space<vmem>>)
      %dma_wait3A_550 = arith.constant 1 : i32
      %dma_wait3A_551 = arith.constant 0 : i32
      %dma_wait3A_552 = tpu.memref_slice %arg10[%dma_wait3A_550, %dma_wait3A_551] : memref<2x80xi32, #tpu.memory_space<vmem>> -> memref<1x80xi32, #tpu.memory_space<vmem>>
      %dma_wait3A_553 = tpu.memref_squeeze %dma_wait3A_552 : memref<1x80xi32, #tpu.memory_space<vmem>> -> memref<80xi32, #tpu.memory_space<vmem>>
      %dma_wait3A_554 = arith.constant 0 : i32
      %dma_wait3A_555 = arith.constant 0 : i32
      %dma_wait3A_556 = tpu.memref_slice %arg20[%dma_wait3A_554, %dma_wait3A_555] : memref<10000x128xf32, #tpu.memory_space<vmem_shared>> -> memref<10000x128xf32, #tpu.memory_space<vmem_shared>>
      tpu.wait_indirect_dma semaphore(%arg29 : memref<!tpu.dma_semaphore, #tpu.memory_space<semaphore_mem>>) src(%arg18 : memref<80x128xf32, #tpu.memory_space<vmem>>) dst(%dma_wait3A_556 : memref<10000x128xf32, #tpu.memory_space<vmem_shared>>)
      %dma_wait3A_557 = arith.constant 1 : i32
      %dma_wait3A_558 = arith.constant 0 : i32
      %dma_wait3A_559 = tpu.memref_slice %arg10[%dma_wait3A_557, %dma_wait3A_558] : memref<2x80xi32, #tpu.memory_space<vmem>> -> memref<1x80xi32, #tpu.memory_space<vmem>>
      %dma_wait3A_560 = tpu.memref_squeeze %dma_wait3A_559 : memref<1x80xi32, #tpu.memory_space<vmem>> -> memref<80xi32, #tpu.memory_space<vmem>>
      %dma_wait3A_561 = arith.constant 0 : i32
      %dma_wait3A_562 = tpu.memref_slice %arg21[%dma_wait3A_561] : memref<10000xf32, #tpu.memory_space<vmem_shared>> -> memref<10000xf32, #tpu.memory_space<vmem_shared>>
      tpu.wait_indirect_dma semaphore(%arg29 : memref<!tpu.dma_semaphore, #tpu.memory_space<semaphore_mem>>) src(%arg19 : memref<80xf32, #tpu.memory_space<vmem>>) dst(%dma_wait3A_562 : memref<10000xf32, #tpu.memory_space<vmem_shared>>)
      %dma_start3A_563 = arith.constant 0 : i32
      %dma_start3A_564 = arith.constant 0 : i32
      %dma_start3A_565 = tpu.memref_slice %arg10[%dma_start3A_563, %dma_start3A_564] : memref<2x80xi32, #tpu.memory_space<vmem>> -> memref<1x80xi32, #tpu.memory_space<vmem>>
      %dma_start3A_566 = tpu.memref_squeeze %dma_start3A_565 : memref<1x80xi32, #tpu.memory_space<vmem>> -> memref<80xi32, #tpu.memory_space<vmem>>
      %dma_start3A_567 = arith.constant 0 : i32
      %dma_start3A_568 = arith.constant 0 : i32
      %dma_start3A_569 = tpu.memref_slice %arg2[%dma_start3A_567, %dma_start3A_568] : memref<10000x128xf32, #tpu.memory_space<hbm>> -> memref<10000x128xf32, #tpu.memory_space<hbm>>
      tpu.enqueue_indirect_dma source(%dma_start3A_569 : memref<10000x128xf32, #tpu.memory_space<hbm>>) target(%arg18 : memref<80x128xf32, #tpu.memory_space<vmem>>) offsets(%dma_start3A_566 : memref<80xi32, #tpu.memory_space<vmem>>) semaphore(%arg25 : memref<!tpu.dma_semaphore, #tpu.memory_space<semaphore_mem>>)
      %add3A_570 = arith.constant 5 : i32
      %add3A_571 = arith.addi %add3A_518, %add3A_570 : i32
      %add3A_572 = arith.addi %mul3A_2, %add3A_571 : i32
      %dma_start3A_573 = arith.constant 0 : i32
      %dma_start3A_574 = arith.constant 0 : i32
      %dma_start3A_575 = tpu.memref_slice %arg3[%add3A_572, %dma_start3A_573, %dma_start3A_574] : memref<4000x2x80xi32, #tpu.memory_space<hbm>> -> memref<1x2x80xi32, #tpu.memory_space<hbm>>
      %dma_start3A_576 = tpu.memref_squeeze %dma_start3A_575 : memref<1x2x80xi32, #tpu.memory_space<hbm>> -> memref<2x80xi32, #tpu.memory_space<hbm>>
      %dma_start3A_577 = arith.constant 0 : i32
      %dma_start3A_578 = arith.constant 0 : i32
      %dma_start3A_579 = tpu.memref_slice %arg3[%add3A_572, %dma_start3A_577, %dma_start3A_578] : memref<4000x2x80xi32, #tpu.memory_space<hbm>> -> memref<1x2x80xi32, #tpu.memory_space<hbm>>
      %dma_start3A_580 = tpu.memref_squeeze %dma_start3A_579 : memref<1x2x80xi32, #tpu.memory_space<hbm>> -> memref<2x80xi32, #tpu.memory_space<hbm>>
      tpu.enqueue_dma source(%dma_start3A_580 : memref<2x80xi32, #tpu.memory_space<hbm>>) target(%arg12 : memref<2x80xi32, #tpu.memory_space<vmem>>) target_semaphore(%arg35 : memref<!tpu.dma_semaphore, #tpu.memory_space<semaphore_mem>>)
      %add3A_581 = arith.constant 1 : i32
      %add3A_582 = arith.addi %add3A_516, %add3A_581 : i32
      %dma_wait3A_583 = arith.constant 0 : i32
      %dma_wait3A_584 = arith.constant 0 : i32
      %dma_wait3A_585 = tpu.memref_slice %arg8[%dma_wait3A_583, %dma_wait3A_584] : memref<2x80xi32, #tpu.memory_space<vmem>> -> memref<1x80xi32, #tpu.memory_space<vmem>>
      %dma_wait3A_586 = tpu.memref_squeeze %dma_wait3A_585 : memref<1x80xi32, #tpu.memory_space<vmem>> -> memref<80xi32, #tpu.memory_space<vmem>>
      %dma_wait3A_587 = arith.constant 0 : i32
      %dma_wait3A_588 = arith.constant 0 : i32
      %dma_wait3A_589 = tpu.memref_slice %arg2[%dma_wait3A_587, %dma_wait3A_588] : memref<10000x128xf32, #tpu.memory_space<hbm>> -> memref<10000x128xf32, #tpu.memory_space<hbm>>
      tpu.wait_indirect_dma semaphore(%arg23 : memref<!tpu.dma_semaphore, #tpu.memory_space<semaphore_mem>>) src(%dma_wait3A_589 : memref<10000x128xf32, #tpu.memory_space<hbm>>) dst(%arg16 : memref<80x128xf32, #tpu.memory_space<vmem>>)
      %dma_start3A_590 = arith.constant 1 : i32
      %dma_start3A_591 = arith.constant 0 : i32
      %dma_start3A_592 = tpu.memref_slice %arg8[%dma_start3A_590, %dma_start3A_591] : memref<2x80xi32, #tpu.memory_space<vmem>> -> memref<1x80xi32, #tpu.memory_space<vmem>>
      %dma_start3A_593 = tpu.memref_squeeze %dma_start3A_592 : memref<1x80xi32, #tpu.memory_space<vmem>> -> memref<80xi32, #tpu.memory_space<vmem>>
      %dma_start3A_594 = arith.constant 0 : i32
      %dma_start3A_595 = arith.constant 0 : i32
      %dma_start3A_596 = tpu.memref_slice %arg20[%dma_start3A_594, %dma_start3A_595] : memref<10000x128xf32, #tpu.memory_space<vmem_shared>> -> memref<10000x128xf32, #tpu.memory_space<vmem_shared>>
      tpu.enqueue_indirect_dma source(%arg16 : memref<80x128xf32, #tpu.memory_space<vmem>>) target(%dma_start3A_596 : memref<10000x128xf32, #tpu.memory_space<vmem_shared>>) offsets(%dma_start3A_593 : memref<80xi32, #tpu.memory_space<vmem>>) semaphore(%arg27 : memref<!tpu.dma_semaphore, #tpu.memory_space<semaphore_mem>>) {add = true}
      %dma_start3A_597 = arith.constant 1 : i32
      %dma_start3A_598 = arith.constant 0 : i32
      %dma_start3A_599 = tpu.memref_slice %arg8[%dma_start3A_597, %dma_start3A_598] : memref<2x80xi32, #tpu.memory_space<vmem>> -> memref<1x80xi32, #tpu.memory_space<vmem>>
      %dma_start3A_600 = tpu.memref_squeeze %dma_start3A_599 : memref<1x80xi32, #tpu.memory_space<vmem>> -> memref<80xi32, #tpu.memory_space<vmem>>
      %dma_start3A_601 = arith.constant 0 : i32
      %dma_start3A_602 = tpu.memref_slice %arg21[%dma_start3A_601] : memref<10000xf32, #tpu.memory_space<vmem_shared>> -> memref<10000xf32, #tpu.memory_space<vmem_shared>>
      tpu.enqueue_indirect_dma source(%arg19 : memref<80xf32, #tpu.memory_space<vmem>>) target(%dma_start3A_602 : memref<10000xf32, #tpu.memory_space<vmem_shared>>) offsets(%dma_start3A_600 : memref<80xi32, #tpu.memory_space<vmem>>) semaphore(%arg27 : memref<!tpu.dma_semaphore, #tpu.memory_space<semaphore_mem>>) {add = true}
      %add3A_603 = arith.constant 3 : i32
      %add3A_604 = arith.addi %add3A_582, %add3A_603 : i32
      %add3A_605 = arith.addi %mul3A_2, %add3A_604 : i32
      %dma_wait3A_606 = arith.constant 0 : i32
      %dma_wait3A_607 = arith.constant 0 : i32
      %dma_wait3A_608 = tpu.memref_slice %arg3[%add3A_605, %dma_wait3A_606, %dma_wait3A_607] : memref<4000x2x80xi32, #tpu.memory_space<hbm>> -> memref<1x2x80xi32, #tpu.memory_space<hbm>>
      %dma_wait3A_609 = tpu.memref_squeeze %dma_wait3A_608 : memref<1x2x80xi32, #tpu.memory_space<hbm>> -> memref<2x80xi32, #tpu.memory_space<hbm>>
      %dma_wait3A_610 = arith.constant 0 : i32
      %dma_wait3A_611 = arith.constant 0 : i32
      %dma_wait3A_612 = tpu.memref_slice %arg3[%add3A_605, %dma_wait3A_610, %dma_wait3A_611] : memref<4000x2x80xi32, #tpu.memory_space<hbm>> -> memref<1x2x80xi32, #tpu.memory_space<hbm>>
      %dma_wait3A_613 = tpu.memref_squeeze %dma_wait3A_612 : memref<1x2x80xi32, #tpu.memory_space<hbm>> -> memref<2x80xi32, #tpu.memory_space<hbm>>
      tpu.wait_dma2 semaphore(%arg34 : memref<!tpu.dma_semaphore, #tpu.memory_space<semaphore_mem>>) src(%dma_wait3A_613 : memref<2x80xi32, #tpu.memory_space<hbm>>) dst(%arg11 : memref<2x80xi32, #tpu.memory_space<vmem>>)
      %dma_wait3A_614 = arith.constant 1 : i32
      %dma_wait3A_615 = arith.constant 0 : i32
      %dma_wait3A_616 = tpu.memref_slice %arg11[%dma_wait3A_614, %dma_wait3A_615] : memref<2x80xi32, #tpu.memory_space<vmem>> -> memref<1x80xi32, #tpu.memory_space<vmem>>
      %dma_wait3A_617 = tpu.memref_squeeze %dma_wait3A_616 : memref<1x80xi32, #tpu.memory_space<vmem>> -> memref<80xi32, #tpu.memory_space<vmem>>
      %dma_wait3A_618 = arith.constant 0 : i32
      %dma_wait3A_619 = arith.constant 0 : i32
      %dma_wait3A_620 = tpu.memref_slice %arg20[%dma_wait3A_618, %dma_wait3A_619] : memref<10000x128xf32, #tpu.memory_space<vmem_shared>> -> memref<10000x128xf32, #tpu.memory_space<vmem_shared>>
      tpu.wait_indirect_dma semaphore(%arg26 : memref<!tpu.dma_semaphore, #tpu.memory_space<semaphore_mem>>) src(%arg15 : memref<80x128xf32, #tpu.memory_space<vmem>>) dst(%dma_wait3A_620 : memref<10000x128xf32, #tpu.memory_space<vmem_shared>>)
      %dma_wait3A_621 = arith.constant 1 : i32
      %dma_wait3A_622 = arith.constant 0 : i32
      %dma_wait3A_623 = tpu.memref_slice %arg11[%dma_wait3A_621, %dma_wait3A_622] : memref<2x80xi32, #tpu.memory_space<vmem>> -> memref<1x80xi32, #tpu.memory_space<vmem>>
      %dma_wait3A_624 = tpu.memref_squeeze %dma_wait3A_623 : memref<1x80xi32, #tpu.memory_space<vmem>> -> memref<80xi32, #tpu.memory_space<vmem>>
      %dma_wait3A_625 = arith.constant 0 : i32
      %dma_wait3A_626 = tpu.memref_slice %arg21[%dma_wait3A_625] : memref<10000xf32, #tpu.memory_space<vmem_shared>> -> memref<10000xf32, #tpu.memory_space<vmem_shared>>
      tpu.wait_indirect_dma semaphore(%arg26 : memref<!tpu.dma_semaphore, #tpu.memory_space<semaphore_mem>>) src(%arg19 : memref<80xf32, #tpu.memory_space<vmem>>) dst(%dma_wait3A_626 : memref<10000xf32, #tpu.memory_space<vmem_shared>>)
      %dma_start3A_627 = arith.constant 0 : i32
      %dma_start3A_628 = arith.constant 0 : i32
      %dma_start3A_629 = tpu.memref_slice %arg11[%dma_start3A_627, %dma_start3A_628] : memref<2x80xi32, #tpu.memory_space<vmem>> -> memref<1x80xi32, #tpu.memory_space<vmem>>
      %dma_start3A_630 = tpu.memref_squeeze %dma_start3A_629 : memref<1x80xi32, #tpu.memory_space<vmem>> -> memref<80xi32, #tpu.memory_space<vmem>>
      %dma_start3A_631 = arith.constant 0 : i32
      %dma_start3A_632 = arith.constant 0 : i32
      %dma_start3A_633 = tpu.memref_slice %arg2[%dma_start3A_631, %dma_start3A_632] : memref<10000x128xf32, #tpu.memory_space<hbm>> -> memref<10000x128xf32, #tpu.memory_space<hbm>>
      tpu.enqueue_indirect_dma source(%dma_start3A_633 : memref<10000x128xf32, #tpu.memory_space<hbm>>) target(%arg15 : memref<80x128xf32, #tpu.memory_space<vmem>>) offsets(%dma_start3A_630 : memref<80xi32, #tpu.memory_space<vmem>>) semaphore(%arg22 : memref<!tpu.dma_semaphore, #tpu.memory_space<semaphore_mem>>)
      %add3A_634 = arith.constant 5 : i32
      %add3A_635 = arith.addi %add3A_582, %add3A_634 : i32
      %add3A_636 = arith.addi %mul3A_2, %add3A_635 : i32
      %dma_start3A_637 = arith.constant 0 : i32
      %dma_start3A_638 = arith.constant 0 : i32
      %dma_start3A_639 = tpu.memref_slice %arg3[%add3A_636, %dma_start3A_637, %dma_start3A_638] : memref<4000x2x80xi32, #tpu.memory_space<hbm>> -> memref<1x2x80xi32, #tpu.memory_space<hbm>>
      %dma_start3A_640 = tpu.memref_squeeze %dma_start3A_639 : memref<1x2x80xi32, #tpu.memory_space<hbm>> -> memref<2x80xi32, #tpu.memory_space<hbm>>
      %dma_start3A_641 = arith.constant 0 : i32
      %dma_start3A_642 = arith.constant 0 : i32
      %dma_start3A_643 = tpu.memref_slice %arg3[%add3A_636, %dma_start3A_641, %dma_start3A_642] : memref<4000x2x80xi32, #tpu.memory_space<hbm>> -> memref<1x2x80xi32, #tpu.memory_space<hbm>>
      %dma_start3A_644 = tpu.memref_squeeze %dma_start3A_643 : memref<1x2x80xi32, #tpu.memory_space<hbm>> -> memref<2x80xi32, #tpu.memory_space<hbm>>
      tpu.enqueue_dma source(%dma_start3A_644 : memref<2x80xi32, #tpu.memory_space<hbm>>) target(%arg13 : memref<2x80xi32, #tpu.memory_space<vmem>>) target_semaphore(%arg36 : memref<!tpu.dma_semaphore, #tpu.memory_space<semaphore_mem>>)
      %add3A_645 = arith.constant 2 : i32
      %add3A_646 = arith.addi %add3A_516, %add3A_645 : i32
      %dma_wait3A_647 = arith.constant 0 : i32
      %dma_wait3A_648 = arith.constant 0 : i32
      %dma_wait3A_649 = tpu.memref_slice %arg9[%dma_wait3A_647, %dma_wait3A_648] : memref<2x80xi32, #tpu.memory_space<vmem>> -> memref<1x80xi32, #tpu.memory_space<vmem>>
      %dma_wait3A_650 = tpu.memref_squeeze %dma_wait3A_649 : memref<1x80xi32, #tpu.memory_space<vmem>> -> memref<80xi32, #tpu.memory_space<vmem>>
      %dma_wait3A_651 = arith.constant 0 : i32
      %dma_wait3A_652 = arith.constant 0 : i32
      %dma_wait3A_653 = tpu.memref_slice %arg2[%dma_wait3A_651, %dma_wait3A_652] : memref<10000x128xf32, #tpu.memory_space<hbm>> -> memref<10000x128xf32, #tpu.memory_space<hbm>>
      tpu.wait_indirect_dma semaphore(%arg24 : memref<!tpu.dma_semaphore, #tpu.memory_space<semaphore_mem>>) src(%dma_wait3A_653 : memref<10000x128xf32, #tpu.memory_space<hbm>>) dst(%arg17 : memref<80x128xf32, #tpu.memory_space<vmem>>)
      %dma_start3A_654 = arith.constant 1 : i32
      %dma_start3A_655 = arith.constant 0 : i32
      %dma_start3A_656 = tpu.memref_slice %arg9[%dma_start3A_654, %dma_start3A_655] : memref<2x80xi32, #tpu.memory_space<vmem>> -> memref<1x80xi32, #tpu.memory_space<vmem>>
      %dma_start3A_657 = tpu.memref_squeeze %dma_start3A_656 : memref<1x80xi32, #tpu.memory_space<vmem>> -> memref<80xi32, #tpu.memory_space<vmem>>
      %dma_start3A_658 = arith.constant 0 : i32
      %dma_start3A_659 = arith.constant 0 : i32
      %dma_start3A_660 = tpu.memref_slice %arg20[%dma_start3A_658, %dma_start3A_659] : memref<10000x128xf32, #tpu.memory_space<vmem_shared>> -> memref<10000x128xf32, #tpu.memory_space<vmem_shared>>
      tpu.enqueue_indirect_dma source(%arg17 : memref<80x128xf32, #tpu.memory_space<vmem>>) target(%dma_start3A_660 : memref<10000x128xf32, #tpu.memory_space<vmem_shared>>) offsets(%dma_start3A_657 : memref<80xi32, #tpu.memory_space<vmem>>) semaphore(%arg28 : memref<!tpu.dma_semaphore, #tpu.memory_space<semaphore_mem>>) {add = true}
      %dma_start3A_661 = arith.constant 1 : i32
      %dma_start3A_662 = arith.constant 0 : i32
      %dma_start3A_663 = tpu.memref_slice %arg9[%dma_start3A_661, %dma_start3A_662] : memref<2x80xi32, #tpu.memory_space<vmem>> -> memref<1x80xi32, #tpu.memory_space<vmem>>
      %dma_start3A_664 = tpu.memref_squeeze %dma_start3A_663 : memref<1x80xi32, #tpu.memory_space<vmem>> -> memref<80xi32, #tpu.memory_space<vmem>>
      %dma_start3A_665 = arith.constant 0 : i32
      %dma_start3A_666 = tpu.memref_slice %arg21[%dma_start3A_665] : memref<10000xf32, #tpu.memory_space<vmem_shared>> -> memref<10000xf32, #tpu.memory_space<vmem_shared>>
      tpu.enqueue_indirect_dma source(%arg19 : memref<80xf32, #tpu.memory_space<vmem>>) target(%dma_start3A_666 : memref<10000xf32, #tpu.memory_space<vmem_shared>>) offsets(%dma_start3A_664 : memref<80xi32, #tpu.memory_space<vmem>>) semaphore(%arg28 : memref<!tpu.dma_semaphore, #tpu.memory_space<semaphore_mem>>) {add = true}
      %add3A_667 = arith.constant 3 : i32
      %add3A_668 = arith.addi %add3A_646, %add3A_667 : i32
      %add3A_669 = arith.addi %mul3A_2, %add3A_668 : i32
      %dma_wait3A_670 = arith.constant 0 : i32
      %dma_wait3A_671 = arith.constant 0 : i32
      %dma_wait3A_672 = tpu.memref_slice %arg3[%add3A_669, %dma_wait3A_670, %dma_wait3A_671] : memref<4000x2x80xi32, #tpu.memory_space<hbm>> -> memref<1x2x80xi32, #tpu.memory_space<hbm>>
      %dma_wait3A_673 = tpu.memref_squeeze %dma_wait3A_672 : memref<1x2x80xi32, #tpu.memory_space<hbm>> -> memref<2x80xi32, #tpu.memory_space<hbm>>
      %dma_wait3A_674 = arith.constant 0 : i32
      %dma_wait3A_675 = arith.constant 0 : i32
      %dma_wait3A_676 = tpu.memref_slice %arg3[%add3A_669, %dma_wait3A_674, %dma_wait3A_675] : memref<4000x2x80xi32, #tpu.memory_space<hbm>> -> memref<1x2x80xi32, #tpu.memory_space<hbm>>
      %dma_wait3A_677 = tpu.memref_squeeze %dma_wait3A_676 : memref<1x2x80xi32, #tpu.memory_space<hbm>> -> memref<2x80xi32, #tpu.memory_space<hbm>>
      tpu.wait_dma2 semaphore(%arg35 : memref<!tpu.dma_semaphore, #tpu.memory_space<semaphore_mem>>) src(%dma_wait3A_677 : memref<2x80xi32, #tpu.memory_space<hbm>>) dst(%arg12 : memref<2x80xi32, #tpu.memory_space<vmem>>)
      %dma_wait3A_678 = arith.constant 1 : i32
      %dma_wait3A_679 = arith.constant 0 : i32
      %dma_wait3A_680 = tpu.memref_slice %arg12[%dma_wait3A_678, %dma_wait3A_679] : memref<2x80xi32, #tpu.memory_space<vmem>> -> memref<1x80xi32, #tpu.memory_space<vmem>>
      %dma_wait3A_681 = tpu.memref_squeeze %dma_wait3A_680 : memref<1x80xi32, #tpu.memory_space<vmem>> -> memref<80xi32, #tpu.memory_space<vmem>>
      %dma_wait3A_682 = arith.constant 0 : i32
      %dma_wait3A_683 = arith.constant 0 : i32
      %dma_wait3A_684 = tpu.memref_slice %arg20[%dma_wait3A_682, %dma_wait3A_683] : memref<10000x128xf32, #tpu.memory_space<vmem_shared>> -> memref<10000x128xf32, #tpu.memory_space<vmem_shared>>
      tpu.wait_indirect_dma semaphore(%arg27 : memref<!tpu.dma_semaphore, #tpu.memory_space<semaphore_mem>>) src(%arg16 : memref<80x128xf32, #tpu.memory_space<vmem>>) dst(%dma_wait3A_684 : memref<10000x128xf32, #tpu.memory_space<vmem_shared>>)
      %dma_wait3A_685 = arith.constant 1 : i32
      %dma_wait3A_686 = arith.constant 0 : i32
      %dma_wait3A_687 = tpu.memref_slice %arg12[%dma_wait3A_685, %dma_wait3A_686] : memref<2x80xi32, #tpu.memory_space<vmem>> -> memref<1x80xi32, #tpu.memory_space<vmem>>
      %dma_wait3A_688 = tpu.memref_squeeze %dma_wait3A_687 : memref<1x80xi32, #tpu.memory_space<vmem>> -> memref<80xi32, #tpu.memory_space<vmem>>
      %dma_wait3A_689 = arith.constant 0 : i32
      %dma_wait3A_690 = tpu.memref_slice %arg21[%dma_wait3A_689] : memref<10000xf32, #tpu.memory_space<vmem_shared>> -> memref<10000xf32, #tpu.memory_space<vmem_shared>>
      tpu.wait_indirect_dma semaphore(%arg27 : memref<!tpu.dma_semaphore, #tpu.memory_space<semaphore_mem>>) src(%arg19 : memref<80xf32, #tpu.memory_space<vmem>>) dst(%dma_wait3A_690 : memref<10000xf32, #tpu.memory_space<vmem_shared>>)
      %dma_start3A_691 = arith.constant 0 : i32
      %dma_start3A_692 = arith.constant 0 : i32
      %dma_start3A_693 = tpu.memref_slice %arg12[%dma_start3A_691, %dma_start3A_692] : memref<2x80xi32, #tpu.memory_space<vmem>> -> memref<1x80xi32, #tpu.memory_space<vmem>>
      %dma_start3A_694 = tpu.memref_squeeze %dma_start3A_693 : memref<1x80xi32, #tpu.memory_space<vmem>> -> memref<80xi32, #tpu.memory_space<vmem>>
      %dma_start3A_695 = arith.constant 0 : i32
      %dma_start3A_696 = arith.constant 0 : i32
      %dma_start3A_697 = tpu.memref_slice %arg2[%dma_start3A_695, %dma_start3A_696] : memref<10000x128xf32, #tpu.memory_space<hbm>> -> memref<10000x128xf32, #tpu.memory_space<hbm>>
      tpu.enqueue_indirect_dma source(%dma_start3A_697 : memref<10000x128xf32, #tpu.memory_space<hbm>>) target(%arg16 : memref<80x128xf32, #tpu.memory_space<vmem>>) offsets(%dma_start3A_694 : memref<80xi32, #tpu.memory_space<vmem>>) semaphore(%arg23 : memref<!tpu.dma_semaphore, #tpu.memory_space<semaphore_mem>>)
      %add3A_698 = arith.constant 5 : i32
      %add3A_699 = arith.addi %add3A_646, %add3A_698 : i32
      %add3A_700 = arith.addi %mul3A_2, %add3A_699 : i32
      %dma_start3A_701 = arith.constant 0 : i32
      %dma_start3A_702 = arith.constant 0 : i32
      %dma_start3A_703 = tpu.memref_slice %arg3[%add3A_700, %dma_start3A_701, %dma_start3A_702] : memref<4000x2x80xi32, #tpu.memory_space<hbm>> -> memref<1x2x80xi32, #tpu.memory_space<hbm>>
      %dma_start3A_704 = tpu.memref_squeeze %dma_start3A_703 : memref<1x2x80xi32, #tpu.memory_space<hbm>> -> memref<2x80xi32, #tpu.memory_space<hbm>>
      %dma_start3A_705 = arith.constant 0 : i32
      %dma_start3A_706 = arith.constant 0 : i32
      %dma_start3A_707 = tpu.memref_slice %arg3[%add3A_700, %dma_start3A_705, %dma_start3A_706] : memref<4000x2x80xi32, #tpu.memory_space<hbm>> -> memref<1x2x80xi32, #tpu.memory_space<hbm>>
      %dma_start3A_708 = tpu.memref_squeeze %dma_start3A_707 : memref<1x2x80xi32, #tpu.memory_space<hbm>> -> memref<2x80xi32, #tpu.memory_space<hbm>>
      tpu.enqueue_dma source(%dma_start3A_708 : memref<2x80xi32, #tpu.memory_space<hbm>>) target(%arg14 : memref<2x80xi32, #tpu.memory_space<vmem>>) target_semaphore(%arg37 : memref<!tpu.dma_semaphore, #tpu.memory_space<semaphore_mem>>)
      %add3A_709 = arith.constant 3 : i32
      %add3A_710 = arith.addi %add3A_516, %add3A_709 : i32
      %dma_wait3A_711 = arith.constant 0 : i32
      %dma_wait3A_712 = arith.constant 0 : i32
      %dma_wait3A_713 = tpu.memref_slice %arg10[%dma_wait3A_711, %dma_wait3A_712] : memref<2x80xi32, #tpu.memory_space<vmem>> -> memref<1x80xi32, #tpu.memory_space<vmem>>
      %dma_wait3A_714 = tpu.memref_squeeze %dma_wait3A_713 : memref<1x80xi32, #tpu.memory_space<vmem>> -> memref<80xi32, #tpu.memory_space<vmem>>
      %dma_wait3A_715 = arith.constant 0 : i32
      %dma_wait3A_716 = arith.constant 0 : i32
      %dma_wait3A_717 = tpu.memref_slice %arg2[%dma_wait3A_715, %dma_wait3A_716] : memref<10000x128xf32, #tpu.memory_space<hbm>> -> memref<10000x128xf32, #tpu.memory_space<hbm>>
      tpu.wait_indirect_dma semaphore(%arg25 : memref<!tpu.dma_semaphore, #tpu.memory_space<semaphore_mem>>) src(%dma_wait3A_717 : memref<10000x128xf32, #tpu.memory_space<hbm>>) dst(%arg18 : memref<80x128xf32, #tpu.memory_space<vmem>>)
      %dma_start3A_718 = arith.constant 1 : i32
      %dma_start3A_719 = arith.constant 0 : i32
      %dma_start3A_720 = tpu.memref_slice %arg10[%dma_start3A_718, %dma_start3A_719] : memref<2x80xi32, #tpu.memory_space<vmem>> -> memref<1x80xi32, #tpu.memory_space<vmem>>
      %dma_start3A_721 = tpu.memref_squeeze %dma_start3A_720 : memref<1x80xi32, #tpu.memory_space<vmem>> -> memref<80xi32, #tpu.memory_space<vmem>>
      %dma_start3A_722 = arith.constant 0 : i32
      %dma_start3A_723 = arith.constant 0 : i32
      %dma_start3A_724 = tpu.memref_slice %arg20[%dma_start3A_722, %dma_start3A_723] : memref<10000x128xf32, #tpu.memory_space<vmem_shared>> -> memref<10000x128xf32, #tpu.memory_space<vmem_shared>>
      tpu.enqueue_indirect_dma source(%arg18 : memref<80x128xf32, #tpu.memory_space<vmem>>) target(%dma_start3A_724 : memref<10000x128xf32, #tpu.memory_space<vmem_shared>>) offsets(%dma_start3A_721 : memref<80xi32, #tpu.memory_space<vmem>>) semaphore(%arg29 : memref<!tpu.dma_semaphore, #tpu.memory_space<semaphore_mem>>) {add = true}
      %dma_start3A_725 = arith.constant 1 : i32
      %dma_start3A_726 = arith.constant 0 : i32
      %dma_start3A_727 = tpu.memref_slice %arg10[%dma_start3A_725, %dma_start3A_726] : memref<2x80xi32, #tpu.memory_space<vmem>> -> memref<1x80xi32, #tpu.memory_space<vmem>>
      %dma_start3A_728 = tpu.memref_squeeze %dma_start3A_727 : memref<1x80xi32, #tpu.memory_space<vmem>> -> memref<80xi32, #tpu.memory_space<vmem>>
      %dma_start3A_729 = arith.constant 0 : i32
      %dma_start3A_730 = tpu.memref_slice %arg21[%dma_start3A_729] : memref<10000xf32, #tpu.memory_space<vmem_shared>> -> memref<10000xf32, #tpu.memory_space<vmem_shared>>
      tpu.enqueue_indirect_dma source(%arg19 : memref<80xf32, #tpu.memory_space<vmem>>) target(%dma_start3A_730 : memref<10000xf32, #tpu.memory_space<vmem_shared>>) offsets(%dma_start3A_728 : memref<80xi32, #tpu.memory_space<vmem>>) semaphore(%arg29 : memref<!tpu.dma_semaphore, #tpu.memory_space<semaphore_mem>>) {add = true}
      %add3A_731 = arith.constant 3 : i32
      %add3A_732 = arith.addi %add3A_710, %add3A_731 : i32
      %add3A_733 = arith.addi %mul3A_2, %add3A_732 : i32
      %dma_wait3A_734 = arith.constant 0 : i32
      %dma_wait3A_735 = arith.constant 0 : i32
      %dma_wait3A_736 = tpu.memref_slice %arg3[%add3A_733, %dma_wait3A_734, %dma_wait3A_735] : memref<4000x2x80xi32, #tpu.memory_space<hbm>> -> memref<1x2x80xi32, #tpu.memory_space<hbm>>
      %dma_wait3A_737 = tpu.memref_squeeze %dma_wait3A_736 : memref<1x2x80xi32, #tpu.memory_space<hbm>> -> memref<2x80xi32, #tpu.memory_space<hbm>>
      %dma_wait3A_738 = arith.constant 0 : i32
      %dma_wait3A_739 = arith.constant 0 : i32
      %dma_wait3A_740 = tpu.memref_slice %arg3[%add3A_733, %dma_wait3A_738, %dma_wait3A_739] : memref<4000x2x80xi32, #tpu.memory_space<hbm>> -> memref<1x2x80xi32, #tpu.memory_space<hbm>>
      %dma_wait3A_741 = tpu.memref_squeeze %dma_wait3A_740 : memref<1x2x80xi32, #tpu.memory_space<hbm>> -> memref<2x80xi32, #tpu.memory_space<hbm>>
      tpu.wait_dma2 semaphore(%arg36 : memref<!tpu.dma_semaphore, #tpu.memory_space<semaphore_mem>>) src(%dma_wait3A_741 : memref<2x80xi32, #tpu.memory_space<hbm>>) dst(%arg13 : memref<2x80xi32, #tpu.memory_space<vmem>>)
      %dma_wait3A_742 = arith.constant 1 : i32
      %dma_wait3A_743 = arith.constant 0 : i32
      %dma_wait3A_744 = tpu.memref_slice %arg13[%dma_wait3A_742, %dma_wait3A_743] : memref<2x80xi32, #tpu.memory_space<vmem>> -> memref<1x80xi32, #tpu.memory_space<vmem>>
      %dma_wait3A_745 = tpu.memref_squeeze %dma_wait3A_744 : memref<1x80xi32, #tpu.memory_space<vmem>> -> memref<80xi32, #tpu.memory_space<vmem>>
      %dma_wait3A_746 = arith.constant 0 : i32
      %dma_wait3A_747 = arith.constant 0 : i32
      %dma_wait3A_748 = tpu.memref_slice %arg20[%dma_wait3A_746, %dma_wait3A_747] : memref<10000x128xf32, #tpu.memory_space<vmem_shared>> -> memref<10000x128xf32, #tpu.memory_space<vmem_shared>>
      tpu.wait_indirect_dma semaphore(%arg28 : memref<!tpu.dma_semaphore, #tpu.memory_space<semaphore_mem>>) src(%arg17 : memref<80x128xf32, #tpu.memory_space<vmem>>) dst(%dma_wait3A_748 : memref<10000x128xf32, #tpu.memory_space<vmem_shared>>)
      %dma_wait3A_749 = arith.constant 1 : i32
      %dma_wait3A_750 = arith.constant 0 : i32
      %dma_wait3A_751 = tpu.memref_slice %arg13[%dma_wait3A_749, %dma_wait3A_750] : memref<2x80xi32, #tpu.memory_space<vmem>> -> memref<1x80xi32, #tpu.memory_space<vmem>>
      %dma_wait3A_752 = tpu.memref_squeeze %dma_wait3A_751 : memref<1x80xi32, #tpu.memory_space<vmem>> -> memref<80xi32, #tpu.memory_space<vmem>>
      %dma_wait3A_753 = arith.constant 0 : i32
      %dma_wait3A_754 = tpu.memref_slice %arg21[%dma_wait3A_753] : memref<10000xf32, #tpu.memory_space<vmem_shared>> -> memref<10000xf32, #tpu.memory_space<vmem_shared>>
      tpu.wait_indirect_dma semaphore(%arg28 : memref<!tpu.dma_semaphore, #tpu.memory_space<semaphore_mem>>) src(%arg19 : memref<80xf32, #tpu.memory_space<vmem>>) dst(%dma_wait3A_754 : memref<10000xf32, #tpu.memory_space<vmem_shared>>)
      %dma_start3A_755 = arith.constant 0 : i32
      %dma_start3A_756 = arith.constant 0 : i32
      %dma_start3A_757 = tpu.memref_slice %arg13[%dma_start3A_755, %dma_start3A_756] : memref<2x80xi32, #tpu.memory_space<vmem>> -> memref<1x80xi32, #tpu.memory_space<vmem>>
      %dma_start3A_758 = tpu.memref_squeeze %dma_start3A_757 : memref<1x80xi32, #tpu.memory_space<vmem>> -> memref<80xi32, #tpu.memory_space<vmem>>
      %dma_start3A_759 = arith.constant 0 : i32
      %dma_start3A_760 = arith.constant 0 : i32
      %dma_start3A_761 = tpu.memref_slice %arg2[%dma_start3A_759, %dma_start3A_760] : memref<10000x128xf32, #tpu.memory_space<hbm>> -> memref<10000x128xf32, #tpu.memory_space<hbm>>
      tpu.enqueue_indirect_dma source(%dma_start3A_761 : memref<10000x128xf32, #tpu.memory_space<hbm>>) target(%arg17 : memref<80x128xf32, #tpu.memory_space<vmem>>) offsets(%dma_start3A_758 : memref<80xi32, #tpu.memory_space<vmem>>) semaphore(%arg24 : memref<!tpu.dma_semaphore, #tpu.memory_space<semaphore_mem>>)
      %add3A_762 = arith.constant 5 : i32
      %add3A_763 = arith.addi %add3A_710, %add3A_762 : i32
      %add3A_764 = arith.addi %mul3A_2, %add3A_763 : i32
      %dma_start3A_765 = arith.constant 0 : i32
      %dma_start3A_766 = arith.constant 0 : i32
      %dma_start3A_767 = tpu.memref_slice %arg3[%add3A_764, %dma_start3A_765, %dma_start3A_766] : memref<4000x2x80xi32, #tpu.memory_space<hbm>> -> memref<1x2x80xi32, #tpu.memory_space<hbm>>
      %dma_start3A_768 = tpu.memref_squeeze %dma_start3A_767 : memref<1x2x80xi32, #tpu.memory_space<hbm>> -> memref<2x80xi32, #tpu.memory_space<hbm>>
      %dma_start3A_769 = arith.constant 0 : i32
      %dma_start3A_770 = arith.constant 0 : i32
      %dma_start3A_771 = tpu.memref_slice %arg3[%add3A_764, %dma_start3A_769, %dma_start3A_770] : memref<4000x2x80xi32, #tpu.memory_space<hbm>> -> memref<1x2x80xi32, #tpu.memory_space<hbm>>
      %dma_start3A_772 = tpu.memref_squeeze %dma_start3A_771 : memref<1x2x80xi32, #tpu.memory_space<hbm>> -> memref<2x80xi32, #tpu.memory_space<hbm>>
      tpu.enqueue_dma source(%dma_start3A_772 : memref<2x80xi32, #tpu.memory_space<hbm>>) target(%arg7 : memref<2x80xi32, #tpu.memory_space<vmem>>) target_semaphore(%arg30 : memref<!tpu.dma_semaphore, #tpu.memory_space<semaphore_mem>>)
      %add3A_773 = arith.constant 4 : i32
      %add3A_774 = arith.addi %add3A_516, %add3A_773 : i32
      %dma_wait3A_775 = arith.constant 0 : i32
      %dma_wait3A_776 = arith.constant 0 : i32
      %dma_wait3A_777 = tpu.memref_slice %arg11[%dma_wait3A_775, %dma_wait3A_776] : memref<2x80xi32, #tpu.memory_space<vmem>> -> memref<1x80xi32, #tpu.memory_space<vmem>>
      %dma_wait3A_778 = tpu.memref_squeeze %dma_wait3A_777 : memref<1x80xi32, #tpu.memory_space<vmem>> -> memref<80xi32, #tpu.memory_space<vmem>>
      %dma_wait3A_779 = arith.constant 0 : i32
      %dma_wait3A_780 = arith.constant 0 : i32
      %dma_wait3A_781 = tpu.memref_slice %arg2[%dma_wait3A_779, %dma_wait3A_780] : memref<10000x128xf32, #tpu.memory_space<hbm>> -> memref<10000x128xf32, #tpu.memory_space<hbm>>
      tpu.wait_indirect_dma semaphore(%arg22 : memref<!tpu.dma_semaphore, #tpu.memory_space<semaphore_mem>>) src(%dma_wait3A_781 : memref<10000x128xf32, #tpu.memory_space<hbm>>) dst(%arg15 : memref<80x128xf32, #tpu.memory_space<vmem>>)
      %dma_start3A_782 = arith.constant 1 : i32
      %dma_start3A_783 = arith.constant 0 : i32
      %dma_start3A_784 = tpu.memref_slice %arg11[%dma_start3A_782, %dma_start3A_783] : memref<2x80xi32, #tpu.memory_space<vmem>> -> memref<1x80xi32, #tpu.memory_space<vmem>>
      %dma_start3A_785 = tpu.memref_squeeze %dma_start3A_784 : memref<1x80xi32, #tpu.memory_space<vmem>> -> memref<80xi32, #tpu.memory_space<vmem>>
      %dma_start3A_786 = arith.constant 0 : i32
      %dma_start3A_787 = arith.constant 0 : i32
      %dma_start3A_788 = tpu.memref_slice %arg20[%dma_start3A_786, %dma_start3A_787] : memref<10000x128xf32, #tpu.memory_space<vmem_shared>> -> memref<10000x128xf32, #tpu.memory_space<vmem_shared>>
      tpu.enqueue_indirect_dma source(%arg15 : memref<80x128xf32, #tpu.memory_space<vmem>>) target(%dma_start3A_788 : memref<10000x128xf32, #tpu.memory_space<vmem_shared>>) offsets(%dma_start3A_785 : memref<80xi32, #tpu.memory_space<vmem>>) semaphore(%arg26 : memref<!tpu.dma_semaphore, #tpu.memory_space<semaphore_mem>>) {add = true}
      %dma_start3A_789 = arith.constant 1 : i32
      %dma_start3A_790 = arith.constant 0 : i32
      %dma_start3A_791 = tpu.memref_slice %arg11[%dma_start3A_789, %dma_start3A_790] : memref<2x80xi32, #tpu.memory_space<vmem>> -> memref<1x80xi32, #tpu.memory_space<vmem>>
      %dma_start3A_792 = tpu.memref_squeeze %dma_start3A_791 : memref<1x80xi32, #tpu.memory_space<vmem>> -> memref<80xi32, #tpu.memory_space<vmem>>
      %dma_start3A_793 = arith.constant 0 : i32
      %dma_start3A_794 = tpu.memref_slice %arg21[%dma_start3A_793] : memref<10000xf32, #tpu.memory_space<vmem_shared>> -> memref<10000xf32, #tpu.memory_space<vmem_shared>>
      tpu.enqueue_indirect_dma source(%arg19 : memref<80xf32, #tpu.memory_space<vmem>>) target(%dma_start3A_794 : memref<10000xf32, #tpu.memory_space<vmem_shared>>) offsets(%dma_start3A_792 : memref<80xi32, #tpu.memory_space<vmem>>) semaphore(%arg26 : memref<!tpu.dma_semaphore, #tpu.memory_space<semaphore_mem>>) {add = true}
      %add3A_795 = arith.constant 3 : i32
      %add3A_796 = arith.addi %add3A_774, %add3A_795 : i32
      %add3A_797 = arith.addi %mul3A_2, %add3A_796 : i32
      %dma_wait3A_798 = arith.constant 0 : i32
      %dma_wait3A_799 = arith.constant 0 : i32
      %dma_wait3A_800 = tpu.memref_slice %arg3[%add3A_797, %dma_wait3A_798, %dma_wait3A_799] : memref<4000x2x80xi32, #tpu.memory_space<hbm>> -> memref<1x2x80xi32, #tpu.memory_space<hbm>>
      %dma_wait3A_801 = tpu.memref_squeeze %dma_wait3A_800 : memref<1x2x80xi32, #tpu.memory_space<hbm>> -> memref<2x80xi32, #tpu.memory_space<hbm>>
      %dma_wait3A_802 = arith.constant 0 : i32
      %dma_wait3A_803 = arith.constant 0 : i32
      %dma_wait3A_804 = tpu.memref_slice %arg3[%add3A_797, %dma_wait3A_802, %dma_wait3A_803] : memref<4000x2x80xi32, #tpu.memory_space<hbm>> -> memref<1x2x80xi32, #tpu.memory_space<hbm>>
      %dma_wait3A_805 = tpu.memref_squeeze %dma_wait3A_804 : memref<1x2x80xi32, #tpu.memory_space<hbm>> -> memref<2x80xi32, #tpu.memory_space<hbm>>
      tpu.wait_dma2 semaphore(%arg37 : memref<!tpu.dma_semaphore, #tpu.memory_space<semaphore_mem>>) src(%dma_wait3A_805 : memref<2x80xi32, #tpu.memory_space<hbm>>) dst(%arg14 : memref<2x80xi32, #tpu.memory_space<vmem>>)
      %dma_wait3A_806 = arith.constant 1 : i32
      %dma_wait3A_807 = arith.constant 0 : i32
      %dma_wait3A_808 = tpu.memref_slice %arg14[%dma_wait3A_806, %dma_wait3A_807] : memref<2x80xi32, #tpu.memory_space<vmem>> -> memref<1x80xi32, #tpu.memory_space<vmem>>
      %dma_wait3A_809 = tpu.memref_squeeze %dma_wait3A_808 : memref<1x80xi32, #tpu.memory_space<vmem>> -> memref<80xi32, #tpu.memory_space<vmem>>
      %dma_wait3A_810 = arith.constant 0 : i32
      %dma_wait3A_811 = arith.constant 0 : i32
      %dma_wait3A_812 = tpu.memref_slice %arg20[%dma_wait3A_810, %dma_wait3A_811] : memref<10000x128xf32, #tpu.memory_space<vmem_shared>> -> memref<10000x128xf32, #tpu.memory_space<vmem_shared>>
      tpu.wait_indirect_dma semaphore(%arg29 : memref<!tpu.dma_semaphore, #tpu.memory_space<semaphore_mem>>) src(%arg18 : memref<80x128xf32, #tpu.memory_space<vmem>>) dst(%dma_wait3A_812 : memref<10000x128xf32, #tpu.memory_space<vmem_shared>>)
      %dma_wait3A_813 = arith.constant 1 : i32
      %dma_wait3A_814 = arith.constant 0 : i32
      %dma_wait3A_815 = tpu.memref_slice %arg14[%dma_wait3A_813, %dma_wait3A_814] : memref<2x80xi32, #tpu.memory_space<vmem>> -> memref<1x80xi32, #tpu.memory_space<vmem>>
      %dma_wait3A_816 = tpu.memref_squeeze %dma_wait3A_815 : memref<1x80xi32, #tpu.memory_space<vmem>> -> memref<80xi32, #tpu.memory_space<vmem>>
      %dma_wait3A_817 = arith.constant 0 : i32
      %dma_wait3A_818 = tpu.memref_slice %arg21[%dma_wait3A_817] : memref<10000xf32, #tpu.memory_space<vmem_shared>> -> memref<10000xf32, #tpu.memory_space<vmem_shared>>
      tpu.wait_indirect_dma semaphore(%arg29 : memref<!tpu.dma_semaphore, #tpu.memory_space<semaphore_mem>>) src(%arg19 : memref<80xf32, #tpu.memory_space<vmem>>) dst(%dma_wait3A_818 : memref<10000xf32, #tpu.memory_space<vmem_shared>>)
      %dma_start3A_819 = arith.constant 0 : i32
      %dma_start3A_820 = arith.constant 0 : i32
      %dma_start3A_821 = tpu.memref_slice %arg14[%dma_start3A_819, %dma_start3A_820] : memref<2x80xi32, #tpu.memory_space<vmem>> -> memref<1x80xi32, #tpu.memory_space<vmem>>
      %dma_start3A_822 = tpu.memref_squeeze %dma_start3A_821 : memref<1x80xi32, #tpu.memory_space<vmem>> -> memref<80xi32, #tpu.memory_space<vmem>>
      %dma_start3A_823 = arith.constant 0 : i32
      %dma_start3A_824 = arith.constant 0 : i32
      %dma_start3A_825 = tpu.memref_slice %arg2[%dma_start3A_823, %dma_start3A_824] : memref<10000x128xf32, #tpu.memory_space<hbm>> -> memref<10000x128xf32, #tpu.memory_space<hbm>>
      tpu.enqueue_indirect_dma source(%dma_start3A_825 : memref<10000x128xf32, #tpu.memory_space<hbm>>) target(%arg18 : memref<80x128xf32, #tpu.memory_space<vmem>>) offsets(%dma_start3A_822 : memref<80xi32, #tpu.memory_space<vmem>>) semaphore(%arg25 : memref<!tpu.dma_semaphore, #tpu.memory_space<semaphore_mem>>)
      %add3A_826 = arith.constant 5 : i32
      %add3A_827 = arith.addi %add3A_774, %add3A_826 : i32
      %add3A_828 = arith.addi %mul3A_2, %add3A_827 : i32
      %dma_start3A_829 = arith.constant 0 : i32
      %dma_start3A_830 = arith.constant 0 : i32
      %dma_start3A_831 = tpu.memref_slice %arg3[%add3A_828, %dma_start3A_829, %dma_start3A_830] : memref<4000x2x80xi32, #tpu.memory_space<hbm>> -> memref<1x2x80xi32, #tpu.memory_space<hbm>>
      %dma_start3A_832 = tpu.memref_squeeze %dma_start3A_831 : memref<1x2x80xi32, #tpu.memory_space<hbm>> -> memref<2x80xi32, #tpu.memory_space<hbm>>
      %dma_start3A_833 = arith.constant 0 : i32
      %dma_start3A_834 = arith.constant 0 : i32
      %dma_start3A_835 = tpu.memref_slice %arg3[%add3A_828, %dma_start3A_833, %dma_start3A_834] : memref<4000x2x80xi32, #tpu.memory_space<hbm>> -> memref<1x2x80xi32, #tpu.memory_space<hbm>>
      %dma_start3A_836 = tpu.memref_squeeze %dma_start3A_835 : memref<1x2x80xi32, #tpu.memory_space<hbm>> -> memref<2x80xi32, #tpu.memory_space<hbm>>
      tpu.enqueue_dma source(%dma_start3A_836 : memref<2x80xi32, #tpu.memory_space<hbm>>) target(%arg8 : memref<2x80xi32, #tpu.memory_space<vmem>>) target_semaphore(%arg31 : memref<!tpu.dma_semaphore, #tpu.memory_space<semaphore_mem>>)
      %add3A_837 = arith.constant 5 : i32
      %add3A_838 = arith.addi %add3A_516, %add3A_837 : i32
      %dma_wait3A_839 = arith.constant 0 : i32
      %dma_wait3A_840 = arith.constant 0 : i32
      %dma_wait3A_841 = tpu.memref_slice %arg12[%dma_wait3A_839, %dma_wait3A_840] : memref<2x80xi32, #tpu.memory_space<vmem>> -> memref<1x80xi32, #tpu.memory_space<vmem>>
      %dma_wait3A_842 = tpu.memref_squeeze %dma_wait3A_841 : memref<1x80xi32, #tpu.memory_space<vmem>> -> memref<80xi32, #tpu.memory_space<vmem>>
      %dma_wait3A_843 = arith.constant 0 : i32
      %dma_wait3A_844 = arith.constant 0 : i32
      %dma_wait3A_845 = tpu.memref_slice %arg2[%dma_wait3A_843, %dma_wait3A_844] : memref<10000x128xf32, #tpu.memory_space<hbm>> -> memref<10000x128xf32, #tpu.memory_space<hbm>>
      tpu.wait_indirect_dma semaphore(%arg23 : memref<!tpu.dma_semaphore, #tpu.memory_space<semaphore_mem>>) src(%dma_wait3A_845 : memref<10000x128xf32, #tpu.memory_space<hbm>>) dst(%arg16 : memref<80x128xf32, #tpu.memory_space<vmem>>)
      %dma_start3A_846 = arith.constant 1 : i32
      %dma_start3A_847 = arith.constant 0 : i32
      %dma_start3A_848 = tpu.memref_slice %arg12[%dma_start3A_846, %dma_start3A_847] : memref<2x80xi32, #tpu.memory_space<vmem>> -> memref<1x80xi32, #tpu.memory_space<vmem>>
      %dma_start3A_849 = tpu.memref_squeeze %dma_start3A_848 : memref<1x80xi32, #tpu.memory_space<vmem>> -> memref<80xi32, #tpu.memory_space<vmem>>
      %dma_start3A_850 = arith.constant 0 : i32
      %dma_start3A_851 = arith.constant 0 : i32
      %dma_start3A_852 = tpu.memref_slice %arg20[%dma_start3A_850, %dma_start3A_851] : memref<10000x128xf32, #tpu.memory_space<vmem_shared>> -> memref<10000x128xf32, #tpu.memory_space<vmem_shared>>
      tpu.enqueue_indirect_dma source(%arg16 : memref<80x128xf32, #tpu.memory_space<vmem>>) target(%dma_start3A_852 : memref<10000x128xf32, #tpu.memory_space<vmem_shared>>) offsets(%dma_start3A_849 : memref<80xi32, #tpu.memory_space<vmem>>) semaphore(%arg27 : memref<!tpu.dma_semaphore, #tpu.memory_space<semaphore_mem>>) {add = true}
      %dma_start3A_853 = arith.constant 1 : i32
      %dma_start3A_854 = arith.constant 0 : i32
      %dma_start3A_855 = tpu.memref_slice %arg12[%dma_start3A_853, %dma_start3A_854] : memref<2x80xi32, #tpu.memory_space<vmem>> -> memref<1x80xi32, #tpu.memory_space<vmem>>
      %dma_start3A_856 = tpu.memref_squeeze %dma_start3A_855 : memref<1x80xi32, #tpu.memory_space<vmem>> -> memref<80xi32, #tpu.memory_space<vmem>>
      %dma_start3A_857 = arith.constant 0 : i32
      %dma_start3A_858 = tpu.memref_slice %arg21[%dma_start3A_857] : memref<10000xf32, #tpu.memory_space<vmem_shared>> -> memref<10000xf32, #tpu.memory_space<vmem_shared>>
      tpu.enqueue_indirect_dma source(%arg19 : memref<80xf32, #tpu.memory_space<vmem>>) target(%dma_start3A_858 : memref<10000xf32, #tpu.memory_space<vmem_shared>>) offsets(%dma_start3A_856 : memref<80xi32, #tpu.memory_space<vmem>>) semaphore(%arg27 : memref<!tpu.dma_semaphore, #tpu.memory_space<semaphore_mem>>) {add = true}
      %add3A_859 = arith.constant 3 : i32
      %add3A_860 = arith.addi %add3A_838, %add3A_859 : i32
      %add3A_861 = arith.addi %mul3A_2, %add3A_860 : i32
      %dma_wait3A_862 = arith.constant 0 : i32
      %dma_wait3A_863 = arith.constant 0 : i32
      %dma_wait3A_864 = tpu.memref_slice %arg3[%add3A_861, %dma_wait3A_862, %dma_wait3A_863] : memref<4000x2x80xi32, #tpu.memory_space<hbm>> -> memref<1x2x80xi32, #tpu.memory_space<hbm>>
      %dma_wait3A_865 = tpu.memref_squeeze %dma_wait3A_864 : memref<1x2x80xi32, #tpu.memory_space<hbm>> -> memref<2x80xi32, #tpu.memory_space<hbm>>
      %dma_wait3A_866 = arith.constant 0 : i32
      %dma_wait3A_867 = arith.constant 0 : i32
      %dma_wait3A_868 = tpu.memref_slice %arg3[%add3A_861, %dma_wait3A_866, %dma_wait3A_867] : memref<4000x2x80xi32, #tpu.memory_space<hbm>> -> memref<1x2x80xi32, #tpu.memory_space<hbm>>
      %dma_wait3A_869 = tpu.memref_squeeze %dma_wait3A_868 : memref<1x2x80xi32, #tpu.memory_space<hbm>> -> memref<2x80xi32, #tpu.memory_space<hbm>>
      tpu.wait_dma2 semaphore(%arg30 : memref<!tpu.dma_semaphore, #tpu.memory_space<semaphore_mem>>) src(%dma_wait3A_869 : memref<2x80xi32, #tpu.memory_space<hbm>>) dst(%arg7 : memref<2x80xi32, #tpu.memory_space<vmem>>)
      %dma_wait3A_870 = arith.constant 1 : i32
      %dma_wait3A_871 = arith.constant 0 : i32
      %dma_wait3A_872 = tpu.memref_slice %arg7[%dma_wait3A_870, %dma_wait3A_871] : memref<2x80xi32, #tpu.memory_space<vmem>> -> memref<1x80xi32, #tpu.memory_space<vmem>>
      %dma_wait3A_873 = tpu.memref_squeeze %dma_wait3A_872 : memref<1x80xi32, #tpu.memory_space<vmem>> -> memref<80xi32, #tpu.memory_space<vmem>>
      %dma_wait3A_874 = arith.constant 0 : i32
      %dma_wait3A_875 = arith.constant 0 : i32
      %dma_wait3A_876 = tpu.memref_slice %arg20[%dma_wait3A_874, %dma_wait3A_875] : memref<10000x128xf32, #tpu.memory_space<vmem_shared>> -> memref<10000x128xf32, #tpu.memory_space<vmem_shared>>
      tpu.wait_indirect_dma semaphore(%arg26 : memref<!tpu.dma_semaphore, #tpu.memory_space<semaphore_mem>>) src(%arg15 : memref<80x128xf32, #tpu.memory_space<vmem>>) dst(%dma_wait3A_876 : memref<10000x128xf32, #tpu.memory_space<vmem_shared>>)
      %dma_wait3A_877 = arith.constant 1 : i32
      %dma_wait3A_878 = arith.constant 0 : i32
      %dma_wait3A_879 = tpu.memref_slice %arg7[%dma_wait3A_877, %dma_wait3A_878] : memref<2x80xi32, #tpu.memory_space<vmem>> -> memref<1x80xi32, #tpu.memory_space<vmem>>
      %dma_wait3A_880 = tpu.memref_squeeze %dma_wait3A_879 : memref<1x80xi32, #tpu.memory_space<vmem>> -> memref<80xi32, #tpu.memory_space<vmem>>
      %dma_wait3A_881 = arith.constant 0 : i32
      %dma_wait3A_882 = tpu.memref_slice %arg21[%dma_wait3A_881] : memref<10000xf32, #tpu.memory_space<vmem_shared>> -> memref<10000xf32, #tpu.memory_space<vmem_shared>>
      tpu.wait_indirect_dma semaphore(%arg26 : memref<!tpu.dma_semaphore, #tpu.memory_space<semaphore_mem>>) src(%arg19 : memref<80xf32, #tpu.memory_space<vmem>>) dst(%dma_wait3A_882 : memref<10000xf32, #tpu.memory_space<vmem_shared>>)
      %dma_start3A_883 = arith.constant 0 : i32
      %dma_start3A_884 = arith.constant 0 : i32
      %dma_start3A_885 = tpu.memref_slice %arg7[%dma_start3A_883, %dma_start3A_884] : memref<2x80xi32, #tpu.memory_space<vmem>> -> memref<1x80xi32, #tpu.memory_space<vmem>>
      %dma_start3A_886 = tpu.memref_squeeze %dma_start3A_885 : memref<1x80xi32, #tpu.memory_space<vmem>> -> memref<80xi32, #tpu.memory_space<vmem>>
      %dma_start3A_887 = arith.constant 0 : i32
      %dma_start3A_888 = arith.constant 0 : i32
      %dma_start3A_889 = tpu.memref_slice %arg2[%dma_start3A_887, %dma_start3A_888] : memref<10000x128xf32, #tpu.memory_space<hbm>> -> memref<10000x128xf32, #tpu.memory_space<hbm>>
      tpu.enqueue_indirect_dma source(%dma_start3A_889 : memref<10000x128xf32, #tpu.memory_space<hbm>>) target(%arg15 : memref<80x128xf32, #tpu.memory_space<vmem>>) offsets(%dma_start3A_886 : memref<80xi32, #tpu.memory_space<vmem>>) semaphore(%arg22 : memref<!tpu.dma_semaphore, #tpu.memory_space<semaphore_mem>>)
      %add3A_890 = arith.constant 5 : i32
      %add3A_891 = arith.addi %add3A_838, %add3A_890 : i32
      %add3A_892 = arith.addi %mul3A_2, %add3A_891 : i32
      %dma_start3A_893 = arith.constant 0 : i32
      %dma_start3A_894 = arith.constant 0 : i32
      %dma_start3A_895 = tpu.memref_slice %arg3[%add3A_892, %dma_start3A_893, %dma_start3A_894] : memref<4000x2x80xi32, #tpu.memory_space<hbm>> -> memref<1x2x80xi32, #tpu.memory_space<hbm>>
      %dma_start3A_896 = tpu.memref_squeeze %dma_start3A_895 : memref<1x2x80xi32, #tpu.memory_space<hbm>> -> memref<2x80xi32, #tpu.memory_space<hbm>>
      %dma_start3A_897 = arith.constant 0 : i32
      %dma_start3A_898 = arith.constant 0 : i32
      %dma_start3A_899 = tpu.memref_slice %arg3[%add3A_892, %dma_start3A_897, %dma_start3A_898] : memref<4000x2x80xi32, #tpu.memory_space<hbm>> -> memref<1x2x80xi32, #tpu.memory_space<hbm>>
      %dma_start3A_900 = tpu.memref_squeeze %dma_start3A_899 : memref<1x2x80xi32, #tpu.memory_space<hbm>> -> memref<2x80xi32, #tpu.memory_space<hbm>>
      tpu.enqueue_dma source(%dma_start3A_900 : memref<2x80xi32, #tpu.memory_space<hbm>>) target(%arg9 : memref<2x80xi32, #tpu.memory_space<vmem>>) target_semaphore(%arg32 : memref<!tpu.dma_semaphore, #tpu.memory_space<semaphore_mem>>)
      %add3A_901 = arith.constant 6 : i32
      %add3A_902 = arith.addi %add3A_516, %add3A_901 : i32
      %dma_wait3A_903 = arith.constant 0 : i32
      %dma_wait3A_904 = arith.constant 0 : i32
      %dma_wait3A_905 = tpu.memref_slice %arg13[%dma_wait3A_903, %dma_wait3A_904] : memref<2x80xi32, #tpu.memory_space<vmem>> -> memref<1x80xi32, #tpu.memory_space<vmem>>
      %dma_wait3A_906 = tpu.memref_squeeze %dma_wait3A_905 : memref<1x80xi32, #tpu.memory_space<vmem>> -> memref<80xi32, #tpu.memory_space<vmem>>
      %dma_wait3A_907 = arith.constant 0 : i32
      %dma_wait3A_908 = arith.constant 0 : i32
      %dma_wait3A_909 = tpu.memref_slice %arg2[%dma_wait3A_907, %dma_wait3A_908] : memref<10000x128xf32, #tpu.memory_space<hbm>> -> memref<10000x128xf32, #tpu.memory_space<hbm>>
      tpu.wait_indirect_dma semaphore(%arg24 : memref<!tpu.dma_semaphore, #tpu.memory_space<semaphore_mem>>) src(%dma_wait3A_909 : memref<10000x128xf32, #tpu.memory_space<hbm>>) dst(%arg17 : memref<80x128xf32, #tpu.memory_space<vmem>>)
      %dma_start3A_910 = arith.constant 1 : i32
      %dma_start3A_911 = arith.constant 0 : i32
      %dma_start3A_912 = tpu.memref_slice %arg13[%dma_start3A_910, %dma_start3A_911] : memref<2x80xi32, #tpu.memory_space<vmem>> -> memref<1x80xi32, #tpu.memory_space<vmem>>
      %dma_start3A_913 = tpu.memref_squeeze %dma_start3A_912 : memref<1x80xi32, #tpu.memory_space<vmem>> -> memref<80xi32, #tpu.memory_space<vmem>>
      %dma_start3A_914 = arith.constant 0 : i32
      %dma_start3A_915 = arith.constant 0 : i32
      %dma_start3A_916 = tpu.memref_slice %arg20[%dma_start3A_914, %dma_start3A_915] : memref<10000x128xf32, #tpu.memory_space<vmem_shared>> -> memref<10000x128xf32, #tpu.memory_space<vmem_shared>>
      tpu.enqueue_indirect_dma source(%arg17 : memref<80x128xf32, #tpu.memory_space<vmem>>) target(%dma_start3A_916 : memref<10000x128xf32, #tpu.memory_space<vmem_shared>>) offsets(%dma_start3A_913 : memref<80xi32, #tpu.memory_space<vmem>>) semaphore(%arg28 : memref<!tpu.dma_semaphore, #tpu.memory_space<semaphore_mem>>) {add = true}
      %dma_start3A_917 = arith.constant 1 : i32
      %dma_start3A_918 = arith.constant 0 : i32
      %dma_start3A_919 = tpu.memref_slice %arg13[%dma_start3A_917, %dma_start3A_918] : memref<2x80xi32, #tpu.memory_space<vmem>> -> memref<1x80xi32, #tpu.memory_space<vmem>>
      %dma_start3A_920 = tpu.memref_squeeze %dma_start3A_919 : memref<1x80xi32, #tpu.memory_space<vmem>> -> memref<80xi32, #tpu.memory_space<vmem>>
      %dma_start3A_921 = arith.constant 0 : i32
      %dma_start3A_922 = tpu.memref_slice %arg21[%dma_start3A_921] : memref<10000xf32, #tpu.memory_space<vmem_shared>> -> memref<10000xf32, #tpu.memory_space<vmem_shared>>
      tpu.enqueue_indirect_dma source(%arg19 : memref<80xf32, #tpu.memory_space<vmem>>) target(%dma_start3A_922 : memref<10000xf32, #tpu.memory_space<vmem_shared>>) offsets(%dma_start3A_920 : memref<80xi32, #tpu.memory_space<vmem>>) semaphore(%arg28 : memref<!tpu.dma_semaphore, #tpu.memory_space<semaphore_mem>>) {add = true}
      %add3A_923 = arith.constant 3 : i32
      %add3A_924 = arith.addi %add3A_902, %add3A_923 : i32
      %add3A_925 = arith.addi %mul3A_2, %add3A_924 : i32
      %dma_wait3A_926 = arith.constant 0 : i32
      %dma_wait3A_927 = arith.constant 0 : i32
      %dma_wait3A_928 = tpu.memref_slice %arg3[%add3A_925, %dma_wait3A_926, %dma_wait3A_927] : memref<4000x2x80xi32, #tpu.memory_space<hbm>> -> memref<1x2x80xi32, #tpu.memory_space<hbm>>
      %dma_wait3A_929 = tpu.memref_squeeze %dma_wait3A_928 : memref<1x2x80xi32, #tpu.memory_space<hbm>> -> memref<2x80xi32, #tpu.memory_space<hbm>>
      %dma_wait3A_930 = arith.constant 0 : i32
      %dma_wait3A_931 = arith.constant 0 : i32
      %dma_wait3A_932 = tpu.memref_slice %arg3[%add3A_925, %dma_wait3A_930, %dma_wait3A_931] : memref<4000x2x80xi32, #tpu.memory_space<hbm>> -> memref<1x2x80xi32, #tpu.memory_space<hbm>>
      %dma_wait3A_933 = tpu.memref_squeeze %dma_wait3A_932 : memref<1x2x80xi32, #tpu.memory_space<hbm>> -> memref<2x80xi32, #tpu.memory_space<hbm>>
      tpu.wait_dma2 semaphore(%arg31 : memref<!tpu.dma_semaphore, #tpu.memory_space<semaphore_mem>>) src(%dma_wait3A_933 : memref<2x80xi32, #tpu.memory_space<hbm>>) dst(%arg8 : memref<2x80xi32, #tpu.memory_space<vmem>>)
      %dma_wait3A_934 = arith.constant 1 : i32
      %dma_wait3A_935 = arith.constant 0 : i32
      %dma_wait3A_936 = tpu.memref_slice %arg8[%dma_wait3A_934, %dma_wait3A_935] : memref<2x80xi32, #tpu.memory_space<vmem>> -> memref<1x80xi32, #tpu.memory_space<vmem>>
      %dma_wait3A_937 = tpu.memref_squeeze %dma_wait3A_936 : memref<1x80xi32, #tpu.memory_space<vmem>> -> memref<80xi32, #tpu.memory_space<vmem>>
      %dma_wait3A_938 = arith.constant 0 : i32
      %dma_wait3A_939 = arith.constant 0 : i32
      %dma_wait3A_940 = tpu.memref_slice %arg20[%dma_wait3A_938, %dma_wait3A_939] : memref<10000x128xf32, #tpu.memory_space<vmem_shared>> -> memref<10000x128xf32, #tpu.memory_space<vmem_shared>>
      tpu.wait_indirect_dma semaphore(%arg27 : memref<!tpu.dma_semaphore, #tpu.memory_space<semaphore_mem>>) src(%arg16 : memref<80x128xf32, #tpu.memory_space<vmem>>) dst(%dma_wait3A_940 : memref<10000x128xf32, #tpu.memory_space<vmem_shared>>)
      %dma_wait3A_941 = arith.constant 1 : i32
      %dma_wait3A_942 = arith.constant 0 : i32
      %dma_wait3A_943 = tpu.memref_slice %arg8[%dma_wait3A_941, %dma_wait3A_942] : memref<2x80xi32, #tpu.memory_space<vmem>> -> memref<1x80xi32, #tpu.memory_space<vmem>>
      %dma_wait3A_944 = tpu.memref_squeeze %dma_wait3A_943 : memref<1x80xi32, #tpu.memory_space<vmem>> -> memref<80xi32, #tpu.memory_space<vmem>>
      %dma_wait3A_945 = arith.constant 0 : i32
      %dma_wait3A_946 = tpu.memref_slice %arg21[%dma_wait3A_945] : memref<10000xf32, #tpu.memory_space<vmem_shared>> -> memref<10000xf32, #tpu.memory_space<vmem_shared>>
      tpu.wait_indirect_dma semaphore(%arg27 : memref<!tpu.dma_semaphore, #tpu.memory_space<semaphore_mem>>) src(%arg19 : memref<80xf32, #tpu.memory_space<vmem>>) dst(%dma_wait3A_946 : memref<10000xf32, #tpu.memory_space<vmem_shared>>)
      %dma_start3A_947 = arith.constant 0 : i32
      %dma_start3A_948 = arith.constant 0 : i32
      %dma_start3A_949 = tpu.memref_slice %arg8[%dma_start3A_947, %dma_start3A_948] : memref<2x80xi32, #tpu.memory_space<vmem>> -> memref<1x80xi32, #tpu.memory_space<vmem>>
      %dma_start3A_950 = tpu.memref_squeeze %dma_start3A_949 : memref<1x80xi32, #tpu.memory_space<vmem>> -> memref<80xi32, #tpu.memory_space<vmem>>
      %dma_start3A_951 = arith.constant 0 : i32
      %dma_start3A_952 = arith.constant 0 : i32
      %dma_start3A_953 = tpu.memref_slice %arg2[%dma_start3A_951, %dma_start3A_952] : memref<10000x128xf32, #tpu.memory_space<hbm>> -> memref<10000x128xf32, #tpu.memory_space<hbm>>
      tpu.enqueue_indirect_dma source(%dma_start3A_953 : memref<10000x128xf32, #tpu.memory_space<hbm>>) target(%arg16 : memref<80x128xf32, #tpu.memory_space<vmem>>) offsets(%dma_start3A_950 : memref<80xi32, #tpu.memory_space<vmem>>) semaphore(%arg23 : memref<!tpu.dma_semaphore, #tpu.memory_space<semaphore_mem>>)
      %add3A_954 = arith.constant 5 : i32
      %add3A_955 = arith.addi %add3A_902, %add3A_954 : i32
      %add3A_956 = arith.addi %mul3A_2, %add3A_955 : i32
      %dma_start3A_957 = arith.constant 0 : i32
      %dma_start3A_958 = arith.constant 0 : i32
      %dma_start3A_959 = tpu.memref_slice %arg3[%add3A_956, %dma_start3A_957, %dma_start3A_958] : memref<4000x2x80xi32, #tpu.memory_space<hbm>> -> memref<1x2x80xi32, #tpu.memory_space<hbm>>
      %dma_start3A_960 = tpu.memref_squeeze %dma_start3A_959 : memref<1x2x80xi32, #tpu.memory_space<hbm>> -> memref<2x80xi32, #tpu.memory_space<hbm>>
      %dma_start3A_961 = arith.constant 0 : i32
      %dma_start3A_962 = arith.constant 0 : i32
      %dma_start3A_963 = tpu.memref_slice %arg3[%add3A_956, %dma_start3A_961, %dma_start3A_962] : memref<4000x2x80xi32, #tpu.memory_space<hbm>> -> memref<1x2x80xi32, #tpu.memory_space<hbm>>
      %dma_start3A_964 = tpu.memref_squeeze %dma_start3A_963 : memref<1x2x80xi32, #tpu.memory_space<hbm>> -> memref<2x80xi32, #tpu.memory_space<hbm>>
      tpu.enqueue_dma source(%dma_start3A_964 : memref<2x80xi32, #tpu.memory_space<hbm>>) target(%arg10 : memref<2x80xi32, #tpu.memory_space<vmem>>) target_semaphore(%arg33 : memref<!tpu.dma_semaphore, #tpu.memory_space<semaphore_mem>>)
      %add3A_965 = arith.constant 7 : i32
      %add3A_966 = arith.addi %add3A_516, %add3A_965 : i32
      %dma_wait3A_967 = arith.constant 0 : i32
      %dma_wait3A_968 = arith.constant 0 : i32
      %dma_wait3A_969 = tpu.memref_slice %arg14[%dma_wait3A_967, %dma_wait3A_968] : memref<2x80xi32, #tpu.memory_space<vmem>> -> memref<1x80xi32, #tpu.memory_space<vmem>>
      %dma_wait3A_970 = tpu.memref_squeeze %dma_wait3A_969 : memref<1x80xi32, #tpu.memory_space<vmem>> -> memref<80xi32, #tpu.memory_space<vmem>>
      %dma_wait3A_971 = arith.constant 0 : i32
      %dma_wait3A_972 = arith.constant 0 : i32
      %dma_wait3A_973 = tpu.memref_slice %arg2[%dma_wait3A_971, %dma_wait3A_972] : memref<10000x128xf32, #tpu.memory_space<hbm>> -> memref<10000x128xf32, #tpu.memory_space<hbm>>
      tpu.wait_indirect_dma semaphore(%arg25 : memref<!tpu.dma_semaphore, #tpu.memory_space<semaphore_mem>>) src(%dma_wait3A_973 : memref<10000x128xf32, #tpu.memory_space<hbm>>) dst(%arg18 : memref<80x128xf32, #tpu.memory_space<vmem>>)
      %dma_start3A_974 = arith.constant 1 : i32
      %dma_start3A_975 = arith.constant 0 : i32
      %dma_start3A_976 = tpu.memref_slice %arg14[%dma_start3A_974, %dma_start3A_975] : memref<2x80xi32, #tpu.memory_space<vmem>> -> memref<1x80xi32, #tpu.memory_space<vmem>>
      %dma_start3A_977 = tpu.memref_squeeze %dma_start3A_976 : memref<1x80xi32, #tpu.memory_space<vmem>> -> memref<80xi32, #tpu.memory_space<vmem>>
      %dma_start3A_978 = arith.constant 0 : i32
      %dma_start3A_979 = arith.constant 0 : i32
      %dma_start3A_980 = tpu.memref_slice %arg20[%dma_start3A_978, %dma_start3A_979] : memref<10000x128xf32, #tpu.memory_space<vmem_shared>> -> memref<10000x128xf32, #tpu.memory_space<vmem_shared>>
      tpu.enqueue_indirect_dma source(%arg18 : memref<80x128xf32, #tpu.memory_space<vmem>>) target(%dma_start3A_980 : memref<10000x128xf32, #tpu.memory_space<vmem_shared>>) offsets(%dma_start3A_977 : memref<80xi32, #tpu.memory_space<vmem>>) semaphore(%arg29 : memref<!tpu.dma_semaphore, #tpu.memory_space<semaphore_mem>>) {add = true}
      %dma_start3A_981 = arith.constant 1 : i32
      %dma_start3A_982 = arith.constant 0 : i32
      %dma_start3A_983 = tpu.memref_slice %arg14[%dma_start3A_981, %dma_start3A_982] : memref<2x80xi32, #tpu.memory_space<vmem>> -> memref<1x80xi32, #tpu.memory_space<vmem>>
      %dma_start3A_984 = tpu.memref_squeeze %dma_start3A_983 : memref<1x80xi32, #tpu.memory_space<vmem>> -> memref<80xi32, #tpu.memory_space<vmem>>
      %dma_start3A_985 = arith.constant 0 : i32
      %dma_start3A_986 = tpu.memref_slice %arg21[%dma_start3A_985] : memref<10000xf32, #tpu.memory_space<vmem_shared>> -> memref<10000xf32, #tpu.memory_space<vmem_shared>>
      tpu.enqueue_indirect_dma source(%arg19 : memref<80xf32, #tpu.memory_space<vmem>>) target(%dma_start3A_986 : memref<10000xf32, #tpu.memory_space<vmem_shared>>) offsets(%dma_start3A_984 : memref<80xi32, #tpu.memory_space<vmem>>) semaphore(%arg29 : memref<!tpu.dma_semaphore, #tpu.memory_space<semaphore_mem>>) {add = true}
      %add3A_987 = arith.constant 3 : i32
      %add3A_988 = arith.addi %add3A_966, %add3A_987 : i32
      %add3A_989 = arith.addi %mul3A_2, %add3A_988 : i32
      %dma_wait3A_990 = arith.constant 0 : i32
      %dma_wait3A_991 = arith.constant 0 : i32
      %dma_wait3A_992 = tpu.memref_slice %arg3[%add3A_989, %dma_wait3A_990, %dma_wait3A_991] : memref<4000x2x80xi32, #tpu.memory_space<hbm>> -> memref<1x2x80xi32, #tpu.memory_space<hbm>>
      %dma_wait3A_993 = tpu.memref_squeeze %dma_wait3A_992 : memref<1x2x80xi32, #tpu.memory_space<hbm>> -> memref<2x80xi32, #tpu.memory_space<hbm>>
      %dma_wait3A_994 = arith.constant 0 : i32
      %dma_wait3A_995 = arith.constant 0 : i32
      %dma_wait3A_996 = tpu.memref_slice %arg3[%add3A_989, %dma_wait3A_994, %dma_wait3A_995] : memref<4000x2x80xi32, #tpu.memory_space<hbm>> -> memref<1x2x80xi32, #tpu.memory_space<hbm>>
      %dma_wait3A_997 = tpu.memref_squeeze %dma_wait3A_996 : memref<1x2x80xi32, #tpu.memory_space<hbm>> -> memref<2x80xi32, #tpu.memory_space<hbm>>
      tpu.wait_dma2 semaphore(%arg32 : memref<!tpu.dma_semaphore, #tpu.memory_space<semaphore_mem>>) src(%dma_wait3A_997 : memref<2x80xi32, #tpu.memory_space<hbm>>) dst(%arg9 : memref<2x80xi32, #tpu.memory_space<vmem>>)
      %dma_wait3A_998 = arith.constant 1 : i32
      %dma_wait3A_999 = arith.constant 0 : i32
      %dma_wait3A_1000 = tpu.memref_slice %arg9[%dma_wait3A_998, %dma_wait3A_999] : memref<2x80xi32, #tpu.memory_space<vmem>> -> memref<1x80xi32, #tpu.memory_space<vmem>>
      %dma_wait3A_1001 = tpu.memref_squeeze %dma_wait3A_1000 : memref<1x80xi32, #tpu.memory_space<vmem>> -> memref<80xi32, #tpu.memory_space<vmem>>
      %dma_wait3A_1002 = arith.constant 0 : i32
      %dma_wait3A_1003 = arith.constant 0 : i32
      %dma_wait3A_1004 = tpu.memref_slice %arg20[%dma_wait3A_1002, %dma_wait3A_1003] : memref<10000x128xf32, #tpu.memory_space<vmem_shared>> -> memref<10000x128xf32, #tpu.memory_space<vmem_shared>>
      tpu.wait_indirect_dma semaphore(%arg28 : memref<!tpu.dma_semaphore, #tpu.memory_space<semaphore_mem>>) src(%arg17 : memref<80x128xf32, #tpu.memory_space<vmem>>) dst(%dma_wait3A_1004 : memref<10000x128xf32, #tpu.memory_space<vmem_shared>>)
      %dma_wait3A_1005 = arith.constant 1 : i32
      %dma_wait3A_1006 = arith.constant 0 : i32
      %dma_wait3A_1007 = tpu.memref_slice %arg9[%dma_wait3A_1005, %dma_wait3A_1006] : memref<2x80xi32, #tpu.memory_space<vmem>> -> memref<1x80xi32, #tpu.memory_space<vmem>>
      %dma_wait3A_1008 = tpu.memref_squeeze %dma_wait3A_1007 : memref<1x80xi32, #tpu.memory_space<vmem>> -> memref<80xi32, #tpu.memory_space<vmem>>
      %dma_wait3A_1009 = arith.constant 0 : i32
      %dma_wait3A_1010 = tpu.memref_slice %arg21[%dma_wait3A_1009] : memref<10000xf32, #tpu.memory_space<vmem_shared>> -> memref<10000xf32, #tpu.memory_space<vmem_shared>>
      tpu.wait_indirect_dma semaphore(%arg28 : memref<!tpu.dma_semaphore, #tpu.memory_space<semaphore_mem>>) src(%arg19 : memref<80xf32, #tpu.memory_space<vmem>>) dst(%dma_wait3A_1010 : memref<10000xf32, #tpu.memory_space<vmem_shared>>)
      %dma_start3A_1011 = arith.constant 0 : i32
      %dma_start3A_1012 = arith.constant 0 : i32
      %dma_start3A_1013 = tpu.memref_slice %arg9[%dma_start3A_1011, %dma_start3A_1012] : memref<2x80xi32, #tpu.memory_space<vmem>> -> memref<1x80xi32, #tpu.memory_space<vmem>>
      %dma_start3A_1014 = tpu.memref_squeeze %dma_start3A_1013 : memref<1x80xi32, #tpu.memory_space<vmem>> -> memref<80xi32, #tpu.memory_space<vmem>>
      %dma_start3A_1015 = arith.constant 0 : i32
      %dma_start3A_1016 = arith.constant 0 : i32
      %dma_start3A_1017 = tpu.memref_slice %arg2[%dma_start3A_1015, %dma_start3A_1016] : memref<10000x128xf32, #tpu.memory_space<hbm>> -> memref<10000x128xf32, #tpu.memory_space<hbm>>
      tpu.enqueue_indirect_dma source(%dma_start3A_1017 : memref<10000x128xf32, #tpu.memory_space<hbm>>) target(%arg17 : memref<80x128xf32, #tpu.memory_space<vmem>>) offsets(%dma_start3A_1014 : memref<80xi32, #tpu.memory_space<vmem>>) semaphore(%arg24 : memref<!tpu.dma_semaphore, #tpu.memory_space<semaphore_mem>>)
      %add3A_1018 = arith.constant 5 : i32
      %add3A_1019 = arith.addi %add3A_966, %add3A_1018 : i32
      %add3A_1020 = arith.addi %mul3A_2, %add3A_1019 : i32
      %dma_start3A_1021 = arith.constant 0 : i32
      %dma_start3A_1022 = arith.constant 0 : i32
      %dma_start3A_1023 = tpu.memref_slice %arg3[%add3A_1020, %dma_start3A_1021, %dma_start3A_1022] : memref<4000x2x80xi32, #tpu.memory_space<hbm>> -> memref<1x2x80xi32, #tpu.memory_space<hbm>>
      %dma_start3A_1024 = tpu.memref_squeeze %dma_start3A_1023 : memref<1x2x80xi32, #tpu.memory_space<hbm>> -> memref<2x80xi32, #tpu.memory_space<hbm>>
      %dma_start3A_1025 = arith.constant 0 : i32
      %dma_start3A_1026 = arith.constant 0 : i32
      %dma_start3A_1027 = tpu.memref_slice %arg3[%add3A_1020, %dma_start3A_1025, %dma_start3A_1026] : memref<4000x2x80xi32, #tpu.memory_space<hbm>> -> memref<1x2x80xi32, #tpu.memory_space<hbm>>
      %dma_start3A_1028 = tpu.memref_squeeze %dma_start3A_1027 : memref<1x2x80xi32, #tpu.memory_space<hbm>> -> memref<2x80xi32, #tpu.memory_space<hbm>>
      tpu.enqueue_dma source(%dma_start3A_1028 : memref<2x80xi32, #tpu.memory_space<hbm>>) target(%arg11 : memref<2x80xi32, #tpu.memory_space<vmem>>) target_semaphore(%arg34 : memref<!tpu.dma_semaphore, #tpu.memory_space<semaphore_mem>>)
    }
    %scan3A_284 = arith.constant 15 : i32
    %dma_wait3A_285 = arith.constant 0 : i32
    %dma_wait3A_286 = arith.constant 0 : i32
    %dma_wait3A_287 = tpu.memref_slice %arg7[%dma_wait3A_285, %dma_wait3A_286] : memref<2x80xi32, #tpu.memory_space<vmem>> -> memref<1x80xi32, #tpu.memory_space<vmem>>
    %dma_wait3A_288 = tpu.memref_squeeze %dma_wait3A_287 : memref<1x80xi32, #tpu.memory_space<vmem>> -> memref<80xi32, #tpu.memory_space<vmem>>
    %dma_wait3A_289 = arith.constant 0 : i32
    %dma_wait3A_290 = arith.constant 0 : i32
    %dma_wait3A_291 = tpu.memref_slice %arg2[%dma_wait3A_289, %dma_wait3A_290] : memref<10000x128xf32, #tpu.memory_space<hbm>> -> memref<10000x128xf32, #tpu.memory_space<hbm>>
    tpu.wait_indirect_dma semaphore(%arg22 : memref<!tpu.dma_semaphore, #tpu.memory_space<semaphore_mem>>) src(%dma_wait3A_291 : memref<10000x128xf32, #tpu.memory_space<hbm>>) dst(%arg15 : memref<80x128xf32, #tpu.memory_space<vmem>>)
    %dma_start3A_292 = arith.constant 1 : i32
    %dma_start3A_293 = arith.constant 0 : i32
    %dma_start3A_294 = tpu.memref_slice %arg7[%dma_start3A_292, %dma_start3A_293] : memref<2x80xi32, #tpu.memory_space<vmem>> -> memref<1x80xi32, #tpu.memory_space<vmem>>
    %dma_start3A_295 = tpu.memref_squeeze %dma_start3A_294 : memref<1x80xi32, #tpu.memory_space<vmem>> -> memref<80xi32, #tpu.memory_space<vmem>>
    %dma_start3A_296 = arith.constant 0 : i32
    %dma_start3A_297 = arith.constant 0 : i32
    %dma_start3A_298 = tpu.memref_slice %arg20[%dma_start3A_296, %dma_start3A_297] : memref<10000x128xf32, #tpu.memory_space<vmem_shared>> -> memref<10000x128xf32, #tpu.memory_space<vmem_shared>>
    tpu.enqueue_indirect_dma source(%arg15 : memref<80x128xf32, #tpu.memory_space<vmem>>) target(%dma_start3A_298 : memref<10000x128xf32, #tpu.memory_space<vmem_shared>>) offsets(%dma_start3A_295 : memref<80xi32, #tpu.memory_space<vmem>>) semaphore(%arg26 : memref<!tpu.dma_semaphore, #tpu.memory_space<semaphore_mem>>) {add = true}
    %dma_start3A_299 = arith.constant 1 : i32
    %dma_start3A_300 = arith.constant 0 : i32
    %dma_start3A_301 = tpu.memref_slice %arg7[%dma_start3A_299, %dma_start3A_300] : memref<2x80xi32, #tpu.memory_space<vmem>> -> memref<1x80xi32, #tpu.memory_space<vmem>>
    %dma_start3A_302 = tpu.memref_squeeze %dma_start3A_301 : memref<1x80xi32, #tpu.memory_space<vmem>> -> memref<80xi32, #tpu.memory_space<vmem>>
    %dma_start3A_303 = arith.constant 0 : i32
    %dma_start3A_304 = tpu.memref_slice %arg21[%dma_start3A_303] : memref<10000xf32, #tpu.memory_space<vmem_shared>> -> memref<10000xf32, #tpu.memory_space<vmem_shared>>
    tpu.enqueue_indirect_dma source(%arg19 : memref<80xf32, #tpu.memory_space<vmem>>) target(%dma_start3A_304 : memref<10000xf32, #tpu.memory_space<vmem_shared>>) offsets(%dma_start3A_302 : memref<80xi32, #tpu.memory_space<vmem>>) semaphore(%arg26 : memref<!tpu.dma_semaphore, #tpu.memory_space<semaphore_mem>>) {add = true}
    %add3A_305 = arith.constant 123 : i32
    %add3A_306 = arith.addi %mul3A_2, %add3A_305 : i32
    %dma_wait3A_307 = arith.constant 0 : i32
    %dma_wait3A_308 = arith.constant 0 : i32
    %dma_wait3A_309 = tpu.memref_slice %arg3[%add3A_306, %dma_wait3A_307, %dma_wait3A_308] : memref<4000x2x80xi32, #tpu.memory_space<hbm>> -> memref<1x2x80xi32, #tpu.memory_space<hbm>>
    %dma_wait3A_310 = tpu.memref_squeeze %dma_wait3A_309 : memref<1x2x80xi32, #tpu.memory_space<hbm>> -> memref<2x80xi32, #tpu.memory_space<hbm>>
    %dma_wait3A_311 = arith.constant 0 : i32
    %dma_wait3A_312 = arith.constant 0 : i32
    %dma_wait3A_313 = tpu.memref_slice %arg3[%add3A_306, %dma_wait3A_311, %dma_wait3A_312] : memref<4000x2x80xi32, #tpu.memory_space<hbm>> -> memref<1x2x80xi32, #tpu.memory_space<hbm>>
    %dma_wait3A_314 = tpu.memref_squeeze %dma_wait3A_313 : memref<1x2x80xi32, #tpu.memory_space<hbm>> -> memref<2x80xi32, #tpu.memory_space<hbm>>
    tpu.wait_dma2 semaphore(%arg33 : memref<!tpu.dma_semaphore, #tpu.memory_space<semaphore_mem>>) src(%dma_wait3A_314 : memref<2x80xi32, #tpu.memory_space<hbm>>) dst(%arg10 : memref<2x80xi32, #tpu.memory_space<vmem>>)
    %dma_wait3A_315 = arith.constant 1 : i32
    %dma_wait3A_316 = arith.constant 0 : i32
    %dma_wait3A_317 = tpu.memref_slice %arg10[%dma_wait3A_315, %dma_wait3A_316] : memref<2x80xi32, #tpu.memory_space<vmem>> -> memref<1x80xi32, #tpu.memory_space<vmem>>
    %dma_wait3A_318 = tpu.memref_squeeze %dma_wait3A_317 : memref<1x80xi32, #tpu.memory_space<vmem>> -> memref<80xi32, #tpu.memory_space<vmem>>
    %dma_wait3A_319 = arith.constant 0 : i32
    %dma_wait3A_320 = arith.constant 0 : i32
    %dma_wait3A_321 = tpu.memref_slice %arg20[%dma_wait3A_319, %dma_wait3A_320] : memref<10000x128xf32, #tpu.memory_space<vmem_shared>> -> memref<10000x128xf32, #tpu.memory_space<vmem_shared>>
    tpu.wait_indirect_dma semaphore(%arg29 : memref<!tpu.dma_semaphore, #tpu.memory_space<semaphore_mem>>) src(%arg18 : memref<80x128xf32, #tpu.memory_space<vmem>>) dst(%dma_wait3A_321 : memref<10000x128xf32, #tpu.memory_space<vmem_shared>>)
    %dma_wait3A_322 = arith.constant 1 : i32
    %dma_wait3A_323 = arith.constant 0 : i32
    %dma_wait3A_324 = tpu.memref_slice %arg10[%dma_wait3A_322, %dma_wait3A_323] : memref<2x80xi32, #tpu.memory_space<vmem>> -> memref<1x80xi32, #tpu.memory_space<vmem>>
    %dma_wait3A_325 = tpu.memref_squeeze %dma_wait3A_324 : memref<1x80xi32, #tpu.memory_space<vmem>> -> memref<80xi32, #tpu.memory_space<vmem>>
    %dma_wait3A_326 = arith.constant 0 : i32
    %dma_wait3A_327 = tpu.memref_slice %arg21[%dma_wait3A_326] : memref<10000xf32, #tpu.memory_space<vmem_shared>> -> memref<10000xf32, #tpu.memory_space<vmem_shared>>
    tpu.wait_indirect_dma semaphore(%arg29 : memref<!tpu.dma_semaphore, #tpu.memory_space<semaphore_mem>>) src(%arg19 : memref<80xf32, #tpu.memory_space<vmem>>) dst(%dma_wait3A_327 : memref<10000xf32, #tpu.memory_space<vmem_shared>>)
    %dma_start3A_328 = arith.constant 0 : i32
    %dma_start3A_329 = arith.constant 0 : i32
    %dma_start3A_330 = tpu.memref_slice %arg10[%dma_start3A_328, %dma_start3A_329] : memref<2x80xi32, #tpu.memory_space<vmem>> -> memref<1x80xi32, #tpu.memory_space<vmem>>
    %dma_start3A_331 = tpu.memref_squeeze %dma_start3A_330 : memref<1x80xi32, #tpu.memory_space<vmem>> -> memref<80xi32, #tpu.memory_space<vmem>>
    %dma_start3A_332 = arith.constant 0 : i32
    %dma_start3A_333 = arith.constant 0 : i32
    %dma_start3A_334 = tpu.memref_slice %arg2[%dma_start3A_332, %dma_start3A_333] : memref<10000x128xf32, #tpu.memory_space<hbm>> -> memref<10000x128xf32, #tpu.memory_space<hbm>>
    tpu.enqueue_indirect_dma source(%dma_start3A_334 : memref<10000x128xf32, #tpu.memory_space<hbm>>) target(%arg18 : memref<80x128xf32, #tpu.memory_space<vmem>>) offsets(%dma_start3A_331 : memref<80xi32, #tpu.memory_space<vmem>>) semaphore(%arg25 : memref<!tpu.dma_semaphore, #tpu.memory_space<semaphore_mem>>)
    %dma_wait3A_335 = arith.constant 0 : i32
    %dma_wait3A_336 = arith.constant 0 : i32
    %dma_wait3A_337 = tpu.memref_slice %arg8[%dma_wait3A_335, %dma_wait3A_336] : memref<2x80xi32, #tpu.memory_space<vmem>> -> memref<1x80xi32, #tpu.memory_space<vmem>>
    %dma_wait3A_338 = tpu.memref_squeeze %dma_wait3A_337 : memref<1x80xi32, #tpu.memory_space<vmem>> -> memref<80xi32, #tpu.memory_space<vmem>>
    %dma_wait3A_339 = arith.constant 0 : i32
    %dma_wait3A_340 = arith.constant 0 : i32
    %dma_wait3A_341 = tpu.memref_slice %arg2[%dma_wait3A_339, %dma_wait3A_340] : memref<10000x128xf32, #tpu.memory_space<hbm>> -> memref<10000x128xf32, #tpu.memory_space<hbm>>
    tpu.wait_indirect_dma semaphore(%arg23 : memref<!tpu.dma_semaphore, #tpu.memory_space<semaphore_mem>>) src(%dma_wait3A_341 : memref<10000x128xf32, #tpu.memory_space<hbm>>) dst(%arg16 : memref<80x128xf32, #tpu.memory_space<vmem>>)
    %dma_start3A_342 = arith.constant 1 : i32
    %dma_start3A_343 = arith.constant 0 : i32
    %dma_start3A_344 = tpu.memref_slice %arg8[%dma_start3A_342, %dma_start3A_343] : memref<2x80xi32, #tpu.memory_space<vmem>> -> memref<1x80xi32, #tpu.memory_space<vmem>>
    %dma_start3A_345 = tpu.memref_squeeze %dma_start3A_344 : memref<1x80xi32, #tpu.memory_space<vmem>> -> memref<80xi32, #tpu.memory_space<vmem>>
    %dma_start3A_346 = arith.constant 0 : i32
    %dma_start3A_347 = arith.constant 0 : i32
    %dma_start3A_348 = tpu.memref_slice %arg20[%dma_start3A_346, %dma_start3A_347] : memref<10000x128xf32, #tpu.memory_space<vmem_shared>> -> memref<10000x128xf32, #tpu.memory_space<vmem_shared>>
    tpu.enqueue_indirect_dma source(%arg16 : memref<80x128xf32, #tpu.memory_space<vmem>>) target(%dma_start3A_348 : memref<10000x128xf32, #tpu.memory_space<vmem_shared>>) offsets(%dma_start3A_345 : memref<80xi32, #tpu.memory_space<vmem>>) semaphore(%arg27 : memref<!tpu.dma_semaphore, #tpu.memory_space<semaphore_mem>>) {add = true}
    %dma_start3A_349 = arith.constant 1 : i32
    %dma_start3A_350 = arith.constant 0 : i32
    %dma_start3A_351 = tpu.memref_slice %arg8[%dma_start3A_349, %dma_start3A_350] : memref<2x80xi32, #tpu.memory_space<vmem>> -> memref<1x80xi32, #tpu.memory_space<vmem>>
    %dma_start3A_352 = tpu.memref_squeeze %dma_start3A_351 : memref<1x80xi32, #tpu.memory_space<vmem>> -> memref<80xi32, #tpu.memory_space<vmem>>
    %dma_start3A_353 = arith.constant 0 : i32
    %dma_start3A_354 = tpu.memref_slice %arg21[%dma_start3A_353] : memref<10000xf32, #tpu.memory_space<vmem_shared>> -> memref<10000xf32, #tpu.memory_space<vmem_shared>>
    tpu.enqueue_indirect_dma source(%arg19 : memref<80xf32, #tpu.memory_space<vmem>>) target(%dma_start3A_354 : memref<10000xf32, #tpu.memory_space<vmem_shared>>) offsets(%dma_start3A_352 : memref<80xi32, #tpu.memory_space<vmem>>) semaphore(%arg27 : memref<!tpu.dma_semaphore, #tpu.memory_space<semaphore_mem>>) {add = true}
    %add3A_355 = arith.constant 124 : i32
    %add3A_356 = arith.addi %mul3A_2, %add3A_355 : i32
    %dma_wait3A_357 = arith.constant 0 : i32
    %dma_wait3A_358 = arith.constant 0 : i32
    %dma_wait3A_359 = tpu.memref_slice %arg3[%add3A_356, %dma_wait3A_357, %dma_wait3A_358] : memref<4000x2x80xi32, #tpu.memory_space<hbm>> -> memref<1x2x80xi32, #tpu.memory_space<hbm>>
    %dma_wait3A_360 = tpu.memref_squeeze %dma_wait3A_359 : memref<1x2x80xi32, #tpu.memory_space<hbm>> -> memref<2x80xi32, #tpu.memory_space<hbm>>
    %dma_wait3A_361 = arith.constant 0 : i32
    %dma_wait3A_362 = arith.constant 0 : i32
    %dma_wait3A_363 = tpu.memref_slice %arg3[%add3A_356, %dma_wait3A_361, %dma_wait3A_362] : memref<4000x2x80xi32, #tpu.memory_space<hbm>> -> memref<1x2x80xi32, #tpu.memory_space<hbm>>
    %dma_wait3A_364 = tpu.memref_squeeze %dma_wait3A_363 : memref<1x2x80xi32, #tpu.memory_space<hbm>> -> memref<2x80xi32, #tpu.memory_space<hbm>>
    tpu.wait_dma2 semaphore(%arg34 : memref<!tpu.dma_semaphore, #tpu.memory_space<semaphore_mem>>) src(%dma_wait3A_364 : memref<2x80xi32, #tpu.memory_space<hbm>>) dst(%arg11 : memref<2x80xi32, #tpu.memory_space<vmem>>)
    %dma_wait3A_365 = arith.constant 1 : i32
    %dma_wait3A_366 = arith.constant 0 : i32
    %dma_wait3A_367 = tpu.memref_slice %arg11[%dma_wait3A_365, %dma_wait3A_366] : memref<2x80xi32, #tpu.memory_space<vmem>> -> memref<1x80xi32, #tpu.memory_space<vmem>>
    %dma_wait3A_368 = tpu.memref_squeeze %dma_wait3A_367 : memref<1x80xi32, #tpu.memory_space<vmem>> -> memref<80xi32, #tpu.memory_space<vmem>>
    %dma_wait3A_369 = arith.constant 0 : i32
    %dma_wait3A_370 = arith.constant 0 : i32
    %dma_wait3A_371 = tpu.memref_slice %arg20[%dma_wait3A_369, %dma_wait3A_370] : memref<10000x128xf32, #tpu.memory_space<vmem_shared>> -> memref<10000x128xf32, #tpu.memory_space<vmem_shared>>
    tpu.wait_indirect_dma semaphore(%arg26 : memref<!tpu.dma_semaphore, #tpu.memory_space<semaphore_mem>>) src(%arg15 : memref<80x128xf32, #tpu.memory_space<vmem>>) dst(%dma_wait3A_371 : memref<10000x128xf32, #tpu.memory_space<vmem_shared>>)
    %dma_wait3A_372 = arith.constant 1 : i32
    %dma_wait3A_373 = arith.constant 0 : i32
    %dma_wait3A_374 = tpu.memref_slice %arg11[%dma_wait3A_372, %dma_wait3A_373] : memref<2x80xi32, #tpu.memory_space<vmem>> -> memref<1x80xi32, #tpu.memory_space<vmem>>
    %dma_wait3A_375 = tpu.memref_squeeze %dma_wait3A_374 : memref<1x80xi32, #tpu.memory_space<vmem>> -> memref<80xi32, #tpu.memory_space<vmem>>
    %dma_wait3A_376 = arith.constant 0 : i32
    %dma_wait3A_377 = tpu.memref_slice %arg21[%dma_wait3A_376] : memref<10000xf32, #tpu.memory_space<vmem_shared>> -> memref<10000xf32, #tpu.memory_space<vmem_shared>>
    tpu.wait_indirect_dma semaphore(%arg26 : memref<!tpu.dma_semaphore, #tpu.memory_space<semaphore_mem>>) src(%arg19 : memref<80xf32, #tpu.memory_space<vmem>>) dst(%dma_wait3A_377 : memref<10000xf32, #tpu.memory_space<vmem_shared>>)
    %dma_start3A_378 = arith.constant 0 : i32
    %dma_start3A_379 = arith.constant 0 : i32
    %dma_start3A_380 = tpu.memref_slice %arg11[%dma_start3A_378, %dma_start3A_379] : memref<2x80xi32, #tpu.memory_space<vmem>> -> memref<1x80xi32, #tpu.memory_space<vmem>>
    %dma_start3A_381 = tpu.memref_squeeze %dma_start3A_380 : memref<1x80xi32, #tpu.memory_space<vmem>> -> memref<80xi32, #tpu.memory_space<vmem>>
    %dma_start3A_382 = arith.constant 0 : i32
    %dma_start3A_383 = arith.constant 0 : i32
    %dma_start3A_384 = tpu.memref_slice %arg2[%dma_start3A_382, %dma_start3A_383] : memref<10000x128xf32, #tpu.memory_space<hbm>> -> memref<10000x128xf32, #tpu.memory_space<hbm>>
    tpu.enqueue_indirect_dma source(%dma_start3A_384 : memref<10000x128xf32, #tpu.memory_space<hbm>>) target(%arg15 : memref<80x128xf32, #tpu.memory_space<vmem>>) offsets(%dma_start3A_381 : memref<80xi32, #tpu.memory_space<vmem>>) semaphore(%arg22 : memref<!tpu.dma_semaphore, #tpu.memory_space<semaphore_mem>>)
    %dma_wait3A_385 = arith.constant 0 : i32
    %dma_wait3A_386 = arith.constant 0 : i32
    %dma_wait3A_387 = tpu.memref_slice %arg9[%dma_wait3A_385, %dma_wait3A_386] : memref<2x80xi32, #tpu.memory_space<vmem>> -> memref<1x80xi32, #tpu.memory_space<vmem>>
    %dma_wait3A_388 = tpu.memref_squeeze %dma_wait3A_387 : memref<1x80xi32, #tpu.memory_space<vmem>> -> memref<80xi32, #tpu.memory_space<vmem>>
    %dma_wait3A_389 = arith.constant 0 : i32
    %dma_wait3A_390 = arith.constant 0 : i32
    %dma_wait3A_391 = tpu.memref_slice %arg2[%dma_wait3A_389, %dma_wait3A_390] : memref<10000x128xf32, #tpu.memory_space<hbm>> -> memref<10000x128xf32, #tpu.memory_space<hbm>>
    tpu.wait_indirect_dma semaphore(%arg24 : memref<!tpu.dma_semaphore, #tpu.memory_space<semaphore_mem>>) src(%dma_wait3A_391 : memref<10000x128xf32, #tpu.memory_space<hbm>>) dst(%arg17 : memref<80x128xf32, #tpu.memory_space<vmem>>)
    %dma_start3A_392 = arith.constant 1 : i32
    %dma_start3A_393 = arith.constant 0 : i32
    %dma_start3A_394 = tpu.memref_slice %arg9[%dma_start3A_392, %dma_start3A_393] : memref<2x80xi32, #tpu.memory_space<vmem>> -> memref<1x80xi32, #tpu.memory_space<vmem>>
    %dma_start3A_395 = tpu.memref_squeeze %dma_start3A_394 : memref<1x80xi32, #tpu.memory_space<vmem>> -> memref<80xi32, #tpu.memory_space<vmem>>
    %dma_start3A_396 = arith.constant 0 : i32
    %dma_start3A_397 = arith.constant 0 : i32
    %dma_start3A_398 = tpu.memref_slice %arg20[%dma_start3A_396, %dma_start3A_397] : memref<10000x128xf32, #tpu.memory_space<vmem_shared>> -> memref<10000x128xf32, #tpu.memory_space<vmem_shared>>
    tpu.enqueue_indirect_dma source(%arg17 : memref<80x128xf32, #tpu.memory_space<vmem>>) target(%dma_start3A_398 : memref<10000x128xf32, #tpu.memory_space<vmem_shared>>) offsets(%dma_start3A_395 : memref<80xi32, #tpu.memory_space<vmem>>) semaphore(%arg28 : memref<!tpu.dma_semaphore, #tpu.memory_space<semaphore_mem>>) {add = true}
    %dma_start3A_399 = arith.constant 1 : i32
    %dma_start3A_400 = arith.constant 0 : i32
    %dma_start3A_401 = tpu.memref_slice %arg9[%dma_start3A_399, %dma_start3A_400] : memref<2x80xi32, #tpu.memory_space<vmem>> -> memref<1x80xi32, #tpu.memory_space<vmem>>
    %dma_start3A_402 = tpu.memref_squeeze %dma_start3A_401 : memref<1x80xi32, #tpu.memory_space<vmem>> -> memref<80xi32, #tpu.memory_space<vmem>>
    %dma_start3A_403 = arith.constant 0 : i32
    %dma_start3A_404 = tpu.memref_slice %arg21[%dma_start3A_403] : memref<10000xf32, #tpu.memory_space<vmem_shared>> -> memref<10000xf32, #tpu.memory_space<vmem_shared>>
    tpu.enqueue_indirect_dma source(%arg19 : memref<80xf32, #tpu.memory_space<vmem>>) target(%dma_start3A_404 : memref<10000xf32, #tpu.memory_space<vmem_shared>>) offsets(%dma_start3A_402 : memref<80xi32, #tpu.memory_space<vmem>>) semaphore(%arg28 : memref<!tpu.dma_semaphore, #tpu.memory_space<semaphore_mem>>) {add = true}
    %dma_wait3A_405 = arith.constant 0 : i32
    %dma_wait3A_406 = arith.constant 0 : i32
    %dma_wait3A_407 = tpu.memref_slice %arg10[%dma_wait3A_405, %dma_wait3A_406] : memref<2x80xi32, #tpu.memory_space<vmem>> -> memref<1x80xi32, #tpu.memory_space<vmem>>
    %dma_wait3A_408 = tpu.memref_squeeze %dma_wait3A_407 : memref<1x80xi32, #tpu.memory_space<vmem>> -> memref<80xi32, #tpu.memory_space<vmem>>
    %dma_wait3A_409 = arith.constant 0 : i32
    %dma_wait3A_410 = arith.constant 0 : i32
    %dma_wait3A_411 = tpu.memref_slice %arg2[%dma_wait3A_409, %dma_wait3A_410] : memref<10000x128xf32, #tpu.memory_space<hbm>> -> memref<10000x128xf32, #tpu.memory_space<hbm>>
    tpu.wait_indirect_dma semaphore(%arg25 : memref<!tpu.dma_semaphore, #tpu.memory_space<semaphore_mem>>) src(%dma_wait3A_411 : memref<10000x128xf32, #tpu.memory_space<hbm>>) dst(%arg18 : memref<80x128xf32, #tpu.memory_space<vmem>>)
    %dma_start3A_412 = arith.constant 1 : i32
    %dma_start3A_413 = arith.constant 0 : i32
    %dma_start3A_414 = tpu.memref_slice %arg10[%dma_start3A_412, %dma_start3A_413] : memref<2x80xi32, #tpu.memory_space<vmem>> -> memref<1x80xi32, #tpu.memory_space<vmem>>
    %dma_start3A_415 = tpu.memref_squeeze %dma_start3A_414 : memref<1x80xi32, #tpu.memory_space<vmem>> -> memref<80xi32, #tpu.memory_space<vmem>>
    %dma_start3A_416 = arith.constant 0 : i32
    %dma_start3A_417 = arith.constant 0 : i32
    %dma_start3A_418 = tpu.memref_slice %arg20[%dma_start3A_416, %dma_start3A_417] : memref<10000x128xf32, #tpu.memory_space<vmem_shared>> -> memref<10000x128xf32, #tpu.memory_space<vmem_shared>>
    tpu.enqueue_indirect_dma source(%arg18 : memref<80x128xf32, #tpu.memory_space<vmem>>) target(%dma_start3A_418 : memref<10000x128xf32, #tpu.memory_space<vmem_shared>>) offsets(%dma_start3A_415 : memref<80xi32, #tpu.memory_space<vmem>>) semaphore(%arg29 : memref<!tpu.dma_semaphore, #tpu.memory_space<semaphore_mem>>) {add = true}
    %dma_start3A_419 = arith.constant 1 : i32
    %dma_start3A_420 = arith.constant 0 : i32
    %dma_start3A_421 = tpu.memref_slice %arg10[%dma_start3A_419, %dma_start3A_420] : memref<2x80xi32, #tpu.memory_space<vmem>> -> memref<1x80xi32, #tpu.memory_space<vmem>>
    %dma_start3A_422 = tpu.memref_squeeze %dma_start3A_421 : memref<1x80xi32, #tpu.memory_space<vmem>> -> memref<80xi32, #tpu.memory_space<vmem>>
    %dma_start3A_423 = arith.constant 0 : i32
    %dma_start3A_424 = tpu.memref_slice %arg21[%dma_start3A_423] : memref<10000xf32, #tpu.memory_space<vmem_shared>> -> memref<10000xf32, #tpu.memory_space<vmem_shared>>
    tpu.enqueue_indirect_dma source(%arg19 : memref<80xf32, #tpu.memory_space<vmem>>) target(%dma_start3A_424 : memref<10000xf32, #tpu.memory_space<vmem_shared>>) offsets(%dma_start3A_422 : memref<80xi32, #tpu.memory_space<vmem>>) semaphore(%arg29 : memref<!tpu.dma_semaphore, #tpu.memory_space<semaphore_mem>>) {add = true}
    %dma_wait3A_425 = arith.constant 0 : i32
    %dma_wait3A_426 = arith.constant 0 : i32
    %dma_wait3A_427 = tpu.memref_slice %arg11[%dma_wait3A_425, %dma_wait3A_426] : memref<2x80xi32, #tpu.memory_space<vmem>> -> memref<1x80xi32, #tpu.memory_space<vmem>>
    %dma_wait3A_428 = tpu.memref_squeeze %dma_wait3A_427 : memref<1x80xi32, #tpu.memory_space<vmem>> -> memref<80xi32, #tpu.memory_space<vmem>>
    %dma_wait3A_429 = arith.constant 0 : i32
    %dma_wait3A_430 = arith.constant 0 : i32
    %dma_wait3A_431 = tpu.memref_slice %arg2[%dma_wait3A_429, %dma_wait3A_430] : memref<10000x128xf32, #tpu.memory_space<hbm>> -> memref<10000x128xf32, #tpu.memory_space<hbm>>
    tpu.wait_indirect_dma semaphore(%arg22 : memref<!tpu.dma_semaphore, #tpu.memory_space<semaphore_mem>>) src(%dma_wait3A_431 : memref<10000x128xf32, #tpu.memory_space<hbm>>) dst(%arg15 : memref<80x128xf32, #tpu.memory_space<vmem>>)
    %dma_start3A_432 = arith.constant 1 : i32
    %dma_start3A_433 = arith.constant 0 : i32
    %dma_start3A_434 = tpu.memref_slice %arg11[%dma_start3A_432, %dma_start3A_433] : memref<2x80xi32, #tpu.memory_space<vmem>> -> memref<1x80xi32, #tpu.memory_space<vmem>>
    %dma_start3A_435 = tpu.memref_squeeze %dma_start3A_434 : memref<1x80xi32, #tpu.memory_space<vmem>> -> memref<80xi32, #tpu.memory_space<vmem>>
    %dma_start3A_436 = arith.constant 0 : i32
    %dma_start3A_437 = arith.constant 0 : i32
    %dma_start3A_438 = tpu.memref_slice %arg20[%dma_start3A_436, %dma_start3A_437] : memref<10000x128xf32, #tpu.memory_space<vmem_shared>> -> memref<10000x128xf32, #tpu.memory_space<vmem_shared>>
    tpu.enqueue_indirect_dma source(%arg15 : memref<80x128xf32, #tpu.memory_space<vmem>>) target(%dma_start3A_438 : memref<10000x128xf32, #tpu.memory_space<vmem_shared>>) offsets(%dma_start3A_435 : memref<80xi32, #tpu.memory_space<vmem>>) semaphore(%arg26 : memref<!tpu.dma_semaphore, #tpu.memory_space<semaphore_mem>>) {add = true}
    %dma_start3A_439 = arith.constant 1 : i32
    %dma_start3A_440 = arith.constant 0 : i32
    %dma_start3A_441 = tpu.memref_slice %arg11[%dma_start3A_439, %dma_start3A_440] : memref<2x80xi32, #tpu.memory_space<vmem>> -> memref<1x80xi32, #tpu.memory_space<vmem>>
    %dma_start3A_442 = tpu.memref_squeeze %dma_start3A_441 : memref<1x80xi32, #tpu.memory_space<vmem>> -> memref<80xi32, #tpu.memory_space<vmem>>
    %dma_start3A_443 = arith.constant 0 : i32
    %dma_start3A_444 = tpu.memref_slice %arg21[%dma_start3A_443] : memref<10000xf32, #tpu.memory_space<vmem_shared>> -> memref<10000xf32, #tpu.memory_space<vmem_shared>>
    tpu.enqueue_indirect_dma source(%arg19 : memref<80xf32, #tpu.memory_space<vmem>>) target(%dma_start3A_444 : memref<10000xf32, #tpu.memory_space<vmem_shared>>) offsets(%dma_start3A_442 : memref<80xi32, #tpu.memory_space<vmem>>) semaphore(%arg26 : memref<!tpu.dma_semaphore, #tpu.memory_space<semaphore_mem>>) {add = true}
    %dma_wait3A_445 = arith.constant 1 : i32
    %dma_wait3A_446 = arith.constant 0 : i32
    %dma_wait3A_447 = tpu.memref_slice %arg8[%dma_wait3A_445, %dma_wait3A_446] : memref<2x80xi32, #tpu.memory_space<vmem>> -> memref<1x80xi32, #tpu.memory_space<vmem>>
    %dma_wait3A_448 = tpu.memref_squeeze %dma_wait3A_447 : memref<1x80xi32, #tpu.memory_space<vmem>> -> memref<80xi32, #tpu.memory_space<vmem>>
    %dma_wait3A_449 = arith.constant 0 : i32
    %dma_wait3A_450 = arith.constant 0 : i32
    %dma_wait3A_451 = tpu.memref_slice %arg20[%dma_wait3A_449, %dma_wait3A_450] : memref<10000x128xf32, #tpu.memory_space<vmem_shared>> -> memref<10000x128xf32, #tpu.memory_space<vmem_shared>>
    tpu.wait_indirect_dma semaphore(%arg27 : memref<!tpu.dma_semaphore, #tpu.memory_space<semaphore_mem>>) src(%arg16 : memref<80x128xf32, #tpu.memory_space<vmem>>) dst(%dma_wait3A_451 : memref<10000x128xf32, #tpu.memory_space<vmem_shared>>)
    %dma_wait3A_452 = arith.constant 1 : i32
    %dma_wait3A_453 = arith.constant 0 : i32
    %dma_wait3A_454 = tpu.memref_slice %arg8[%dma_wait3A_452, %dma_wait3A_453] : memref<2x80xi32, #tpu.memory_space<vmem>> -> memref<1x80xi32, #tpu.memory_space<vmem>>
    %dma_wait3A_455 = tpu.memref_squeeze %dma_wait3A_454 : memref<1x80xi32, #tpu.memory_space<vmem>> -> memref<80xi32, #tpu.memory_space<vmem>>
    %dma_wait3A_456 = arith.constant 0 : i32
    %dma_wait3A_457 = tpu.memref_slice %arg21[%dma_wait3A_456] : memref<10000xf32, #tpu.memory_space<vmem_shared>> -> memref<10000xf32, #tpu.memory_space<vmem_shared>>
    tpu.wait_indirect_dma semaphore(%arg27 : memref<!tpu.dma_semaphore, #tpu.memory_space<semaphore_mem>>) src(%arg19 : memref<80xf32, #tpu.memory_space<vmem>>) dst(%dma_wait3A_457 : memref<10000xf32, #tpu.memory_space<vmem_shared>>)
    %dma_wait3A_458 = arith.constant 1 : i32
    %dma_wait3A_459 = arith.constant 0 : i32
    %dma_wait3A_460 = tpu.memref_slice %arg9[%dma_wait3A_458, %dma_wait3A_459] : memref<2x80xi32, #tpu.memory_space<vmem>> -> memref<1x80xi32, #tpu.memory_space<vmem>>
    %dma_wait3A_461 = tpu.memref_squeeze %dma_wait3A_460 : memref<1x80xi32, #tpu.memory_space<vmem>> -> memref<80xi32, #tpu.memory_space<vmem>>
    %dma_wait3A_462 = arith.constant 0 : i32
    %dma_wait3A_463 = arith.constant 0 : i32
    %dma_wait3A_464 = tpu.memref_slice %arg20[%dma_wait3A_462, %dma_wait3A_463] : memref<10000x128xf32, #tpu.memory_space<vmem_shared>> -> memref<10000x128xf32, #tpu.memory_space<vmem_shared>>
    tpu.wait_indirect_dma semaphore(%arg28 : memref<!tpu.dma_semaphore, #tpu.memory_space<semaphore_mem>>) src(%arg17 : memref<80x128xf32, #tpu.memory_space<vmem>>) dst(%dma_wait3A_464 : memref<10000x128xf32, #tpu.memory_space<vmem_shared>>)
    %dma_wait3A_465 = arith.constant 1 : i32
    %dma_wait3A_466 = arith.constant 0 : i32
    %dma_wait3A_467 = tpu.memref_slice %arg9[%dma_wait3A_465, %dma_wait3A_466] : memref<2x80xi32, #tpu.memory_space<vmem>> -> memref<1x80xi32, #tpu.memory_space<vmem>>
    %dma_wait3A_468 = tpu.memref_squeeze %dma_wait3A_467 : memref<1x80xi32, #tpu.memory_space<vmem>> -> memref<80xi32, #tpu.memory_space<vmem>>
    %dma_wait3A_469 = arith.constant 0 : i32
    %dma_wait3A_470 = tpu.memref_slice %arg21[%dma_wait3A_469] : memref<10000xf32, #tpu.memory_space<vmem_shared>> -> memref<10000xf32, #tpu.memory_space<vmem_shared>>
    tpu.wait_indirect_dma semaphore(%arg28 : memref<!tpu.dma_semaphore, #tpu.memory_space<semaphore_mem>>) src(%arg19 : memref<80xf32, #tpu.memory_space<vmem>>) dst(%dma_wait3A_470 : memref<10000xf32, #tpu.memory_space<vmem_shared>>)
    %dma_wait3A_471 = arith.constant 1 : i32
    %dma_wait3A_472 = arith.constant 0 : i32
    %dma_wait3A_473 = tpu.memref_slice %arg10[%dma_wait3A_471, %dma_wait3A_472] : memref<2x80xi32, #tpu.memory_space<vmem>> -> memref<1x80xi32, #tpu.memory_space<vmem>>
    %dma_wait3A_474 = tpu.memref_squeeze %dma_wait3A_473 : memref<1x80xi32, #tpu.memory_space<vmem>> -> memref<80xi32, #tpu.memory_space<vmem>>
    %dma_wait3A_475 = arith.constant 0 : i32
    %dma_wait3A_476 = arith.constant 0 : i32
    %dma_wait3A_477 = tpu.memref_slice %arg20[%dma_wait3A_475, %dma_wait3A_476] : memref<10000x128xf32, #tpu.memory_space<vmem_shared>> -> memref<10000x128xf32, #tpu.memory_space<vmem_shared>>
    tpu.wait_indirect_dma semaphore(%arg29 : memref<!tpu.dma_semaphore, #tpu.memory_space<semaphore_mem>>) src(%arg18 : memref<80x128xf32, #tpu.memory_space<vmem>>) dst(%dma_wait3A_477 : memref<10000x128xf32, #tpu.memory_space<vmem_shared>>)
    %dma_wait3A_478 = arith.constant 1 : i32
    %dma_wait3A_479 = arith.constant 0 : i32
    %dma_wait3A_480 = tpu.memref_slice %arg10[%dma_wait3A_478, %dma_wait3A_479] : memref<2x80xi32, #tpu.memory_space<vmem>> -> memref<1x80xi32, #tpu.memory_space<vmem>>
    %dma_wait3A_481 = tpu.memref_squeeze %dma_wait3A_480 : memref<1x80xi32, #tpu.memory_space<vmem>> -> memref<80xi32, #tpu.memory_space<vmem>>
    %dma_wait3A_482 = arith.constant 0 : i32
    %dma_wait3A_483 = tpu.memref_slice %arg21[%dma_wait3A_482] : memref<10000xf32, #tpu.memory_space<vmem_shared>> -> memref<10000xf32, #tpu.memory_space<vmem_shared>>
    tpu.wait_indirect_dma semaphore(%arg29 : memref<!tpu.dma_semaphore, #tpu.memory_space<semaphore_mem>>) src(%arg19 : memref<80xf32, #tpu.memory_space<vmem>>) dst(%dma_wait3A_483 : memref<10000xf32, #tpu.memory_space<vmem_shared>>)
    %dma_wait3A_484 = arith.constant 1 : i32
    %dma_wait3A_485 = arith.constant 0 : i32
    %dma_wait3A_486 = tpu.memref_slice %arg11[%dma_wait3A_484, %dma_wait3A_485] : memref<2x80xi32, #tpu.memory_space<vmem>> -> memref<1x80xi32, #tpu.memory_space<vmem>>
    %dma_wait3A_487 = tpu.memref_squeeze %dma_wait3A_486 : memref<1x80xi32, #tpu.memory_space<vmem>> -> memref<80xi32, #tpu.memory_space<vmem>>
    %dma_wait3A_488 = arith.constant 0 : i32
    %dma_wait3A_489 = arith.constant 0 : i32
    %dma_wait3A_490 = tpu.memref_slice %arg20[%dma_wait3A_488, %dma_wait3A_489] : memref<10000x128xf32, #tpu.memory_space<vmem_shared>> -> memref<10000x128xf32, #tpu.memory_space<vmem_shared>>
    tpu.wait_indirect_dma semaphore(%arg26 : memref<!tpu.dma_semaphore, #tpu.memory_space<semaphore_mem>>) src(%arg15 : memref<80x128xf32, #tpu.memory_space<vmem>>) dst(%dma_wait3A_490 : memref<10000x128xf32, #tpu.memory_space<vmem_shared>>)
    %dma_wait3A_491 = arith.constant 1 : i32
    %dma_wait3A_492 = arith.constant 0 : i32
    %dma_wait3A_493 = tpu.memref_slice %arg11[%dma_wait3A_491, %dma_wait3A_492] : memref<2x80xi32, #tpu.memory_space<vmem>> -> memref<1x80xi32, #tpu.memory_space<vmem>>
    %dma_wait3A_494 = tpu.memref_squeeze %dma_wait3A_493 : memref<1x80xi32, #tpu.memory_space<vmem>> -> memref<80xi32, #tpu.memory_space<vmem>>
    %dma_wait3A_495 = arith.constant 0 : i32
    %dma_wait3A_496 = tpu.memref_slice %arg21[%dma_wait3A_495] : memref<10000xf32, #tpu.memory_space<vmem_shared>> -> memref<10000xf32, #tpu.memory_space<vmem_shared>>
    tpu.wait_indirect_dma semaphore(%arg26 : memref<!tpu.dma_semaphore, #tpu.memory_space<semaphore_mem>>) src(%arg19 : memref<80xf32, #tpu.memory_space<vmem>>) dst(%dma_wait3A_496 : memref<10000xf32, #tpu.memory_space<vmem_shared>>)
    %barrier3A_497 = arith.constant 0 : index
    tpu.barrier barrier_id(%barrier3A_497)
    %mul3A_498 = arith.constant 624 : i32
    %mul3A_499 = arith.muli %arg1, %mul3A_498 : i32
    %mul3A_500 = arith.constant 624 : i32
    %mul3A_501 = arith.muli %arg1, %mul3A_500 : i32
    "tpu.region"() ({
      %run_scoped3A = tpu.sem_alloc : memref<!tpu.dma_semaphore, #tpu.memory_space<semaphore_mem>>
      %dma_start3A_512 = arith.constant 0 : i32
      %dma_start3A_513 = tpu.memref_slice %arg5[%arg0, %mul3A_501, %dma_start3A_512] : memref<2x10000x128xf32, #tpu.memory_space<hbm>> -> memref<1x624x128xf32, #tpu.memory_space<hbm>>
      %dma_start3A_514 = tpu.memref_squeeze %dma_start3A_513 : memref<1x624x128xf32, #tpu.memory_space<hbm>> -> memref<624x128xf32, #tpu.memory_space<hbm>>
      %dma_start3A_515 = arith.constant 0 : i32
      %dma_start3A_516 = tpu.memref_slice %arg20[%mul3A_499, %dma_start3A_515] : memref<10000x128xf32, #tpu.memory_space<vmem_shared>> -> memref<624x128xf32, #tpu.memory_space<vmem_shared>>
      tpu.enqueue_dma source(%dma_start3A_516 : memref<624x128xf32, #tpu.memory_space<vmem_shared>>) target(%dma_start3A_514 : memref<624x128xf32, #tpu.memory_space<hbm>>) target_semaphore(%run_scoped3A : memref<!tpu.dma_semaphore, #tpu.memory_space<semaphore_mem>>)
      %dma_wait3A_517 = arith.constant 0 : i32
      %dma_wait3A_518 = tpu.memref_slice %arg5[%arg0, %mul3A_501, %dma_wait3A_517] : memref<2x10000x128xf32, #tpu.memory_space<hbm>> -> memref<1x624x128xf32, #tpu.memory_space<hbm>>
      %dma_wait3A_519 = tpu.memref_squeeze %dma_wait3A_518 : memref<1x624x128xf32, #tpu.memory_space<hbm>> -> memref<624x128xf32, #tpu.memory_space<hbm>>
      %dma_wait3A_520 = arith.constant 0 : i32
      %dma_wait3A_521 = tpu.memref_slice %arg20[%mul3A_499, %dma_wait3A_520] : memref<10000x128xf32, #tpu.memory_space<vmem_shared>> -> memref<624x128xf32, #tpu.memory_space<vmem_shared>>
      tpu.wait_dma2 semaphore(%run_scoped3A : memref<!tpu.dma_semaphore, #tpu.memory_space<semaphore_mem>>) src(%dma_wait3A_521 : memref<624x128xf32, #tpu.memory_space<vmem_shared>>) dst(%dma_wait3A_519 : memref<624x128xf32, #tpu.memory_space<hbm>>)
      tpu.yield
    }) : () -> ()
    %eq3A_502 = arith.constant 0 : i32
    %eq3A_503 = arith.cmpi eq, %arg1, %eq3A_502 : i32
    %convert_element_type3A_504 = arith.extui %eq3A_503 : i1 to i32
    %cond3A_505 = arith.constant 0 : i32
    %cond3A_506 = arith.cmpi ne, %convert_element_type3A_504, %cond3A_505 : i32
    scf.if %cond3A_506 {
      "tpu.region"() ({
        %run_scoped3A = tpu.sem_alloc : memref<!tpu.dma_semaphore, #tpu.memory_space<semaphore_mem>>
        %dma_start3A_512 = arith.constant 9984 : i32
        %dma_start3A_513 = arith.constant 0 : i32
        %dma_start3A_514 = tpu.memref_slice %arg5[%arg0, %dma_start3A_512, %dma_start3A_513] : memref<2x10000x128xf32, #tpu.memory_space<hbm>> -> memref<1x16x128xf32, #tpu.memory_space<hbm>>
        %dma_start3A_515 = tpu.memref_squeeze %dma_start3A_514 : memref<1x16x128xf32, #tpu.memory_space<hbm>> -> memref<16x128xf32, #tpu.memory_space<hbm>>
        %dma_start3A_516 = arith.constant 9984 : i32
        %dma_start3A_517 = arith.constant 0 : i32
        %dma_start3A_518 = tpu.memref_slice %arg20[%dma_start3A_516, %dma_start3A_517] : memref<10000x128xf32, #tpu.memory_space<vmem_shared>> -> memref<16x128xf32, #tpu.memory_space<vmem_shared>>
        tpu.enqueue_dma source(%dma_start3A_518 : memref<16x128xf32, #tpu.memory_space<vmem_shared>>) target(%dma_start3A_515 : memref<16x128xf32, #tpu.memory_space<hbm>>) target_semaphore(%run_scoped3A : memref<!tpu.dma_semaphore, #tpu.memory_space<semaphore_mem>>)
        %dma_wait3A_519 = arith.constant 9984 : i32
        %dma_wait3A_520 = arith.constant 0 : i32
        %dma_wait3A_521 = tpu.memref_slice %arg5[%arg0, %dma_wait3A_519, %dma_wait3A_520] : memref<2x10000x128xf32, #tpu.memory_space<hbm>> -> memref<1x16x128xf32, #tpu.memory_space<hbm>>
        %dma_wait3A_522 = tpu.memref_squeeze %dma_wait3A_521 : memref<1x16x128xf32, #tpu.memory_space<hbm>> -> memref<16x128xf32, #tpu.memory_space<hbm>>
        %dma_wait3A_523 = arith.constant 9984 : i32
        %dma_wait3A_524 = arith.constant 0 : i32
        %dma_wait3A_525 = tpu.memref_slice %arg20[%dma_wait3A_523, %dma_wait3A_524] : memref<10000x128xf32, #tpu.memory_space<vmem_shared>> -> memref<16x128xf32, #tpu.memory_space<vmem_shared>>
        tpu.wait_dma2 semaphore(%run_scoped3A : memref<!tpu.dma_semaphore, #tpu.memory_space<semaphore_mem>>) src(%dma_wait3A_525 : memref<16x128xf32, #tpu.memory_space<vmem_shared>>) dst(%dma_wait3A_522 : memref<16x128xf32, #tpu.memory_space<hbm>>)
        tpu.yield
      }) : () -> ()
    } else {
    }
    %eq3A_507 = arith.constant 0 : i32
    %eq3A_508 = arith.cmpi eq, %arg1, %eq3A_507 : i32
    %convert_element_type3A_509 = arith.extui %eq3A_508 : i1 to i32
    %cond3A_510 = arith.constant 0 : i32
    %cond3A_511 = arith.cmpi ne, %convert_element_type3A_509, %cond3A_510 : i32
    scf.if %cond3A_511 {
      "tpu.region"() ({
        %run_scoped3A = tpu.sem_alloc : memref<!tpu.dma_semaphore, #tpu.memory_space<semaphore_mem>>
        %dma_start3A_512 = arith.constant 0 : i32
        %dma_start3A_513 = tpu.memref_slice %arg6[%arg0, %dma_start3A_512] : memref<2x10000xf32, #tpu.memory_space<hbm>> -> memref<1x10000xf32, #tpu.memory_space<hbm>>
        %dma_start3A_514 = tpu.memref_squeeze %dma_start3A_513 : memref<1x10000xf32, #tpu.memory_space<hbm>> -> memref<10000xf32, #tpu.memory_space<hbm>>
        tpu.enqueue_dma source(%arg21 : memref<10000xf32, #tpu.memory_space<vmem_shared>>) target(%dma_start3A_514 : memref<10000xf32, #tpu.memory_space<hbm>>) target_semaphore(%run_scoped3A : memref<!tpu.dma_semaphore, #tpu.memory_space<semaphore_mem>>)
        %dma_wait3A_515 = arith.constant 0 : i32
        %dma_wait3A_516 = tpu.memref_slice %arg6[%arg0, %dma_wait3A_515] : memref<2x10000xf32, #tpu.memory_space<hbm>> -> memref<1x10000xf32, #tpu.memory_space<hbm>>
        %dma_wait3A_517 = tpu.memref_squeeze %dma_wait3A_516 : memref<1x10000xf32, #tpu.memory_space<hbm>> -> memref<10000xf32, #tpu.memory_space<hbm>>
        tpu.wait_dma2 semaphore(%run_scoped3A : memref<!tpu.dma_semaphore, #tpu.memory_space<semaphore_mem>>) src(%arg21 : memref<10000xf32, #tpu.memory_space<vmem_shared>>) dst(%dma_wait3A_517 : memref<10000xf32, #tpu.memory_space<hbm>>)
        tpu.yield
      }) : () -> ()
    } else {
    }
    return
  }
}

module attributes {stable_mosaic.version = 14 : i64} {
  func.func @_init_body(%arg0: i32, %arg1: memref<10001x128xf32, #tpu.memory_space<vmem>>, %arg2: memref<1000x128xf32, #tpu.memory_space<vmem>>, %arg3: memref<128x128xf32, #tpu.memory_space<vmem>>, %arg4: memref<1x128xf32, #tpu.memory_space<vmem>>, %arg5: memref<1000x128xf32, #tpu.memory_space<vmem>>) attributes {dimension_semantics = [#tpu.dimension_semantics<arbitrary>], iteration_bounds = array<i64: 10>, scalar_prefetch = 0 : i64, scratch_operands = 0 : i64, tpu.core_type = #tpu.core_type<tc>, window_params = [{pipeline_mode = #tpu.pipeline_mode<synchronous>, transform_indices = @transform_0, window_bounds = array<i64: 10001, 128>}, {transform_indices = @transform_1, window_bounds = array<i64: 1000, 128>}, {pipeline_mode = #tpu.pipeline_mode<synchronous>, transform_indices = @transform_2, window_bounds = array<i64: 128, 128>}, {pipeline_mode = #tpu.pipeline_mode<synchronous>, transform_indices = @transform_3, window_bounds = array<i64: 1, 128>}, {transform_indices = @transform_4, window_bounds = array<i64: 1000, 128>}]} {
    %get3A = arith.constant 0 : index
    %get3A_0 = arith.constant 0 : index
    %get3A_1 = vector.load %arg2[%get3A, %get3A_0] : memref<1000x128xf32, #tpu.memory_space<vmem>>, vector<1000x128xf32>
    %get3A_2 = arith.constant 0 : index
    %get3A_3 = arith.constant 0 : index
    %get3A_4 = vector.load %arg3[%get3A_2, %get3A_3] : memref<128x128xf32, #tpu.memory_space<vmem>>, vector<128x128xf32>
    %dot_general3A = arith.constant dense<0.000000e+00> : vector<1000x128xf32>
    %dot_general3A_5 = tpu.matmul %get3A_1, %get3A_4, %dot_general3A {dimension_numbers = #tpu.dot_dimension_numbers<[1], [1], [0], [0], [0, 0, 1, 0], [], []>, transpose_lhs_hint = false} : vector<1000x128xf32>, vector<128x128xf32>, vector<1000x128xf32> -> vector<1000x128xf32>
    %get3A_6 = arith.constant 0 : index
    %get3A_7 = arith.constant 0 : index
    %get3A_8 = vector.load %arg4[%get3A_6, %get3A_7] : memref<1x128xf32, #tpu.memory_space<vmem>>, vector<1x128xf32>
    %add3A = vector.broadcast %get3A_8 : vector<1x128xf32> to vector<1000x128xf32>
    %add3A_9 = arith.addf %dot_general3A_5, %add3A : vector<1000x128xf32>
    %ge3A = arith.constant 0.000000e+00 : f32
    %ge3A_10 = vector.broadcast %ge3A : f32 to vector<1000x128xf32>
    %ge3A_11 = arith.cmpf oge, %add3A_9, %ge3A_10 : vector<1000x128xf32>
    %mul3A = arith.constant 1.000000e-01 : f32
    %mul3A_12 = vector.broadcast %mul3A : f32 to vector<1000x128xf32>
    %mul3A_13 = arith.mulf %mul3A_12, %add3A_9 : vector<1000x128xf32>
    %select_n3A = arith.select %ge3A_11, %add3A_9, %mul3A_13 : vector<1000x128xi1>, vector<1000x128xf32>
    %mul3A_14 = arith.constant 1000 : i32
    %mul3A_15 = arith.muli %arg0, %mul3A_14 : i32
    %add3A_16 = arith.constant 1 : i32
    %add3A_17 = arith.addi %mul3A_15, %add3A_16 : i32
    %get3A_18 = arith.index_cast %add3A_17 : i32 to index
    %get3A_19 = arith.constant 0 : index
    %get3A_20 = vector.load %arg1[%get3A_18, %get3A_19] : memref<10001x128xf32, #tpu.memory_space<vmem>>, vector<1000x128xf32>
    %add3A_21 = arith.addf %get3A_20, %select_n3A : vector<1000x128xf32>
    %swap3A = arith.constant 0 : index
    %swap3A_22 = arith.constant 0 : index
    %swap3A_23 = vector.load %arg5[%swap3A, %swap3A_22] : memref<1000x128xf32, #tpu.memory_space<vmem>>, vector<1000x128xf32>
    tpu.vector_store %arg5[%swap3A, %swap3A_22], %add3A_21 {strides = array<i32>} : memref<1000x128xf32, #tpu.memory_space<vmem>>, vector<1000x128xf32>,
    return
  }
  func.func @transform_0(%arg0: i32) -> (i32, i32) {
    %c0_i32 = arith.constant 0 : i32
    %c0_i32_0 = arith.constant 0 : i32
    %c0_i32_1 = arith.constant 0 : i32
    return %c0_i32, %c0_i32_0 : i32, i32
  }
  func.func @transform_1(%arg0: i32) -> (i32, i32) {
    %c0_i32 = arith.constant 0 : i32
    %c0_i32_0 = arith.constant 0 : i32
    return %arg0, %c0_i32 : i32, i32
  }
  func.func @transform_2(%arg0: i32) -> (i32, i32) {
    %c0_i32 = arith.constant 0 : i32
    %c0_i32_0 = arith.constant 0 : i32
    %c0_i32_1 = arith.constant 0 : i32
    return %c0_i32, %c0_i32_0 : i32, i32
  }
  func.func @transform_3(%arg0: i32) -> (i32, i32) {
    %c0_i32 = arith.constant 0 : i32
    %c0_i32_0 = arith.constant 0 : i32
    %c0_i32_1 = arith.constant 0 : i32
    return %c0_i32, %c0_i32_0 : i32, i32
  }
  func.func @transform_4(%arg0: i32) -> (i32, i32) {
    %c0_i32 = arith.constant 0 : i32
    %c0_i32_0 = arith.constant 0 : i32
    return %arg0, %c0_i32 : i32, i32
  }
}

module attributes {stable_mosaic.version = 14 : i64} {
  func.func @body(%arg0: i32, %arg1: memref<1000x128xf32, #tpu.memory_space<vmem>>, %arg2: memref<2x1000x128xf32, #tpu.memory_space<vmem>>, %arg3: memref<1x2x1000xf32, #tpu.memory_space<vmem>>, %arg4: memref<128x256xf32, #tpu.memory_space<vmem>>, %arg5: memref<1x128xf32, #tpu.memory_space<vmem>>, %arg6: memref<1000x128xf32, #tpu.memory_space<vmem>>) attributes {dimension_semantics = [#tpu.dimension_semantics<arbitrary>], iteration_bounds = array<i64: 10>, scalar_prefetch = 0 : i64, scratch_operands = 0 : i64, tpu.core_type = #tpu.core_type<tc>, window_params = [{transform_indices = @transform_0, window_bounds = array<i64: 1000, 128>}, {transform_indices = @transform_1, window_bounds = array<i64: 2, 1000, 128>}, {transform_indices = @transform_2, window_bounds = array<i64: 1, 2, 1000>}, {pipeline_mode = #tpu.pipeline_mode<synchronous>, transform_indices = @transform_3, window_bounds = array<i64: 128, 256>}, {pipeline_mode = #tpu.pipeline_mode<synchronous>, transform_indices = @transform_4, window_bounds = array<i64: 1, 128>}, {transform_indices = @transform_5, window_bounds = array<i64: 1000, 128>}]} {
    %get3A = arith.constant 0 : index
    %get3A_0 = arith.constant 0 : index
    %get3A_1 = vector.load %arg1[%get3A, %get3A_0] : memref<1000x128xf32, #tpu.memory_space<vmem>>, vector<1000x128xf32>
    %get3A_2 = arith.constant 0 : index
    %get3A_3 = arith.constant 0 : index
    %get3A_4 = arith.constant 0 : index
    %get3A_5 = vector.load %arg2[%get3A_2, %get3A_3, %get3A_4] : memref<2x1000x128xf32, #tpu.memory_space<vmem>>, vector<1x1000x128xf32>
    %get3A_6 = vector.shape_cast %get3A_5 : vector<1x1000x128xf32> to vector<1000x128xf32>
    %get3A_7 = arith.constant 1 : index
    %get3A_8 = arith.constant 0 : index
    %get3A_9 = arith.constant 0 : index
    %get3A_10 = vector.load %arg2[%get3A_7, %get3A_8, %get3A_9] : memref<2x1000x128xf32, #tpu.memory_space<vmem>>, vector<1x1000x128xf32>
    %get3A_11 = vector.shape_cast %get3A_10 : vector<1x1000x128xf32> to vector<1000x128xf32>
    %add3A = arith.addf %get3A_6, %get3A_11 : vector<1000x128xf32>
    %get3A_12 = arith.constant 0 : index
    %get3A_13 = arith.constant 0 : index
    %get3A_14 = arith.constant 0 : index
    %get3A_15 = vector.load %arg3[%get3A_12, %get3A_13, %get3A_14] : memref<1x2x1000xf32, #tpu.memory_space<vmem>>, vector<1x2x1000xf32>
    %get3A_16 = vector.shape_cast %get3A_15 : vector<1x2x1000xf32> to vector<2x1000xf32>
    %slice3A = vector.extract_strided_slice %get3A_16 {offsets = [0, 0], sizes = [1, 1000], strides = [1, 1]} : vector<2x1000xf32> to vector<1x1000xf32>
    %slice3A_17 = vector.extract_strided_slice %get3A_16 {offsets = [1, 0], sizes = [1, 1000], strides = [1, 1]} : vector<2x1000xf32> to vector<1x1000xf32>
    %add3A_18 = arith.addf %slice3A, %slice3A_17 : vector<1x1000xf32>
    %transpose3A = tpu.transpose %add3A_18, [1, 0] : vector<1x1000xf32> -> vector<1000x1xf32>
    %sub3A = arith.constant 1.000000e+00 : f32
    %sub3A_19 = vector.broadcast %sub3A : f32 to vector<1000x1xf32>
    %sub3A_20 = arith.subf %transpose3A, %sub3A_19 : vector<1000x1xf32>
    %max3A = arith.constant 1.000000e+00 : f32
    %max3A_21 = vector.broadcast %max3A : f32 to vector<1000x1xf32>
    %max3A_22 = arith.maximumf %sub3A_20, %max3A_21 : vector<1000x1xf32>
    %sub3A_23 = arith.subf %add3A, %get3A_1 : vector<1000x128xf32>
    %div3A = vector.broadcast %max3A_22 : vector<1000x1xf32> to vector<1000x128xf32>
    %div3A_24 = arith.divf %sub3A_23, %div3A : vector<1000x128xf32>
    %get3A_25 = arith.constant 0 : index
    %get3A_26 = arith.constant 0 : index
    %get3A_27 = vector.load %arg4[%get3A_25, %get3A_26] : memref<128x256xf32, #tpu.memory_space<vmem>>, vector<128x256xf32>
    %slice3A_28 = vector.extract_strided_slice %get3A_27 {offsets = [0, 0], sizes = [128, 128], strides = [1, 1]} : vector<128x256xf32> to vector<128x128xf32>
    %dot_general3A = arith.constant dense<0.000000e+00> : vector<1000x128xf32>
    %dot_general3A_29 = tpu.matmul %get3A_1, %slice3A_28, %dot_general3A {dimension_numbers = #tpu.dot_dimension_numbers<[1], [1], [0], [0], [0, 0, 1, 0], [], []>, transpose_lhs_hint = false} : vector<1000x128xf32>, vector<128x128xf32>, vector<1000x128xf32> -> vector<1000x128xf32>
    %slice3A_30 = vector.extract_strided_slice %get3A_27 {offsets = [0, 128], sizes = [128, 128], strides = [1, 1]} : vector<128x256xf32> to vector<128x128xf32>
    %dot_general3A_31 = arith.constant dense<0.000000e+00> : vector<1000x128xf32>
    %dot_general3A_32 = tpu.matmul %div3A_24, %slice3A_30, %dot_general3A_31 {dimension_numbers = #tpu.dot_dimension_numbers<[1], [1], [0], [0], [0, 0, 1, 0], [], []>, transpose_lhs_hint = false} : vector<1000x128xf32>, vector<128x128xf32>, vector<1000x128xf32> -> vector<1000x128xf32>
    %add3A_33 = arith.addf %dot_general3A_29, %dot_general3A_32 : vector<1000x128xf32>
    %get3A_34 = arith.constant 0 : index
    %get3A_35 = arith.constant 0 : index
    %get3A_36 = vector.load %arg5[%get3A_34, %get3A_35] : memref<1x128xf32, #tpu.memory_space<vmem>>, vector<1x128xf32>
    %add3A_37 = vector.broadcast %get3A_36 : vector<1x128xf32> to vector<1000x128xf32>
    %add3A_38 = arith.addf %add3A_33, %add3A_37 : vector<1000x128xf32>
    %ge3A = arith.constant 0.000000e+00 : f32
    %ge3A_39 = vector.broadcast %ge3A : f32 to vector<1000x128xf32>
    %ge3A_40 = arith.cmpf oge, %add3A_38, %ge3A_39 : vector<1000x128xf32>
    %mul3A = arith.constant 1.000000e-01 : f32
    %mul3A_41 = vector.broadcast %mul3A : f32 to vector<1000x128xf32>
    %mul3A_42 = arith.mulf %mul3A_41, %add3A_38 : vector<1000x128xf32>
    %select_n3A = arith.select %ge3A_40, %add3A_38, %mul3A_42 : vector<1000x128xi1>, vector<1000x128xf32>
    %mul3A_43 = arith.mulf %select_n3A, %select_n3A : vector<1000x128xf32>
    %reduce_sum3A = arith.constant dense<0.000000e+00> : vector<1000xf32>
    %reduce_sum3A_44 = vector.multi_reduction <add>, %mul3A_43, %reduce_sum3A [1] : vector<1000x128xf32> to vector<1000xf32>
    %broadcast_in_dim3A = vector.shape_cast %reduce_sum3A_44 : vector<1000xf32> to vector<1000x1xf32>
    %sqrt3A = math.sqrt %broadcast_in_dim3A : vector<1000x1xf32>
    %max3A_45 = arith.constant 9.99999997E-7 : f32
    %max3A_46 = vector.broadcast %max3A_45 : f32 to vector<1000x1xf32>
    %max3A_47 = arith.maximumf %sqrt3A, %max3A_46 : vector<1000x1xf32>
    %div3A_48 = vector.broadcast %max3A_47 : vector<1000x1xf32> to vector<1000x128xf32>
    %div3A_49 = arith.divf %select_n3A, %div3A_48 : vector<1000x128xf32>
    %swap3A = arith.constant 0 : index
    %swap3A_50 = arith.constant 0 : index
    %swap3A_51 = vector.load %arg6[%swap3A, %swap3A_50] : memref<1000x128xf32, #tpu.memory_space<vmem>>, vector<1000x128xf32>
    tpu.vector_store %arg6[%swap3A, %swap3A_50], %div3A_49 {strides = array<i32>} : memref<1000x128xf32, #tpu.memory_space<vmem>>, vector<1000x128xf32>,
    return
  }
  func.func @transform_0(%arg0: i32) -> (i32, i32) {
    %c0_i32 = arith.constant 0 : i32
    %c0_i32_0 = arith.constant 0 : i32
    return %arg0, %c0_i32 : i32, i32
  }
  func.func @transform_1(%arg0: i32) -> (i32, i32, i32) {
    %c0_i32 = arith.constant 0 : i32
    %c0_i32_0 = arith.constant 0 : i32
    %c0_i32_1 = arith.constant 0 : i32
    return %c0_i32, %arg0, %c0_i32_0 : i32, i32, i32
  }
  func.func @transform_2(%arg0: i32) -> (i32, i32, i32) {
    %c0_i32 = arith.constant 0 : i32
    %c0_i32_0 = arith.constant 0 : i32
    %c0_i32_1 = arith.constant 0 : i32
    return %arg0, %c0_i32, %c0_i32_0 : i32, i32, i32
  }
  func.func @transform_3(%arg0: i32) -> (i32, i32) {
    %c0_i32 = arith.constant 0 : i32
    %c0_i32_0 = arith.constant 0 : i32
    %c0_i32_1 = arith.constant 0 : i32
    return %c0_i32, %c0_i32_0 : i32, i32
  }
  func.func @transform_4(%arg0: i32) -> (i32, i32) {
    %c0_i32 = arith.constant 0 : i32
    %c0_i32_0 = arith.constant 0 : i32
    %c0_i32_1 = arith.constant 0 : i32
    return %c0_i32, %c0_i32_0 : i32, i32
  }
  func.func @transform_5(%arg0: i32) -> (i32, i32) {
    %c0_i32 = arith.constant 0 : i32
    %c0_i32_0 = arith.constant 0 : i32
    return %arg0, %c0_i32 : i32, i32
  }
}

module attributes {stable_mosaic.version = 14 : i64} {
  func.func @body(%arg0: i32, %arg1: memref<1000x128xf32, #tpu.memory_space<vmem>>, %arg2: memref<2x1000x128xf32, #tpu.memory_space<vmem>>, %arg3: memref<1x2x1000xf32, #tpu.memory_space<vmem>>, %arg4: memref<128x256xf32, #tpu.memory_space<vmem>>, %arg5: memref<1x128xf32, #tpu.memory_space<vmem>>, %arg6: memref<1000x128xf32, #tpu.memory_space<vmem>>) attributes {dimension_semantics = [#tpu.dimension_semantics<arbitrary>], iteration_bounds = array<i64: 10>, scalar_prefetch = 0 : i64, scratch_operands = 0 : i64, tpu.core_type = #tpu.core_type<tc>, window_params = [{transform_indices = @transform_0, window_bounds = array<i64: 1000, 128>}, {transform_indices = @transform_1, window_bounds = array<i64: 2, 1000, 128>}, {transform_indices = @transform_2, window_bounds = array<i64: 1, 2, 1000>}, {pipeline_mode = #tpu.pipeline_mode<synchronous>, transform_indices = @transform_3, window_bounds = array<i64: 128, 256>}, {pipeline_mode = #tpu.pipeline_mode<synchronous>, transform_indices = @transform_4, window_bounds = array<i64: 1, 128>}, {transform_indices = @transform_5, window_bounds = array<i64: 1000, 128>}]} {
    %get3A = arith.constant 0 : index
    %get3A_0 = arith.constant 0 : index
    %get3A_1 = vector.load %arg1[%get3A, %get3A_0] : memref<1000x128xf32, #tpu.memory_space<vmem>>, vector<1000x128xf32>
    %get3A_2 = arith.constant 0 : index
    %get3A_3 = arith.constant 0 : index
    %get3A_4 = arith.constant 0 : index
    %get3A_5 = vector.load %arg2[%get3A_2, %get3A_3, %get3A_4] : memref<2x1000x128xf32, #tpu.memory_space<vmem>>, vector<1x1000x128xf32>
    %get3A_6 = vector.shape_cast %get3A_5 : vector<1x1000x128xf32> to vector<1000x128xf32>
    %get3A_7 = arith.constant 1 : index
    %get3A_8 = arith.constant 0 : index
    %get3A_9 = arith.constant 0 : index
    %get3A_10 = vector.load %arg2[%get3A_7, %get3A_8, %get3A_9] : memref<2x1000x128xf32, #tpu.memory_space<vmem>>, vector<1x1000x128xf32>
    %get3A_11 = vector.shape_cast %get3A_10 : vector<1x1000x128xf32> to vector<1000x128xf32>
    %add3A = arith.addf %get3A_6, %get3A_11 : vector<1000x128xf32>
    %get3A_12 = arith.constant 0 : index
    %get3A_13 = arith.constant 0 : index
    %get3A_14 = arith.constant 0 : index
    %get3A_15 = vector.load %arg3[%get3A_12, %get3A_13, %get3A_14] : memref<1x2x1000xf32, #tpu.memory_space<vmem>>, vector<1x2x1000xf32>
    %get3A_16 = vector.shape_cast %get3A_15 : vector<1x2x1000xf32> to vector<2x1000xf32>
    %slice3A = vector.extract_strided_slice %get3A_16 {offsets = [0, 0], sizes = [1, 1000], strides = [1, 1]} : vector<2x1000xf32> to vector<1x1000xf32>
    %slice3A_17 = vector.extract_strided_slice %get3A_16 {offsets = [1, 0], sizes = [1, 1000], strides = [1, 1]} : vector<2x1000xf32> to vector<1x1000xf32>
    %add3A_18 = arith.addf %slice3A, %slice3A_17 : vector<1x1000xf32>
    %transpose3A = tpu.transpose %add3A_18, [1, 0] : vector<1x1000xf32> -> vector<1000x1xf32>
    %sub3A = arith.constant 1.000000e+00 : f32
    %sub3A_19 = vector.broadcast %sub3A : f32 to vector<1000x1xf32>
    %sub3A_20 = arith.subf %transpose3A, %sub3A_19 : vector<1000x1xf32>
    %max3A = arith.constant 1.000000e+00 : f32
    %max3A_21 = vector.broadcast %max3A : f32 to vector<1000x1xf32>
    %max3A_22 = arith.maximumf %sub3A_20, %max3A_21 : vector<1000x1xf32>
    %sub3A_23 = arith.subf %add3A, %get3A_1 : vector<1000x128xf32>
    %div3A = vector.broadcast %max3A_22 : vector<1000x1xf32> to vector<1000x128xf32>
    %div3A_24 = arith.divf %sub3A_23, %div3A : vector<1000x128xf32>
    %get3A_25 = arith.constant 0 : index
    %get3A_26 = arith.constant 0 : index
    %get3A_27 = vector.load %arg4[%get3A_25, %get3A_26] : memref<128x256xf32, #tpu.memory_space<vmem>>, vector<128x256xf32>
    %slice3A_28 = vector.extract_strided_slice %get3A_27 {offsets = [0, 0], sizes = [128, 128], strides = [1, 1]} : vector<128x256xf32> to vector<128x128xf32>
    %dot_general3A = arith.constant dense<0.000000e+00> : vector<1000x128xf32>
    %dot_general3A_29 = tpu.matmul %get3A_1, %slice3A_28, %dot_general3A {dimension_numbers = #tpu.dot_dimension_numbers<[1], [1], [0], [0], [0, 0, 1, 0], [], []>, transpose_lhs_hint = false} : vector<1000x128xf32>, vector<128x128xf32>, vector<1000x128xf32> -> vector<1000x128xf32>
    %slice3A_30 = vector.extract_strided_slice %get3A_27 {offsets = [0, 128], sizes = [128, 128], strides = [1, 1]} : vector<128x256xf32> to vector<128x128xf32>
    %dot_general3A_31 = arith.constant dense<0.000000e+00> : vector<1000x128xf32>
    %dot_general3A_32 = tpu.matmul %div3A_24, %slice3A_30, %dot_general3A_31 {dimension_numbers = #tpu.dot_dimension_numbers<[1], [1], [0], [0], [0, 0, 1, 0], [], []>, transpose_lhs_hint = false} : vector<1000x128xf32>, vector<128x128xf32>, vector<1000x128xf32> -> vector<1000x128xf32>
    %add3A_33 = arith.addf %dot_general3A_29, %dot_general3A_32 : vector<1000x128xf32>
    %get3A_34 = arith.constant 0 : index
    %get3A_35 = arith.constant 0 : index
    %get3A_36 = vector.load %arg5[%get3A_34, %get3A_35] : memref<1x128xf32, #tpu.memory_space<vmem>>, vector<1x128xf32>
    %add3A_37 = vector.broadcast %get3A_36 : vector<1x128xf32> to vector<1000x128xf32>
    %add3A_38 = arith.addf %add3A_33, %add3A_37 : vector<1000x128xf32>
    %mul3A = arith.mulf %add3A_38, %add3A_38 : vector<1000x128xf32>
    %reduce_sum3A = arith.constant dense<0.000000e+00> : vector<1000xf32>
    %reduce_sum3A_39 = vector.multi_reduction <add>, %mul3A, %reduce_sum3A [1] : vector<1000x128xf32> to vector<1000xf32>
    %broadcast_in_dim3A = vector.shape_cast %reduce_sum3A_39 : vector<1000xf32> to vector<1000x1xf32>
    %sqrt3A = math.sqrt %broadcast_in_dim3A : vector<1000x1xf32>
    %max3A_40 = arith.constant 9.99999997E-7 : f32
    %max3A_41 = vector.broadcast %max3A_40 : f32 to vector<1000x1xf32>
    %max3A_42 = arith.maximumf %sqrt3A, %max3A_41 : vector<1000x1xf32>
    %div3A_43 = vector.broadcast %max3A_42 : vector<1000x1xf32> to vector<1000x128xf32>
    %div3A_44 = arith.divf %add3A_38, %div3A_43 : vector<1000x128xf32>
    %swap3A = arith.constant 0 : index
    %swap3A_45 = arith.constant 0 : index
    %swap3A_46 = vector.load %arg6[%swap3A, %swap3A_45] : memref<1000x128xf32, #tpu.memory_space<vmem>>, vector<1000x128xf32>
    tpu.vector_store %arg6[%swap3A, %swap3A_45], %div3A_44 {strides = array<i32>} : memref<1000x128xf32, #tpu.memory_space<vmem>>, vector<1000x128xf32>,
    return
  }
  func.func @transform_0(%arg0: i32) -> (i32, i32) {
    %c0_i32 = arith.constant 0 : i32
    %c0_i32_0 = arith.constant 0 : i32
    return %arg0, %c0_i32 : i32, i32
  }
  func.func @transform_1(%arg0: i32) -> (i32, i32, i32) {
    %c0_i32 = arith.constant 0 : i32
    %c0_i32_0 = arith.constant 0 : i32
    %c0_i32_1 = arith.constant 0 : i32
    return %c0_i32, %arg0, %c0_i32_0 : i32, i32, i32
  }
  func.func @transform_2(%arg0: i32) -> (i32, i32, i32) {
    %c0_i32 = arith.constant 0 : i32
    %c0_i32_0 = arith.constant 0 : i32
    %c0_i32_1 = arith.constant 0 : i32
    return %arg0, %c0_i32, %c0_i32_0 : i32, i32, i32
  }
  func.func @transform_3(%arg0: i32) -> (i32, i32) {
    %c0_i32 = arith.constant 0 : i32
    %c0_i32_0 = arith.constant 0 : i32
    %c0_i32_1 = arith.constant 0 : i32
    return %c0_i32, %c0_i32_0 : i32, i32
  }
  func.func @transform_4(%arg0: i32) -> (i32, i32) {
    %c0_i32 = arith.constant 0 : i32
    %c0_i32_0 = arith.constant 0 : i32
    %c0_i32_1 = arith.constant 0 : i32
    return %c0_i32, %c0_i32_0 : i32, i32
  }
  func.func @transform_5(%arg0: i32) -> (i32, i32) {
    %c0_i32 = arith.constant 0 : i32
    %c0_i32_0 = arith.constant 0 : i32
    return %arg0, %c0_i32 : i32, i32
  }
}

</mosaic_0001>

<sc_bundles>
// kernel: kernel.10.cloned.1.call-start
scs
__scs_entry_jumppad:
0x0: {  	(pc) =	sbr.rel $0x88, $3  }
0x1: {  	(tag) =	ssettag $0x0;
	lr =	simm.s32 $0x1  }
0x2: {  	[smem:$0x3F98] =	sst lr;
	_ =	strace $0xD0000000  }
0x3: {  	_ = 	snop  }
0x4: {  	_ = 	snop  }
0x5: {  	_ = 	snop  }
0x6: {  	_ = 	snop  }
0x7: {  	_ = 	snop  }
__scs_overlays_trampoline_lowered:
0x8: {  	[smem:$0x3FA7] =	sst s0  }
0x9: {  	[smem:$0x3FA8] =	sst s1  }
0xa: {  	[smem:$0x3FA9] =	sst s2  }
0xb: {  	[smem:$0x3FAA] =	sst s3  }
0xc: {  	[smem:$0x3FAB] =	sst s4  }
0xd: {  	[smem:$0x3FAC] =	sst s5  }
0xe: {  	[smem:$0x3FAD] =	sst s6  }
0xf: {  	[smem:$0x3FAE] =	sst s7  }
0x10: {  	[smem:$0x3FAF] =	sst s8  }
0x11: {  	[smem:$0x3FB0] =	sst s9;
	s0 =	simm.s32 @!p0 $0x0  }
0x12: {  	s1 =	sld [smem:$0x3F96];
	s0 =	simm.s32 @p0 $0x1  }
0x13: {  	[smem:$0x3FB1] =	sst s0;
	s0 =	simm.s32 @!p1 $0x0  }
0x14: {  	s2 =	sld [smem:$0x3F95];
	s0 =	simm.s32 @p1 $0x1  }
0x15: {  	[smem:$0x3FB2] =	sst s0;
	s0 =	simm.s32 @!p2 $0x0  }
0x16: {  	s3 =	sld [smem:$0x3FDB];
	s0 =	simm.s32 @p2 $0x1  }
0x17: {  	s4 =	simm.s32 $0x1BF5;
	[smem:$0x3FB4] =	sst s0  }
0x18: {  	s0 =	sld [smem:$0x3F97];
	_ =	swait.ge [sflag:s4], $0x0  }
0x19: {  	s7 =	sld [smem:$0x3F98]  }
0x1a: {  	s8 =	sadd.s32 $0xFFFFE003, lr  }
0x1b: {  	s9 =	sadd.s32 $0xFFFFFEF7, lr;
	s5 =	simm.s32 $0xFFFFFFFF;
	p2 =	slt.u32 s8, $0xFFFFF086  }
0x1c: {  	p1 =	slt.u32 s9, $0xF7A;
	s5 =	simm.s32 @!p2 $0x0  }
0x1d: {  	s5 =	simm.s32 @p1 $0x1;
	p0 =	seq.s32 s7, s2  }
0x1e: {  	s7 =	smul.u32 @!p0 $0xF7A, s2;
	p2 =	seq.s32 @!p0 s5, $0x0  }
0x1f: {  	s9 =	smul.u32 $0xF7A, s1;
	s8 =	simm.s32 @!p0 $0x1BF5;
	p2 =	por !p2, p0  }
0x20: {  	[sflag:s8] =	ssyncset.s32 @!p0 $0xFFFFF086;
	s6 =	sadd.s32 @!p0 s3, s7;
	s7 =	simm.s32 @!p0 $0x108  }
0x21: {  	s3 =	sadd.s32 s3, s9;
	s6 =	sadd.s32 @!p0 $0x88, s6;
	s7 =	simm.s32 @p2 $0x1082  }
0x22: {  	[simem:s7], [sflag:s8] =	dma.local @!p0 [hbm:s6], $0xF7A  }
0x23: {  	s9 =	sor.u32 $0xD0000000, s2;
	s6 =	simm.s32 $0x108;
	_ =	swait.ge @!p0 [sflag:s8], $0x0  }
0x24: {  	s3 =	sadd.s32 $0x88, s3;
	s6 =	simm.s32 @!p1 $0x1082;
	[sflag:s4] =	ssyncset.s32 $0xFFFFF086  }
0x25: {  	[simem:s6], [sflag:s4] =	dma.local [hbm:s3], $0xF7A  }
0x26: {  	[smem:$0x3F98] =	sst s1;
	(tag) =	ssettag s2;
	_ =	strace s9  }
0x27: {  	s1 =	sld [smem:$0x3FA8]  }
0x28: {  	s2 =	sld [smem:$0x3FA9]  }
0x29: {  	s4 =	sld [smem:$0x3FAB]  }
0x2a: {  	p0 =	seq.s32 s5, $0x0;
	s5 =	sld [smem:$0x3FAC]  }
0x2b: {  	s6 =	sld [smem:$0x3FAD]  }
0x2c: {  	s7 =	sld [smem:$0x3FAE]  }
0x2d: {  	s3 =	simm.s32 $0x108;
	s8 =	sld [smem:$0x3FAF]  }
0x2e: {  	s3 =	simm.s32 @!p0 $0x1082;
	s9 =	sld [smem:$0x3FB0]  }
0x2f: {  	lr =	sadd.s32 s0, s3;
	s0 =	sld [smem:$0x3FA7]  }
0x30: {  	s3 =	sld [smem:$0x3FAA]  }
0x31: {  	[smem:$0x3FB3] =	sst s10  }
0x32: {  	s10 =	sld [smem:$0x3FB1];
	_ =	sdelay $0x3  }
0x33: {  	p0 =	seq.s32 s10, $0x1;
	s10 =	sld [smem:$0x3FB3];
	_ =	sdelay $0x3  }
0x34: {  	[smem:$0x3FB3] =	sst s10  }
0x35: {  	s10 =	sld [smem:$0x3FB2];
	_ =	sdelay $0x3  }
0x36: {  	p1 =	seq.s32 s10, $0x1;
	s10 =	sld [smem:$0x3FB3];
	_ =	sdelay $0x3  }
0x37: {  	[smem:$0x3FB3] =	sst s10  }
0x38: {  	s10 =	sld [smem:$0x3FB4]  }
0x39: {  	_ = 	snop;
	(pc) =	sbr.ind lr, $3  }
0x3a: {  	_ = 	snop  }
0x3b: {  	_ = 	snop  }
0x3c: {  	p2 =	seq.s32 s10, $0x1;
	s10 =	sld [smem:$0x3FB3]  }
0x3d: {  	_ =	shalt  }
0x3e: {  	_ =	shalt  }
0x3f: {  	_ =	shalt  }
0x40: {  	_ =	shalt  }
0x41: {  	_ =	shalt  }
0x42: {  	_ =	shalt  }
0x43: {  	_ =	shalt  }
0x44: {  	_ =	shalt  }
0x45: {  	_ =	shalt  }
0x46: {  	_ =	shalt  }
0x47: {  	_ =	shalt  }
0x48: {  	_ =	shalt  }
0x49: {  	_ =	shalt  }
0x4a: {  	_ =	shalt  }
0x4b: {  	_ =	shalt  }
0x4c: {  	_ =	shalt  }
0x4d: {  	_ =	shalt  }
0x4e: {  	_ =	shalt  }
0x4f: {  	_ =	shalt  }
0x50: {  	_ =	shalt  }
0x51: {  	_ =	shalt  }
0x52: {  	_ =	shalt  }
0x53: {  	_ =	shalt  }
0x54: {  	_ =	shalt  }
0x55: {  	_ =	shalt  }
0x56: {  	_ =	shalt  }
0x57: {  	_ =	shalt  }
0x58: {  	_ =	shalt  }
0x59: {  	_ =	shalt  }
0x5a: {  	_ =	shalt  }
0x5b: {  	_ =	shalt  }
0x5c: {  	_ =	shalt  }
0x5d: {  	_ =	shalt  }
0x5e: {  	_ =	shalt  }
0x5f: {  	_ =	shalt  }
0x60: {  	_ =	shalt  }
0x61: {  	_ =	shalt  }
0x62: {  	_ =	shalt  }
0x63: {  	_ =	shalt  }
0x64: {  	_ =	shalt  }
0x65: {  	_ =	shalt  }
0x66: {  	_ =	shalt  }
0x67: {  	_ =	shalt  }
0x68: {  	_ =	shalt  }
0x69: {  	_ =	shalt  }
0x6a: {  	_ =	shalt  }
0x6b: {  	_ =	shalt  }
0x6c: {  	_ =	shalt  }
0x6d: {  	_ =	shalt  }
0x6e: {  	_ =	shalt  }
0x6f: {  	_ =	shalt  }
0x70: {  	_ =	shalt  }
0x71: {  	_ =	shalt  }
0x72: {  	_ =	shalt  }
0x73: {  	_ =	shalt  }
0x74: {  	_ =	shalt  }
0x75: {  	_ =	shalt  }
0x76: {  	_ =	shalt  }
0x77: {  	_ =	shalt  }
0x78: {  	_ =	shalt  }
0x79: {  	_ =	shalt  }
0x7a: {  	_ =	shalt  }
0x7b: {  	_ =	shalt  }
0x7c: {  	_ =	shalt  }
0x7d: {  	_ =	shalt  }
0x7e: {  	_ =	shalt  }
0x7f: {  	_ =	shalt  }
0x80: {  	_ =	shalt  }
0x81: {  	_ =	shalt  }
0x82: {  	_ =	shalt  }
0x83: {  	_ =	shalt  }
0x84: {  	_ =	shalt  }
0x85: {  	_ =	shalt  }
0x86: {  	_ =	shalt  }
0x87: {  	_ =	shalt  }
.Lfunc_end0:
.L_simem_size_0:
called_computation.1_lowered:
.L_overlay_start_0:
0x88: {  	s2 =	sld [smem:$0x3FD9]  }
0x89: {  	s3 =	sld [smem:$0x3FFE];
	_ =	sdelay $0x1  }
0x8a: {  	s1 =	srdreg.scid  }
0x8b: {  	s0 =	sand.u32 $0x1, s1  }
0x8c: {  	s17 =	sshll.u32 s0, $0xA;
	s2 =	sadd.s32 s3, s2  }
0x8d: {  	s2 =	sadd.s32 s2, s17  }
0x8e: {  	[smem:$0x3FBF] =	sst s2  }
0x8f: {  	_ = 	snop  }
0x90: {  	s2 =	sld [smem:$0x3FD0];
	(tm) =	ssettm $0x1  }
0x91: {  	s18 =	sld [smem:$0x3FFB];
	_ =	sdelay $0x3  }
0x92: {  	_ =	strace s18  }
0x93: {  	s3 =	sld [smem:$0x3FFC];
	_ =	sdelay $0x3  }
0x94: {  	_ =	strace s3  }
0x95: {  	s3 =	sld [smem:$0x3FFD];
	_ =	sdelay $0x3  }
0x96: {  	_ =	strace s3  }
0x97: {  	_ =	strace $0x8FFFFFFF  }
0x98: {  	s19 =	sld [smem:$0x3FDB];
	_ =	sdelay $0x1  }
0x99: {  	s4 =	simm.s32 $_scs_section_size  }
0x9a: {  	s5 =	simm.s32 $_size__tile_overlayer_lowered;
	s6 =	simm.s32 $_tile_overlayer_lowered  }
0x9b: {  	s22 =	simm.s32 $0x1BFF;
	s21 =	sshll.u32 s6, $0x1;
	s3 =	sadd.s32 s4, s19  }
0x9c: {  	s7 =	simm.s32 $0x0;
	s20 =	sshll.u32 s5, $0x1;
	s5 =	sadd.s32 s21, s3  }
0x9d: {  	[timem:s7], [sflag:s22] =	dma.local [hbm:s5], s20  }
0x9e: {  	_ =	swait.ge [sflag:s22], s20  }
0x9f: {  	s4 =	ssub.s32 $0x0, s20;
	[sflag:s22] =	ssyncset.done $0x0  }
0xa0: {  	[sflag:s22] =	ssyncadd.s32 s4;
	_ =	sdelay $0x1  }
0xa1: {  	s23 =	simm.s32 $0x1B8B  }
0xa2: {  	_ =	swait.ge [sflag:s23], $0x1  }
0xa3: {  	[sflag:s23] =	ssyncset.done $0x0  }
0xa4: {  	s25 =	simm.s32 $0x1B8E;
	s24 =	sld [smem:$0x3FFE];
	[sflag:s23] =	ssyncadd.s32 $0xFFFFFFFF  }
0xa5: {  	s26 =	simm.s32 $execute0_lowered;
	[smem:$0x3FD2] =	sst s25  }
0xa6: {  	s5 =	sshll.u32 s26, $0x1;
	_ =	strace $0x80000049;
	[dreg:$0x1] =	wrdreg $0xFFFFFFFF  }
0xa7: {  	s28 =	simm.s32 $_size_execute0_lowered;
	s3 =	sadd.s32 s3, s5;
	[dreg:$0x0] =	wrdreg $0x0  }
0xa8: {  	s5 =	sshll.u32 s28, $0x1;
	[dreg:$0x2] =	wrdreg s3  }
0xa9: {  	[dreg:$0x3] =	wrdreg s5  }
0xaa: {  	[dreg:$0x4] =	wrdreg $0xC0  }
0xab: {  	_ =	task [dreg:s7], $0x5FFFF  }
0xac: {  	[dreg:$0x1] =	wrdreg $0xFFFFFFFF  }
0xad: {  	[dreg:$0x0] =	wrdreg $0x60  }
0xae: {  	[dreg:$0x2] =	wrdreg s2  }
0xaf: {  	[dreg:$0x3] =	wrdreg s24  }
0xb0: {  	[dreg:$0x4] =	wrdreg $0xA8000  }
0xb1: {  	[dreg:$0x5] =	wrdreg $0x9  }
0xb2: {  	_ =	task.clear_ibuf [dreg:s7], $0x6FFFF;
	_ =	strace $0x90000049  }
0xb3: {  	s29 =	simm.s32 $0x9;
	_ =	strace $0x8000004B  }
0xb4: {  	_ =	swait.ge [sflag:s29], $0x1  }
0xb5: {  	[sflag:s29] =	ssyncadd.s32 $0xFFFFFFFF  }
0xb6: {  	_ =	strace $0x9000004B  }
0xb7: {  	_ =	sfence  }
0xb8: {  	s30 =	sld [smem:$0x0];
	_ =	sdelay $0x2  }
0xb9: {  	s31 =	sshll.u32 s1, $0xD;
	s1 =	sshrl.u32 s1, $0x2  }
0xba: {  	s3 =	sand.u32 $0x4000, s31;
	s1 =	sadd.s32 s1, s30  }
0xbb: {  	s0 =	sor.u32 s3, s0;
	s1 =	sshll.u32 s1, $0x11  }
0xbc: {  	s0 =	sor.u32 s1, s0  }
0xbd: {  	s0 =	sadd.s32 $0x8F2B, s0  }
0xbe: {  	[sflag:s0] =	ssyncadd.remote.s32 $0x1  }
0xbf: {  	_ =	sfence.sel $0xFFFF  }
0xc0: {  	[dreg:$0x0] =	wrdreg $0xFFFFFFFF;
	(pc) =	sbr.abs _section_cstart, $3  }
0xc1: {  	[dreg:$0x1] =	wrdreg $0xFFFFFFFF  }
0xc2: {  	_ =	task.clear_ibuf [dreg:s7], $0x2FFFF;
	_ =	strace $0x9FFFFFFF  }
0xc3: {  	(tm) =	ssettm $0x7FFFFFFF  }
tec
execute0_lowered:
.L_overlay_start_1:
0x0: {  	(tag) =	ssettag $0x1  }
0x1: {  	s1 =	rddreg [dreg:$0x0]  }
0x2: {  	s0 =	rddreg [dreg:$0x1]  }
0x3: {  	s2 =	rddreg [dreg:$0x2];
	s3 =	simm.s32 $0x0  }
0x4: {  	s4 =	srdreg.scid;
	s11 =	stileid.u32;
	s28 =	simm.s32 $0x200  }
0x5: {  	s30 =	simm.s32 $0x50;
	s31 =	simm.s32 $0x800;
	s29 =	simm.s32 $0x180  }
0x6: {  	[smem:$0x7FF] =	sst s3;
	s4 =	sand.u32 $0x1, s4;
	s5 =	smul.u32 $0x4E000, s11  }
0x7: {  	s6 =	sadd.s32 $0x2C00, s0;
	s0 =	sadd.s32 $0x22600, s0;
	s9 =	sshll.u32 s11, $0x1  }
0x8: {  	s20 =	smul.u32 $0xFA, s11;
	s23 =	sadd.s32 $0x138000, s2;
	p0 =	sne.s32 s11, $0x0  }
0x9: {  	_ =	strace $0x8000004A;
	s7 =	ssub.s32 $0x2, s4;
	s5 =	sshrl.u32 s5, $0x2  }
0xa: {  	[dreg:$0x17] =	wrdreg s23;
	s23 =	simm.s32 $0x580;
	s12 =	sadd.s32 s5, s2  }
0xb: {  	s14 =	sor.u32 s4, s9;
	[dreg:$0xc] =	wrdreg s23;
	s5 =	sadd.s32 $0x2800, s12  }
0xc: {  	s22 =	smul.u32 $0x7D, s4;
	s16 =	sadd.s32 $0x5000, s12;
	[dreg:$0x10] =	wrdreg s5  }
0xd: {  	s8 =	sshrl.u32 s7, $0x1;
	s18 =	sadd.s32 $0x7800, s12;
	[dreg:$0x11] =	wrdreg s16  }
0xe: {  	s17 =	smul.u32 $0x7D00, s14;
	s19 =	sadd.s32 $0xA000, s12;
	[dreg:$0x12] =	wrdreg s18  }
0xf: {  	s7 =	ssub.s32 s7, s8;
	s10 =	sadd.s32 $0xC800, s12;
	[dreg:$0x13] =	wrdreg s19  }
0x10: {  	s8 =	smul.u32 $0xFA0, s14;
	s21 =	sadd.s32 $0xF000, s12;
	[dreg:$0x14] =	wrdreg s10  }
0x11: {  	s15 =	smov.u32 s12;
	s12 =	sadd.s32 $0x11800, s12;
	[dreg:$0x15] =	wrdreg s21  }
0x12: {  	s9 =	sadd.s32 s22, s20;
	s22 =	smax.u32 s7, $0x1;
	[dreg:$0x16] =	wrdreg s12  }
0x13: {  	s25 =	sshll.u32 s9, $0x5;
	s5 =	sshrl.u32 s17, $0x3;
	[dreg:$0x1f] =	wrdreg s22  }
0x14: {  	s8 =	sadd.s32 s6, s8;
	[dreg:$0xf] =	wrdreg s15;
	s5 =	sadd.s32 s6, s5  }
0x15: {  	[dreg:$0x18] =	wrdreg s8;
	s6 =	sadd.s32 s25, s6;
	s25 =	simm.s32 $0x780  }
0x16: {  	s4 =	smul.u32 $0x138800, s4;
	s24 =	sadd.s32 $0x20, s5;
	[dreg:$0xe] =	wrdreg s25  }
0x17: {  	s23 =	simm.s32 $0x4;
	s26 =	sadd.s32 $0x40, s5;
	[dreg:$0x19] =	wrdreg s24  }
0x18: {  	s7 =	simm.s32 $0x5800;
	s10 =	sadd.s32 $0x60, s5;
	[dreg:$0x1a] =	wrdreg s26  }
0x19: {  	s9 =	simm.s32 $0x1;
	s5 =	sadd.s32 $0x80, s5;
	[dreg:$0x1b] =	wrdreg s10  }
0x1a: {  	s12 =	smul.u32 $0x13800, s11;
	s13 =	sadd.s32 $0x180, s6;
	[dreg:$0x1c] =	wrdreg s5  }
0x1b: {  	s22 =	simm.s32 $0x8000;
	s14 =	sadd.s32 $0x160, s6;
	[dreg:$0x4] =	wrdreg s13  }
0x1c: {  	s11 =	simm.s32 $0x8;
	s16 =	sadd.s32 $0x140, s6;
	[dreg:$0x5] =	wrdreg s14  }
0x1d: {  	s8 =	sadd.s32 s12, s4;
	s17 =	sadd.s32 $0x120, s6;
	[dreg:$0x6] =	wrdreg s16  }
0x1e: {  	s18 =	sadd.s32 $0x100, s6;
	s4 =	sshrl.u32 s4, $0x3;
	[dreg:$0x7] =	wrdreg s17  }
0x1f: {  	s19 =	sadd.s32 $0xE0, s6;
	s20 =	sadd.s32 $0xC0, s6;
	[dreg:$0x8] =	wrdreg s18  }
0x20: {  	s21 =	sadd.s32 $0xA0, s6;
	s12 =	simm.s32 $0x300;
	[dreg:$0x9] =	wrdreg s19  }
0x21: {  	s6 =	simm.s32 $0xA;
	s8 =	sshrl.u32 s8, $0x3;
	[dreg:$0xa] =	wrdreg s20  }
0x22: {  	[dreg:$0xb] =	wrdreg s21;
	s24 =	simm.s32 $0x680;
	s26 =	simm.s32 $0x100  }
0x23: {  	s5 =	simm.s32 $0x400;
	s10 =	simm.s32 $0xB;
	s16 =	simm.s32 $0xC  }
0x24: {  	s18 =	simm.s32 $0x500;
	s14 =	simm.s32 $0x2;
	s21 =	simm.s32 $0xD  }
0x25: {  	s17 =	simm.s32 $0x5;
	s19 =	simm.s32 $0x3;
	s13 =	simm.s32 $0x6  }
0x26: {  	s20 =	simm.s32 $0x7;
	s8 =	sadd.s32 s0, s8;
	[dreg:$0xd] =	wrdreg s24  }
0x27: {  	s0 =	sadd.s32 s0, s4;
	s24 =	simm.s32 $0x0;
	[dreg:$0x1d] =	wrdreg s8  }
0x28: {  	s4 =	simm.s32 $0x3000;
	s0 =	sadd.s32 $0x27000, s0;
	[smem:$0x7FD] =	sst s24  }
0x29: {  	v0 =	vimm.f32 $0.0e+00;
	s8 =	simm.s32 $0x280;
	[dreg:$0x1e] =	wrdreg s0;
	s0 =	simm.s32 $0x9  }
.LBB2_1:
0x2a: {  	s24 =	simm.s32 $0x70;
	s25 =	simm.s32 $0x3C0  }
.LBB2_2:
0x2b: {  	p1 =	sne.s32 s25, $0x9FC0;
	[tilespmem:s24+$0x8000] =	vst v0  }
0x2c: {  	[tilespmem:s24+$0x7F90] =	vst v0  }
0x2d: {  	[tilespmem:s24+$0x7FA0] =	vst v0  }
.Ltmp0:
0x2e: {  	[tilespmem:s24+$0x7FB0] =	vst v0;
	(pc) =	sbr.rel @p1 .LBB2_2-.Ltmp0, $4  }
0x2f: {  	[tilespmem:s24+$0x7FC0] =	vst v0  }
0x30: {  	[tilespmem:s24+$0x7FD0] =	vst v0  }
0x31: {  	[tilespmem:s24+$0x7FE0] =	vst v0  }
0x32: {  	[tilespmem:s24+$0x7FF0] =	vst v0;
	s24 =	sshra.s32 s25, $0x2;
	s25 =	sadd.s32 $0x200, s25  }
0x33: {  	[tilespmem:s24+$0x8000] =	vst v0  }
0x34: {  	[tilespmem:s24+$0x7F90] =	vst v0  }
0x35: {  	[tilespmem:s24+$0x7FA0] =	vst v0  }
0x36: {  	[tilespmem:s24+$0x7FB0] =	vst v0  }
0x37: {  	[tilespmem:s24+$0x7FC0] =	vst v0  }
0x38: {  	[tilespmem:s24+$0x7FD0] =	vst v0  }
0x39: {  	[tilespmem:s24+$0x7FE0] =	vst v0  }
0x3a: {  	[tilespmem:s24+$0x7FF0] =	vst v0  }
0x3b: {  	[spmem:s15] =	stream.linear.scatter [tilespmem:s22], [sflag:$0x11], $0x2800, $0x38;
	[tilespmem:$0x1E080] =	vst v63  }
0x3c: {  	s15 =	rddreg [dreg:$0x10]  }
0x3d: {  	[spmem:s15] =	stream.linear.scatter [tilespmem:s22], [sflag:$0x11], $0x2800, $0x38;
	[tilespmem:$0x1E080] =	vst v63  }
0x3e: {  	s25 =	rddreg [dreg:$0x11]  }
0x3f: {  	[spmem:s25] =	stream.linear.scatter [tilespmem:s22], [sflag:$0x11], $0x2800, $0x38;
	[tilespmem:$0x1E080] =	vst v63  }
0x40: {  	s15 =	rddreg [dreg:$0x12]  }
0x41: {  	[spmem:s15] =	stream.linear.scatter [tilespmem:s22], [sflag:$0x11], $0x2800, $0x38;
	[tilespmem:$0x1E080] =	vst v63  }
0x42: {  	s25 =	rddreg [dreg:$0x13]  }
0x43: {  	[spmem:s25] =	stream.linear.scatter [tilespmem:s22], [sflag:$0x11], $0x2800, $0x38;
	[tilespmem:$0x1E080] =	vst v63  }
0x44: {  	s15 =	rddreg [dreg:$0x14]  }
0x45: {  	[spmem:s15] =	stream.linear.scatter [tilespmem:s22], [sflag:$0x11], $0x2800, $0x38;
	[tilespmem:$0x1E080] =	vst v63  }
0x46: {  	s25 =	rddreg [dreg:$0x15]  }
0x47: {  	[spmem:s25] =	stream.linear.scatter [tilespmem:s22], [sflag:$0x11], $0x2800, $0x38;
	[tilespmem:$0x1E080] =	vst v63  }
0x48: {  	s15 =	rddreg [dreg:$0x16]  }
0x49: {  	[spmem:s15] =	stream.linear.scatter [tilespmem:s22], [sflag:$0x11], $0x2000, $0x38;
	[tilespmem:$0x1E080] =	vst v63  }
0x4a: {  	s24 =	simm.s32 @!p0 $0x8000;
	s25 =	rddreg [dreg:$0x17]  }
0x4b: {  	[spmem:s25] =	stream.linear.scatter @!p0 [tilespmem:s24], [sflag:$0x11], $0x800, $0x38;
	[tilespmem:$0x1E080] =	vst v63  }
0x4c: {  	s25 =	simm.s32 $0x11  }
0x4d: {  	_ =	swait.ge [sflag:s25], $0x2800  }
0x4e: {  	[sflag:s25] =	ssyncset.done $0x0  }
0x4f: {  	[sflag:s25] =	ssyncadd.s32 $0xFFFFD800  }
0x50: {  	_ =	swait.ge [sflag:s25], $0x2800  }
0x51: {  	[sflag:s25] =	ssyncset.done $0x0  }
0x52: {  	[sflag:s25] =	ssyncadd.s32 $0xFFFFD800  }
0x53: {  	_ =	swait.ge [sflag:s25], $0x2800  }
0x54: {  	[sflag:s25] =	ssyncset.done $0x0  }
0x55: {  	[sflag:s25] =	ssyncadd.s32 $0xFFFFD800  }
0x56: {  	_ =	swait.ge [sflag:s25], $0x2800  }
0x57: {  	[sflag:s25] =	ssyncset.done $0x0  }
0x58: {  	[sflag:s25] =	ssyncadd.s32 $0xFFFFD800  }
0x59: {  	_ =	swait.ge [sflag:s25], $0x2800  }
0x5a: {  	[sflag:s25] =	ssyncset.done $0x0  }
0x5b: {  	[sflag:s25] =	ssyncadd.s32 $0xFFFFD800  }
0x5c: {  	_ =	swait.ge [sflag:s25], $0x2800  }
0x5d: {  	[sflag:s25] =	ssyncset.done $0x0  }
0x5e: {  	[sflag:s25] =	ssyncadd.s32 $0xFFFFD800  }
0x5f: {  	_ =	swait.ge [sflag:s25], $0x2800  }
0x60: {  	[sflag:s25] =	ssyncset.done $0x0  }
0x61: {  	[sflag:s25] =	ssyncadd.s32 $0xFFFFD800  }
0x62: {  	_ =	swait.ge [sflag:s25], $0x2000  }
0x63: {  	[sflag:s25] =	ssyncset.done $0x0  }
0x64: {  	s24 =	simm.s32 @!p0 $0x11;
	[sflag:s25] =	ssyncadd.s32 $0xFFFFE000  }
0x65: {  	_ =	swait.ge @!p0 [sflag:s24], $0x800  }
0x66: {  	[sflag:s24] =	ssyncset.done @!p0 $0x0  }
0x67: {  	s15 =	rddreg [dreg:$0x18];
	[sflag:s24] =	ssyncadd.s32 @!p0 $0xFFFFF800;
	s24 =	simm.s32 $0x0  }
0x68: {  	[tilespmem:s24], [sflag:$0x9] =	stream.linear.gather [hbm4b:s15+s24], $0x100, $0x38;
	[tilespmem:$0x1E080] =	vst v63  }
0x69: {  	s15 =	rddreg [dreg:$0x19]  }
0x6a: {  	[tilespmem:s26], [sflag:$0xA] =	stream.linear.gather [hbm4b:s15+s24], $0x100, $0x38;
	[tilespmem:$0x1E080] =	vst v63  }
0x6b: {  	s15 =	rddreg [dreg:$0x1a]  }
0x6c: {  	[tilespmem:s28], [sflag:$0xB] =	stream.linear.gather [hbm4b:s15+s24], $0x100, $0x38;
	[tilespmem:$0x1E080] =	vst v63  }
0x6d: {  	s15 =	rddreg [dreg:$0x1b]  }
0x6e: {  	[tilespmem:s12], [sflag:$0xC] =	stream.linear.gather [hbm4b:s15+s24], $0x100, $0x38;
	[tilespmem:$0x1E080] =	vst v63  }
0x6f: {  	s15 =	rddreg [dreg:$0x1c]  }
0x70: {  	[tilespmem:s5], [sflag:$0xD] =	stream.linear.gather [hbm4b:s15+s24], $0x100, $0x38;
	[tilespmem:$0x1E080] =	vst v63  }
0x71: {  	_ =	swait.ge [sflag:s0], $0x100  }
0x72: {  	[sflag:s0] =	ssyncset.done $0x0  }
0x73: {  	[sflag:s0] =	ssyncadd.s32 $0xFFFFFF00  }
0x74: {  	[tilespmem:s31], [sflag:$0x1] =	stream.indirect.gather [hbm4b:s1+s30], $0x80, s24, s30, $0xb8;
	[tilespmem:$0x1E080] =	vst v63  }
0x75: {  	_ =	swait.ge [sflag:s6], $0x100  }
0x76: {  	[sflag:s6] =	ssyncset.done $0x0  }
0x77: {  	[sflag:s6] =	ssyncadd.s32 $0xFFFFFF00  }
0x78: {  	[tilespmem:s4], [sflag:$0x2] =	stream.indirect.gather [hbm4b:s1+s30], $0x80, s26, s30, $0xb8;
	[tilespmem:$0x1E080] =	vst v63  }
0x79: {  	_ =	swait.ge [sflag:s10], $0x100  }
0x7a: {  	[sflag:s10] =	ssyncset.done $0x0  }
0x7b: {  	[sflag:s10] =	ssyncadd.s32 $0xFFFFFF00  }
0x7c: {  	[tilespmem:s7], [sflag:$0x3] =	stream.indirect.gather [hbm4b:s1+s30], $0x80, s28, s30, $0xb8;
	[tilespmem:$0x1E080] =	vst v63  }
0x7d: {  	s25 =	simm.s32 $0x80;
	[bflag:$0x0] =	sbarrier.arrive $0xFFFF  }
0x7e: {  	[spmem:s2] =	stream.indirect.scatter.add.f32 [tilespmem:s22], [sflag:$0x8], $0x80, s25, s30, $0xb8;
	[tilespmem:$0x1E080] =	vst v63  }
0x7f: {  	_ =	swait.ge [sflag:s9], $0x2800  }
0x80: {  	[sflag:s9] =	ssyncset.done $0x0  }
0x81: {  	[sflag:s9] =	ssyncadd.s32 $0xFFFFD800  }
0x82: {  	[spmem:s2] =	stream.indirect.scatter.add.f32 [tilespmem:s31], [sflag:$0x5], $0x80, s25, s30, $0xb8;
	[tilespmem:$0x1E080] =	vst v63  }
0x83: {  	_ =	swait.ge [sflag:s16], $0x100  }
0x84: {  	[sflag:s16] =	ssyncset.done $0x0  }
0x85: {  	[sflag:s16] =	ssyncadd.s32 $0xFFFFFF00  }
0x86: {  	_ =	swait.ge [sflag:s11], $0x2800  }
0x87: {  	[sflag:s11] =	ssyncset.done $0x0  }
0x88: {  	s15 =	rddreg [dreg:$0xb];
	[sflag:s11] =	ssyncadd.s32 $0xFFFFD800  }
0x89: {  	[tilespmem:s22], [sflag:$0x4] =	stream.indirect.gather [hbm4b:s1+s30], $0x80, s12, s30, $0xb8;
	[tilespmem:$0x1E080] =	vst v63  }
0x8a: {  	s24 =	sadd.s32 $0x0, s15  }
0x8b: {  	[tilespmem:s18], [sflag:$0xE] =	stream.linear.gather [hbm4b:s24+s3], $0x100, $0x38;
	[tilespmem:$0x1E080] =	vst v63  }
0x8c: {  	_ =	swait.ge [sflag:s14], $0x2800  }
0x8d: {  	[sflag:s14] =	ssyncset.done $0x0  }
0x8e: {  	[sflag:s14] =	ssyncadd.s32 $0xFFFFD800  }
0x8f: {  	[spmem:s2] =	stream.indirect.scatter.add.f32 [tilespmem:s4], [sflag:$0x6], $0x80, s29, s30, $0xb8;
	[tilespmem:$0x1E080] =	vst v63  }
0x90: {  	_ =	swait.ge [sflag:s21], $0x100  }
0x91: {  	[sflag:s21] =	ssyncset.done $0x0  }
0x92: {  	[sflag:s21] =	ssyncadd.s32 $0xFFFFFF00  }
0x93: {  	_ =	swait.ge [sflag:s17], $0x2800  }
0x94: {  	[sflag:s17] =	ssyncset.done $0x0  }
0x95: {  	s16 =	rddreg [dreg:$0xa];
	[sflag:s17] =	ssyncadd.s32 $0xFFFFD800  }
0x96: {  	[tilespmem:s31], [sflag:$0x1] =	stream.indirect.gather [hbm4b:s1+s30], $0x80, s5, s30, $0xb8;
	[tilespmem:$0x1E080] =	vst v63  }
0x97: {  	s24 =	sadd.s32 $0x0, s16;
	s5 =	simm.s32 $0x600  }
0x98: {  	[tilespmem:s5], [sflag:$0xF] =	stream.linear.gather [hbm4b:s24+s3], $0x100, $0x38;
	[tilespmem:$0x1E080] =	vst v63  }
0x99: {  	_ =	swait.ge [sflag:s19], $0x2800  }
0x9a: {  	[sflag:s19] =	ssyncset.done $0x0  }
0x9b: {  	[sflag:s19] =	ssyncadd.s32 $0xFFFFD800  }
0x9c: {  	[spmem:s2] =	stream.indirect.scatter.add.f32 [tilespmem:s7], [sflag:$0x7], $0x80, s8, s30, $0xb8;
	[tilespmem:$0x1E080] =	vst v63  }
0x9d: {  	s8 =	simm.s32 $0xE  }
0x9e: {  	_ =	swait.ge [sflag:s8], $0x100  }
0x9f: {  	[sflag:s8] =	ssyncset.done $0x0  }
0xa0: {  	[sflag:s8] =	ssyncadd.s32 $0xFFFFFF00  }
0xa1: {  	_ =	swait.ge [sflag:s13], $0x2800  }
0xa2: {  	[sflag:s13] =	ssyncset.done $0x0  }
0xa3: {  	s21 =	rddreg [dreg:$0x9];
	[sflag:s13] =	ssyncadd.s32 $0xFFFFD800  }
0xa4: {  	[tilespmem:s4], [sflag:$0x2] =	stream.indirect.gather [hbm4b:s1+s30], $0x80, s18, s30, $0xb8;
	[tilespmem:$0x1E080] =	vst v63  }
0xa5: {  	s16 =	simm.s32 $0x700;
	s24 =	sadd.s32 $0x0, s21  }
0xa6: {  	[tilespmem:s16], [sflag:$0x10] =	stream.linear.gather [hbm4b:s24+s3], $0x100, $0x38;
	[tilespmem:$0x1E080] =	vst v63  }
0xa7: {  	_ =	swait.ge [sflag:s23], $0x2800  }
0xa8: {  	[sflag:s23] =	ssyncset.done $0x0  }
0xa9: {  	s15 =	simm.s32 $0xF;
	s24 =	simm.s32 $0x380;
	[sflag:s23] =	ssyncadd.s32 $0xFFFFD800  }
0xaa: {  	[spmem:s2] =	stream.indirect.scatter.add.f32 [tilespmem:s22], [sflag:$0x8], $0x80, s24, s30, $0xb8;
	[tilespmem:$0x1E080] =	vst v63  }
0xab: {  	_ =	swait.ge [sflag:s15], $0x100  }
0xac: {  	[sflag:s15] =	ssyncset.done $0x0  }
0xad: {  	[sflag:s15] =	ssyncadd.s32 $0xFFFFFF00  }
0xae: {  	_ =	swait.ge [sflag:s20], $0x2800  }
0xaf: {  	[sflag:s20] =	ssyncset.done $0x0  }
0xb0: {  	s25 =	rddreg [dreg:$0x8];
	[sflag:s20] =	ssyncadd.s32 $0xFFFFD800  }
0xb1: {  	[tilespmem:s7], [sflag:$0x3] =	stream.indirect.gather [hbm4b:s1+s30], $0x80, s5, s30, $0xb8;
	[tilespmem:$0x1E080] =	vst v63  }
0xb2: {  	s24 =	sadd.s32 $0x0, s25  }
0xb3: {  	[tilespmem:s3], [sflag:$0x9] =	stream.linear.gather [hbm4b:s24+s3], $0x100, $0x38;
	[tilespmem:$0x1E080] =	vst v63  }
0xb4: {  	_ =	swait.ge [sflag:s9], $0x2800  }
0xb5: {  	[sflag:s9] =	ssyncset.done $0x0  }
0xb6: {  	s18 =	simm.s32 $0x480;
	s22 =	simm.s32 $0x10;
	[sflag:s9] =	ssyncadd.s32 $0xFFFFD800  }
0xb7: {  	[spmem:s2] =	stream.indirect.scatter.add.f32 [tilespmem:s31], [sflag:$0x5], $0x80, s18, s30, $0xb8;
	[tilespmem:$0x1E080] =	vst v63  }
0xb8: {  	_ =	swait.ge [sflag:s22], $0x100  }
0xb9: {  	[sflag:s22] =	ssyncset.done $0x0  }
0xba: {  	[sflag:s22] =	ssyncadd.s32 $0xFFFFFF00  }
0xbb: {  	_ =	swait.ge [sflag:s11], $0x2800  }
0xbc: {  	[sflag:s11] =	ssyncset.done $0x0  }
0xbd: {  	s31 =	simm.s32 $0x8000;
	s21 =	rddreg [dreg:$0x7];
	[sflag:s11] =	ssyncadd.s32 $0xFFFFD800  }
0xbe: {  	[tilespmem:s31], [sflag:$0x4] =	stream.indirect.gather [hbm4b:s1+s30], $0x80, s16, s30, $0xb8;
	[tilespmem:$0x1E080] =	vst v63  }
0xbf: {  	s24 =	sadd.s32 $0x0, s21  }
0xc0: {  	[tilespmem:s26], [sflag:$0xA] =	stream.linear.gather [hbm4b:s24+s3], $0x100, $0x38;
	[tilespmem:$0x1E080] =	vst v63  }
0xc1: {  	_ =	swait.ge [sflag:s14], $0x2800  }
0xc2: {  	[sflag:s14] =	ssyncset.done $0x0  }
0xc3: {  	s25 =	rddreg [dreg:$0xc];
	[sflag:s14] =	ssyncadd.s32 $0xFFFFD800  }
0xc4: {  	[spmem:s2] =	stream.indirect.scatter.add.f32 [tilespmem:s4], [sflag:$0x6], $0x80, s25, s30, $0xb8;
	[tilespmem:$0x1E080] =	vst v63  }
0xc5: {  	_ =	swait.ge [sflag:s0], $0x100  }
0xc6: {  	[sflag:s0] =	ssyncset.done $0x0  }
0xc7: {  	[sflag:s0] =	ssyncadd.s32 $0xFFFFFF00  }
0xc8: {  	_ =	swait.ge [sflag:s17], $0x2800  }
0xc9: {  	[sflag:s17] =	ssyncset.done $0x0  }
0xca: {  	s5 =	simm.s32 $0x800;
	s16 =	rddreg [dreg:$0x6];
	[sflag:s17] =	ssyncadd.s32 $0xFFFFD800  }
0xcb: {  	[tilespmem:s5], [sflag:$0x1] =	stream.indirect.gather [hbm4b:s1+s30], $0x80, s3, s30, $0xb8;
	[tilespmem:$0x1E080] =	vst v63  }
0xcc: {  	s24 =	sadd.s32 $0x0, s16  }
0xcd: {  	[tilespmem:s28], [sflag:$0xB] =	stream.linear.gather [hbm4b:s24+s3], $0x100, $0x38;
	[tilespmem:$0x1E080] =	vst v63  }
0xce: {  	_ =	swait.ge [sflag:s19], $0x2800  }
0xcf: {  	[sflag:s19] =	ssyncset.done $0x0  }
0xd0: {  	s18 =	rddreg [dreg:$0xd];
	[sflag:s19] =	ssyncadd.s32 $0xFFFFD800  }
0xd1: {  	[spmem:s2] =	stream.indirect.scatter.add.f32 [tilespmem:s7], [sflag:$0x7], $0x80, s18, s30, $0xb8;
	[tilespmem:$0x1E080] =	vst v63  }
0xd2: {  	_ =	swait.ge [sflag:s6], $0x100  }
0xd3: {  	[sflag:s6] =	ssyncset.done $0x0  }
0xd4: {  	[sflag:s6] =	ssyncadd.s32 $0xFFFFFF00  }
0xd5: {  	_ =	swait.ge [sflag:s13], $0x2800  }
0xd6: {  	[sflag:s13] =	ssyncset.done $0x0  }
0xd7: {  	s21 =	rddreg [dreg:$0x5];
	[sflag:s13] =	ssyncadd.s32 $0xFFFFD800  }
0xd8: {  	[tilespmem:s4], [sflag:$0x2] =	stream.indirect.gather [hbm4b:s1+s30], $0x80, s26, s30, $0xb8;
	[tilespmem:$0x1E080] =	vst v63  }
0xd9: {  	s24 =	sadd.s32 $0x0, s21  }
0xda: {  	[tilespmem:s12], [sflag:$0xC] =	stream.linear.gather [hbm4b:s24+s3], $0x100, $0x38;
	[tilespmem:$0x1E080] =	vst v63  }
0xdb: {  	_ =	swait.ge [sflag:s23], $0x2800  }
0xdc: {  	[sflag:s23] =	ssyncset.done $0x0  }
0xdd: {  	s25 =	rddreg [dreg:$0xe];
	[sflag:s23] =	ssyncadd.s32 $0xFFFFD800  }
0xde: {  	[spmem:s2] =	stream.indirect.scatter.add.f32 [tilespmem:s31], [sflag:$0x8], $0x80, s25, s30, $0xb8;
	[tilespmem:$0x1E080] =	vst v63  }
0xdf: {  	_ =	swait.ge [sflag:s10], $0x100  }
0xe0: {  	s29 =	simm.s32 $0x500;
	[sflag:s10] =	ssyncset.done $0x0  }
0xe1: {  	s0 =	simm.s32 $0x9;
	s16 =	simm.s32 $0xC;
	[sflag:s10] =	ssyncadd.s32 $0xFFFFFF00  }
0xe2: {  	s6 =	simm.s32 $0xA;
	s21 =	simm.s32 $0xD;
	_ =	swait.ge [sflag:s20], $0x2800  }
0xe3: {  	s24 =	simm.s32 $0x100;
	[sflag:s20] =	ssyncset.done $0x0;
	s26 =	rddreg [dreg:$0x4]  }
0xe4: {  	s10 =	simm.s32 $0xB;
	[sflag:s20] =	ssyncadd.s32 $0xFFFFD800;
	s25 =	sadd.s32 $0x0, s26  }
0xe5: {  	[tilespmem:s7], [sflag:$0x3] =	stream.indirect.gather [hbm4b:s1+s30], $0x80, s28, s30, $0xb8;
	[tilespmem:$0x1E080] =	vst v63  }
.LBB2_4:
0xe6: {  	s7 =	simm.s32 $0x400  }
0xe7: {  	[tilespmem:s7], [sflag:$0xD] =	stream.linear.gather [hbm4b:s25+s3], $0x100, $0x38;
	[tilespmem:$0x1E080] =	vst v63  }
0xe8: {  	_ =	swait.ge [sflag:s9], $0x2800  }
0xe9: {  	[sflag:s9] =	ssyncset.done $0x0  }
0xea: {  	s26 =	simm.s32 $0x80;
	[sflag:s9] =	ssyncadd.s32 $0xFFFFD800  }
0xeb: {  	[spmem:s2] =	stream.indirect.scatter.add.f32 [tilespmem:s5], [sflag:$0x5], $0x80, s26, s30, $0xb8;
	[tilespmem:$0x1E080] =	vst v63  }
0xec: {  	_ =	swait.ge [sflag:s16], $0x100  }
0xed: {  	[sflag:s16] =	ssyncset.done $0x0  }
0xee: {  	[sflag:s16] =	ssyncadd.s32 $0xFFFFFF00  }
0xef: {  	_ =	swait.ge [sflag:s11], $0x2800  }
0xf0: {  	s12 =	simm.s32 $0x300;
	[sflag:s11] =	ssyncset.done $0x0  }
0xf1: {  	s25 =	smov.u32 s24;
	s28 =	rddreg [dreg:$0xb];
	[sflag:s11] =	ssyncadd.s32 $0xFFFFD800  }
0xf2: {  	[tilespmem:s31], [sflag:$0x4] =	stream.indirect.gather [hbm4b:s1+s30], $0x80, s12, s30, $0xb8;
	[tilespmem:$0x1E080] =	vst v63  }
0xf3: {  	s26 =	sadd.s32 s25, s28  }
0xf4: {  	[tilespmem:s29], [sflag:$0xE] =	stream.linear.gather [hbm4b:s26+s3], $0x100, $0x38;
	[tilespmem:$0x1E080] =	vst v63  }
0xf5: {  	_ =	swait.ge [sflag:s14], $0x2800  }
0xf6: {  	[sflag:s14] =	ssyncset.done $0x0  }
0xf7: {  	s18 =	simm.s32 $0x180;
	[sflag:s14] =	ssyncadd.s32 $0xFFFFD800  }
0xf8: {  	[spmem:s2] =	stream.indirect.scatter.add.f32 [tilespmem:s4], [sflag:$0x6], $0x80, s18, s30, $0xb8;
	[tilespmem:$0x1E080] =	vst v63  }
0xf9: {  	_ =	swait.ge [sflag:s21], $0x100  }
0xfa: {  	[sflag:s21] =	ssyncset.done $0x0  }
0xfb: {  	[sflag:s21] =	ssyncadd.s32 $0xFFFFFF00  }
0xfc: {  	_ =	swait.ge [sflag:s17], $0x2800  }
0xfd: {  	[sflag:s17] =	ssyncset.done $0x0  }
0xfe: {  	s18 =	rddreg [dreg:$0xa];
	[sflag:s17] =	ssyncadd.s32 $0xFFFFD800  }
0xff: {  	[tilespmem:s5], [sflag:$0x1] =	stream.indirect.gather [hbm4b:s1+s30], $0x80, s7, s30, $0xb8;
	[tilespmem:$0x1E080] =	vst v63  }
0x100: {  	s4 =	simm.s32 $0x600;
	s26 =	sadd.s32 s25, s18  }
0x101: {  	[tilespmem:s4], [sflag:$0xF] =	stream.linear.gather [hbm4b:s26+s3], $0x100, $0x38;
	[tilespmem:$0x1E080] =	vst v63  }
0x102: {  	_ =	swait.ge [sflag:s19], $0x2800  }
0x103: {  	[sflag:s19] =	ssyncset.done $0x0  }
0x104: {  	s28 =	simm.s32 $0x280;
	s18 =	simm.s32 $0x5800;
	[sflag:s19] =	ssyncadd.s32 $0xFFFFD800  }
0x105: {  	[spmem:s2] =	stream.indirect.scatter.add.f32 [tilespmem:s18], [sflag:$0x7], $0x80, s28, s30, $0xb8;
	[tilespmem:$0x1E080] =	vst v63  }
0x106: {  	_ =	swait.ge [sflag:s8], $0x100  }
0x107: {  	[sflag:s8] =	ssyncset.done $0x0  }
0x108: {  	[sflag:s8] =	ssyncadd.s32 $0xFFFFFF00  }
0x109: {  	_ =	swait.ge [sflag:s13], $0x2800  }
0x10a: {  	[sflag:s13] =	ssyncset.done $0x0  }
0x10b: {  	s7 =	simm.s32 $0x3000;
	s18 =	rddreg [dreg:$0x9];
	[sflag:s13] =	ssyncadd.s32 $0xFFFFD800  }
0x10c: {  	[tilespmem:s7], [sflag:$0x2] =	stream.indirect.gather [hbm4b:s1+s30], $0x80, s29, s30, $0xb8;
	[tilespmem:$0x1E080] =	vst v63  }
0x10d: {  	s26 =	sadd.s32 s25, s18;
	s18 =	simm.s32 $0x700  }
0x10e: {  	[tilespmem:s18], [sflag:$0x10] =	stream.linear.gather [hbm4b:s26+s3], $0x100, $0x38;
	[tilespmem:$0x1E080] =	vst v63  }
0x10f: {  	_ =	swait.ge [sflag:s23], $0x2800  }
0x110: {  	[sflag:s23] =	ssyncset.done $0x0  }
0x111: {  	s28 =	simm.s32 $0x380;
	[sflag:s23] =	ssyncadd.s32 $0xFFFFD800  }
0x112: {  	[spmem:s2] =	stream.indirect.scatter.add.f32 [tilespmem:s31], [sflag:$0x8], $0x80, s28, s30, $0xb8;
	[tilespmem:$0x1E080] =	vst v63  }
0x113: {  	_ =	swait.ge [sflag:s15], $0x100  }
0x114: {  	[sflag:s15] =	ssyncset.done $0x0  }
0x115: {  	[sflag:s15] =	ssyncadd.s32 $0xFFFFFF00  }
0x116: {  	_ =	swait.ge [sflag:s20], $0x2800  }
0x117: {  	[sflag:s20] =	ssyncset.done $0x0  }
0x118: {  	s7 =	simm.s32 $0x5800;
	s28 =	rddreg [dreg:$0x8];
	[sflag:s20] =	ssyncadd.s32 $0xFFFFD800  }
0x119: {  	[tilespmem:s7], [sflag:$0x3] =	stream.indirect.gather [hbm4b:s1+s30], $0x80, s4, s30, $0xb8;
	[tilespmem:$0x1E080] =	vst v63  }
0x11a: {  	s26 =	sadd.s32 s25, s28  }
0x11b: {  	[tilespmem:s3], [sflag:$0x9] =	stream.linear.gather [hbm4b:s26+s3], $0x100, $0x38;
	[tilespmem:$0x1E080] =	vst v63  }
0x11c: {  	_ =	swait.ge [sflag:s9], $0x2800  }
0x11d: {  	[sflag:s9] =	ssyncset.done $0x0  }
0x11e: {  	s28 =	simm.s32 $0x480;
	[sflag:s9] =	ssyncadd.s32 $0xFFFFD800  }
0x11f: {  	[spmem:s2] =	stream.indirect.scatter.add.f32 [tilespmem:s5], [sflag:$0x5], $0x80, s28, s30, $0xb8;
	[tilespmem:$0x1E080] =	vst v63  }
0x120: {  	_ =	swait.ge [sflag:s22], $0x100  }
0x121: {  	[sflag:s22] =	ssyncset.done $0x0  }
0x122: {  	[sflag:s22] =	ssyncadd.s32 $0xFFFFFF00  }
0x123: {  	_ =	swait.ge [sflag:s11], $0x2800  }
0x124: {  	[sflag:s11] =	ssyncset.done $0x0  }
0x125: {  	s28 =	rddreg [dreg:$0x7];
	[sflag:s11] =	ssyncadd.s32 $0xFFFFD800  }
0x126: {  	[tilespmem:s31], [sflag:$0x4] =	stream.indirect.gather [hbm4b:s1+s30], $0x80, s18, s30, $0xb8;
	[tilespmem:$0x1E080] =	vst v63  }
0x127: {  	s26 =	sadd.s32 s25, s28;
	s18 =	simm.s32 $0x100  }
0x128: {  	[tilespmem:s18], [sflag:$0xA] =	stream.linear.gather [hbm4b:s26+s3], $0x100, $0x38;
	[tilespmem:$0x1E080] =	vst v63  }
0x129: {  	_ =	swait.ge [sflag:s14], $0x2800  }
0x12a: {  	[sflag:s14] =	ssyncset.done $0x0  }
0x12b: {  	s4 =	simm.s32 $0x3000;
	s28 =	rddreg [dreg:$0xc];
	[sflag:s14] =	ssyncadd.s32 $0xFFFFD800  }
0x12c: {  	[spmem:s2] =	stream.indirect.scatter.add.f32 [tilespmem:s4], [sflag:$0x6], $0x80, s28, s30, $0xb8;
	[tilespmem:$0x1E080] =	vst v63  }
0x12d: {  	_ =	swait.ge [sflag:s0], $0x100  }
0x12e: {  	[sflag:s0] =	ssyncset.done $0x0  }
0x12f: {  	[sflag:s0] =	ssyncadd.s32 $0xFFFFFF00  }
0x130: {  	_ =	swait.ge [sflag:s17], $0x2800  }
0x131: {  	[sflag:s17] =	ssyncset.done $0x0  }
0x132: {  	s28 =	rddreg [dreg:$0x6];
	[sflag:s17] =	ssyncadd.s32 $0xFFFFD800  }
0x133: {  	[tilespmem:s5], [sflag:$0x1] =	stream.indirect.gather [hbm4b:s1+s30], $0x80, s3, s30, $0xb8;
	[tilespmem:$0x1E080] =	vst v63  }
0x134: {  	s26 =	sadd.s32 s25, s28;
	s28 =	simm.s32 $0x200  }
0x135: {  	[tilespmem:s28], [sflag:$0xB] =	stream.linear.gather [hbm4b:s26+s3], $0x100, $0x38;
	[tilespmem:$0x1E080] =	vst v63  }
0x136: {  	_ =	swait.ge [sflag:s19], $0x2800  }
0x137: {  	[sflag:s19] =	ssyncset.done $0x0  }
0x138: {  	s26 =	rddreg [dreg:$0xd];
	[sflag:s19] =	ssyncadd.s32 $0xFFFFD800  }
0x139: {  	[spmem:s2] =	stream.indirect.scatter.add.f32 [tilespmem:s7], [sflag:$0x7], $0x80, s26, s30, $0xb8;
	[tilespmem:$0x1E080] =	vst v63  }
0x13a: {  	_ =	swait.ge [sflag:s6], $0x100  }
0x13b: {  	[sflag:s6] =	ssyncset.done $0x0  }
0x13c: {  	[sflag:s6] =	ssyncadd.s32 $0xFFFFFF00  }
0x13d: {  	_ =	swait.ge [sflag:s13], $0x2800  }
0x13e: {  	[sflag:s13] =	ssyncset.done $0x0  }
0x13f: {  	s26 =	rddreg [dreg:$0x5];
	[sflag:s13] =	ssyncadd.s32 $0xFFFFD800  }
0x140: {  	[tilespmem:s4], [sflag:$0x2] =	stream.indirect.gather [hbm4b:s1+s30], $0x80, s18, s30, $0xb8;
	[tilespmem:$0x1E080] =	vst v63  }
0x141: {  	s26 =	sadd.s32 s25, s26  }
0x142: {  	[tilespmem:s12], [sflag:$0xC] =	stream.linear.gather [hbm4b:s26+s3], $0x100, $0x38;
	[tilespmem:$0x1E080] =	vst v63  }
0x143: {  	_ =	swait.ge [sflag:s23], $0x2800  }
0x144: {  	[sflag:s23] =	ssyncset.done $0x0  }
0x145: {  	s12 =	rddreg [dreg:$0xe];
	[sflag:s23] =	ssyncadd.s32 $0xFFFFD800  }
0x146: {  	[spmem:s2] =	stream.indirect.scatter.add.f32 [tilespmem:s31], [sflag:$0x8], $0x80, s12, s30, $0xb8;
	[tilespmem:$0x1E080] =	vst v63  }
0x147: {  	_ =	swait.ge [sflag:s10], $0x100  }
0x148: {  	p1 =	sne.s32 s24, $0xE00;
	[sflag:s10] =	ssyncset.done $0x0  }
.Ltmp1:
0x149: {  	[sflag:s10] =	ssyncadd.s32 $0xFFFFFF00;
	(pc) =	sbr.rel @p1 .LBB2_4-.Ltmp1, $4  }
0x14a: {  	_ =	swait.ge [sflag:s20], $0x2800  }
0x14b: {  	s24 =	sadd.s32 $0x100, s24;
	[sflag:s20] =	ssyncset.done $0x0;
	s12 =	rddreg [dreg:$0x4]  }
0x14c: {  	s18 =	simm.s32 $0x300;
	[sflag:s20] =	ssyncadd.s32 $0xFFFFD800;
	s25 =	sadd.s32 s25, s12  }
0x14d: {  	[tilespmem:s7], [sflag:$0x3] =	stream.indirect.gather [hbm4b:s1+s30], $0x80, s28, s30, $0xb8;
	[tilespmem:$0x1E080] =	vst v63  }
0x14e: {  	s6 =	simm.s32 $0x400  }
0x14f: {  	[tilespmem:s6], [sflag:$0xD] =	stream.linear.gather [hbm4b:s25+s3], $0x100, $0x38;
	[tilespmem:$0x1E080] =	vst v63  }
0x150: {  	_ =	swait.ge [sflag:s9], $0x2800  }
0x151: {  	[sflag:s9] =	ssyncset.done $0x0  }
0x152: {  	s0 =	simm.s32 $0x80;
	[sflag:s9] =	ssyncadd.s32 $0xFFFFD800  }
0x153: {  	[spmem:s2] =	stream.indirect.scatter.add.f32 [tilespmem:s5], [sflag:$0x5], $0x80, s0, s30, $0xb8;
	[tilespmem:$0x1E080] =	vst v63  }
0x154: {  	_ =	swait.ge [sflag:s16], $0x100  }
0x155: {  	[sflag:s16] =	ssyncset.done $0x0  }
0x156: {  	[sflag:s16] =	ssyncadd.s32 $0xFFFFFF00  }
0x157: {  	_ =	swait.ge [sflag:s11], $0x2800  }
0x158: {  	[sflag:s11] =	ssyncset.done $0x0  }
0x159: {  	[sflag:s11] =	ssyncadd.s32 $0xFFFFD800  }
0x15a: {  	[tilespmem:s31], [sflag:$0x4] =	stream.indirect.gather [hbm4b:s1+s30], $0x80, s18, s30, $0xb8;
	[tilespmem:$0x1E080] =	vst v63  }
0x15b: {  	_ =	swait.ge [sflag:s14], $0x2800  }
0x15c: {  	[sflag:s14] =	ssyncset.done $0x0  }
0x15d: {  	s10 =	simm.s32 $0x180;
	[sflag:s14] =	ssyncadd.s32 $0xFFFFD800  }
0x15e: {  	[spmem:s2] =	stream.indirect.scatter.add.f32 [tilespmem:s4], [sflag:$0x6], $0x80, s10, s30, $0xb8;
	[tilespmem:$0x1E080] =	vst v63  }
0x15f: {  	_ =	swait.ge [sflag:s21], $0x100  }
0x160: {  	[sflag:s21] =	ssyncset.done $0x0  }
0x161: {  	[sflag:s21] =	ssyncadd.s32 $0xFFFFFF00  }
0x162: {  	_ =	swait.ge [sflag:s17], $0x2800  }
0x163: {  	[sflag:s17] =	ssyncset.done $0x0  }
0x164: {  	[sflag:s17] =	ssyncadd.s32 $0xFFFFD800  }
0x165: {  	[tilespmem:s5], [sflag:$0x1] =	stream.indirect.gather [hbm4b:s1+s30], $0x80, s6, s30, $0xb8;
	[tilespmem:$0x1E080] =	vst v63  }
0x166: {  	_ =	swait.ge [sflag:s19], $0x2800  }
0x167: {  	[sflag:s19] =	ssyncset.done $0x0  }
0x168: {  	s12 =	simm.s32 $0x280;
	[sflag:s19] =	ssyncadd.s32 $0xFFFFD800  }
0x169: {  	[spmem:s2] =	stream.indirect.scatter.add.f32 [tilespmem:s7], [sflag:$0x7], $0x80, s12, s30, $0xb8;
	[tilespmem:$0x1E080] =	vst v63  }
0x16a: {  	_ =	swait.ge [sflag:s23], $0x2800  }
0x16b: {  	[sflag:s23] =	ssyncset.done $0x0  }
0x16c: {  	s15 =	simm.s32 $0x380;
	[sflag:s23] =	ssyncadd.s32 $0xFFFFD800  }
0x16d: {  	[spmem:s2] =	stream.indirect.scatter.add.f32 [tilespmem:s31], [sflag:$0x8], $0x80, s15, s30, $0xb8;
	[tilespmem:$0x1E080] =	vst v63  }
0x16e: {  	_ =	swait.ge [sflag:s9], $0x2800  }
0x16f: {  	[sflag:s9] =	ssyncset.done $0x0  }
0x170: {  	s16 =	simm.s32 $0x480;
	[sflag:s9] =	ssyncadd.s32 $0xFFFFD800  }
0x171: {  	[spmem:s2] =	stream.indirect.scatter.add.f32 [tilespmem:s5], [sflag:$0x5], $0x80, s16, s30, $0xb8;
	[tilespmem:$0x1E080] =	vst v63  }
0x172: {  	_ =	swait.ge [sflag:s13], $0x2800  }
0x173: {  	[sflag:s13] =	ssyncset.done $0x0  }
0x174: {  	[sflag:s13] =	ssyncadd.s32 $0xFFFFD800  }
0x175: {  	_ =	swait.ge [sflag:s20], $0x2800  }
0x176: {  	[sflag:s20] =	ssyncset.done $0x0  }
0x177: {  	[sflag:s20] =	ssyncadd.s32 $0xFFFFD800  }
0x178: {  	_ =	swait.ge [sflag:s11], $0x2800  }
0x179: {  	[sflag:s11] =	ssyncset.done $0x0  }
0x17a: {  	[sflag:s11] =	ssyncadd.s32 $0xFFFFD800  }
0x17b: {  	_ =	swait.ge [sflag:s17], $0x2800  }
0x17c: {  	[sflag:s17] =	ssyncset.done $0x0  }
0x17d: {  	[sflag:s17] =	ssyncadd.s32 $0xFFFFD800  }
0x17e: {  	s24 =	stileid.u32;
	[bflag:$0x0] =	sbarrier.arrive $0xFFFF  }
0x17f: {  	s22 =	simm.s32 $0x12;
	s24 =	sshll.u32 s24, $0x6;
	s18 =	rddreg [dreg:$0xf]  }
0x180: {  	s24 =	sor.u32 $0x1C12, s24;
	s26 =	rddreg [dreg:$0x1d];
	s21 =	sshrl.u32 s18, $0x3  }
0x181: {  	[hbm:s26], [sflag:s24] =	dma.local [spmem:s21], $0x2700  }
0x182: {  	_ =	swait.ge [sflag:s22], $0x2700  }
0x183: {  	[sflag:s22] =	ssyncset.done $0x0;
	s25 =	rddreg [dreg:$0x17]  }
0x184: {  	s26 =	rddreg [dreg:$0x1e];
	[sflag:s22] =	ssyncadd.s32 $0xFFFFD900;
	s25 =	sshrl.u32 @!p0 s25, $0x3  }
0x185: {  	[hbm:s26], [sflag:s24] =	dma.local @!p0 [spmem:s25], $0x100  }
0x186: {  	s24 =	simm.s32 @!p0 $0x12  }
0x187: {  	_ =	swait.ge @!p0 [sflag:s24], $0x100  }
0x188: {  	s25 =	sld [smem:$0x7FD];
	_ =	sdelay $0x1  }
0x189: {  	s28 =	simm.s32 $0x200  }
0x18a: {  	s29 =	simm.s32 $0x180;
	s26 =	rddreg [dreg:$0x1f];
	s0 =	sadd.s32 $0x1, s25  }
0x18b: {  	s8 =	simm.s32 $0x280;
	s10 =	simm.s32 $0xB;
	p1 =	sne.s32 s0, s26  }
.Ltmp2:
0x18c: {  	s6 =	simm.s32 $0xA;
	s12 =	simm.s32 $0x300;
	(pc) =	sbr.rel @p1 .LBB2_1-.Ltmp2, $4  }
0x18d: {  	s31 =	simm.s32 $0x800;
	s5 =	simm.s32 $0x400;
	s16 =	simm.s32 $0xC  }
0x18e: {  	s15 =	smov.u32 s18;
	s18 =	simm.s32 $0x500;
	[sflag:s24] =	ssyncset.done @!p0 $0x0  }
0x18f: {  	s21 =	simm.s32 $0xD;
	s22 =	simm.s32 $0x8000;
	[sflag:s24] =	ssyncadd.s32 @!p0 $0xFFFFFF00  }
0x190: {  	[smem:$0x7FD] =	sst s0;
	s26 =	simm.s32 $0x100;
	s0 =	simm.s32 $0x9  }
0x191: {  	_ =	sfence.sel $0x180000  }
0x192: {  	[bflag:$0x0] =	sbarrier.arrive $0xFFFF  }
0x193: {  	_ =	strace $0x9000004A  }
0x194: {  	[bflag:$0x2] =	sbarrier.arrive $0xFFFF  }
0x195: {  	s0 =	rddreg [dreg:$0x3]  }
0x196: {  	s0 =	sadd.s32 @!p0 $0x100000, s0  }
0x197: {  	[sflag:s0] =	ssyncadd.tile.s32 @!p0 $0x1;
	_ =	shalt  }
.Lfunc_end2:
_tile_overlayer_lowered:
.L_overlay_start_2:
0x198: {  	(tag) =	ssettag $0x2  }
0x199: {  	s0 =	rddreg [dreg:$0x0];
	s2 =	stileid.u32  }
0x19a: {  	s1 =	rddreg [dreg:$0x1];
	p0 =	sne.s32 s2, $0x0  }
0x19b: {  	s3 =	rddreg [dreg:$0x2];
	[bflag:$0x3] =	sbarrier.arrive $0xFFFF;
	s2 =	simm.s32 @!p0 $0x1C12  }
0x19c: {  	[timem:s3], [sflag:s2] =	dma.local @!p0 [hbm:s0], s1  }
0x19d: {  	s0 =	simm.s32 @!p0 $0x12  }
0x19e: {  	_ =	swait.ge @!p0 [sflag:s0], s1  }
0x19f: {  	s1 =	ssub.s32 @!p0 $0x0, s1;
	[sflag:s0] =	ssyncset.done @!p0 $0x0  }
0x1a0: {  	[sflag:s0] =	ssyncadd.s32 @!p0 s1  }
0x1a1: {  	[bflag:$0x3] =	sbarrier.arrive $0xFFFF  }
0x1a2: {  	_ =	shalt  }

// kernel: kernel.7.cloned.1.call-start
scs
__scs_entry_jumppad:
0x0: {  	(pc) =	sbr.rel $0x88, $3  }
0x1: {  	(tag) =	ssettag $0x0;
	lr =	simm.s32 $0x1  }
0x2: {  	[smem:$0x3F98] =	sst lr;
	_ =	strace $0xD0000000  }
0x3: {  	_ = 	snop  }
0x4: {  	_ = 	snop  }
0x5: {  	_ = 	snop  }
0x6: {  	_ = 	snop  }
0x7: {  	_ = 	snop  }
__scs_overlays_trampoline_lowered:
0x8: {  	[smem:$0x3FA7] =	sst s0  }
0x9: {  	[smem:$0x3FA8] =	sst s1  }
0xa: {  	[smem:$0x3FA9] =	sst s2  }
0xb: {  	[smem:$0x3FAA] =	sst s3  }
0xc: {  	[smem:$0x3FAB] =	sst s4  }
0xd: {  	[smem:$0x3FAC] =	sst s5  }
0xe: {  	[smem:$0x3FAD] =	sst s6  }
0xf: {  	[smem:$0x3FAE] =	sst s7  }
0x10: {  	[smem:$0x3FAF] =	sst s8  }
0x11: {  	[smem:$0x3FB0] =	sst s9;
	s0 =	simm.s32 @!p0 $0x0  }
0x12: {  	s1 =	sld [smem:$0x3F96];
	s0 =	simm.s32 @p0 $0x1  }
0x13: {  	[smem:$0x3FB1] =	sst s0;
	s0 =	simm.s32 @!p1 $0x0  }
0x14: {  	s2 =	sld [smem:$0x3F95];
	s0 =	simm.s32 @p1 $0x1  }
0x15: {  	[smem:$0x3FB2] =	sst s0;
	s0 =	simm.s32 @!p2 $0x0  }
0x16: {  	s3 =	sld [smem:$0x3FDB];
	s0 =	simm.s32 @p2 $0x1  }
0x17: {  	s4 =	simm.s32 $0x1BF5;
	[smem:$0x3FB4] =	sst s0  }
0x18: {  	s0 =	sld [smem:$0x3F97];
	_ =	swait.ge [sflag:s4], $0x0  }
0x19: {  	s7 =	sld [smem:$0x3F98]  }
0x1a: {  	s8 =	sadd.s32 $0xFFFFE003, lr  }
0x1b: {  	s9 =	sadd.s32 $0xFFFFFEF7, lr;
	s5 =	simm.s32 $0xFFFFFFFF;
	p2 =	slt.u32 s8, $0xFFFFF086  }
0x1c: {  	p1 =	slt.u32 s9, $0xF7A;
	s5 =	simm.s32 @!p2 $0x0  }
0x1d: {  	s5 =	simm.s32 @p1 $0x1;
	p0 =	seq.s32 s7, s2  }
0x1e: {  	s7 =	smul.u32 @!p0 $0xF7A, s2;
	p2 =	seq.s32 @!p0 s5, $0x0  }
0x1f: {  	s9 =	smul.u32 $0xF7A, s1;
	s8 =	simm.s32 @!p0 $0x1BF5;
	p2 =	por !p2, p0  }
0x20: {  	[sflag:s8] =	ssyncset.s32 @!p0 $0xFFFFF086;
	s6 =	sadd.s32 @!p0 s3, s7;
	s7 =	simm.s32 @!p0 $0x108  }
0x21: {  	s3 =	sadd.s32 s3, s9;
	s6 =	sadd.s32 @!p0 $0x88, s6;
	s7 =	simm.s32 @p2 $0x1082  }
0x22: {  	[simem:s7], [sflag:s8] =	dma.local @!p0 [hbm:s6], $0xF7A  }
0x23: {  	s9 =	sor.u32 $0xD0000000, s2;
	s6 =	simm.s32 $0x108;
	_ =	swait.ge @!p0 [sflag:s8], $0x0  }
0x24: {  	s3 =	sadd.s32 $0x88, s3;
	s6 =	simm.s32 @!p1 $0x1082;
	[sflag:s4] =	ssyncset.s32 $0xFFFFF086  }
0x25: {  	[simem:s6], [sflag:s4] =	dma.local [hbm:s3], $0xF7A  }
0x26: {  	[smem:$0x3F98] =	sst s1;
	(tag) =	ssettag s2;
	_ =	strace s9  }
0x27: {  	s1 =	sld [smem:$0x3FA8]  }
0x28: {  	s2 =	sld [smem:$0x3FA9]  }
0x29: {  	s4 =	sld [smem:$0x3FAB]  }
0x2a: {  	p0 =	seq.s32 s5, $0x0;
	s5 =	sld [smem:$0x3FAC]  }
0x2b: {  	s6 =	sld [smem:$0x3FAD]  }
0x2c: {  	s7 =	sld [smem:$0x3FAE]  }
0x2d: {  	s3 =	simm.s32 $0x108;
	s8 =	sld [smem:$0x3FAF]  }
0x2e: {  	s3 =	simm.s32 @!p0 $0x1082;
	s9 =	sld [smem:$0x3FB0]  }
0x2f: {  	lr =	sadd.s32 s0, s3;
	s0 =	sld [smem:$0x3FA7]  }
0x30: {  	s3 =	sld [smem:$0x3FAA]  }
0x31: {  	[smem:$0x3FB3] =	sst s10  }
0x32: {  	s10 =	sld [smem:$0x3FB1];
	_ =	sdelay $0x3  }
0x33: {  	p0 =	seq.s32 s10, $0x1;
	s10 =	sld [smem:$0x3FB3];
	_ =	sdelay $0x3  }
0x34: {  	[smem:$0x3FB3] =	sst s10  }
0x35: {  	s10 =	sld [smem:$0x3FB2];
	_ =	sdelay $0x3  }
0x36: {  	p1 =	seq.s32 s10, $0x1;
	s10 =	sld [smem:$0x3FB3];
	_ =	sdelay $0x3  }
0x37: {  	[smem:$0x3FB3] =	sst s10  }
0x38: {  	s10 =	sld [smem:$0x3FB4]  }
0x39: {  	_ = 	snop;
	(pc) =	sbr.ind lr, $3  }
0x3a: {  	_ = 	snop  }
0x3b: {  	_ = 	snop  }
0x3c: {  	p2 =	seq.s32 s10, $0x1;
	s10 =	sld [smem:$0x3FB3]  }
0x3d: {  	_ =	shalt  }
0x3e: {  	_ =	shalt  }
0x3f: {  	_ =	shalt  }
0x40: {  	_ =	shalt  }
0x41: {  	_ =	shalt  }
0x42: {  	_ =	shalt  }
0x43: {  	_ =	shalt  }
0x44: {  	_ =	shalt  }
0x45: {  	_ =	shalt  }
0x46: {  	_ =	shalt  }
0x47: {  	_ =	shalt  }
0x48: {  	_ =	shalt  }
0x49: {  	_ =	shalt  }
0x4a: {  	_ =	shalt  }
0x4b: {  	_ =	shalt  }
0x4c: {  	_ =	shalt  }
0x4d: {  	_ =	shalt  }
0x4e: {  	_ =	shalt  }
0x4f: {  	_ =	shalt  }
0x50: {  	_ =	shalt  }
0x51: {  	_ =	shalt  }
0x52: {  	_ =	shalt  }
0x53: {  	_ =	shalt  }
0x54: {  	_ =	shalt  }
0x55: {  	_ =	shalt  }
0x56: {  	_ =	shalt  }
0x57: {  	_ =	shalt  }
0x58: {  	_ =	shalt  }
0x59: {  	_ =	shalt  }
0x5a: {  	_ =	shalt  }
0x5b: {  	_ =	shalt  }
0x5c: {  	_ =	shalt  }
0x5d: {  	_ =	shalt  }
0x5e: {  	_ =	shalt  }
0x5f: {  	_ =	shalt  }
0x60: {  	_ =	shalt  }
0x61: {  	_ =	shalt  }
0x62: {  	_ =	shalt  }
0x63: {  	_ =	shalt  }
0x64: {  	_ =	shalt  }
0x65: {  	_ =	shalt  }
0x66: {  	_ =	shalt  }
0x67: {  	_ =	shalt  }
0x68: {  	_ =	shalt  }
0x69: {  	_ =	shalt  }
0x6a: {  	_ =	shalt  }
0x6b: {  	_ =	shalt  }
0x6c: {  	_ =	shalt  }
0x6d: {  	_ =	shalt  }
0x6e: {  	_ =	shalt  }
0x6f: {  	_ =	shalt  }
0x70: {  	_ =	shalt  }
0x71: {  	_ =	shalt  }
0x72: {  	_ =	shalt  }
0x73: {  	_ =	shalt  }
0x74: {  	_ =	shalt  }
0x75: {  	_ =	shalt  }
0x76: {  	_ =	shalt  }
0x77: {  	_ =	shalt  }
0x78: {  	_ =	shalt  }
0x79: {  	_ =	shalt  }
0x7a: {  	_ =	shalt  }
0x7b: {  	_ =	shalt  }
0x7c: {  	_ =	shalt  }
0x7d: {  	_ =	shalt  }
0x7e: {  	_ =	shalt  }
0x7f: {  	_ =	shalt  }
0x80: {  	_ =	shalt  }
0x81: {  	_ =	shalt  }
0x82: {  	_ =	shalt  }
0x83: {  	_ =	shalt  }
0x84: {  	_ =	shalt  }
0x85: {  	_ =	shalt  }
0x86: {  	_ =	shalt  }
0x87: {  	_ =	shalt  }
.Lfunc_end0:
.L_simem_size_0:
called_computation_lowered:
.L_overlay_start_0:
0x88: {  	s2 =	sld [smem:$0x3FD9]  }
0x89: {  	s3 =	sld [smem:$0x3FFE];
	_ =	sdelay $0x1  }
0x8a: {  	s1 =	srdreg.scid  }
0x8b: {  	s0 =	sand.u32 $0x1, s1  }
0x8c: {  	s17 =	sshll.u32 s0, $0xA;
	s2 =	sadd.s32 s3, s2  }
0x8d: {  	s2 =	sadd.s32 s2, s17  }
0x8e: {  	[smem:$0x3FBF] =	sst s2  }
0x8f: {  	_ = 	snop  }
0x90: {  	s2 =	sld [smem:$0x3FD0];
	(tm) =	ssettm $0x1  }
0x91: {  	s18 =	sld [smem:$0x3FFB];
	_ =	sdelay $0x3  }
0x92: {  	_ =	strace s18  }
0x93: {  	s3 =	sld [smem:$0x3FFC];
	_ =	sdelay $0x3  }
0x94: {  	_ =	strace s3  }
0x95: {  	s3 =	sld [smem:$0x3FFD];
	_ =	sdelay $0x3  }
0x96: {  	_ =	strace s3  }
0x97: {  	_ =	strace $0x8FFFFFFF  }
0x98: {  	s19 =	sld [smem:$0x3FDB];
	_ =	sdelay $0x1  }
0x99: {  	s4 =	simm.s32 $_scs_section_size  }
0x9a: {  	s5 =	simm.s32 $_size__tile_overlayer_lowered;
	s6 =	simm.s32 $_tile_overlayer_lowered  }
0x9b: {  	s22 =	simm.s32 $0x1BFF;
	s21 =	sshll.u32 s6, $0x1;
	s3 =	sadd.s32 s4, s19  }
0x9c: {  	s7 =	simm.s32 $0x0;
	s20 =	sshll.u32 s5, $0x1;
	s5 =	sadd.s32 s21, s3  }
0x9d: {  	[timem:s7], [sflag:s22] =	dma.local [hbm:s5], s20  }
0x9e: {  	_ =	swait.ge [sflag:s22], s20  }
0x9f: {  	s4 =	ssub.s32 $0x0, s20;
	[sflag:s22] =	ssyncset.done $0x0  }
0xa0: {  	[sflag:s22] =	ssyncadd.s32 s4;
	_ =	sdelay $0x1  }
0xa1: {  	s23 =	simm.s32 $0x1B8B  }
0xa2: {  	_ =	swait.ge [sflag:s23], $0x1  }
0xa3: {  	[sflag:s23] =	ssyncset.done $0x0  }
0xa4: {  	s25 =	simm.s32 $0x1B8E;
	s24 =	sld [smem:$0x3FFE];
	[sflag:s23] =	ssyncadd.s32 $0xFFFFFFFF  }
0xa5: {  	s26 =	simm.s32 $execute0_lowered;
	[smem:$0x3FD2] =	sst s25  }
0xa6: {  	s5 =	sshll.u32 s26, $0x1;
	_ =	strace $0x80000046;
	[dreg:$0x1] =	wrdreg $0xFFFFFFFF  }
0xa7: {  	s28 =	simm.s32 $_size_execute0_lowered;
	s3 =	sadd.s32 s3, s5;
	[dreg:$0x0] =	wrdreg $0x0  }
0xa8: {  	s5 =	sshll.u32 s28, $0x1;
	[dreg:$0x2] =	wrdreg s3  }
0xa9: {  	[dreg:$0x3] =	wrdreg s5  }
0xaa: {  	[dreg:$0x4] =	wrdreg $0xC0  }
0xab: {  	_ =	task [dreg:s7], $0x5FFFF  }
0xac: {  	[dreg:$0x1] =	wrdreg $0xFFFFFFFF  }
0xad: {  	[dreg:$0x0] =	wrdreg $0x60  }
0xae: {  	[dreg:$0x2] =	wrdreg s2  }
0xaf: {  	[dreg:$0x3] =	wrdreg s24  }
0xb0: {  	[dreg:$0x4] =	wrdreg $0xA8800  }
0xb1: {  	[dreg:$0x5] =	wrdreg $0x1E1000  }
0xb2: {  	[dreg:$0x6] =	wrdreg $0x9  }
0xb3: {  	_ =	task.clear_ibuf [dreg:s7], $0x7FFFF;
	_ =	strace $0x90000046  }
0xb4: {  	s29 =	simm.s32 $0x9;
	_ =	strace $0x80000048  }
0xb5: {  	_ =	swait.ge [sflag:s29], $0x1  }
0xb6: {  	[sflag:s29] =	ssyncadd.s32 $0xFFFFFFFF  }
0xb7: {  	_ =	strace $0x90000048  }
0xb8: {  	_ =	sfence  }
0xb9: {  	s30 =	sld [smem:$0x0];
	_ =	sdelay $0x2  }
0xba: {  	s31 =	sshll.u32 s1, $0xD;
	s1 =	sshrl.u32 s1, $0x2  }
0xbb: {  	s3 =	sand.u32 $0x4000, s31;
	s1 =	sadd.s32 s1, s30  }
0xbc: {  	s0 =	sor.u32 s3, s0;
	s1 =	sshll.u32 s1, $0x11  }
0xbd: {  	s0 =	sor.u32 s1, s0  }
0xbe: {  	s0 =	sadd.s32 $0x8F2B, s0  }
0xbf: {  	[sflag:s0] =	ssyncadd.remote.s32 $0x1  }
0xc0: {  	_ =	sfence.sel $0xFFFF  }
0xc1: {  	[dreg:$0x0] =	wrdreg $0xFFFFFFFF;
	(pc) =	sbr.abs _section_cstart, $3  }
0xc2: {  	[dreg:$0x1] =	wrdreg $0xFFFFFFFF  }
0xc3: {  	_ =	task.clear_ibuf [dreg:s7], $0x2FFFF;
	_ =	strace $0x9FFFFFFF  }
0xc4: {  	(tm) =	ssettm $0x7FFFFFFF  }
0xc5: {  	_ =	shalt  }
tec
execute0_lowered:
.L_overlay_start_1:
0x0: {  	(tag) =	ssettag $0x1  }
0x1: {  	s1 =	rddreg [dreg:$0x0]  }
0x2: {  	s0 =	rddreg [dreg:$0x1]  }
0x3: {  	s2 =	rddreg [dreg:$0x2]  }
0x4: {  	s3 =	rddreg [dreg:$0x3];
	s4 =	simm.s32 $0x0  }
0x5: {  	s6 =	srdreg.scid;
	s13 =	stileid.u32;
	s31 =	simm.s32 $0x5800  }
0x6: {  	s29 =	simm.s32 $0x4;
	[smem:$0x7FF] =	sst s4;
	s5 =	sadd.s32 $0x2C00, s0  }
0x7: {  	s7 =	sadd.s32 $0x22000, s0;
	s6 =	sand.u32 $0x1, s6;
	s17 =	smul.u32 $0x4E000, s13  }
0x8: {  	s8 =	sadd.s32 $0x23000, s0;
	s19 =	sshll.u32 s13, $0x1;
	s22 =	smul.u32 $0xFA, s13  }
0x9: {  	s30 =	sadd.s32 $0x138000, s2;
	s16 =	smul.u32 $0x13800, s13;
	p0 =	sne.s32 s13, $0x0  }
0xa: {  	s13 =	simm.s32 $0x1;
	_ =	strace $0x80000047;
	[dreg:$0xd] =	wrdreg s7  }
0xb: {  	s9 =	sshll.u32 s6, $0x4;
	s10 =	ssub.s32 $0x2, s6;
	s7 =	sshrl.u32 s17, $0x2  }
0xc: {  	[dreg:$0x16] =	wrdreg s30;
	s0 =	sadd.s32 s9, s0;
	s14 =	sadd.s32 s7, s2  }
0xd: {  	s20 =	sor.u32 s6, s19;
	s0 =	sadd.s32 $0x22600, s0;
	[dreg:$0xe] =	wrdreg s14  }
0xe: {  	s24 =	smul.u32 $0x7D, s6;
	s21 =	sadd.s32 $0x2800, s14;
	[dreg:$0x1e] =	wrdreg s0  }
0xf: {  	s6 =	smul.u32 $0x138800, s6;
	s11 =	sadd.s32 $0x5000, s14;
	[dreg:$0xf] =	wrdreg s21  }
0x10: {  	s18 =	sshrl.u32 s10, $0x1;
	s23 =	sadd.s32 $0x7800, s14;
	[dreg:$0x10] =	wrdreg s11  }
0x11: {  	s26 =	smul.u32 $0xFA0, s20;
	s12 =	sadd.s32 $0xA000, s14;
	[dreg:$0x11] =	wrdreg s23  }
0x12: {  	s9 =	ssub.s32 s10, s18;
	s25 =	sadd.s32 $0xC800, s14;
	[dreg:$0x12] =	wrdreg s12  }
0x13: {  	s7 =	smul.u32 $0x7D00, s20;
	s15 =	sadd.s32 $0xF000, s14;
	[dreg:$0x13] =	wrdreg s25  }
0x14: {  	s10 =	sadd.s32 s24, s22;
	s28 =	sadd.s32 $0x11800, s14;
	[dreg:$0x14] =	wrdreg s15  }
0x15: {  	s10 =	sshll.u32 s10, $0x5;
	s14 =	sadd.s32 s5, s26;
	[dreg:$0x15] =	wrdreg s28  }
0x16: {  	s0 =	simm.s32 $0x9;
	[dreg:$0x17] =	wrdreg s14;
	s7 =	sshrl.u32 s7, $0x3  }
0x17: {  	s10 =	sadd.s32 s10, s5;
	s11 =	sadd.s32 s16, s6;
	s6 =	sshrl.u32 s6, $0x3  }
0x18: {  	s28 =	smax.u32 s9, $0x1;
	s9 =	simm.s32 $0x800;
	s14 =	simm.s32 $0xA800  }
0x19: {  	s16 =	simm.s32 $0xE;
	s15 =	sadd.s32 $0x180, s10;
	[dreg:$0x1f] =	wrdreg s28  }
0x1a: {  	s12 =	simm.s32 $0x7;
	s17 =	sadd.s32 $0x160, s10;
	[dreg:$0x5] =	wrdreg s15  }
0x1b: {  	s5 =	sadd.s32 s5, s7;
	s19 =	sadd.s32 $0x140, s10;
	[dreg:$0x6] =	wrdreg s17  }
0x1c: {  	s20 =	sadd.s32 $0x120, s10;
	s11 =	sshrl.u32 s11, $0x3;
	[dreg:$0x7] =	wrdreg s19  }
0x1d: {  	s21 =	sadd.s32 $0x100, s10;
	s22 =	sadd.s32 $0xE0, s10;
	[dreg:$0x8] =	wrdreg s20  }
0x1e: {  	s23 =	sadd.s32 $0xC0, s10;
	s6 =	sadd.s32 s8, s6;
	[dreg:$0x9] =	wrdreg s21  }
0x1f: {  	s30 =	sadd.s32 $0xA0, s10;
	s10 =	simm.s32 $0xB;
	[dreg:$0xa] =	wrdreg s22  }
0x20: {  	s7 =	simm.s32 $0xD;
	s18 =	sadd.s32 $0x20, s5;
	[dreg:$0xb] =	wrdreg s23  }
0x21: {  	s11 =	sadd.s32 s8, s11;
	s24 =	sadd.s32 $0x40, s5;
	[dreg:$0xc] =	wrdreg s30  }
0x22: {  	s25 =	sadd.s32 $0x60, s5;
	s5 =	sadd.s32 $0x80, s5;
	[dreg:$0x18] =	wrdreg s18  }
0x23: {  	s26 =	sadd.s32 $0x27000, s6;
	s6 =	simm.s32 $0x8000;
	[dreg:$0x19] =	wrdreg s11  }
0x24: {  	s8 =	simm.s32 $0xA;
	s15 =	simm.s32 $0xC;
	[dreg:$0x1a] =	wrdreg s24  }
0x25: {  	s17 =	simm.s32 $0x8;
	s19 =	simm.s32 $0x2;
	[dreg:$0x1b] =	wrdreg s25  }
0x26: {  	s22 =	simm.s32 $0x5;
	s20 =	simm.s32 $0x380;
	[dreg:$0x1c] =	wrdreg s5  }
0x27: {  	s21 =	simm.s32 $0x0;
	[dreg:$0x1d] =	wrdreg s26;
	s5 =	simm.s32 $0x50  }
0x28: {  	v0 =	vimm.f32 $0.0e+00;
	v1 =	vimm.f32 $1.000000000e+00;
	s11 =	simm.s32 $0x3000;
	s24 =	simm.s32 $0x3;
	s26 =	simm.s32 $0x6  }
.LBB2_1:
0x29: {  	[smem:$0x7FD] =	sst s21;
	s18 =	simm.s32 $0x70;
	s30 =	simm.s32 $0x3C0  }
.LBB2_2:
0x2a: {  	p1 =	sne.s32 s30, $0x9FC0;
	[tilespmem:s18+$0x8000] =	vst v0  }
0x2b: {  	[tilespmem:s18+$0x7F90] =	vst v0  }
0x2c: {  	[tilespmem:s18+$0x7FA0] =	vst v0  }
.Ltmp0:
0x2d: {  	[tilespmem:s18+$0x7FB0] =	vst v0;
	(pc) =	sbr.rel @p1 .LBB2_2-.Ltmp0, $4  }
0x2e: {  	[tilespmem:s18+$0x7FC0] =	vst v0  }
0x2f: {  	[tilespmem:s18+$0x7FD0] =	vst v0  }
0x30: {  	[tilespmem:s18+$0x7FE0] =	vst v0  }
0x31: {  	[tilespmem:s18+$0x7FF0] =	vst v0;
	s18 =	sshra.s32 s30, $0x2;
	s30 =	sadd.s32 $0x200, s30  }
0x32: {  	[tilespmem:s18+$0x8000] =	vst v0  }
0x33: {  	[tilespmem:s18+$0x7F90] =	vst v0  }
0x34: {  	[tilespmem:s18+$0x7FA0] =	vst v0  }
0x35: {  	[tilespmem:s18+$0x7FB0] =	vst v0  }
0x36: {  	[tilespmem:s18+$0x7FC0] =	vst v0  }
0x37: {  	[tilespmem:s18+$0x7FD0] =	vst v0  }
0x38: {  	[tilespmem:s18+$0x7FE0] =	vst v0  }
0x39: {  	[tilespmem:s18+$0x7FF0] =	vst v0;
	s25 =	rddreg [dreg:$0xe]  }
0x3a: {  	[spmem:s25] =	stream.linear.scatter [tilespmem:s6], [sflag:$0x11], $0x2800, $0x38;
	[tilespmem:$0x1E378] =	vst v63  }
0x3b: {  	s21 =	rddreg [dreg:$0xf]  }
0x3c: {  	[spmem:s21] =	stream.linear.scatter [tilespmem:s6], [sflag:$0x11], $0x2800, $0x38;
	[tilespmem:$0x1E378] =	vst v63  }
0x3d: {  	s23 =	rddreg [dreg:$0x10]  }
0x3e: {  	[spmem:s23] =	stream.linear.scatter [tilespmem:s6], [sflag:$0x11], $0x2800, $0x38;
	[tilespmem:$0x1E378] =	vst v63  }
0x3f: {  	s25 =	rddreg [dreg:$0x11]  }
0x40: {  	[spmem:s25] =	stream.linear.scatter [tilespmem:s6], [sflag:$0x11], $0x2800, $0x38;
	[tilespmem:$0x1E378] =	vst v63  }
0x41: {  	s21 =	rddreg [dreg:$0x12]  }
0x42: {  	[spmem:s21] =	stream.linear.scatter [tilespmem:s6], [sflag:$0x11], $0x2800, $0x38;
	[tilespmem:$0x1E378] =	vst v63  }
0x43: {  	s23 =	rddreg [dreg:$0x13]  }
0x44: {  	[spmem:s23] =	stream.linear.scatter [tilespmem:s6], [sflag:$0x11], $0x2800, $0x38;
	[tilespmem:$0x1E378] =	vst v63  }
0x45: {  	s25 =	rddreg [dreg:$0x14]  }
0x46: {  	[spmem:s25] =	stream.linear.scatter [tilespmem:s6], [sflag:$0x11], $0x2800, $0x38;
	[tilespmem:$0x1E378] =	vst v63  }
0x47: {  	s21 =	rddreg [dreg:$0x15]  }
0x48: {  	[spmem:s21] =	stream.linear.scatter [tilespmem:s6], [sflag:$0x11], $0x2000, $0x38;
	[tilespmem:$0x1E378] =	vst v63  }
0x49: {  	s23 =	rddreg [dreg:$0x16];
	s21 =	sshrl.u32 @!p0 s3, $0x3  }
0x4a: {  	s18 =	simm.s32 @!p0 $0x8000;
	[smem:$0x7FC] =	sst s21  }
0x4b: {  	[spmem:s23] =	stream.linear.scatter @!p0 [tilespmem:s18], [sflag:$0x11], $0x800, $0x38;
	[tilespmem:$0x1E378] =	vst v63  }
0x4c: {  	s18 =	simm.s32 @!p0 $0x1C12;
	s23 =	rddreg [dreg:$0xd]  }
0x4d: {  	[spmem:s21], [sflag:s18] =	dma.local @!p0 [hbm:s23], $0x4F0  }
0x4e: {  	s18 =	simm.s32 @!p0 $0x12  }
0x4f: {  	_ =	swait.ge @!p0 [sflag:s18], $0x4F0  }
0x50: {  	[sflag:s18] =	ssyncset.done @!p0 $0x0  }
0x51: {  	[sflag:s18] =	ssyncadd.s32 @!p0 $0xFFFFFB10  }
0x52: {  	[tilespmem:$0xA800] =	vst v1  }
0x53: {  	[tilespmem:$0xA810] =	vst v1  }
0x54: {  	[tilespmem:$0xA820] =	vst v1  }
0x55: {  	[tilespmem:$0xA830] =	vst v1  }
0x56: {  	s23 =	simm.s32 $0x11;
	[tilespmem:$0xA840] =	vst v1  }
0x57: {  	_ =	swait.ge [sflag:s23], $0x2800  }
0x58: {  	[sflag:s23] =	ssyncset.done $0x0  }
0x59: {  	[sflag:s23] =	ssyncadd.s32 $0xFFFFD800  }
0x5a: {  	_ =	swait.ge [sflag:s23], $0x2800  }
0x5b: {  	[sflag:s23] =	ssyncset.done $0x0  }
0x5c: {  	[sflag:s23] =	ssyncadd.s32 $0xFFFFD800  }
0x5d: {  	_ =	swait.ge [sflag:s23], $0x2800  }
0x5e: {  	[sflag:s23] =	ssyncset.done $0x0  }
0x5f: {  	[sflag:s23] =	ssyncadd.s32 $0xFFFFD800  }
0x60: {  	_ =	swait.ge [sflag:s23], $0x2800  }
0x61: {  	[sflag:s23] =	ssyncset.done $0x0  }
0x62: {  	[sflag:s23] =	ssyncadd.s32 $0xFFFFD800  }
0x63: {  	_ =	swait.ge [sflag:s23], $0x2800  }
0x64: {  	[sflag:s23] =	ssyncset.done $0x0  }
0x65: {  	[sflag:s23] =	ssyncadd.s32 $0xFFFFD800  }
0x66: {  	_ =	swait.ge [sflag:s23], $0x2800  }
0x67: {  	[sflag:s23] =	ssyncset.done $0x0  }
0x68: {  	[sflag:s23] =	ssyncadd.s32 $0xFFFFD800  }
0x69: {  	_ =	swait.ge [sflag:s23], $0x2800  }
0x6a: {  	[sflag:s23] =	ssyncset.done $0x0  }
0x6b: {  	[sflag:s23] =	ssyncadd.s32 $0xFFFFD800  }
0x6c: {  	_ =	swait.ge [sflag:s23], $0x2000  }
0x6d: {  	[sflag:s23] =	ssyncset.done $0x0  }
0x6e: {  	s18 =	simm.s32 @!p0 $0x11;
	[sflag:s23] =	ssyncadd.s32 $0xFFFFE000  }
0x6f: {  	_ =	swait.ge @!p0 [sflag:s18], $0x800  }
0x70: {  	[sflag:s18] =	ssyncset.done @!p0 $0x0  }
0x71: {  	s25 =	rddreg [dreg:$0x17];
	[sflag:s18] =	ssyncadd.s32 @!p0 $0xFFFFF800;
	s18 =	simm.s32 $0x0  }
0x72: {  	[tilespmem:s18], [sflag:$0x9] =	stream.linear.gather [hbm4b:s25+s18], $0x100, $0x38;
	[tilespmem:$0x1E378] =	vst v63  }
0x73: {  	s30 =	simm.s32 $0x100;
	s6 =	rddreg [dreg:$0x18]  }
0x74: {  	[tilespmem:s30], [sflag:$0xA] =	stream.linear.gather [hbm4b:s6+s18], $0x100, $0x38;
	[tilespmem:$0x1E378] =	vst v63  }
0x75: {  	s21 =	rddreg [dreg:$0x1a];
	s25 =	simm.s32 $0x200  }
0x76: {  	[tilespmem:s25], [sflag:$0xB] =	stream.linear.gather [hbm4b:s21+s18], $0x100, $0x38;
	[tilespmem:$0x1E378] =	vst v63  }
0x77: {  	s6 =	rddreg [dreg:$0x1b];
	s21 =	simm.s32 $0x300  }
0x78: {  	[tilespmem:s21], [sflag:$0xC] =	stream.linear.gather [hbm4b:s6+s18], $0x100, $0x38;
	[tilespmem:$0x1E378] =	vst v63  }
0x79: {  	s28 =	simm.s32 $0x400;
	s23 =	rddreg [dreg:$0x1c]  }
0x7a: {  	[tilespmem:s28], [sflag:$0xD] =	stream.linear.gather [hbm4b:s23+s18], $0x100, $0x38;
	[tilespmem:$0x1E378] =	vst v63  }
0x7b: {  	_ =	swait.ge [sflag:s0], $0x100  }
0x7c: {  	[sflag:s0] =	ssyncset.done $0x0  }
0x7d: {  	[sflag:s0] =	ssyncadd.s32 $0xFFFFFF00  }
0x7e: {  	[tilespmem:s9], [sflag:$0x1] =	stream.indirect.gather [hbm4b:s1+s5], $0x80, s18, s5, $0xb8;
	[tilespmem:$0x1E378] =	vst v63  }
0x7f: {  	_ =	swait.ge [sflag:s8], $0x100  }
0x80: {  	[sflag:s8] =	ssyncset.done $0x0  }
0x81: {  	[sflag:s8] =	ssyncadd.s32 $0xFFFFFF00  }
0x82: {  	[tilespmem:s11], [sflag:$0x2] =	stream.indirect.gather [hbm4b:s1+s5], $0x80, s30, s5, $0xb8;
	[tilespmem:$0x1E378] =	vst v63  }
0x83: {  	_ =	swait.ge [sflag:s10], $0x100  }
0x84: {  	[sflag:s10] =	ssyncset.done $0x0  }
0x85: {  	[sflag:s10] =	ssyncadd.s32 $0xFFFFFF00  }
0x86: {  	[tilespmem:s31], [sflag:$0x3] =	stream.indirect.gather [hbm4b:s1+s5], $0x80, s25, s5, $0xb8;
	[tilespmem:$0x1E378] =	vst v63  }
0x87: {  	s6 =	simm.s32 $0x8000;
	s23 =	simm.s32 $0x80;
	[bflag:$0x0] =	sbarrier.arrive $0xFFFF  }
0x88: {  	[spmem:s2] =	stream.indirect.scatter.add.f32 [tilespmem:s6], [sflag:$0x8], $0x80, s23, s5, $0xb8;
	[tilespmem:$0x1E378] =	vst v63  }
0x89: {  	_ = 	snop  }
0x8a: {  	[spmem:s3] =	stream.indirect.scatter.add.f32 [tilespmem:s6], [sflag:$0x8], $0x1, s23, s5, $0xb8;
	[tilespmem:$0x1E378] =	vst v63  }
0x8b: {  	_ =	swait.ge [sflag:s13], $0x2800  }
0x8c: {  	[sflag:s13] =	ssyncset.done $0x0  }
0x8d: {  	[sflag:s13] =	ssyncadd.s32 $0xFFFFD800  }
0x8e: {  	[spmem:s2] =	stream.indirect.scatter.add.f32 [tilespmem:s9], [sflag:$0x5], $0x80, s23, s5, $0xb8;
	[tilespmem:$0x1E378] =	vst v63  }
0x8f: {  	_ = 	snop  }
0x90: {  	[spmem:s3] =	stream.indirect.scatter.add.f32 [tilespmem:s14], [sflag:$0x5], $0x1, s23, s5, $0xb8;
	[tilespmem:$0x1E378] =	vst v63  }
0x91: {  	_ =	swait.ge [sflag:s15], $0x100  }
0x92: {  	[sflag:s15] =	ssyncset.done $0x0  }
0x93: {  	[sflag:s15] =	ssyncadd.s32 $0xFFFFFF00  }
0x94: {  	_ =	swait.ge [sflag:s17], $0x2800  }
0x95: {  	[sflag:s17] =	ssyncset.done $0x0  }
0x96: {  	[sflag:s17] =	ssyncadd.s32 $0xFFFFD800  }
0x97: {  	_ =	swait.ge [sflag:s17], $0x50  }
0x98: {  	[sflag:s17] =	ssyncset.done $0x0  }
0x99: {  	s0 =	rddreg [dreg:$0xc];
	[sflag:s17] =	ssyncadd.s32 $0xFFFFFFB0  }
0x9a: {  	[tilespmem:s6], [sflag:$0x4] =	stream.indirect.gather [hbm4b:s1+s5], $0x80, s21, s5, $0xb8;
	[tilespmem:$0x1E378] =	vst v63  }
0x9b: {  	s15 =	simm.s32 $0x500;
	s18 =	sadd.s32 $0x0, s0  }
0x9c: {  	[tilespmem:s15], [sflag:$0xE] =	stream.linear.gather [hbm4b:s18+s4], $0x100, $0x38;
	[tilespmem:$0x1E378] =	vst v63  }
0x9d: {  	_ =	swait.ge [sflag:s19], $0x2800  }
0x9e: {  	[sflag:s19] =	ssyncset.done $0x0  }
0x9f: {  	s8 =	simm.s32 $0x180;
	[sflag:s19] =	ssyncadd.s32 $0xFFFFD800  }
0xa0: {  	[spmem:s2] =	stream.indirect.scatter.add.f32 [tilespmem:s11], [sflag:$0x6], $0x80, s8, s5, $0xb8;
	[tilespmem:$0x1E378] =	vst v63  }
0xa1: {  	_ = 	snop  }
0xa2: {  	[spmem:s3] =	stream.indirect.scatter.add.f32 [tilespmem:s14], [sflag:$0x6], $0x1, s8, s5, $0xb8;
	[tilespmem:$0x1E378] =	vst v63  }
0xa3: {  	_ =	swait.ge [sflag:s7], $0x100  }
0xa4: {  	[sflag:s7] =	ssyncset.done $0x0  }
0xa5: {  	[sflag:s7] =	ssyncadd.s32 $0xFFFFFF00  }
0xa6: {  	_ =	swait.ge [sflag:s22], $0x2800  }
0xa7: {  	[sflag:s22] =	ssyncset.done $0x0  }
0xa8: {  	[sflag:s22] =	ssyncadd.s32 $0xFFFFD800  }
0xa9: {  	_ =	swait.ge [sflag:s22], $0x50  }
0xaa: {  	[sflag:s22] =	ssyncset.done $0x0  }
0xab: {  	s10 =	rddreg [dreg:$0xb];
	[sflag:s22] =	ssyncadd.s32 $0xFFFFFFB0  }
0xac: {  	[tilespmem:s9], [sflag:$0x1] =	stream.indirect.gather [hbm4b:s1+s5], $0x80, s28, s5, $0xb8;
	[tilespmem:$0x1E378] =	vst v63  }
0xad: {  	s7 =	simm.s32 $0x600;
	s18 =	sadd.s32 $0x0, s10  }
0xae: {  	[tilespmem:s7], [sflag:$0xF] =	stream.linear.gather [hbm4b:s18+s4], $0x100, $0x38;
	[tilespmem:$0x1E378] =	vst v63  }
0xaf: {  	_ =	swait.ge [sflag:s24], $0x2800  }
0xb0: {  	[sflag:s24] =	ssyncset.done $0x0  }
0xb1: {  	s18 =	simm.s32 $0x280;
	[sflag:s24] =	ssyncadd.s32 $0xFFFFD800  }
0xb2: {  	[spmem:s2] =	stream.indirect.scatter.add.f32 [tilespmem:s31], [sflag:$0x7], $0x80, s18, s5, $0xb8;
	[tilespmem:$0x1E378] =	vst v63  }
0xb3: {  	_ = 	snop  }
0xb4: {  	[spmem:s3] =	stream.indirect.scatter.add.f32 [tilespmem:s14], [sflag:$0x7], $0x1, s18, s5, $0xb8;
	[tilespmem:$0x1E378] =	vst v63  }
0xb5: {  	_ =	swait.ge [sflag:s16], $0x100  }
0xb6: {  	[sflag:s16] =	ssyncset.done $0x0  }
0xb7: {  	[sflag:s16] =	ssyncadd.s32 $0xFFFFFF00  }
0xb8: {  	_ =	swait.ge [sflag:s26], $0x2800  }
0xb9: {  	[sflag:s26] =	ssyncset.done $0x0  }
0xba: {  	[sflag:s26] =	ssyncadd.s32 $0xFFFFD800  }
0xbb: {  	_ =	swait.ge [sflag:s26], $0x50  }
0xbc: {  	[sflag:s26] =	ssyncset.done $0x0  }
0xbd: {  	s9 =	rddreg [dreg:$0xa];
	[sflag:s26] =	ssyncadd.s32 $0xFFFFFFB0  }
0xbe: {  	[tilespmem:s11], [sflag:$0x2] =	stream.indirect.gather [hbm4b:s1+s5], $0x80, s15, s5, $0xb8;
	[tilespmem:$0x1E378] =	vst v63  }
0xbf: {  	s16 =	simm.s32 $0x700;
	s18 =	sadd.s32 $0x0, s9  }
0xc0: {  	[tilespmem:s16], [sflag:$0x10] =	stream.linear.gather [hbm4b:s18+s4], $0x100, $0x38;
	[tilespmem:$0x1E378] =	vst v63  }
0xc1: {  	_ =	swait.ge [sflag:s29], $0x2800  }
0xc2: {  	[sflag:s29] =	ssyncset.done $0x0  }
0xc3: {  	[sflag:s29] =	ssyncadd.s32 $0xFFFFD800  }
0xc4: {  	[spmem:s2] =	stream.indirect.scatter.add.f32 [tilespmem:s6], [sflag:$0x8], $0x80, s20, s5, $0xb8;
	[tilespmem:$0x1E378] =	vst v63  }
0xc5: {  	_ = 	snop  }
0xc6: {  	[spmem:s3] =	stream.indirect.scatter.add.f32 [tilespmem:s14], [sflag:$0x8], $0x1, s20, s5, $0xb8;
	[tilespmem:$0x1E378] =	vst v63  }
0xc7: {  	s20 =	simm.s32 $0xF  }
0xc8: {  	_ =	swait.ge [sflag:s20], $0x100  }
0xc9: {  	[sflag:s20] =	ssyncset.done $0x0  }
0xca: {  	[sflag:s20] =	ssyncadd.s32 $0xFFFFFF00  }
0xcb: {  	_ =	swait.ge [sflag:s12], $0x2800  }
0xcc: {  	[sflag:s12] =	ssyncset.done $0x0  }
0xcd: {  	[sflag:s12] =	ssyncadd.s32 $0xFFFFD800  }
0xce: {  	_ =	swait.ge [sflag:s12], $0x50  }
0xcf: {  	[sflag:s12] =	ssyncset.done $0x0  }
0xd0: {  	s0 =	simm.s32 $0x5800;
	s15 =	rddreg [dreg:$0x9];
	[sflag:s12] =	ssyncadd.s32 $0xFFFFFFB0  }
0xd1: {  	[tilespmem:s0], [sflag:$0x3] =	stream.indirect.gather [hbm4b:s1+s5], $0x80, s7, s5, $0xb8;
	[tilespmem:$0x1E378] =	vst v63  }
0xd2: {  	s18 =	sadd.s32 $0x0, s15  }
0xd3: {  	[tilespmem:s4], [sflag:$0x9] =	stream.linear.gather [hbm4b:s18+s4], $0x100, $0x38;
	[tilespmem:$0x1E378] =	vst v63  }
0xd4: {  	_ =	swait.ge [sflag:s13], $0x2800  }
0xd5: {  	[sflag:s13] =	ssyncset.done $0x0  }
0xd6: {  	s9 =	simm.s32 $0x800;
	s18 =	simm.s32 $0x480;
	[sflag:s13] =	ssyncadd.s32 $0xFFFFD800  }
0xd7: {  	[spmem:s2] =	stream.indirect.scatter.add.f32 [tilespmem:s9], [sflag:$0x5], $0x80, s18, s5, $0xb8;
	[tilespmem:$0x1E378] =	vst v63  }
0xd8: {  	s15 =	simm.s32 $0x10  }
0xd9: {  	[spmem:s3] =	stream.indirect.scatter.add.f32 [tilespmem:s14], [sflag:$0x5], $0x1, s18, s5, $0xb8;
	[tilespmem:$0x1E378] =	vst v63  }
0xda: {  	_ =	swait.ge [sflag:s15], $0x100  }
0xdb: {  	[sflag:s15] =	ssyncset.done $0x0  }
0xdc: {  	[sflag:s15] =	ssyncadd.s32 $0xFFFFFF00  }
0xdd: {  	_ =	swait.ge [sflag:s17], $0x2800  }
0xde: {  	[sflag:s17] =	ssyncset.done $0x0  }
0xdf: {  	[sflag:s17] =	ssyncadd.s32 $0xFFFFD800  }
0xe0: {  	_ =	swait.ge [sflag:s17], $0x50  }
0xe1: {  	[sflag:s17] =	ssyncset.done $0x0  }
0xe2: {  	s7 =	rddreg [dreg:$0x8];
	[sflag:s17] =	ssyncadd.s32 $0xFFFFFFB0  }
0xe3: {  	[tilespmem:s6], [sflag:$0x4] =	stream.indirect.gather [hbm4b:s1+s5], $0x80, s16, s5, $0xb8;
	[tilespmem:$0x1E378] =	vst v63  }
0xe4: {  	s18 =	sadd.s32 $0x0, s7  }
0xe5: {  	[tilespmem:s30], [sflag:$0xA] =	stream.linear.gather [hbm4b:s18+s4], $0x100, $0x38;
	[tilespmem:$0x1E378] =	vst v63  }
0xe6: {  	_ =	swait.ge [sflag:s19], $0x2800  }
0xe7: {  	[sflag:s19] =	ssyncset.done $0x0  }
0xe8: {  	s11 =	simm.s32 $0x3000;
	s18 =	simm.s32 $0x580;
	[sflag:s19] =	ssyncadd.s32 $0xFFFFD800  }
0xe9: {  	[spmem:s2] =	stream.indirect.scatter.add.f32 [tilespmem:s11], [sflag:$0x6], $0x80, s18, s5, $0xb8;
	[tilespmem:$0x1E378] =	vst v63  }
0xea: {  	s8 =	simm.s32 $0x9  }
0xeb: {  	[spmem:s3] =	stream.indirect.scatter.add.f32 [tilespmem:s14], [sflag:$0x6], $0x1, s18, s5, $0xb8;
	[tilespmem:$0x1E378] =	vst v63  }
0xec: {  	_ =	swait.ge [sflag:s8], $0x100  }
0xed: {  	[sflag:s8] =	ssyncset.done $0x0  }
0xee: {  	[sflag:s8] =	ssyncadd.s32 $0xFFFFFF00  }
0xef: {  	_ =	swait.ge [sflag:s22], $0x2800  }
0xf0: {  	[sflag:s22] =	ssyncset.done $0x0  }
0xf1: {  	[sflag:s22] =	ssyncadd.s32 $0xFFFFD800  }
0xf2: {  	_ =	swait.ge [sflag:s22], $0x50  }
0xf3: {  	[sflag:s22] =	ssyncset.done $0x0  }
0xf4: {  	s16 =	rddreg [dreg:$0x7];
	[sflag:s22] =	ssyncadd.s32 $0xFFFFFFB0  }
0xf5: {  	[tilespmem:s9], [sflag:$0x1] =	stream.indirect.gather [hbm4b:s1+s5], $0x80, s4, s5, $0xb8;
	[tilespmem:$0x1E378] =	vst v63  }
0xf6: {  	s18 =	sadd.s32 $0x0, s16  }
0xf7: {  	[tilespmem:s25], [sflag:$0xB] =	stream.linear.gather [hbm4b:s18+s4], $0x100, $0x38;
	[tilespmem:$0x1E378] =	vst v63  }
0xf8: {  	_ =	swait.ge [sflag:s24], $0x2800  }
0xf9: {  	[sflag:s24] =	ssyncset.done $0x0  }
0xfa: {  	s18 =	simm.s32 $0x680;
	[sflag:s24] =	ssyncadd.s32 $0xFFFFD800  }
0xfb: {  	[spmem:s2] =	stream.indirect.scatter.add.f32 [tilespmem:s0], [sflag:$0x7], $0x80, s18, s5, $0xb8;
	[tilespmem:$0x1E378] =	vst v63  }
0xfc: {  	s28 =	simm.s32 $0xA  }
0xfd: {  	[spmem:s3] =	stream.indirect.scatter.add.f32 [tilespmem:s14], [sflag:$0x7], $0x1, s18, s5, $0xb8;
	[tilespmem:$0x1E378] =	vst v63  }
0xfe: {  	_ =	swait.ge [sflag:s28], $0x100  }
0xff: {  	[sflag:s28] =	ssyncset.done $0x0  }
0x100: {  	[sflag:s28] =	ssyncadd.s32 $0xFFFFFF00  }
0x101: {  	_ =	swait.ge [sflag:s26], $0x2800  }
0x102: {  	[sflag:s26] =	ssyncset.done $0x0  }
0x103: {  	[sflag:s26] =	ssyncadd.s32 $0xFFFFD800  }
0x104: {  	_ =	swait.ge [sflag:s26], $0x50  }
0x105: {  	[sflag:s26] =	ssyncset.done $0x0  }
0x106: {  	s16 =	rddreg [dreg:$0x6];
	[sflag:s26] =	ssyncadd.s32 $0xFFFFFFB0  }
0x107: {  	[tilespmem:s11], [sflag:$0x2] =	stream.indirect.gather [hbm4b:s1+s5], $0x80, s30, s5, $0xb8;
	[tilespmem:$0x1E378] =	vst v63  }
0x108: {  	s18 =	sadd.s32 $0x0, s16  }
0x109: {  	[tilespmem:s21], [sflag:$0xC] =	stream.linear.gather [hbm4b:s18+s4], $0x100, $0x38;
	[tilespmem:$0x1E378] =	vst v63  }
0x10a: {  	_ =	swait.ge [sflag:s29], $0x2800  }
0x10b: {  	[sflag:s29] =	ssyncset.done $0x0  }
0x10c: {  	s18 =	simm.s32 $0x780;
	[sflag:s29] =	ssyncadd.s32 $0xFFFFD800  }
0x10d: {  	[spmem:s2] =	stream.indirect.scatter.add.f32 [tilespmem:s6], [sflag:$0x8], $0x80, s18, s5, $0xb8;
	[tilespmem:$0x1E378] =	vst v63  }
0x10e: {  	s10 =	simm.s32 $0xB  }
0x10f: {  	[spmem:s3] =	stream.indirect.scatter.add.f32 [tilespmem:s14], [sflag:$0x8], $0x1, s18, s5, $0xb8;
	[tilespmem:$0x1E378] =	vst v63  }
0x110: {  	_ =	swait.ge [sflag:s10], $0x100  }
0x111: {  	[sflag:s10] =	ssyncset.done $0x0  }
0x112: {  	[sflag:s10] =	ssyncadd.s32 $0xFFFFFF00  }
0x113: {  	_ =	swait.ge [sflag:s12], $0x2800  }
0x114: {  	[sflag:s12] =	ssyncset.done $0x0  }
0x115: {  	[sflag:s12] =	ssyncadd.s32 $0xFFFFD800  }
0x116: {  	_ =	swait.ge [sflag:s12], $0x50  }
0x117: {  	s31 =	simm.s32 $0xE;
	[sflag:s12] =	ssyncset.done $0x0;
	s21 =	rddreg [dreg:$0x5]  }
0x118: {  	s30 =	simm.s32 $0x100;
	[sflag:s12] =	ssyncadd.s32 $0xFFFFFFB0;
	s18 =	sadd.s32 $0x0, s21  }
0x119: {  	[tilespmem:s0], [sflag:$0x3] =	stream.indirect.gather [hbm4b:s1+s5], $0x80, s25, s5, $0xb8;
	[tilespmem:$0x1E378] =	vst v63  }
.LBB2_4:
0x11a: {  	s16 =	simm.s32 $0x400  }
0x11b: {  	[tilespmem:s16], [sflag:$0xD] =	stream.linear.gather [hbm4b:s18+s4], $0x100, $0x38;
	[tilespmem:$0x1E378] =	vst v63  }
0x11c: {  	_ =	swait.ge [sflag:s13], $0x2800  }
0x11d: {  	[sflag:s13] =	ssyncset.done $0x0  }
0x11e: {  	[sflag:s13] =	ssyncadd.s32 $0xFFFFD800  }
0x11f: {  	[spmem:s2] =	stream.indirect.scatter.add.f32 [tilespmem:s9], [sflag:$0x5], $0x80, s23, s5, $0xb8;
	[tilespmem:$0x1E378] =	vst v63  }
0x120: {  	s21 =	simm.s32 $0xC  }
0x121: {  	[spmem:s3] =	stream.indirect.scatter.add.f32 [tilespmem:s14], [sflag:$0x5], $0x1, s23, s5, $0xb8;
	[tilespmem:$0x1E378] =	vst v63  }
0x122: {  	_ =	swait.ge [sflag:s21], $0x100  }
0x123: {  	[sflag:s21] =	ssyncset.done $0x0  }
0x124: {  	[sflag:s21] =	ssyncadd.s32 $0xFFFFFF00  }
0x125: {  	_ =	swait.ge [sflag:s17], $0x2800  }
0x126: {  	[sflag:s17] =	ssyncset.done $0x0  }
0x127: {  	[sflag:s17] =	ssyncadd.s32 $0xFFFFD800  }
0x128: {  	_ =	swait.ge [sflag:s17], $0x50  }
0x129: {  	s25 =	simm.s32 $0x300;
	[sflag:s17] =	ssyncset.done $0x0  }
0x12a: {  	s18 =	smov.u32 s30;
	s21 =	rddreg [dreg:$0xc];
	[sflag:s17] =	ssyncadd.s32 $0xFFFFFFB0  }
0x12b: {  	[tilespmem:s6], [sflag:$0x4] =	stream.indirect.gather [hbm4b:s1+s5], $0x80, s25, s5, $0xb8;
	[tilespmem:$0x1E378] =	vst v63  }
0x12c: {  	s7 =	simm.s32 $0x500;
	s23 =	sadd.s32 s18, s21  }
0x12d: {  	[tilespmem:s7], [sflag:$0xE] =	stream.linear.gather [hbm4b:s23+s4], $0x100, $0x38;
	[tilespmem:$0x1E378] =	vst v63  }
0x12e: {  	_ =	swait.ge [sflag:s19], $0x2800  }
0x12f: {  	[sflag:s19] =	ssyncset.done $0x0  }
0x130: {  	s23 =	simm.s32 $0x180;
	[sflag:s19] =	ssyncadd.s32 $0xFFFFD800  }
0x131: {  	[spmem:s2] =	stream.indirect.scatter.add.f32 [tilespmem:s11], [sflag:$0x6], $0x80, s23, s5, $0xb8;
	[tilespmem:$0x1E378] =	vst v63  }
0x132: {  	_ = 	snop  }
0x133: {  	[spmem:s3] =	stream.indirect.scatter.add.f32 [tilespmem:s14], [sflag:$0x6], $0x1, s23, s5, $0xb8;
	[tilespmem:$0x1E378] =	vst v63  }
0x134: {  	s23 =	simm.s32 $0xD  }
0x135: {  	_ =	swait.ge [sflag:s23], $0x100  }
0x136: {  	[sflag:s23] =	ssyncset.done $0x0  }
0x137: {  	[sflag:s23] =	ssyncadd.s32 $0xFFFFFF00  }
0x138: {  	_ =	swait.ge [sflag:s22], $0x2800  }
0x139: {  	[sflag:s22] =	ssyncset.done $0x0  }
0x13a: {  	[sflag:s22] =	ssyncadd.s32 $0xFFFFD800  }
0x13b: {  	_ =	swait.ge [sflag:s22], $0x50  }
0x13c: {  	[sflag:s22] =	ssyncset.done $0x0  }
0x13d: {  	s21 =	rddreg [dreg:$0xb];
	[sflag:s22] =	ssyncadd.s32 $0xFFFFFFB0  }
0x13e: {  	[tilespmem:s9], [sflag:$0x1] =	stream.indirect.gather [hbm4b:s1+s5], $0x80, s16, s5, $0xb8;
	[tilespmem:$0x1E378] =	vst v63  }
0x13f: {  	s23 =	sadd.s32 s18, s21;
	s21 =	simm.s32 $0x600  }
0x140: {  	[tilespmem:s21], [sflag:$0xF] =	stream.linear.gather [hbm4b:s23+s4], $0x100, $0x38;
	[tilespmem:$0x1E378] =	vst v63  }
0x141: {  	_ =	swait.ge [sflag:s24], $0x2800  }
0x142: {  	[sflag:s24] =	ssyncset.done $0x0  }
0x143: {  	s23 =	simm.s32 $0x280;
	[sflag:s24] =	ssyncadd.s32 $0xFFFFD800  }
0x144: {  	[spmem:s2] =	stream.indirect.scatter.add.f32 [tilespmem:s0], [sflag:$0x7], $0x80, s23, s5, $0xb8;
	[tilespmem:$0x1E378] =	vst v63  }
0x145: {  	_ = 	snop  }
0x146: {  	[spmem:s3] =	stream.indirect.scatter.add.f32 [tilespmem:s14], [sflag:$0x7], $0x1, s23, s5, $0xb8;
	[tilespmem:$0x1E378] =	vst v63  }
0x147: {  	_ =	swait.ge [sflag:s31], $0x100  }
0x148: {  	[sflag:s31] =	ssyncset.done $0x0  }
0x149: {  	[sflag:s31] =	ssyncadd.s32 $0xFFFFFF00  }
0x14a: {  	_ =	swait.ge [sflag:s26], $0x2800  }
0x14b: {  	[sflag:s26] =	ssyncset.done $0x0  }
0x14c: {  	[sflag:s26] =	ssyncadd.s32 $0xFFFFD800  }
0x14d: {  	_ =	swait.ge [sflag:s26], $0x50  }
0x14e: {  	[sflag:s26] =	ssyncset.done $0x0  }
0x14f: {  	s16 =	rddreg [dreg:$0xa];
	[sflag:s26] =	ssyncadd.s32 $0xFFFFFFB0  }
0x150: {  	[tilespmem:s11], [sflag:$0x2] =	stream.indirect.gather [hbm4b:s1+s5], $0x80, s7, s5, $0xb8;
	[tilespmem:$0x1E378] =	vst v63  }
0x151: {  	s23 =	sadd.s32 s18, s16;
	s16 =	simm.s32 $0x700  }
0x152: {  	[tilespmem:s16], [sflag:$0x10] =	stream.linear.gather [hbm4b:s23+s4], $0x100, $0x38;
	[tilespmem:$0x1E378] =	vst v63  }
0x153: {  	_ =	swait.ge [sflag:s29], $0x2800  }
0x154: {  	[sflag:s29] =	ssyncset.done $0x0  }
0x155: {  	s23 =	simm.s32 $0x380;
	[sflag:s29] =	ssyncadd.s32 $0xFFFFD800  }
0x156: {  	[spmem:s2] =	stream.indirect.scatter.add.f32 [tilespmem:s6], [sflag:$0x8], $0x80, s23, s5, $0xb8;
	[tilespmem:$0x1E378] =	vst v63  }
0x157: {  	_ = 	snop  }
0x158: {  	[spmem:s3] =	stream.indirect.scatter.add.f32 [tilespmem:s14], [sflag:$0x8], $0x1, s23, s5, $0xb8;
	[tilespmem:$0x1E378] =	vst v63  }
0x159: {  	_ =	swait.ge [sflag:s20], $0x100  }
0x15a: {  	[sflag:s20] =	ssyncset.done $0x0  }
0x15b: {  	[sflag:s20] =	ssyncadd.s32 $0xFFFFFF00  }
0x15c: {  	_ =	swait.ge [sflag:s12], $0x2800  }
0x15d: {  	[sflag:s12] =	ssyncset.done $0x0  }
0x15e: {  	[sflag:s12] =	ssyncadd.s32 $0xFFFFD800  }
0x15f: {  	_ =	swait.ge [sflag:s12], $0x50  }
0x160: {  	[sflag:s12] =	ssyncset.done $0x0  }
0x161: {  	s7 =	rddreg [dreg:$0x9];
	[sflag:s12] =	ssyncadd.s32 $0xFFFFFFB0  }
0x162: {  	[tilespmem:s0], [sflag:$0x3] =	stream.indirect.gather [hbm4b:s1+s5], $0x80, s21, s5, $0xb8;
	[tilespmem:$0x1E378] =	vst v63  }
0x163: {  	s23 =	sadd.s32 s18, s7  }
0x164: {  	[tilespmem:s4], [sflag:$0x9] =	stream.linear.gather [hbm4b:s23+s4], $0x100, $0x38;
	[tilespmem:$0x1E378] =	vst v63  }
0x165: {  	_ =	swait.ge [sflag:s13], $0x2800  }
0x166: {  	[sflag:s13] =	ssyncset.done $0x0  }
0x167: {  	s23 =	simm.s32 $0x480;
	[sflag:s13] =	ssyncadd.s32 $0xFFFFD800  }
0x168: {  	[spmem:s2] =	stream.indirect.scatter.add.f32 [tilespmem:s9], [sflag:$0x5], $0x80, s23, s5, $0xb8;
	[tilespmem:$0x1E378] =	vst v63  }
0x169: {  	_ = 	snop  }
0x16a: {  	[spmem:s3] =	stream.indirect.scatter.add.f32 [tilespmem:s14], [sflag:$0x5], $0x1, s23, s5, $0xb8;
	[tilespmem:$0x1E378] =	vst v63  }
0x16b: {  	_ =	swait.ge [sflag:s15], $0x100  }
0x16c: {  	[sflag:s15] =	ssyncset.done $0x0  }
0x16d: {  	[sflag:s15] =	ssyncadd.s32 $0xFFFFFF00  }
0x16e: {  	_ =	swait.ge [sflag:s17], $0x2800  }
0x16f: {  	[sflag:s17] =	ssyncset.done $0x0  }
0x170: {  	[sflag:s17] =	ssyncadd.s32 $0xFFFFD800  }
0x171: {  	_ =	swait.ge [sflag:s17], $0x50  }
0x172: {  	[sflag:s17] =	ssyncset.done $0x0  }
0x173: {  	s21 =	rddreg [dreg:$0x8];
	[sflag:s17] =	ssyncadd.s32 $0xFFFFFFB0  }
0x174: {  	[tilespmem:s6], [sflag:$0x4] =	stream.indirect.gather [hbm4b:s1+s5], $0x80, s16, s5, $0xb8;
	[tilespmem:$0x1E378] =	vst v63  }
0x175: {  	s23 =	sadd.s32 s18, s21;
	s16 =	simm.s32 $0x100  }
0x176: {  	[tilespmem:s16], [sflag:$0xA] =	stream.linear.gather [hbm4b:s23+s4], $0x100, $0x38;
	[tilespmem:$0x1E378] =	vst v63  }
0x177: {  	_ =	swait.ge [sflag:s19], $0x2800  }
0x178: {  	[sflag:s19] =	ssyncset.done $0x0  }
0x179: {  	s23 =	simm.s32 $0x580;
	[sflag:s19] =	ssyncadd.s32 $0xFFFFD800  }
0x17a: {  	[spmem:s2] =	stream.indirect.scatter.add.f32 [tilespmem:s11], [sflag:$0x6], $0x80, s23, s5, $0xb8;
	[tilespmem:$0x1E378] =	vst v63  }
0x17b: {  	_ = 	snop  }
0x17c: {  	[spmem:s3] =	stream.indirect.scatter.add.f32 [tilespmem:s14], [sflag:$0x6], $0x1, s23, s5, $0xb8;
	[tilespmem:$0x1E378] =	vst v63  }
0x17d: {  	_ =	swait.ge [sflag:s8], $0x100  }
0x17e: {  	[sflag:s8] =	ssyncset.done $0x0  }
0x17f: {  	[sflag:s8] =	ssyncadd.s32 $0xFFFFFF00  }
0x180: {  	_ =	swait.ge [sflag:s22], $0x2800  }
0x181: {  	[sflag:s22] =	ssyncset.done $0x0  }
0x182: {  	[sflag:s22] =	ssyncadd.s32 $0xFFFFD800  }
0x183: {  	_ =	swait.ge [sflag:s22], $0x50  }
0x184: {  	[sflag:s22] =	ssyncset.done $0x0  }
0x185: {  	s21 =	rddreg [dreg:$0x7];
	[sflag:s22] =	ssyncadd.s32 $0xFFFFFFB0  }
0x186: {  	[tilespmem:s9], [sflag:$0x1] =	stream.indirect.gather [hbm4b:s1+s5], $0x80, s4, s5, $0xb8;
	[tilespmem:$0x1E378] =	vst v63  }
0x187: {  	s23 =	sadd.s32 s18, s21;
	s21 =	simm.s32 $0x200  }
0x188: {  	[tilespmem:s21], [sflag:$0xB] =	stream.linear.gather [hbm4b:s23+s4], $0x100, $0x38;
	[tilespmem:$0x1E378] =	vst v63  }
0x189: {  	_ =	swait.ge [sflag:s24], $0x2800  }
0x18a: {  	[sflag:s24] =	ssyncset.done $0x0  }
0x18b: {  	s23 =	simm.s32 $0x680;
	[sflag:s24] =	ssyncadd.s32 $0xFFFFD800  }
0x18c: {  	[spmem:s2] =	stream.indirect.scatter.add.f32 [tilespmem:s0], [sflag:$0x7], $0x80, s23, s5, $0xb8;
	[tilespmem:$0x1E378] =	vst v63  }
0x18d: {  	_ = 	snop  }
0x18e: {  	[spmem:s3] =	stream.indirect.scatter.add.f32 [tilespmem:s14], [sflag:$0x7], $0x1, s23, s5, $0xb8;
	[tilespmem:$0x1E378] =	vst v63  }
0x18f: {  	_ =	swait.ge [sflag:s28], $0x100  }
0x190: {  	[sflag:s28] =	ssyncset.done $0x0  }
0x191: {  	[sflag:s28] =	ssyncadd.s32 $0xFFFFFF00  }
0x192: {  	_ =	swait.ge [sflag:s26], $0x2800  }
0x193: {  	[sflag:s26] =	ssyncset.done $0x0  }
0x194: {  	[sflag:s26] =	ssyncadd.s32 $0xFFFFD800  }
0x195: {  	_ =	swait.ge [sflag:s26], $0x50  }
0x196: {  	[sflag:s26] =	ssyncset.done $0x0  }
0x197: {  	s7 =	rddreg [dreg:$0x6];
	[sflag:s26] =	ssyncadd.s32 $0xFFFFFFB0  }
0x198: {  	[tilespmem:s11], [sflag:$0x2] =	stream.indirect.gather [hbm4b:s1+s5], $0x80, s16, s5, $0xb8;
	[tilespmem:$0x1E378] =	vst v63  }
0x199: {  	s23 =	sadd.s32 s18, s7  }
0x19a: {  	[tilespmem:s25], [sflag:$0xC] =	stream.linear.gather [hbm4b:s23+s4], $0x100, $0x38;
	[tilespmem:$0x1E378] =	vst v63  }
0x19b: {  	_ =	swait.ge [sflag:s29], $0x2800  }
0x19c: {  	[sflag:s29] =	ssyncset.done $0x0  }
0x19d: {  	s23 =	simm.s32 $0x780;
	[sflag:s29] =	ssyncadd.s32 $0xFFFFD800  }
0x19e: {  	[spmem:s2] =	stream.indirect.scatter.add.f32 [tilespmem:s6], [sflag:$0x8], $0x80, s23, s5, $0xb8;
	[tilespmem:$0x1E378] =	vst v63  }
0x19f: {  	_ = 	snop  }
0x1a0: {  	[spmem:s3] =	stream.indirect.scatter.add.f32 [tilespmem:s14], [sflag:$0x8], $0x1, s23, s5, $0xb8;
	[tilespmem:$0x1E378] =	vst v63  }
0x1a1: {  	_ =	swait.ge [sflag:s10], $0x100  }
0x1a2: {  	[sflag:s10] =	ssyncset.done $0x0  }
0x1a3: {  	[sflag:s10] =	ssyncadd.s32 $0xFFFFFF00  }
0x1a4: {  	_ =	swait.ge [sflag:s12], $0x2800  }
0x1a5: {  	p1 =	sne.s32 s30, $0xE00;
	[sflag:s12] =	ssyncset.done $0x0  }
.Ltmp1:
0x1a6: {  	[sflag:s12] =	ssyncadd.s32 $0xFFFFD800;
	(pc) =	sbr.rel @p1 .LBB2_4-.Ltmp1, $4  }
0x1a7: {  	s30 =	sadd.s32 $0x100, s30;
	_ =	swait.ge [sflag:s12], $0x50  }
0x1a8: {  	s16 =	simm.s32 $0x300;
	[sflag:s12] =	ssyncset.done $0x0;
	s25 =	rddreg [dreg:$0x5]  }
0x1a9: {  	s23 =	simm.s32 $0x80;
	[sflag:s12] =	ssyncadd.s32 $0xFFFFFFB0;
	s18 =	sadd.s32 s18, s25  }
0x1aa: {  	[tilespmem:s0], [sflag:$0x3] =	stream.indirect.gather [hbm4b:s1+s5], $0x80, s21, s5, $0xb8;
	[tilespmem:$0x1E378] =	vst v63  }
0x1ab: {  	s8 =	simm.s32 $0x400  }
0x1ac: {  	[tilespmem:s8], [sflag:$0xD] =	stream.linear.gather [hbm4b:s18+s4], $0x100, $0x38;
	[tilespmem:$0x1E378] =	vst v63  }
0x1ad: {  	_ =	swait.ge [sflag:s13], $0x2800  }
0x1ae: {  	[sflag:s13] =	ssyncset.done $0x0  }
0x1af: {  	[sflag:s13] =	ssyncadd.s32 $0xFFFFD800  }
0x1b0: {  	[spmem:s2] =	stream.indirect.scatter.add.f32 [tilespmem:s9], [sflag:$0x5], $0x80, s23, s5, $0xb8;
	[tilespmem:$0x1E378] =	vst v63  }
0x1b1: {  	s10 =	simm.s32 $0xC  }
0x1b2: {  	[spmem:s3] =	stream.indirect.scatter.add.f32 [tilespmem:s14], [sflag:$0x5], $0x1, s23, s5, $0xb8;
	[tilespmem:$0x1E378] =	vst v63  }
0x1b3: {  	_ =	swait.ge [sflag:s10], $0x100  }
0x1b4: {  	[sflag:s10] =	ssyncset.done $0x0  }
0x1b5: {  	[sflag:s10] =	ssyncadd.s32 $0xFFFFFF00  }
0x1b6: {  	_ =	swait.ge [sflag:s17], $0x2800  }
0x1b7: {  	[sflag:s17] =	ssyncset.done $0x0  }
0x1b8: {  	[sflag:s17] =	ssyncadd.s32 $0xFFFFD800  }
0x1b9: {  	_ =	swait.ge [sflag:s17], $0x50  }
0x1ba: {  	[sflag:s17] =	ssyncset.done $0x0  }
0x1bb: {  	[sflag:s17] =	ssyncadd.s32 $0xFFFFFFB0  }
0x1bc: {  	[tilespmem:s6], [sflag:$0x4] =	stream.indirect.gather [hbm4b:s1+s5], $0x80, s16, s5, $0xb8;
	[tilespmem:$0x1E378] =	vst v63  }
0x1bd: {  	_ =	swait.ge [sflag:s19], $0x2800  }
0x1be: {  	[sflag:s19] =	ssyncset.done $0x0  }
0x1bf: {  	s16 =	simm.s32 $0x180;
	[sflag:s19] =	ssyncadd.s32 $0xFFFFD800  }
0x1c0: {  	[spmem:s2] =	stream.indirect.scatter.add.f32 [tilespmem:s11], [sflag:$0x6], $0x80, s16, s5, $0xb8;
	[tilespmem:$0x1E378] =	vst v63  }
0x1c1: {  	s7 =	simm.s32 $0xD  }
0x1c2: {  	[spmem:s3] =	stream.indirect.scatter.add.f32 [tilespmem:s14], [sflag:$0x6], $0x1, s16, s5, $0xb8;
	[tilespmem:$0x1E378] =	vst v63  }
0x1c3: {  	_ =	swait.ge [sflag:s7], $0x100  }
0x1c4: {  	[sflag:s7] =	ssyncset.done $0x0  }
0x1c5: {  	[sflag:s7] =	ssyncadd.s32 $0xFFFFFF00  }
0x1c6: {  	_ =	swait.ge [sflag:s22], $0x2800  }
0x1c7: {  	[sflag:s22] =	ssyncset.done $0x0  }
0x1c8: {  	[sflag:s22] =	ssyncadd.s32 $0xFFFFD800  }
0x1c9: {  	_ =	swait.ge [sflag:s22], $0x50  }
0x1ca: {  	[sflag:s22] =	ssyncset.done $0x0  }
0x1cb: {  	[sflag:s22] =	ssyncadd.s32 $0xFFFFFFB0  }
0x1cc: {  	[tilespmem:s9], [sflag:$0x1] =	stream.indirect.gather [hbm4b:s1+s5], $0x80, s8, s5, $0xb8;
	[tilespmem:$0x1E378] =	vst v63  }
0x1cd: {  	_ =	swait.ge [sflag:s24], $0x2800  }
0x1ce: {  	[sflag:s24] =	ssyncset.done $0x0  }
0x1cf: {  	s18 =	simm.s32 $0x280;
	[sflag:s24] =	ssyncadd.s32 $0xFFFFD800  }
0x1d0: {  	[spmem:s2] =	stream.indirect.scatter.add.f32 [tilespmem:s0], [sflag:$0x7], $0x80, s18, s5, $0xb8;
	[tilespmem:$0x1E378] =	vst v63  }
0x1d1: {  	_ = 	snop  }
0x1d2: {  	[spmem:s3] =	stream.indirect.scatter.add.f32 [tilespmem:s14], [sflag:$0x7], $0x1, s18, s5, $0xb8;
	[tilespmem:$0x1E378] =	vst v63  }
0x1d3: {  	_ =	swait.ge [sflag:s29], $0x2800  }
0x1d4: {  	[sflag:s29] =	ssyncset.done $0x0  }
0x1d5: {  	s20 =	simm.s32 $0x380;
	[sflag:s29] =	ssyncadd.s32 $0xFFFFD800  }
0x1d6: {  	[spmem:s2] =	stream.indirect.scatter.add.f32 [tilespmem:s6], [sflag:$0x8], $0x80, s20, s5, $0xb8;
	[tilespmem:$0x1E378] =	vst v63  }
0x1d7: {  	_ = 	snop  }
0x1d8: {  	[spmem:s3] =	stream.indirect.scatter.add.f32 [tilespmem:s14], [sflag:$0x8], $0x1, s20, s5, $0xb8;
	[tilespmem:$0x1E378] =	vst v63  }
0x1d9: {  	_ =	swait.ge [sflag:s13], $0x2800  }
0x1da: {  	[sflag:s13] =	ssyncset.done $0x0  }
0x1db: {  	s21 =	simm.s32 $0x480;
	[sflag:s13] =	ssyncadd.s32 $0xFFFFD800  }
0x1dc: {  	[spmem:s2] =	stream.indirect.scatter.add.f32 [tilespmem:s9], [sflag:$0x5], $0x80, s21, s5, $0xb8;
	[tilespmem:$0x1E378] =	vst v63  }
0x1dd: {  	_ = 	snop  }
0x1de: {  	[spmem:s3] =	stream.indirect.scatter.add.f32 [tilespmem:s14], [sflag:$0x5], $0x1, s21, s5, $0xb8;
	[tilespmem:$0x1E378] =	vst v63  }
0x1df: {  	_ =	swait.ge [sflag:s26], $0x2800  }
0x1e0: {  	[sflag:s26] =	ssyncset.done $0x0  }
0x1e1: {  	[sflag:s26] =	ssyncadd.s32 $0xFFFFD800  }
0x1e2: {  	_ =	swait.ge [sflag:s26], $0x50  }
0x1e3: {  	[sflag:s26] =	ssyncset.done $0x0  }
0x1e4: {  	[sflag:s26] =	ssyncadd.s32 $0xFFFFFFB0  }
0x1e5: {  	_ =	swait.ge [sflag:s12], $0x2800  }
0x1e6: {  	[sflag:s12] =	ssyncset.done $0x0  }
0x1e7: {  	[sflag:s12] =	ssyncadd.s32 $0xFFFFD800  }
0x1e8: {  	_ =	swait.ge [sflag:s12], $0x50  }
0x1e9: {  	[sflag:s12] =	ssyncset.done $0x0  }
0x1ea: {  	[sflag:s12] =	ssyncadd.s32 $0xFFFFFFB0  }
0x1eb: {  	_ =	swait.ge [sflag:s17], $0x2800  }
0x1ec: {  	[sflag:s17] =	ssyncset.done $0x0  }
0x1ed: {  	[sflag:s17] =	ssyncadd.s32 $0xFFFFD800  }
0x1ee: {  	_ =	swait.ge [sflag:s17], $0x50  }
0x1ef: {  	[sflag:s17] =	ssyncset.done $0x0  }
0x1f0: {  	[sflag:s17] =	ssyncadd.s32 $0xFFFFFFB0  }
0x1f1: {  	_ =	swait.ge [sflag:s22], $0x2800  }
0x1f2: {  	[sflag:s22] =	ssyncset.done $0x0  }
0x1f3: {  	[sflag:s22] =	ssyncadd.s32 $0xFFFFD800  }
0x1f4: {  	_ =	swait.ge [sflag:s22], $0x50  }
0x1f5: {  	[sflag:s22] =	ssyncset.done $0x0  }
0x1f6: {  	[sflag:s22] =	ssyncadd.s32 $0xFFFFFFB0  }
0x1f7: {  	s23 =	stileid.u32;
	[bflag:$0x0] =	sbarrier.arrive $0xFFFF  }
0x1f8: {  	s28 =	simm.s32 $0x12;
	s18 =	sshll.u32 s23, $0x6;
	s25 =	rddreg [dreg:$0xe]  }
0x1f9: {  	s18 =	sor.u32 $0x1C12, s18;
	s30 =	rddreg [dreg:$0x19];
	s23 =	sshrl.u32 s25, $0x3  }
0x1fa: {  	[hbm:s30], [sflag:s18] =	dma.local [spmem:s23], $0x2700  }
0x1fb: {  	_ =	swait.ge [sflag:s28], $0x2700  }
0x1fc: {  	s6 =	simm.s32 @!p0 $0x12;
	[sflag:s28] =	ssyncset.done $0x0;
	s23 =	rddreg [dreg:$0x16]  }
0x1fd: {  	s30 =	rddreg [dreg:$0x1d];
	[sflag:s28] =	ssyncadd.s32 $0xFFFFD900;
	s23 =	sshrl.u32 @!p0 s23, $0x3  }
0x1fe: {  	[hbm:s30], [sflag:s18] =	dma.local @!p0 [spmem:s23], $0x100  }
0x1ff: {  	_ =	swait.ge @!p0 [sflag:s6], $0x100  }
0x200: {  	s0 =	sld [smem:$0x7FC]  }
0x201: {  	s7 =	simm.s32 @!p0 $0x1;
	s8 =	simm.s32 @!p0 $0x20;
	[sflag:s6] =	ssyncset.done @!p0 $0x0  }
0x202: {  	s30 =	simm.s32 @!p0 $0x10;
	s23 =	rddreg [dreg:$0x1e];
	[sflag:s6] =	ssyncadd.s32 @!p0 $0xFFFFFF00  }
0x203: {  	[hbm:s23@s8], [sflag:s18] =	dma.strided @!p0 [spmem:s0@s30], $0x4F0, s7, $0x10   }
0x204: {  	_ =	swait.ge @!p0 [sflag:s6], $0x4F0  }
0x205: {  	s21 =	sld [smem:$0x7FD];
	_ =	sdelay $0x2  }
0x206: {  	s30 =	rddreg [dreg:$0x1f];
	s21 =	sadd.s32 $0x1, s21  }
0x207: {  	p1 =	sne.s32 s21, s30  }
.Ltmp2:
0x208: {  	s15 =	simm.s32 $0xC;
	(pc) =	sbr.rel @p1 .LBB2_1-.Ltmp2, $4  }
0x209: {  	s31 =	simm.s32 $0x5800;
	s10 =	simm.s32 $0xB;
	s11 =	simm.s32 $0x3000  }
0x20a: {  	s16 =	simm.s32 $0xE;
	s20 =	simm.s32 $0x380;
	s9 =	simm.s32 $0x800  }
0x20b: {  	s0 =	simm.s32 $0x9;
	s8 =	simm.s32 $0xA;
	[sflag:s6] =	ssyncset.done @!p0 $0x0  }
0x20c: {  	s7 =	simm.s32 $0xD;
	[sflag:s6] =	ssyncadd.s32 @!p0 $0xFFFFFB10;
	s6 =	simm.s32 $0x8000  }
0x20d: {  	_ =	sfence.sel $0x180000  }
0x20e: {  	[bflag:$0x0] =	sbarrier.arrive $0xFFFF  }
0x20f: {  	_ =	strace $0x90000047  }
0x210: {  	[bflag:$0x2] =	sbarrier.arrive $0xFFFF  }
0x211: {  	s0 =	rddreg [dreg:$0x4]  }
0x212: {  	s0 =	sadd.s32 @!p0 $0x100000, s0  }
0x213: {  	[sflag:s0] =	ssyncadd.tile.s32 @!p0 $0x1;
	_ =	shalt  }
.Lfunc_end2:
_tile_overlayer_lowered:
.L_overlay_start_2:
0x214: {  	(tag) =	ssettag $0x2  }
0x215: {  	s0 =	rddreg [dreg:$0x0];
	s2 =	stileid.u32  }
0x216: {  	s1 =	rddreg [dreg:$0x1];
	p0 =	sne.s32 s2, $0x0  }
0x217: {  	s3 =	rddreg [dreg:$0x2];
	[bflag:$0x3] =	sbarrier.arrive $0xFFFF;
	s2 =	simm.s32 @!p0 $0x1C12  }
0x218: {  	[timem:s3], [sflag:s2] =	dma.local @!p0 [hbm:s0], s1  }
0x219: {  	s0 =	simm.s32 @!p0 $0x12  }
0x21a: {  	_ =	swait.ge @!p0 [sflag:s0], s1  }
0x21b: {  	s1 =	ssub.s32 @!p0 $0x0, s1;
	[sflag:s0] =	ssyncset.done @!p0 $0x0  }
0x21c: {  	[sflag:s0] =	ssyncadd.s32 @!p0 s1  }
0x21d: {  	[bflag:$0x3] =	sbarrier.arrive $0xFFFF  }
0x21e: {  	_ =	shalt  }

</sc_bundles>
